<compile_context>
chip_gen: v7x
topology: tpu7x:2x2x1
jax: 0.10.2.dev20260603
libtpu: 0.0.44.dev20260713+nightly
codegen_flags: <defaults>
</compile_context>

<pallas_src>
import jax
import jax.numpy as jnp
from jax import lax
from jax.experimental import pallas as pl
from jax.experimental.pallas import tpu as pltpu
from jax.experimental.pallas import tpu_sc as plsc

_VOCAB_SIZE = 1000000
_D = 64
_N_NEG = 10
_B = 16384
_L = 20

_NW = 32
_BPW = _B // _NW
_CB = 32
_NSUB = _BPW // _CB
_NCTX = _CB * _L


def _sc_body(ctx_idx_hbm, neg_idx_hbm, tgt_idx_hbm, emb_hbm, out_hbm,
             ctx_idx_v, ngt_idx_v, ctx_rows, neg_rows, tgt_rows,
             csum, pbuf, scoresW, csem, nsem):
  wid = lax.axis_index("s") * 2 + lax.axis_index("c")
  lane = lax.iota(jnp.int32, 16)
  lane16 = lane * 16
  zeros = jnp.zeros((16,), jnp.float32)

  def zrow(i, _):
    scoresW[11 + i // (_BPW // 16), pl.ds((i % (_BPW // 16)) * 16, 16)] = zeros
    return 0
  lax.fori_loop(0, 5 * (_BPW // 16), zrow, 0)

  def fire_ctx(s):
    off = wid * (_BPW * _L) + s * _NCTX
    pltpu.sync_copy(ctx_idx_hbm.at[pl.ds(off, _NCTX)], ctx_idx_v)
    for c in range(5):
      pltpu.async_copy(emb_hbm.at[ctx_idx_v.at[pl.ds(c * 128, 128)]],
                       ctx_rows.at[pl.ds(c * 128, 128)], csem)

  def drain_ctx():
    for c in range(5):
      pltpu.make_async_copy(emb_hbm.at[ctx_idx_v.at[pl.ds(c * 128, 128)]],
                            ctx_rows.at[pl.ds(c * 128, 128)], csem).wait()

  fire_ctx(0)

  def subchunk(s, _):
    off = wid * (_BPW * _N_NEG) + s * (_CB * _N_NEG)
    pltpu.sync_copy(neg_idx_hbm.at[pl.ds(off, 384)],
                    ngt_idx_v.at[pl.ds(0, 384)])
    off = wid * _BPW + s * _CB
    pltpu.sync_copy(tgt_idx_hbm.at[pl.ds(off, 128)],
                    ngt_idx_v.at[pl.ds(384, 128)])
    drain_ctx()
    for c in range(3):
      pltpu.async_copy(emb_hbm.at[ngt_idx_v.at[pl.ds(c * 128, 128)]],
                       neg_rows.at[pl.ds(c * 128, 128)], nsem)
    pltpu.async_copy(emb_hbm.at[ngt_idx_v.at[pl.ds(384, 128)]],
                     tgt_rows, nsem)

    def row_sum(r2, _):
      for u in range(2):
        r = r2 * 2 + u
        base = r * _L
        a = [ctx_rows[base, pl.ds(c * 16, 16)] for c in range(4)]
        b = [ctx_rows[base + 1, pl.ds(c * 16, 16)] for c in range(4)]
        for l in range(2, _L, 2):
          for c in range(4):
            a[c] = a[c] + ctx_rows[base + l, pl.ds(c * 16, 16)]
            b[c] = b[c] + ctx_rows[base + l + 1, pl.ds(c * 16, 16)]
        for c in range(4):
          csum[r, pl.ds(c * 16, 16)] = a[c] + b[c]
      return 0
    lax.fori_loop(0, _CB // 2, row_sum, 0)

    fire_ctx(jnp.minimum(s + 1, _NSUB - 1))

    for c in range(3):
      pltpu.make_async_copy(emb_hbm.at[ngt_idx_v.at[pl.ds(c * 128, 128)]],
                            neg_rows.at[pl.ds(c * 128, 128)], nsem).wait()
    pltpu.make_async_copy(emb_hbm.at[ngt_idx_v.at[pl.ds(384, 128)]],
                          tgt_rows, nsem).wait()

    def row_dot(r2, _):
      for u in range(2):
        r = r2 * 2 + u
        cs = [csum[r, pl.ds(c * 16, 16)] for c in range(4)]
        p = tgt_rows[r, pl.ds(0, 16)] * cs[0]
        for c in range(1, 4):
          p = p + tgt_rows[r, pl.ds(c * 16, 16)] * cs[c]
        pbuf[pl.ds(r * 16, 16)] = p
        for j in range(_N_NEG):
          nrow = r * _N_NEG + j
          p = neg_rows[nrow, pl.ds(0, 16)] * cs[0]
          for c in range(1, 4):
            p = p + neg_rows[nrow, pl.ds(c * 16, 16)] * cs[c]
          pbuf[pl.ds(((1 + j) * _CB + r) * 16, 16)] = p
      return 0
    lax.fori_loop(0, _CB // 2, row_dot, 0)

    for jp in range(1 + _N_NEG):
      for g in range(_CB // 16):
        pb = (jp * _CB + g * 16) * 16

        def red_step(k2, carry):
          a0, a1 = carry
          k = k2 * 2
          a0 = a0 + plsc.load_gather(pbuf, [lane16 + (pb + k)])
          a1 = a1 + plsc.load_gather(pbuf, [lane16 + (pb + k + 1)])
          return (a0, a1)

        a0, a1 = lax.fori_loop(0, 8, red_step, (zeros, zeros))
        scoresW[jp, pl.ds(s * _CB + g * 16, 16)] = a0 + a1
    return 0

  lax.fori_loop(0, _NSUB, subchunk, 0)
  drain_ctx()
  pltpu.sync_copy(scoresW, out_hbm.at[:, pl.ds(wid * _BPW, _BPW)])


def _tc_body(scores_ref, out_ref):
  x = scores_ref[...]
  row = lax.broadcasted_iota(jnp.int32, x.shape, 0)
  sign = jnp.where(row == 0, 1.0, -1.0).astype(jnp.float32)
  v = sign * x * (1.0 / _L)
  z = jnp.minimum(v, 0.0) - jnp.log1p(jnp.exp(-jnp.abs(v)))
  z = jnp.where(row < 1 + _N_NEG, z, 0.0)
  out_ref[0, 0] = -jnp.sum(z)


def kernel(target_wids, context_wids, emb):
  batch_size = target_wids.shape[0]
  neg_wids = jax.random.randint(jax.random.key(1),
                                (batch_size, _N_NEG), 0, _VOCAB_SIZE - 1)

  ctx1d = context_wids.astype(jnp.int32).reshape(_B * _L)
  neg1d = jnp.concatenate(
      [neg_wids.astype(jnp.int32).reshape(_B * _N_NEG),
       jnp.zeros((64,), jnp.int32)])
  tgt1d = jnp.concatenate(
      [target_wids.astype(jnp.int32), jnp.zeros((96,), jnp.int32)])

  mesh = plsc.VectorSubcoreMesh(core_axis_name="c", subcore_axis_name="s")
  sc = pl.kernel(
      _sc_body,
      out_type=jax.ShapeDtypeStruct((16, _B), jnp.float32),
      mesh=mesh,
      scratch_types=[
          pltpu.VMEM((_NCTX,), jnp.int32),
          pltpu.VMEM((512,), jnp.int32),
          pltpu.VMEM((_NCTX, _D), jnp.float32),
          pltpu.VMEM((384, _D), jnp.float32),
          pltpu.VMEM((128, _D), jnp.float32),
          pltpu.VMEM((_CB, _D), jnp.float32),
          pltpu.VMEM(((1 + _N_NEG) * _CB * 16,), jnp.float32),
          pltpu.VMEM((16, _BPW), jnp.float32),
          pltpu.SemaphoreType.DMA,
          pltpu.SemaphoreType.DMA,
      ],
      compiler_params=pltpu.CompilerParams(needs_layout_passes=False,
                                           use_tc_tiling_on_sc=False),
  )
  scores = sc(ctx1d, neg1d, tgt1d, emb)

  loss = pl.pallas_call(
      _tc_body,
      out_shape=jax.ShapeDtypeStruct((1, 1), jnp.float32),
      out_specs=pl.BlockSpec(memory_space=pltpu.SMEM),
  )(scores)
  return loss[0, 0]

# --- scband reference (transcript-rebuilt; emitter-appended) ---
"""Pipeline reference for scband-my-cbowns-13597866459475 (READ-ONLY COPY).

The authoritative reference and input builder live on the scoring server;
editing this copy changes nothing except your own understanding.
"""

import jax, jax.numpy as jnp
import numpy as np

VOCAB_SIZE = 1000000
EMBED_DIM = 64
N_NEG = 10
BATCH = 16384
CTX_LEN = 20


def setup_inputs(seed: int = 0) -> dict:
    key = jax.random.key(seed)
    k1, k2, k3 = jax.random.split(key, 3)
    target_wids = jax.random.randint(k1, (BATCH,), 0, VOCAB_SIZE, dtype=jnp.int64 if jax.config.jax_enable_x64 else jnp.int32)
    context_wids = jax.random.randint(k2, (BATCH, CTX_LEN), 0, VOCAB_SIZE, dtype=jnp.int64 if jax.config.jax_enable_x64 else jnp.int32)
    # Embedding table sized (vocab_size + 1, embedding_dim), uniform(-0.5/dim, 0.5/dim) per the torch init
    emb = jax.random.uniform(k3, (VOCAB_SIZE + 1, EMBED_DIM), dtype=jnp.float32,
                             minval=-0.5 / EMBED_DIM, maxval=0.5 / EMBED_DIM)
    return {"target_wids": target_wids, "context_wids": context_wids, "emb": emb}


def reference(target_wids, context_wids, emb):
    batch_size = target_wids.shape[0]
    # context embeddings -> mean over context window -> [B, D, 1]
    context_embeddings = jnp.take(emb, context_wids, axis=0)           # [B, L, D]
    avg_ctxt_embeddings = context_embeddings.mean(axis=1)[:, :, None]  # [B, D, 1]
    # target embeddings -> [B, 1, D]
    target_embeddings = jnp.take(emb, target_wids, axis=0)[:, None, :]
    # negative sample ids (drawn internally in the torch module; fixed key for determinism)
    neg_wids = jax.random.randint(jax.random.key(1), (batch_size, N_NEG), 0, VOCAB_SIZE - 1)
    neg_embeddings = jnp.take(emb, neg_wids, axis=0)                   # [B, n_neg, D]
    pos_scores = jnp.matmul(target_embeddings, avg_ctxt_embeddings)    # [B, 1, 1]
    pos_loss = jnp.log(jax.nn.sigmoid(pos_scores)).sum()
    neg_scores = jnp.matmul(-neg_embeddings, avg_ctxt_embeddings)      # [B, n_neg, 1]
    neg_loss = jnp.log(jax.nn.sigmoid(neg_scores)).sum()
    return -(pos_loss + neg_loss)

if __name__ == "__main__":
    import jax
    _d = setup_inputs()
    print(jax.jit(kernel)(*tuple(_d.values())))

</pallas_src>

<mosaic_0001>
#map = affine_map<(d0, d1) -> (0)>
#map1 = affine_map<(d0, d1) -> (0, 0)>
module attributes {stable_mosaic.version = 14 : i64} {
  func.func @_sc_body(%arg0: i32, %arg1: i32, %arg2: memref<327680xi32, #tpu.memory_space<hbm>>, %arg3: memref<163904xi32, #tpu.memory_space<hbm>>, %arg4: memref<16480xi32, #tpu.memory_space<hbm>>, %arg5: memref<1000001x64xf32, #tpu.memory_space<hbm>>, %arg6: memref<16x16384xf32, #tpu.memory_space<hbm>>, %arg7: memref<640xi32, #tpu.memory_space<vmem>>, %arg8: memref<512xi32, #tpu.memory_space<vmem>>, %arg9: memref<640x64xf32, #tpu.memory_space<vmem>>, %arg10: memref<384x64xf32, #tpu.memory_space<vmem>>, %arg11: memref<128x64xf32, #tpu.memory_space<vmem>>, %arg12: memref<32x64xf32, #tpu.memory_space<vmem>>, %arg13: memref<5632xf32, #tpu.memory_space<vmem>>, %arg14: memref<16x512xf32, #tpu.memory_space<vmem>>, %arg15: memref<!tpu.dma_semaphore, #tpu.memory_space<semaphore_mem>>, %arg16: memref<!tpu.dma_semaphore, #tpu.memory_space<semaphore_mem>>) attributes {dimension_semantics = [#tpu.dimension_semantics<core_parallel>, #tpu.dimension_semantics<subcore_parallel>], iteration_bounds = array<i64: 2, 16>, scalar_prefetch = 0 : i64, scratch_operands = 10 : i64, tpu.core_type = #tpu.core_type<sc_vector_subcore>, window_params = [{transform_indices = #map}, {transform_indices = #map}, {transform_indices = #map}, {transform_indices = #map1}, {transform_indices = #map1}]} {
    %mul3A = arith.constant 2 : i32
    %mul3A_0 = arith.muli %arg1, %mul3A : i32
    %add3A = arith.addi %mul3A_0, %arg0 : i32
    %iota3A = tpu.iota {dimensions = array<i32: 0>} : vector<16xi32>
    %mul3A_1 = arith.constant 16 : i32
    %mul3A_2 = vector.broadcast %mul3A_1 : i32 to vector<16xi32>
    %mul3A_3 = arith.muli %iota3A, %mul3A_2 : vector<16xi32>
    %broadcast_in_dim3A = arith.constant 0.000000e+00 : f32
    %broadcast_in_dim3A_4 = vector.broadcast %broadcast_in_dim3A : f32 to vector<16xf32>
    %scan3A = arith.constant 0 : i32
    %scan3A_5 = arith.constant 0 : i32
    %scan3A_6 = arith.constant 160 : i32
    %scan3A_7 = arith.addi %scan3A_5, %scan3A_6 : i32
    %scan3A_8 = arith.constant 1 : i32
    %scan3A_9 = scf.for %scan3A_102 = %scan3A_5 to %scan3A_7 step %scan3A_8 iter_args(%scan3A_103 = %scan3A) -> (i32)  : i32 {
      %jit3A = arith.constant 32 : i32
      %div3A = arith.divsi %scan3A_102, %jit3A : i32
      %sign3A = arith.constant 0 : i32
      %sign3A_104 = arith.cmpi sgt, %scan3A_102, %sign3A : i32
      %sign3A_105 = arith.extui %sign3A_104 : i1 to i32
      %sign3A_106 = arith.constant 0 : i32
      %sign3A_107 = arith.cmpi slt, %scan3A_102, %sign3A_106 : i32
      %sign3A_108 = arith.extui %sign3A_107 : i1 to i32
      %sign3A_109 = arith.subi %sign3A_105, %sign3A_108 : i32
      %sign3A_110 = arith.constant 0 : i32
      %sign3A_111 = arith.cmpi sgt, %jit3A, %sign3A_110 : i32
      %sign3A_112 = arith.extui %sign3A_111 : i1 to i32
      %sign3A_113 = arith.constant 0 : i32
      %sign3A_114 = arith.cmpi slt, %jit3A, %sign3A_113 : i32
      %sign3A_115 = arith.extui %sign3A_114 : i1 to i32
      %sign3A_116 = arith.subi %sign3A_112, %sign3A_115 : i32
      %ne3A = arith.cmpi ne, %sign3A_109, %sign3A_116 : i32
      %rem3A = arith.remsi %scan3A_102, %jit3A : i32
      %ne3A_117 = arith.constant 0 : i32
      %ne3A_118 = arith.cmpi ne, %rem3A, %ne3A_117 : i32
      %and3A = arith.andi %ne3A, %ne3A_118 : i1
      %sub3A = arith.constant 1 : i32
      %sub3A_119 = arith.subi %div3A, %sub3A : i32
      %select_n3A = arith.select %and3A, %sub3A_119, %div3A : i32
      %add3A_120 = arith.constant 11 : i32
      %add3A_121 = arith.addi %add3A_120, %select_n3A : i32
      %jit3A_122 = arith.constant 32 : i32
      %eq3A = arith.constant 0 : i32
      %eq3A_123 = arith.cmpi eq, %jit3A_122, %eq3A : i32
      %jit3A_124 = arith.constant 1 : i32
      %select_n3A_125 = arith.select %eq3A_123, %jit3A_124, %jit3A_122 : i32
      %rem3A_126 = arith.remsi %scan3A_102, %select_n3A_125 : i32
      %ne3A_127 = arith.constant 0 : i32
      %ne3A_128 = arith.cmpi ne, %rem3A_126, %ne3A_127 : i32
      %lt3A = arith.constant 0 : i32
      %lt3A_129 = arith.cmpi slt, %rem3A_126, %lt3A : i32
      %lt3A_130 = arith.constant 0 : i32
      %lt3A_131 = arith.cmpi slt, %select_n3A_125, %lt3A_130 : i32
      %ne3A_132 = arith.xori %lt3A_129, %lt3A_131 : i1
      %and3A_133 = arith.andi %ne3A_132, %ne3A_128 : i1
      %add3A_134 = arith.addi %rem3A_126, %select_n3A_125 : i32
      %select_n3A_135 = arith.select %and3A_133, %add3A_134, %rem3A_126 : i32
      %mul3A_136 = arith.constant 16 : i32
      %mul3A_137 = arith.muli %select_n3A_135, %mul3A_136 : i32
      %swap3A = arith.index_cast %add3A_121 : i32 to index
      %swap3A_138 = arith.index_cast %mul3A_137 : i32 to index
      %swap3A_139 = tpu.vector_load %arg14[%swap3A, %swap3A_138] {strides = array<i32>} : memref<16x512xf32, #tpu.memory_space<vmem>>, vector<16xf32>,
      tpu.vector_store %arg14[%swap3A, %swap3A_138], %broadcast_in_dim3A_4 {strides = array<i32>} : memref<16x512xf32, #tpu.memory_space<vmem>>, vector<16xf32>,
      %scan3A_140 = arith.constant 0 : i32
      scf.yield %scan3A_140 : i32
    }
    %scan3A_10 = arith.constant 160 : i32
    %mul3A_11 = arith.constant 10240 : i32
    %mul3A_12 = arith.muli %add3A, %mul3A_11 : i32
    %add3A_13 = arith.constant 0 : i32
    %add3A_14 = arith.addi %mul3A_12, %add3A_13 : i32
    "tpu.region"() ({
      %run_scoped3A = tpu.sem_alloc : memref<!tpu.dma_semaphore, #tpu.memory_space<semaphore_mem>>
      %dma_start3A_102 = tpu.memref_slice %arg2[%add3A_14] : memref<327680xi32, #tpu.memory_space<hbm>> -> memref<640xi32, #tpu.memory_space<hbm>>
      %dma_start3A_103 = tpu.memref_slice %arg2[%add3A_14] : memref<327680xi32, #tpu.memory_space<hbm>> -> memref<640xi32, #tpu.memory_space<hbm>>
      tpu.enqueue_dma source(%dma_start3A_103 : memref<640xi32, #tpu.memory_space<hbm>>) target(%arg7 : memref<640xi32, #tpu.memory_space<vmem>>) target_semaphore(%run_scoped3A : memref<!tpu.dma_semaphore, #tpu.memory_space<semaphore_mem>>)
      %dma_wait3A_104 = tpu.memref_slice %arg2[%add3A_14] : memref<327680xi32, #tpu.memory_space<hbm>> -> memref<640xi32, #tpu.memory_space<hbm>>
      %dma_wait3A_105 = tpu.memref_slice %arg2[%add3A_14] : memref<327680xi32, #tpu.memory_space<hbm>> -> memref<640xi32, #tpu.memory_space<hbm>>
      tpu.wait_dma2 semaphore(%run_scoped3A : memref<!tpu.dma_semaphore, #tpu.memory_space<semaphore_mem>>) src(%dma_wait3A_105 : memref<640xi32, #tpu.memory_space<hbm>>) dst(%arg7 : memref<640xi32, #tpu.memory_space<vmem>>)
      tpu.yield
    }) : () -> ()
    %dma_start3A = arith.constant 0 : i32
    %dma_start3A_15 = arith.constant 0 : i32
    %dma_start3A_16 = tpu.memref_slice %arg9[%dma_start3A, %dma_start3A_15] : memref<640x64xf32, #tpu.memory_space<vmem>> -> memref<128x64xf32, #tpu.memory_space<vmem>>
    %dma_start3A_17 = arith.constant 0 : i32
    %dma_start3A_18 = tpu.memref_slice %arg7[%dma_start3A_17] : memref<640xi32, #tpu.memory_space<vmem>> -> memref<128xi32, #tpu.memory_space<vmem>>
    %dma_start3A_19 = arith.constant 0 : i32
    %dma_start3A_20 = arith.constant 0 : i32
    %dma_start3A_21 = tpu.memref_slice %arg5[%dma_start3A_19, %dma_start3A_20] : memref<1000001x64xf32, #tpu.memory_space<hbm>> -> memref<1000001x64xf32, #tpu.memory_space<hbm>>
    tpu.enqueue_indirect_dma source(%dma_start3A_21 : memref<1000001x64xf32, #tpu.memory_space<hbm>>) target(%dma_start3A_16 : memref<128x64xf32, #tpu.memory_space<vmem>>) offsets(%dma_start3A_18 : memref<128xi32, #tpu.memory_space<vmem>>) semaphore(%arg15 : memref<!tpu.dma_semaphore, #tpu.memory_space<semaphore_mem>>)
    %dma_start3A_22 = arith.constant 128 : i32
    %dma_start3A_23 = arith.constant 0 : i32
    %dma_start3A_24 = tpu.memref_slice %arg9[%dma_start3A_22, %dma_start3A_23] : memref<640x64xf32, #tpu.memory_space<vmem>> -> memref<128x64xf32, #tpu.memory_space<vmem>>
    %dma_start3A_25 = arith.constant 128 : i32
    %dma_start3A_26 = tpu.memref_slice %arg7[%dma_start3A_25] : memref<640xi32, #tpu.memory_space<vmem>> -> memref<128xi32, #tpu.memory_space<vmem>>
    %dma_start3A_27 = arith.constant 0 : i32
    %dma_start3A_28 = arith.constant 0 : i32
    %dma_start3A_29 = tpu.memref_slice %arg5[%dma_start3A_27, %dma_start3A_28] : memref<1000001x64xf32, #tpu.memory_space<hbm>> -> memref<1000001x64xf32, #tpu.memory_space<hbm>>
    tpu.enqueue_indirect_dma source(%dma_start3A_29 : memref<1000001x64xf32, #tpu.memory_space<hbm>>) target(%dma_start3A_24 : memref<128x64xf32, #tpu.memory_space<vmem>>) offsets(%dma_start3A_26 : memref<128xi32, #tpu.memory_space<vmem>>) semaphore(%arg15 : memref<!tpu.dma_semaphore, #tpu.memory_space<semaphore_mem>>)
    %dma_start3A_30 = arith.constant 256 : i32
    %dma_start3A_31 = arith.constant 0 : i32
    %dma_start3A_32 = tpu.memref_slice %arg9[%dma_start3A_30, %dma_start3A_31] : memref<640x64xf32, #tpu.memory_space<vmem>> -> memref<128x64xf32, #tpu.memory_space<vmem>>
    %dma_start3A_33 = arith.constant 256 : i32
    %dma_start3A_34 = tpu.memref_slice %arg7[%dma_start3A_33] : memref<640xi32, #tpu.memory_space<vmem>> -> memref<128xi32, #tpu.memory_space<vmem>>
    %dma_start3A_35 = arith.constant 0 : i32
    %dma_start3A_36 = arith.constant 0 : i32
    %dma_start3A_37 = tpu.memref_slice %arg5[%dma_start3A_35, %dma_start3A_36] : memref<1000001x64xf32, #tpu.memory_space<hbm>> -> memref<1000001x64xf32, #tpu.memory_space<hbm>>
    tpu.enqueue_indirect_dma source(%dma_start3A_37 : memref<1000001x64xf32, #tpu.memory_space<hbm>>) target(%dma_start3A_32 : memref<128x64xf32, #tpu.memory_space<vmem>>) offsets(%dma_start3A_34 : memref<128xi32, #tpu.memory_space<vmem>>) semaphore(%arg15 : memref<!tpu.dma_semaphore, #tpu.memory_space<semaphore_mem>>)
    %dma_start3A_38 = arith.constant 384 : i32
    %dma_start3A_39 = arith.constant 0 : i32
    %dma_start3A_40 = tpu.memref_slice %arg9[%dma_start3A_38, %dma_start3A_39] : memref<640x64xf32, #tpu.memory_space<vmem>> -> memref<128x64xf32, #tpu.memory_space<vmem>>
    %dma_start3A_41 = arith.constant 384 : i32
    %dma_start3A_42 = tpu.memref_slice %arg7[%dma_start3A_41] : memref<640xi32, #tpu.memory_space<vmem>> -> memref<128xi32, #tpu.memory_space<vmem>>
    %dma_start3A_43 = arith.constant 0 : i32
    %dma_start3A_44 = arith.constant 0 : i32
    %dma_start3A_45 = tpu.memref_slice %arg5[%dma_start3A_43, %dma_start3A_44] : memref<1000001x64xf32, #tpu.memory_space<hbm>> -> memref<1000001x64xf32, #tpu.memory_space<hbm>>
    tpu.enqueue_indirect_dma source(%dma_start3A_45 : memref<1000001x64xf32, #tpu.memory_space<hbm>>) target(%dma_start3A_40 : memref<128x64xf32, #tpu.memory_space<vmem>>) offsets(%dma_start3A_42 : memref<128xi32, #tpu.memory_space<vmem>>) semaphore(%arg15 : memref<!tpu.dma_semaphore, #tpu.memory_space<semaphore_mem>>)
    %dma_start3A_46 = arith.constant 512 : i32
    %dma_start3A_47 = arith.constant 0 : i32
    %dma_start3A_48 = tpu.memref_slice %arg9[%dma_start3A_46, %dma_start3A_47] : memref<640x64xf32, #tpu.memory_space<vmem>> -> memref<128x64xf32, #tpu.memory_space<vmem>>
    %dma_start3A_49 = arith.constant 512 : i32
    %dma_start3A_50 = tpu.memref_slice %arg7[%dma_start3A_49] : memref<640xi32, #tpu.memory_space<vmem>> -> memref<128xi32, #tpu.memory_space<vmem>>
    %dma_start3A_51 = arith.constant 0 : i32
    %dma_start3A_52 = arith.constant 0 : i32
    %dma_start3A_53 = tpu.memref_slice %arg5[%dma_start3A_51, %dma_start3A_52] : memref<1000001x64xf32, #tpu.memory_space<hbm>> -> memref<1000001x64xf32, #tpu.memory_space<hbm>>
    tpu.enqueue_indirect_dma source(%dma_start3A_53 : memref<1000001x64xf32, #tpu.memory_space<hbm>>) target(%dma_start3A_48 : memref<128x64xf32, #tpu.memory_space<vmem>>) offsets(%dma_start3A_50 : memref<128xi32, #tpu.memory_space<vmem>>) semaphore(%arg15 : memref<!tpu.dma_semaphore, #tpu.memory_space<semaphore_mem>>)
    %scan3A_54 = arith.constant 0 : i32
    %scan3A_55 = arith.constant 0 : i32
    %scan3A_56 = arith.constant 16 : i32
    %scan3A_57 = arith.addi %scan3A_55, %scan3A_56 : i32
    %scan3A_58 = arith.constant 1 : i32
    %scan3A_59 = scf.for %scan3A_102 = %scan3A_55 to %scan3A_57 step %scan3A_58 iter_args(%scan3A_103 = %scan3A_54) -> (i32)  : i32 {
      %mul3A_104 = arith.constant 5120 : i32
      %mul3A_105 = arith.muli %add3A, %mul3A_104 : i32
      %mul3A_106 = arith.constant 320 : i32
      %mul3A_107 = arith.muli %scan3A_102, %mul3A_106 : i32
      %add3A_108 = arith.addi %mul3A_105, %mul3A_107 : i32
      "tpu.region"() ({
        %run_scoped3A = tpu.sem_alloc : memref<!tpu.dma_semaphore, #tpu.memory_space<semaphore_mem>>
        %dma_start3A_604 = arith.constant 0 : i32
        %dma_start3A_605 = tpu.memref_slice %arg8[%dma_start3A_604] : memref<512xi32, #tpu.memory_space<vmem>> -> memref<384xi32, #tpu.memory_space<vmem>>
        %dma_start3A_606 = tpu.memref_slice %arg3[%add3A_108] : memref<163904xi32, #tpu.memory_space<hbm>> -> memref<384xi32, #tpu.memory_space<hbm>>
        %dma_start3A_607 = arith.constant 0 : i32
        %dma_start3A_608 = tpu.memref_slice %arg8[%dma_start3A_607] : memref<512xi32, #tpu.memory_space<vmem>> -> memref<384xi32, #tpu.memory_space<vmem>>
        %dma_start3A_609 = tpu.memref_slice %arg3[%add3A_108] : memref<163904xi32, #tpu.memory_space<hbm>> -> memref<384xi32, #tpu.memory_space<hbm>>
        tpu.enqueue_dma source(%dma_start3A_609 : memref<384xi32, #tpu.memory_space<hbm>>) target(%dma_start3A_608 : memref<384xi32, #tpu.memory_space<vmem>>) target_semaphore(%run_scoped3A : memref<!tpu.dma_semaphore, #tpu.memory_space<semaphore_mem>>)
        %dma_wait3A_610 = arith.constant 0 : i32
        %dma_wait3A_611 = tpu.memref_slice %arg8[%dma_wait3A_610] : memref<512xi32, #tpu.memory_space<vmem>> -> memref<384xi32, #tpu.memory_space<vmem>>
        %dma_wait3A_612 = tpu.memref_slice %arg3[%add3A_108] : memref<163904xi32, #tpu.memory_space<hbm>> -> memref<384xi32, #tpu.memory_space<hbm>>
        %dma_wait3A_613 = arith.constant 0 : i32
        %dma_wait3A_614 = tpu.memref_slice %arg8[%dma_wait3A_613] : memref<512xi32, #tpu.memory_space<vmem>> -> memref<384xi32, #tpu.memory_space<vmem>>
        %dma_wait3A_615 = tpu.memref_slice %arg3[%add3A_108] : memref<163904xi32, #tpu.memory_space<hbm>> -> memref<384xi32, #tpu.memory_space<hbm>>
        tpu.wait_dma2 semaphore(%run_scoped3A : memref<!tpu.dma_semaphore, #tpu.memory_space<semaphore_mem>>) src(%dma_wait3A_615 : memref<384xi32, #tpu.memory_space<hbm>>) dst(%dma_wait3A_614 : memref<384xi32, #tpu.memory_space<vmem>>)
        tpu.yield
      }) : () -> ()
      %mul3A_109 = arith.constant 512 : i32
      %mul3A_110 = arith.muli %add3A, %mul3A_109 : i32
      %mul3A_111 = arith.constant 32 : i32
      %mul3A_112 = arith.muli %scan3A_102, %mul3A_111 : i32
      %add3A_113 = arith.addi %mul3A_110, %mul3A_112 : i32
      "tpu.region"() ({
        %run_scoped3A = tpu.sem_alloc : memref<!tpu.dma_semaphore, #tpu.memory_space<semaphore_mem>>
        %dma_start3A_604 = arith.constant 384 : i32
        %dma_start3A_605 = tpu.memref_slice %arg8[%dma_start3A_604] : memref<512xi32, #tpu.memory_space<vmem>> -> memref<128xi32, #tpu.memory_space<vmem>>
        %dma_start3A_606 = tpu.memref_slice %arg4[%add3A_113] : memref<16480xi32, #tpu.memory_space<hbm>> -> memref<128xi32, #tpu.memory_space<hbm>>
        %dma_start3A_607 = arith.constant 384 : i32
        %dma_start3A_608 = tpu.memref_slice %arg8[%dma_start3A_607] : memref<512xi32, #tpu.memory_space<vmem>> -> memref<128xi32, #tpu.memory_space<vmem>>
        %dma_start3A_609 = tpu.memref_slice %arg4[%add3A_113] : memref<16480xi32, #tpu.memory_space<hbm>> -> memref<128xi32, #tpu.memory_space<hbm>>
        tpu.enqueue_dma source(%dma_start3A_609 : memref<128xi32, #tpu.memory_space<hbm>>) target(%dma_start3A_608 : memref<128xi32, #tpu.memory_space<vmem>>) target_semaphore(%run_scoped3A : memref<!tpu.dma_semaphore, #tpu.memory_space<semaphore_mem>>)
        %dma_wait3A_610 = arith.constant 384 : i32
        %dma_wait3A_611 = tpu.memref_slice %arg8[%dma_wait3A_610] : memref<512xi32, #tpu.memory_space<vmem>> -> memref<128xi32, #tpu.memory_space<vmem>>
        %dma_wait3A_612 = tpu.memref_slice %arg4[%add3A_113] : memref<16480xi32, #tpu.memory_space<hbm>> -> memref<128xi32, #tpu.memory_space<hbm>>
        %dma_wait3A_613 = arith.constant 384 : i32
        %dma_wait3A_614 = tpu.memref_slice %arg8[%dma_wait3A_613] : memref<512xi32, #tpu.memory_space<vmem>> -> memref<128xi32, #tpu.memory_space<vmem>>
        %dma_wait3A_615 = tpu.memref_slice %arg4[%add3A_113] : memref<16480xi32, #tpu.memory_space<hbm>> -> memref<128xi32, #tpu.memory_space<hbm>>
        tpu.wait_dma2 semaphore(%run_scoped3A : memref<!tpu.dma_semaphore, #tpu.memory_space<semaphore_mem>>) src(%dma_wait3A_615 : memref<128xi32, #tpu.memory_space<hbm>>) dst(%dma_wait3A_614 : memref<128xi32, #tpu.memory_space<vmem>>)
        tpu.yield
      }) : () -> ()
      %dma_wait3A_114 = arith.constant 0 : i32
      %dma_wait3A_115 = arith.constant 0 : i32
      %dma_wait3A_116 = tpu.memref_slice %arg9[%dma_wait3A_114, %dma_wait3A_115] : memref<640x64xf32, #tpu.memory_space<vmem>> -> memref<128x64xf32, #tpu.memory_space<vmem>>
      %dma_wait3A_117 = arith.constant 0 : i32
      %dma_wait3A_118 = tpu.memref_slice %arg7[%dma_wait3A_117] : memref<640xi32, #tpu.memory_space<vmem>> -> memref<128xi32, #tpu.memory_space<vmem>>
      %dma_wait3A_119 = arith.constant 0 : i32
      %dma_wait3A_120 = arith.constant 0 : i32
      %dma_wait3A_121 = tpu.memref_slice %arg5[%dma_wait3A_119, %dma_wait3A_120] : memref<1000001x64xf32, #tpu.memory_space<hbm>> -> memref<1000001x64xf32, #tpu.memory_space<hbm>>
      tpu.wait_indirect_dma semaphore(%arg15 : memref<!tpu.dma_semaphore, #tpu.memory_space<semaphore_mem>>) src(%dma_wait3A_121 : memref<1000001x64xf32, #tpu.memory_space<hbm>>) dst(%dma_wait3A_116 : memref<128x64xf32, #tpu.memory_space<vmem>>)
      %dma_wait3A_122 = arith.constant 128 : i32
      %dma_wait3A_123 = arith.constant 0 : i32
      %dma_wait3A_124 = tpu.memref_slice %arg9[%dma_wait3A_122, %dma_wait3A_123] : memref<640x64xf32, #tpu.memory_space<vmem>> -> memref<128x64xf32, #tpu.memory_space<vmem>>
      %dma_wait3A_125 = arith.constant 128 : i32
      %dma_wait3A_126 = tpu.memref_slice %arg7[%dma_wait3A_125] : memref<640xi32, #tpu.memory_space<vmem>> -> memref<128xi32, #tpu.memory_space<vmem>>
      %dma_wait3A_127 = arith.constant 0 : i32
      %dma_wait3A_128 = arith.constant 0 : i32
      %dma_wait3A_129 = tpu.memref_slice %arg5[%dma_wait3A_127, %dma_wait3A_128] : memref<1000001x64xf32, #tpu.memory_space<hbm>> -> memref<1000001x64xf32, #tpu.memory_space<hbm>>
      tpu.wait_indirect_dma semaphore(%arg15 : memref<!tpu.dma_semaphore, #tpu.memory_space<semaphore_mem>>) src(%dma_wait3A_129 : memref<1000001x64xf32, #tpu.memory_space<hbm>>) dst(%dma_wait3A_124 : memref<128x64xf32, #tpu.memory_space<vmem>>)
      %dma_wait3A_130 = arith.constant 256 : i32
      %dma_wait3A_131 = arith.constant 0 : i32
      %dma_wait3A_132 = tpu.memref_slice %arg9[%dma_wait3A_130, %dma_wait3A_131] : memref<640x64xf32, #tpu.memory_space<vmem>> -> memref<128x64xf32, #tpu.memory_space<vmem>>
      %dma_wait3A_133 = arith.constant 256 : i32
      %dma_wait3A_134 = tpu.memref_slice %arg7[%dma_wait3A_133] : memref<640xi32, #tpu.memory_space<vmem>> -> memref<128xi32, #tpu.memory_space<vmem>>
      %dma_wait3A_135 = arith.constant 0 : i32
      %dma_wait3A_136 = arith.constant 0 : i32
      %dma_wait3A_137 = tpu.memref_slice %arg5[%dma_wait3A_135, %dma_wait3A_136] : memref<1000001x64xf32, #tpu.memory_space<hbm>> -> memref<1000001x64xf32, #tpu.memory_space<hbm>>
      tpu.wait_indirect_dma semaphore(%arg15 : memref<!tpu.dma_semaphore, #tpu.memory_space<semaphore_mem>>) src(%dma_wait3A_137 : memref<1000001x64xf32, #tpu.memory_space<hbm>>) dst(%dma_wait3A_132 : memref<128x64xf32, #tpu.memory_space<vmem>>)
      %dma_wait3A_138 = arith.constant 384 : i32
      %dma_wait3A_139 = arith.constant 0 : i32
      %dma_wait3A_140 = tpu.memref_slice %arg9[%dma_wait3A_138, %dma_wait3A_139] : memref<640x64xf32, #tpu.memory_space<vmem>> -> memref<128x64xf32, #tpu.memory_space<vmem>>
      %dma_wait3A_141 = arith.constant 384 : i32
      %dma_wait3A_142 = tpu.memref_slice %arg7[%dma_wait3A_141] : memref<640xi32, #tpu.memory_space<vmem>> -> memref<128xi32, #tpu.memory_space<vmem>>
      %dma_wait3A_143 = arith.constant 0 : i32
      %dma_wait3A_144 = arith.constant 0 : i32
      %dma_wait3A_145 = tpu.memref_slice %arg5[%dma_wait3A_143, %dma_wait3A_144] : memref<1000001x64xf32, #tpu.memory_space<hbm>> -> memref<1000001x64xf32, #tpu.memory_space<hbm>>
      tpu.wait_indirect_dma semaphore(%arg15 : memref<!tpu.dma_semaphore, #tpu.memory_space<semaphore_mem>>) src(%dma_wait3A_145 : memref<1000001x64xf32, #tpu.memory_space<hbm>>) dst(%dma_wait3A_140 : memref<128x64xf32, #tpu.memory_space<vmem>>)
      %dma_wait3A_146 = arith.constant 512 : i32
      %dma_wait3A_147 = arith.constant 0 : i32
      %dma_wait3A_148 = tpu.memref_slice %arg9[%dma_wait3A_146, %dma_wait3A_147] : memref<640x64xf32, #tpu.memory_space<vmem>> -> memref<128x64xf32, #tpu.memory_space<vmem>>
      %dma_wait3A_149 = arith.constant 512 : i32
      %dma_wait3A_150 = tpu.memref_slice %arg7[%dma_wait3A_149] : memref<640xi32, #tpu.memory_space<vmem>> -> memref<128xi32, #tpu.memory_space<vmem>>
      %dma_wait3A_151 = arith.constant 0 : i32
      %dma_wait3A_152 = arith.constant 0 : i32
      %dma_wait3A_153 = tpu.memref_slice %arg5[%dma_wait3A_151, %dma_wait3A_152] : memref<1000001x64xf32, #tpu.memory_space<hbm>> -> memref<1000001x64xf32, #tpu.memory_space<hbm>>
      tpu.wait_indirect_dma semaphore(%arg15 : memref<!tpu.dma_semaphore, #tpu.memory_space<semaphore_mem>>) src(%dma_wait3A_153 : memref<1000001x64xf32, #tpu.memory_space<hbm>>) dst(%dma_wait3A_148 : memref<128x64xf32, #tpu.memory_space<vmem>>)
      %dma_start3A_154 = arith.constant 0 : i32
      %dma_start3A_155 = arith.constant 0 : i32
      %dma_start3A_156 = tpu.memref_slice %arg10[%dma_start3A_154, %dma_start3A_155] : memref<384x64xf32, #tpu.memory_space<vmem>> -> memref<128x64xf32, #tpu.memory_space<vmem>>
      %dma_start3A_157 = arith.constant 0 : i32
      %dma_start3A_158 = tpu.memref_slice %arg8[%dma_start3A_157] : memref<512xi32, #tpu.memory_space<vmem>> -> memref<128xi32, #tpu.memory_space<vmem>>
      %dma_start3A_159 = arith.constant 0 : i32
      %dma_start3A_160 = arith.constant 0 : i32
      %dma_start3A_161 = tpu.memref_slice %arg5[%dma_start3A_159, %dma_start3A_160] : memref<1000001x64xf32, #tpu.memory_space<hbm>> -> memref<1000001x64xf32, #tpu.memory_space<hbm>>
      tpu.enqueue_indirect_dma source(%dma_start3A_161 : memref<1000001x64xf32, #tpu.memory_space<hbm>>) target(%dma_start3A_156 : memref<128x64xf32, #tpu.memory_space<vmem>>) offsets(%dma_start3A_158 : memref<128xi32, #tpu.memory_space<vmem>>) semaphore(%arg16 : memref<!tpu.dma_semaphore, #tpu.memory_space<semaphore_mem>>)
      %dma_start3A_162 = arith.constant 128 : i32
      %dma_start3A_163 = arith.constant 0 : i32
      %dma_start3A_164 = tpu.memref_slice %arg10[%dma_start3A_162, %dma_start3A_163] : memref<384x64xf32, #tpu.memory_space<vmem>> -> memref<128x64xf32, #tpu.memory_space<vmem>>
      %dma_start3A_165 = arith.constant 128 : i32
      %dma_start3A_166 = tpu.memref_slice %arg8[%dma_start3A_165] : memref<512xi32, #tpu.memory_space<vmem>> -> memref<128xi32, #tpu.memory_space<vmem>>
      %dma_start3A_167 = arith.constant 0 : i32
      %dma_start3A_168 = arith.constant 0 : i32
      %dma_start3A_169 = tpu.memref_slice %arg5[%dma_start3A_167, %dma_start3A_168] : memref<1000001x64xf32, #tpu.memory_space<hbm>> -> memref<1000001x64xf32, #tpu.memory_space<hbm>>
      tpu.enqueue_indirect_dma source(%dma_start3A_169 : memref<1000001x64xf32, #tpu.memory_space<hbm>>) target(%dma_start3A_164 : memref<128x64xf32, #tpu.memory_space<vmem>>) offsets(%dma_start3A_166 : memref<128xi32, #tpu.memory_space<vmem>>) semaphore(%arg16 : memref<!tpu.dma_semaphore, #tpu.memory_space<semaphore_mem>>)
      %dma_start3A_170 = arith.constant 256 : i32
      %dma_start3A_171 = arith.constant 0 : i32
      %dma_start3A_172 = tpu.memref_slice %arg10[%dma_start3A_170, %dma_start3A_171] : memref<384x64xf32, #tpu.memory_space<vmem>> -> memref<128x64xf32, #tpu.memory_space<vmem>>
      %dma_start3A_173 = arith.constant 256 : i32
      %dma_start3A_174 = tpu.memref_slice %arg8[%dma_start3A_173] : memref<512xi32, #tpu.memory_space<vmem>> -> memref<128xi32, #tpu.memory_space<vmem>>
      %dma_start3A_175 = arith.constant 0 : i32
      %dma_start3A_176 = arith.constant 0 : i32
      %dma_start3A_177 = tpu.memref_slice %arg5[%dma_start3A_175, %dma_start3A_176] : memref<1000001x64xf32, #tpu.memory_space<hbm>> -> memref<1000001x64xf32, #tpu.memory_space<hbm>>
      tpu.enqueue_indirect_dma source(%dma_start3A_177 : memref<1000001x64xf32, #tpu.memory_space<hbm>>) target(%dma_start3A_172 : memref<128x64xf32, #tpu.memory_space<vmem>>) offsets(%dma_start3A_174 : memref<128xi32, #tpu.memory_space<vmem>>) semaphore(%arg16 : memref<!tpu.dma_semaphore, #tpu.memory_space<semaphore_mem>>)
      %dma_start3A_178 = arith.constant 384 : i32
      %dma_start3A_179 = tpu.memref_slice %arg8[%dma_start3A_178] : memref<512xi32, #tpu.memory_space<vmem>> -> memref<128xi32, #tpu.memory_space<vmem>>
      %dma_start3A_180 = arith.constant 0 : i32
      %dma_start3A_181 = arith.constant 0 : i32
      %dma_start3A_182 = tpu.memref_slice %arg5[%dma_start3A_180, %dma_start3A_181] : memref<1000001x64xf32, #tpu.memory_space<hbm>> -> memref<1000001x64xf32, #tpu.memory_space<hbm>>
      tpu.enqueue_indirect_dma source(%dma_start3A_182 : memref<1000001x64xf32, #tpu.memory_space<hbm>>) target(%arg11 : memref<128x64xf32, #tpu.memory_space<vmem>>) offsets(%dma_start3A_179 : memref<128xi32, #tpu.memory_space<vmem>>) semaphore(%arg16 : memref<!tpu.dma_semaphore, #tpu.memory_space<semaphore_mem>>)
      %scan3A_183 = arith.constant 0 : i32
      %scan3A_184 = arith.constant 0 : i32
      %scan3A_185 = arith.constant 16 : i32
      %scan3A_186 = arith.addi %scan3A_184, %scan3A_185 : i32
      %scan3A_187 = arith.constant 1 : i32
      %scan3A_188 = scf.for %scan3A_604 = %scan3A_184 to %scan3A_186 step %scan3A_187 iter_args(%scan3A_605 = %scan3A_183) -> (i32)  : i32 {
        %mul3A_606 = arith.constant 2 : i32
        %mul3A_607 = arith.muli %scan3A_604, %mul3A_606 : i32
        %add3A_608 = arith.constant 0 : i32
        %add3A_609 = arith.addi %mul3A_607, %add3A_608 : i32
        %mul3A_610 = arith.constant 20 : i32
        %mul3A_611 = arith.muli %add3A_609, %mul3A_610 : i32
        %get3A = arith.index_cast %mul3A_611 : i32 to index
        %get3A_612 = arith.constant 0 : index
        %get3A_613 = tpu.vector_load %arg9[%get3A, %get3A_612] {strides = array<i32>} : memref<640x64xf32, #tpu.memory_space<vmem>>, vector<16xf32>,
        %get3A_614 = arith.index_cast %mul3A_611 : i32 to index
        %get3A_615 = arith.constant 16 : index
        %get3A_616 = tpu.vector_load %arg9[%get3A_614, %get3A_615] {strides = array<i32>} : memref<640x64xf32, #tpu.memory_space<vmem>>, vector<16xf32>,
        %get3A_617 = arith.index_cast %mul3A_611 : i32 to index
        %get3A_618 = arith.constant 32 : index
        %get3A_619 = tpu.vector_load %arg9[%get3A_617, %get3A_618] {strides = array<i32>} : memref<640x64xf32, #tpu.memory_space<vmem>>, vector<16xf32>,
        %get3A_620 = arith.index_cast %mul3A_611 : i32 to index
        %get3A_621 = arith.constant 48 : index
        %get3A_622 = tpu.vector_load %arg9[%get3A_620, %get3A_621] {strides = array<i32>} : memref<640x64xf32, #tpu.memory_space<vmem>>, vector<16xf32>,
        %add3A_623 = arith.constant 1 : i32
        %add3A_624 = arith.addi %mul3A_611, %add3A_623 : i32
        %get3A_625 = arith.index_cast %add3A_624 : i32 to index
        %get3A_626 = arith.constant 0 : index
        %get3A_627 = tpu.vector_load %arg9[%get3A_625, %get3A_626] {strides = array<i32>} : memref<640x64xf32, #tpu.memory_space<vmem>>, vector<16xf32>,
        %add3A_628 = arith.constant 1 : i32
        %add3A_629 = arith.addi %mul3A_611, %add3A_628 : i32
        %get3A_630 = arith.index_cast %add3A_629 : i32 to index
        %get3A_631 = arith.constant 16 : index
        %get3A_632 = tpu.vector_load %arg9[%get3A_630, %get3A_631] {strides = array<i32>} : memref<640x64xf32, #tpu.memory_space<vmem>>, vector<16xf32>,
        %add3A_633 = arith.constant 1 : i32
        %add3A_634 = arith.addi %mul3A_611, %add3A_633 : i32
        %get3A_635 = arith.index_cast %add3A_634 : i32 to index
        %get3A_636 = arith.constant 32 : index
        %get3A_637 = tpu.vector_load %arg9[%get3A_635, %get3A_636] {strides = array<i32>} : memref<640x64xf32, #tpu.memory_space<vmem>>, vector<16xf32>,
        %add3A_638 = arith.constant 1 : i32
        %add3A_639 = arith.addi %mul3A_611, %add3A_638 : i32
        %get3A_640 = arith.index_cast %add3A_639 : i32 to index
        %get3A_641 = arith.constant 48 : index
        %get3A_642 = tpu.vector_load %arg9[%get3A_640, %get3A_641] {strides = array<i32>} : memref<640x64xf32, #tpu.memory_space<vmem>>, vector<16xf32>,
        %add3A_643 = arith.constant 2 : i32
        %add3A_644 = arith.addi %mul3A_611, %add3A_643 : i32
        %get3A_645 = arith.index_cast %add3A_644 : i32 to index
        %get3A_646 = arith.constant 0 : index
        %get3A_647 = tpu.vector_load %arg9[%get3A_645, %get3A_646] {strides = array<i32>} : memref<640x64xf32, #tpu.memory_space<vmem>>, vector<16xf32>,
        %add3A_648 = arith.addf %get3A_613, %get3A_647 : vector<16xf32>
        %add3A_649 = arith.constant 2 : i32
        %add3A_650 = arith.addi %mul3A_611, %add3A_649 : i32
        %add3A_651 = arith.constant 1 : i32
        %add3A_652 = arith.addi %add3A_650, %add3A_651 : i32
        %get3A_653 = arith.index_cast %add3A_652 : i32 to index
        %get3A_654 = arith.constant 0 : index
        %get3A_655 = tpu.vector_load %arg9[%get3A_653, %get3A_654] {strides = array<i32>} : memref<640x64xf32, #tpu.memory_space<vmem>>, vector<16xf32>,
        %add3A_656 = arith.addf %get3A_627, %get3A_655 : vector<16xf32>
        %add3A_657 = arith.constant 2 : i32
        %add3A_658 = arith.addi %mul3A_611, %add3A_657 : i32
        %get3A_659 = arith.index_cast %add3A_658 : i32 to index
        %get3A_660 = arith.constant 16 : index
        %get3A_661 = tpu.vector_load %arg9[%get3A_659, %get3A_660] {strides = array<i32>} : memref<640x64xf32, #tpu.memory_space<vmem>>, vector<16xf32>,
        %add3A_662 = arith.addf %get3A_616, %get3A_661 : vector<16xf32>
        %add3A_663 = arith.constant 2 : i32
        %add3A_664 = arith.addi %mul3A_611, %add3A_663 : i32
        %add3A_665 = arith.constant 1 : i32
        %add3A_666 = arith.addi %add3A_664, %add3A_665 : i32
        %get3A_667 = arith.index_cast %add3A_666 : i32 to index
        %get3A_668 = arith.constant 16 : index
        %get3A_669 = tpu.vector_load %arg9[%get3A_667, %get3A_668] {strides = array<i32>} : memref<640x64xf32, #tpu.memory_space<vmem>>, vector<16xf32>,
        %add3A_670 = arith.addf %get3A_632, %get3A_669 : vector<16xf32>
        %add3A_671 = arith.constant 2 : i32
        %add3A_672 = arith.addi %mul3A_611, %add3A_671 : i32
        %get3A_673 = arith.index_cast %add3A_672 : i32 to index
        %get3A_674 = arith.constant 32 : index
        %get3A_675 = tpu.vector_load %arg9[%get3A_673, %get3A_674] {strides = array<i32>} : memref<640x64xf32, #tpu.memory_space<vmem>>, vector<16xf32>,
        %add3A_676 = arith.addf %get3A_619, %get3A_675 : vector<16xf32>
        %add3A_677 = arith.constant 2 : i32
        %add3A_678 = arith.addi %mul3A_611, %add3A_677 : i32
        %add3A_679 = arith.constant 1 : i32
        %add3A_680 = arith.addi %add3A_678, %add3A_679 : i32
        %get3A_681 = arith.index_cast %add3A_680 : i32 to index
        %get3A_682 = arith.constant 32 : index
        %get3A_683 = tpu.vector_load %arg9[%get3A_681, %get3A_682] {strides = array<i32>} : memref<640x64xf32, #tpu.memory_space<vmem>>, vector<16xf32>,
        %add3A_684 = arith.addf %get3A_637, %get3A_683 : vector<16xf32>
        %add3A_685 = arith.constant 2 : i32
        %add3A_686 = arith.addi %mul3A_611, %add3A_685 : i32
        %get3A_687 = arith.index_cast %add3A_686 : i32 to index
        %get3A_688 = arith.constant 48 : index
        %get3A_689 = tpu.vector_load %arg9[%get3A_687, %get3A_688] {strides = array<i32>} : memref<640x64xf32, #tpu.memory_space<vmem>>, vector<16xf32>,
        %add3A_690 = arith.addf %get3A_622, %get3A_689 : vector<16xf32>
        %add3A_691 = arith.constant 2 : i32
        %add3A_692 = arith.addi %mul3A_611, %add3A_691 : i32
        %add3A_693 = arith.constant 1 : i32
        %add3A_694 = arith.addi %add3A_692, %add3A_693 : i32
        %get3A_695 = arith.index_cast %add3A_694 : i32 to index
        %get3A_696 = arith.constant 48 : index
        %get3A_697 = tpu.vector_load %arg9[%get3A_695, %get3A_696] {strides = array<i32>} : memref<640x64xf32, #tpu.memory_space<vmem>>, vector<16xf32>,
        %add3A_698 = arith.addf %get3A_642, %get3A_697 : vector<16xf32>
        %add3A_699 = arith.constant 4 : i32
        %add3A_700 = arith.addi %mul3A_611, %add3A_699 : i32
        %get3A_701 = arith.index_cast %add3A_700 : i32 to index
        %get3A_702 = arith.constant 0 : index
        %get3A_703 = tpu.vector_load %arg9[%get3A_701, %get3A_702] {strides = array<i32>} : memref<640x64xf32, #tpu.memory_space<vmem>>, vector<16xf32>,
        %add3A_704 = arith.addf %add3A_648, %get3A_703 : vector<16xf32>
        %add3A_705 = arith.constant 4 : i32
        %add3A_706 = arith.addi %mul3A_611, %add3A_705 : i32
        %add3A_707 = arith.constant 1 : i32
        %add3A_708 = arith.addi %add3A_706, %add3A_707 : i32
        %get3A_709 = arith.index_cast %add3A_708 : i32 to index
        %get3A_710 = arith.constant 0 : index
        %get3A_711 = tpu.vector_load %arg9[%get3A_709, %get3A_710] {strides = array<i32>} : memref<640x64xf32, #tpu.memory_space<vmem>>, vector<16xf32>,
        %add3A_712 = arith.addf %add3A_656, %get3A_711 : vector<16xf32>
        %add3A_713 = arith.constant 4 : i32
        %add3A_714 = arith.addi %mul3A_611, %add3A_713 : i32
        %get3A_715 = arith.index_cast %add3A_714 : i32 to index
        %get3A_716 = arith.constant 16 : index
        %get3A_717 = tpu.vector_load %arg9[%get3A_715, %get3A_716] {strides = array<i32>} : memref<640x64xf32, #tpu.memory_space<vmem>>, vector<16xf32>,
        %add3A_718 = arith.addf %add3A_662, %get3A_717 : vector<16xf32>
        %add3A_719 = arith.constant 4 : i32
        %add3A_720 = arith.addi %mul3A_611, %add3A_719 : i32
        %add3A_721 = arith.constant 1 : i32
        %add3A_722 = arith.addi %add3A_720, %add3A_721 : i32
        %get3A_723 = arith.index_cast %add3A_722 : i32 to index
        %get3A_724 = arith.constant 16 : index
        %get3A_725 = tpu.vector_load %arg9[%get3A_723, %get3A_724] {strides = array<i32>} : memref<640x64xf32, #tpu.memory_space<vmem>>, vector<16xf32>,
        %add3A_726 = arith.addf %add3A_670, %get3A_725 : vector<16xf32>
        %add3A_727 = arith.constant 4 : i32
        %add3A_728 = arith.addi %mul3A_611, %add3A_727 : i32
        %get3A_729 = arith.index_cast %add3A_728 : i32 to index
        %get3A_730 = arith.constant 32 : index
        %get3A_731 = tpu.vector_load %arg9[%get3A_729, %get3A_730] {strides = array<i32>} : memref<640x64xf32, #tpu.memory_space<vmem>>, vector<16xf32>,
        %add3A_732 = arith.addf %add3A_676, %get3A_731 : vector<16xf32>
        %add3A_733 = arith.constant 4 : i32
        %add3A_734 = arith.addi %mul3A_611, %add3A_733 : i32
        %add3A_735 = arith.constant 1 : i32
        %add3A_736 = arith.addi %add3A_734, %add3A_735 : i32
        %get3A_737 = arith.index_cast %add3A_736 : i32 to index
        %get3A_738 = arith.constant 32 : index
        %get3A_739 = tpu.vector_load %arg9[%get3A_737, %get3A_738] {strides = array<i32>} : memref<640x64xf32, #tpu.memory_space<vmem>>, vector<16xf32>,
        %add3A_740 = arith.addf %add3A_684, %get3A_739 : vector<16xf32>
        %add3A_741 = arith.constant 4 : i32
        %add3A_742 = arith.addi %mul3A_611, %add3A_741 : i32
        %get3A_743 = arith.index_cast %add3A_742 : i32 to index
        %get3A_744 = arith.constant 48 : index
        %get3A_745 = tpu.vector_load %arg9[%get3A_743, %get3A_744] {strides = array<i32>} : memref<640x64xf32, #tpu.memory_space<vmem>>, vector<16xf32>,
        %add3A_746 = arith.addf %add3A_690, %get3A_745 : vector<16xf32>
        %add3A_747 = arith.constant 4 : i32
        %add3A_748 = arith.addi %mul3A_611, %add3A_747 : i32
        %add3A_749 = arith.constant 1 : i32
        %add3A_750 = arith.addi %add3A_748, %add3A_749 : i32
        %get3A_751 = arith.index_cast %add3A_750 : i32 to index
        %get3A_752 = arith.constant 48 : index
        %get3A_753 = tpu.vector_load %arg9[%get3A_751, %get3A_752] {strides = array<i32>} : memref<640x64xf32, #tpu.memory_space<vmem>>, vector<16xf32>,
        %add3A_754 = arith.addf %add3A_698, %get3A_753 : vector<16xf32>
        %add3A_755 = arith.constant 6 : i32
        %add3A_756 = arith.addi %mul3A_611, %add3A_755 : i32
        %get3A_757 = arith.index_cast %add3A_756 : i32 to index
        %get3A_758 = arith.constant 0 : index
        %get3A_759 = tpu.vector_load %arg9[%get3A_757, %get3A_758] {strides = array<i32>} : memref<640x64xf32, #tpu.memory_space<vmem>>, vector<16xf32>,
        %add3A_760 = arith.addf %add3A_704, %get3A_759 : vector<16xf32>
        %add3A_761 = arith.constant 6 : i32
        %add3A_762 = arith.addi %mul3A_611, %add3A_761 : i32
        %add3A_763 = arith.constant 1 : i32
        %add3A_764 = arith.addi %add3A_762, %add3A_763 : i32
        %get3A_765 = arith.index_cast %add3A_764 : i32 to index
        %get3A_766 = arith.constant 0 : index
        %get3A_767 = tpu.vector_load %arg9[%get3A_765, %get3A_766] {strides = array<i32>} : memref<640x64xf32, #tpu.memory_space<vmem>>, vector<16xf32>,
        %add3A_768 = arith.addf %add3A_712, %get3A_767 : vector<16xf32>
        %add3A_769 = arith.constant 6 : i32
        %add3A_770 = arith.addi %mul3A_611, %add3A_769 : i32
        %get3A_771 = arith.index_cast %add3A_770 : i32 to index
        %get3A_772 = arith.constant 16 : index
        %get3A_773 = tpu.vector_load %arg9[%get3A_771, %get3A_772] {strides = array<i32>} : memref<640x64xf32, #tpu.memory_space<vmem>>, vector<16xf32>,
        %add3A_774 = arith.addf %add3A_718, %get3A_773 : vector<16xf32>
        %add3A_775 = arith.constant 6 : i32
        %add3A_776 = arith.addi %mul3A_611, %add3A_775 : i32
        %add3A_777 = arith.constant 1 : i32
        %add3A_778 = arith.addi %add3A_776, %add3A_777 : i32
        %get3A_779 = arith.index_cast %add3A_778 : i32 to index
        %get3A_780 = arith.constant 16 : index
        %get3A_781 = tpu.vector_load %arg9[%get3A_779, %get3A_780] {strides = array<i32>} : memref<640x64xf32, #tpu.memory_space<vmem>>, vector<16xf32>,
        %add3A_782 = arith.addf %add3A_726, %get3A_781 : vector<16xf32>
        %add3A_783 = arith.constant 6 : i32
        %add3A_784 = arith.addi %mul3A_611, %add3A_783 : i32
        %get3A_785 = arith.index_cast %add3A_784 : i32 to index
        %get3A_786 = arith.constant 32 : index
        %get3A_787 = tpu.vector_load %arg9[%get3A_785, %get3A_786] {strides = array<i32>} : memref<640x64xf32, #tpu.memory_space<vmem>>, vector<16xf32>,
        %add3A_788 = arith.addf %add3A_732, %get3A_787 : vector<16xf32>
        %add3A_789 = arith.constant 6 : i32
        %add3A_790 = arith.addi %mul3A_611, %add3A_789 : i32
        %add3A_791 = arith.constant 1 : i32
        %add3A_792 = arith.addi %add3A_790, %add3A_791 : i32
        %get3A_793 = arith.index_cast %add3A_792 : i32 to index
        %get3A_794 = arith.constant 32 : index
        %get3A_795 = tpu.vector_load %arg9[%get3A_793, %get3A_794] {strides = array<i32>} : memref<640x64xf32, #tpu.memory_space<vmem>>, vector<16xf32>,
        %add3A_796 = arith.addf %add3A_740, %get3A_795 : vector<16xf32>
        %add3A_797 = arith.constant 6 : i32
        %add3A_798 = arith.addi %mul3A_611, %add3A_797 : i32
        %get3A_799 = arith.index_cast %add3A_798 : i32 to index
        %get3A_800 = arith.constant 48 : index
        %get3A_801 = tpu.vector_load %arg9[%get3A_799, %get3A_800] {strides = array<i32>} : memref<640x64xf32, #tpu.memory_space<vmem>>, vector<16xf32>,
        %add3A_802 = arith.addf %add3A_746, %get3A_801 : vector<16xf32>
        %add3A_803 = arith.constant 6 : i32
        %add3A_804 = arith.addi %mul3A_611, %add3A_803 : i32
        %add3A_805 = arith.constant 1 : i32
        %add3A_806 = arith.addi %add3A_804, %add3A_805 : i32
        %get3A_807 = arith.index_cast %add3A_806 : i32 to index
        %get3A_808 = arith.constant 48 : index
        %get3A_809 = tpu.vector_load %arg9[%get3A_807, %get3A_808] {strides = array<i32>} : memref<640x64xf32, #tpu.memory_space<vmem>>, vector<16xf32>,
        %add3A_810 = arith.addf %add3A_754, %get3A_809 : vector<16xf32>
        %add3A_811 = arith.constant 8 : i32
        %add3A_812 = arith.addi %mul3A_611, %add3A_811 : i32
        %get3A_813 = arith.index_cast %add3A_812 : i32 to index
        %get3A_814 = arith.constant 0 : index
        %get3A_815 = tpu.vector_load %arg9[%get3A_813, %get3A_814] {strides = array<i32>} : memref<640x64xf32, #tpu.memory_space<vmem>>, vector<16xf32>,
        %add3A_816 = arith.addf %add3A_760, %get3A_815 : vector<16xf32>
        %add3A_817 = arith.constant 8 : i32
        %add3A_818 = arith.addi %mul3A_611, %add3A_817 : i32
        %add3A_819 = arith.constant 1 : i32
        %add3A_820 = arith.addi %add3A_818, %add3A_819 : i32
        %get3A_821 = arith.index_cast %add3A_820 : i32 to index
        %get3A_822 = arith.constant 0 : index
        %get3A_823 = tpu.vector_load %arg9[%get3A_821, %get3A_822] {strides = array<i32>} : memref<640x64xf32, #tpu.memory_space<vmem>>, vector<16xf32>,
        %add3A_824 = arith.addf %add3A_768, %get3A_823 : vector<16xf32>
        %add3A_825 = arith.constant 8 : i32
        %add3A_826 = arith.addi %mul3A_611, %add3A_825 : i32
        %get3A_827 = arith.index_cast %add3A_826 : i32 to index
        %get3A_828 = arith.constant 16 : index
        %get3A_829 = tpu.vector_load %arg9[%get3A_827, %get3A_828] {strides = array<i32>} : memref<640x64xf32, #tpu.memory_space<vmem>>, vector<16xf32>,
        %add3A_830 = arith.addf %add3A_774, %get3A_829 : vector<16xf32>
        %add3A_831 = arith.constant 8 : i32
        %add3A_832 = arith.addi %mul3A_611, %add3A_831 : i32
        %add3A_833 = arith.constant 1 : i32
        %add3A_834 = arith.addi %add3A_832, %add3A_833 : i32
        %get3A_835 = arith.index_cast %add3A_834 : i32 to index
        %get3A_836 = arith.constant 16 : index
        %get3A_837 = tpu.vector_load %arg9[%get3A_835, %get3A_836] {strides = array<i32>} : memref<640x64xf32, #tpu.memory_space<vmem>>, vector<16xf32>,
        %add3A_838 = arith.addf %add3A_782, %get3A_837 : vector<16xf32>
        %add3A_839 = arith.constant 8 : i32
        %add3A_840 = arith.addi %mul3A_611, %add3A_839 : i32
        %get3A_841 = arith.index_cast %add3A_840 : i32 to index
        %get3A_842 = arith.constant 32 : index
        %get3A_843 = tpu.vector_load %arg9[%get3A_841, %get3A_842] {strides = array<i32>} : memref<640x64xf32, #tpu.memory_space<vmem>>, vector<16xf32>,
        %add3A_844 = arith.addf %add3A_788, %get3A_843 : vector<16xf32>
        %add3A_845 = arith.constant 8 : i32
        %add3A_846 = arith.addi %mul3A_611, %add3A_845 : i32
        %add3A_847 = arith.constant 1 : i32
        %add3A_848 = arith.addi %add3A_846, %add3A_847 : i32
        %get3A_849 = arith.index_cast %add3A_848 : i32 to index
        %get3A_850 = arith.constant 32 : index
        %get3A_851 = tpu.vector_load %arg9[%get3A_849, %get3A_850] {strides = array<i32>} : memref<640x64xf32, #tpu.memory_space<vmem>>, vector<16xf32>,
        %add3A_852 = arith.addf %add3A_796, %get3A_851 : vector<16xf32>
        %add3A_853 = arith.constant 8 : i32
        %add3A_854 = arith.addi %mul3A_611, %add3A_853 : i32
        %get3A_855 = arith.index_cast %add3A_854 : i32 to index
        %get3A_856 = arith.constant 48 : index
        %get3A_857 = tpu.vector_load %arg9[%get3A_855, %get3A_856] {strides = array<i32>} : memref<640x64xf32, #tpu.memory_space<vmem>>, vector<16xf32>,
        %add3A_858 = arith.addf %add3A_802, %get3A_857 : vector<16xf32>
        %add3A_859 = arith.constant 8 : i32
        %add3A_860 = arith.addi %mul3A_611, %add3A_859 : i32
        %add3A_861 = arith.constant 1 : i32
        %add3A_862 = arith.addi %add3A_860, %add3A_861 : i32
        %get3A_863 = arith.index_cast %add3A_862 : i32 to index
        %get3A_864 = arith.constant 48 : index
        %get3A_865 = tpu.vector_load %arg9[%get3A_863, %get3A_864] {strides = array<i32>} : memref<640x64xf32, #tpu.memory_space<vmem>>, vector<16xf32>,
        %add3A_866 = arith.addf %add3A_810, %get3A_865 : vector<16xf32>
        %add3A_867 = arith.constant 10 : i32
        %add3A_868 = arith.addi %mul3A_611, %add3A_867 : i32
        %get3A_869 = arith.index_cast %add3A_868 : i32 to index
        %get3A_870 = arith.constant 0 : index
        %get3A_871 = tpu.vector_load %arg9[%get3A_869, %get3A_870] {strides = array<i32>} : memref<640x64xf32, #tpu.memory_space<vmem>>, vector<16xf32>,
        %add3A_872 = arith.addf %add3A_816, %get3A_871 : vector<16xf32>
        %add3A_873 = arith.constant 10 : i32
        %add3A_874 = arith.addi %mul3A_611, %add3A_873 : i32
        %add3A_875 = arith.constant 1 : i32
        %add3A_876 = arith.addi %add3A_874, %add3A_875 : i32
        %get3A_877 = arith.index_cast %add3A_876 : i32 to index
        %get3A_878 = arith.constant 0 : index
        %get3A_879 = tpu.vector_load %arg9[%get3A_877, %get3A_878] {strides = array<i32>} : memref<640x64xf32, #tpu.memory_space<vmem>>, vector<16xf32>,
        %add3A_880 = arith.addf %add3A_824, %get3A_879 : vector<16xf32>
        %add3A_881 = arith.constant 10 : i32
        %add3A_882 = arith.addi %mul3A_611, %add3A_881 : i32
        %get3A_883 = arith.index_cast %add3A_882 : i32 to index
        %get3A_884 = arith.constant 16 : index
        %get3A_885 = tpu.vector_load %arg9[%get3A_883, %get3A_884] {strides = array<i32>} : memref<640x64xf32, #tpu.memory_space<vmem>>, vector<16xf32>,
        %add3A_886 = arith.addf %add3A_830, %get3A_885 : vector<16xf32>
        %add3A_887 = arith.constant 10 : i32
        %add3A_888 = arith.addi %mul3A_611, %add3A_887 : i32
        %add3A_889 = arith.constant 1 : i32
        %add3A_890 = arith.addi %add3A_888, %add3A_889 : i32
        %get3A_891 = arith.index_cast %add3A_890 : i32 to index
        %get3A_892 = arith.constant 16 : index
        %get3A_893 = tpu.vector_load %arg9[%get3A_891, %get3A_892] {strides = array<i32>} : memref<640x64xf32, #tpu.memory_space<vmem>>, vector<16xf32>,
        %add3A_894 = arith.addf %add3A_838, %get3A_893 : vector<16xf32>
        %add3A_895 = arith.constant 10 : i32
        %add3A_896 = arith.addi %mul3A_611, %add3A_895 : i32
        %get3A_897 = arith.index_cast %add3A_896 : i32 to index
        %get3A_898 = arith.constant 32 : index
        %get3A_899 = tpu.vector_load %arg9[%get3A_897, %get3A_898] {strides = array<i32>} : memref<640x64xf32, #tpu.memory_space<vmem>>, vector<16xf32>,
        %add3A_900 = arith.addf %add3A_844, %get3A_899 : vector<16xf32>
        %add3A_901 = arith.constant 10 : i32
        %add3A_902 = arith.addi %mul3A_611, %add3A_901 : i32
        %add3A_903 = arith.constant 1 : i32
        %add3A_904 = arith.addi %add3A_902, %add3A_903 : i32
        %get3A_905 = arith.index_cast %add3A_904 : i32 to index
        %get3A_906 = arith.constant 32 : index
        %get3A_907 = tpu.vector_load %arg9[%get3A_905, %get3A_906] {strides = array<i32>} : memref<640x64xf32, #tpu.memory_space<vmem>>, vector<16xf32>,
        %add3A_908 = arith.addf %add3A_852, %get3A_907 : vector<16xf32>
        %add3A_909 = arith.constant 10 : i32
        %add3A_910 = arith.addi %mul3A_611, %add3A_909 : i32
        %get3A_911 = arith.index_cast %add3A_910 : i32 to index
        %get3A_912 = arith.constant 48 : index
        %get3A_913 = tpu.vector_load %arg9[%get3A_911, %get3A_912] {strides = array<i32>} : memref<640x64xf32, #tpu.memory_space<vmem>>, vector<16xf32>,
        %add3A_914 = arith.addf %add3A_858, %get3A_913 : vector<16xf32>
        %add3A_915 = arith.constant 10 : i32
        %add3A_916 = arith.addi %mul3A_611, %add3A_915 : i32
        %add3A_917 = arith.constant 1 : i32
        %add3A_918 = arith.addi %add3A_916, %add3A_917 : i32
        %get3A_919 = arith.index_cast %add3A_918 : i32 to index
        %get3A_920 = arith.constant 48 : index
        %get3A_921 = tpu.vector_load %arg9[%get3A_919, %get3A_920] {strides = array<i32>} : memref<640x64xf32, #tpu.memory_space<vmem>>, vector<16xf32>,
        %add3A_922 = arith.addf %add3A_866, %get3A_921 : vector<16xf32>
        %add3A_923 = arith.constant 12 : i32
        %add3A_924 = arith.addi %mul3A_611, %add3A_923 : i32
        %get3A_925 = arith.index_cast %add3A_924 : i32 to index
        %get3A_926 = arith.constant 0 : index
        %get3A_927 = tpu.vector_load %arg9[%get3A_925, %get3A_926] {strides = array<i32>} : memref<640x64xf32, #tpu.memory_space<vmem>>, vector<16xf32>,
        %add3A_928 = arith.addf %add3A_872, %get3A_927 : vector<16xf32>
        %add3A_929 = arith.constant 12 : i32
        %add3A_930 = arith.addi %mul3A_611, %add3A_929 : i32
        %add3A_931 = arith.constant 1 : i32
        %add3A_932 = arith.addi %add3A_930, %add3A_931 : i32
        %get3A_933 = arith.index_cast %add3A_932 : i32 to index
        %get3A_934 = arith.constant 0 : index
        %get3A_935 = tpu.vector_load %arg9[%get3A_933, %get3A_934] {strides = array<i32>} : memref<640x64xf32, #tpu.memory_space<vmem>>, vector<16xf32>,
        %add3A_936 = arith.addf %add3A_880, %get3A_935 : vector<16xf32>
        %add3A_937 = arith.constant 12 : i32
        %add3A_938 = arith.addi %mul3A_611, %add3A_937 : i32
        %get3A_939 = arith.index_cast %add3A_938 : i32 to index
        %get3A_940 = arith.constant 16 : index
        %get3A_941 = tpu.vector_load %arg9[%get3A_939, %get3A_940] {strides = array<i32>} : memref<640x64xf32, #tpu.memory_space<vmem>>, vector<16xf32>,
        %add3A_942 = arith.addf %add3A_886, %get3A_941 : vector<16xf32>
        %add3A_943 = arith.constant 12 : i32
        %add3A_944 = arith.addi %mul3A_611, %add3A_943 : i32
        %add3A_945 = arith.constant 1 : i32
        %add3A_946 = arith.addi %add3A_944, %add3A_945 : i32
        %get3A_947 = arith.index_cast %add3A_946 : i32 to index
        %get3A_948 = arith.constant 16 : index
        %get3A_949 = tpu.vector_load %arg9[%get3A_947, %get3A_948] {strides = array<i32>} : memref<640x64xf32, #tpu.memory_space<vmem>>, vector<16xf32>,
        %add3A_950 = arith.addf %add3A_894, %get3A_949 : vector<16xf32>
        %add3A_951 = arith.constant 12 : i32
        %add3A_952 = arith.addi %mul3A_611, %add3A_951 : i32
        %get3A_953 = arith.index_cast %add3A_952 : i32 to index
        %get3A_954 = arith.constant 32 : index
        %get3A_955 = tpu.vector_load %arg9[%get3A_953, %get3A_954] {strides = array<i32>} : memref<640x64xf32, #tpu.memory_space<vmem>>, vector<16xf32>,
        %add3A_956 = arith.addf %add3A_900, %get3A_955 : vector<16xf32>
        %add3A_957 = arith.constant 12 : i32
        %add3A_958 = arith.addi %mul3A_611, %add3A_957 : i32
        %add3A_959 = arith.constant 1 : i32
        %add3A_960 = arith.addi %add3A_958, %add3A_959 : i32
        %get3A_961 = arith.index_cast %add3A_960 : i32 to index
        %get3A_962 = arith.constant 32 : index
        %get3A_963 = tpu.vector_load %arg9[%get3A_961, %get3A_962] {strides = array<i32>} : memref<640x64xf32, #tpu.memory_space<vmem>>, vector<16xf32>,
        %add3A_964 = arith.addf %add3A_908, %get3A_963 : vector<16xf32>
        %add3A_965 = arith.constant 12 : i32
        %add3A_966 = arith.addi %mul3A_611, %add3A_965 : i32
        %get3A_967 = arith.index_cast %add3A_966 : i32 to index
        %get3A_968 = arith.constant 48 : index
        %get3A_969 = tpu.vector_load %arg9[%get3A_967, %get3A_968] {strides = array<i32>} : memref<640x64xf32, #tpu.memory_space<vmem>>, vector<16xf32>,
        %add3A_970 = arith.addf %add3A_914, %get3A_969 : vector<16xf32>
        %add3A_971 = arith.constant 12 : i32
        %add3A_972 = arith.addi %mul3A_611, %add3A_971 : i32
        %add3A_973 = arith.constant 1 : i32
        %add3A_974 = arith.addi %add3A_972, %add3A_973 : i32
        %get3A_975 = arith.index_cast %add3A_974 : i32 to index
        %get3A_976 = arith.constant 48 : index
        %get3A_977 = tpu.vector_load %arg9[%get3A_975, %get3A_976] {strides = array<i32>} : memref<640x64xf32, #tpu.memory_space<vmem>>, vector<16xf32>,
        %add3A_978 = arith.addf %add3A_922, %get3A_977 : vector<16xf32>
        %add3A_979 = arith.constant 14 : i32
        %add3A_980 = arith.addi %mul3A_611, %add3A_979 : i32
        %get3A_981 = arith.index_cast %add3A_980 : i32 to index
        %get3A_982 = arith.constant 0 : index
        %get3A_983 = tpu.vector_load %arg9[%get3A_981, %get3A_982] {strides = array<i32>} : memref<640x64xf32, #tpu.memory_space<vmem>>, vector<16xf32>,
        %add3A_984 = arith.addf %add3A_928, %get3A_983 : vector<16xf32>
        %add3A_985 = arith.constant 14 : i32
        %add3A_986 = arith.addi %mul3A_611, %add3A_985 : i32
        %add3A_987 = arith.constant 1 : i32
        %add3A_988 = arith.addi %add3A_986, %add3A_987 : i32
        %get3A_989 = arith.index_cast %add3A_988 : i32 to index
        %get3A_990 = arith.constant 0 : index
        %get3A_991 = tpu.vector_load %arg9[%get3A_989, %get3A_990] {strides = array<i32>} : memref<640x64xf32, #tpu.memory_space<vmem>>, vector<16xf32>,
        %add3A_992 = arith.addf %add3A_936, %get3A_991 : vector<16xf32>
        %add3A_993 = arith.constant 14 : i32
        %add3A_994 = arith.addi %mul3A_611, %add3A_993 : i32
        %get3A_995 = arith.index_cast %add3A_994 : i32 to index
        %get3A_996 = arith.constant 16 : index
        %get3A_997 = tpu.vector_load %arg9[%get3A_995, %get3A_996] {strides = array<i32>} : memref<640x64xf32, #tpu.memory_space<vmem>>, vector<16xf32>,
        %add3A_998 = arith.addf %add3A_942, %get3A_997 : vector<16xf32>
        %add3A_999 = arith.constant 14 : i32
        %add3A_1000 = arith.addi %mul3A_611, %add3A_999 : i32
        %add3A_1001 = arith.constant 1 : i32
        %add3A_1002 = arith.addi %add3A_1000, %add3A_1001 : i32
        %get3A_1003 = arith.index_cast %add3A_1002 : i32 to index
        %get3A_1004 = arith.constant 16 : index
        %get3A_1005 = tpu.vector_load %arg9[%get3A_1003, %get3A_1004] {strides = array<i32>} : memref<640x64xf32, #tpu.memory_space<vmem>>, vector<16xf32>,
        %add3A_1006 = arith.addf %add3A_950, %get3A_1005 : vector<16xf32>
        %add3A_1007 = arith.constant 14 : i32
        %add3A_1008 = arith.addi %mul3A_611, %add3A_1007 : i32
        %get3A_1009 = arith.index_cast %add3A_1008 : i32 to index
        %get3A_1010 = arith.constant 32 : index
        %get3A_1011 = tpu.vector_load %arg9[%get3A_1009, %get3A_1010] {strides = array<i32>} : memref<640x64xf32, #tpu.memory_space<vmem>>, vector<16xf32>,
        %add3A_1012 = arith.addf %add3A_956, %get3A_1011 : vector<16xf32>
        %add3A_1013 = arith.constant 14 : i32
        %add3A_1014 = arith.addi %mul3A_611, %add3A_1013 : i32
        %add3A_1015 = arith.constant 1 : i32
        %add3A_1016 = arith.addi %add3A_1014, %add3A_1015 : i32
        %get3A_1017 = arith.index_cast %add3A_1016 : i32 to index
        %get3A_1018 = arith.constant 32 : index
        %get3A_1019 = tpu.vector_load %arg9[%get3A_1017, %get3A_1018] {strides = array<i32>} : memref<640x64xf32, #tpu.memory_space<vmem>>, vector<16xf32>,
        %add3A_1020 = arith.addf %add3A_964, %get3A_1019 : vector<16xf32>
        %add3A_1021 = arith.constant 14 : i32
        %add3A_1022 = arith.addi %mul3A_611, %add3A_1021 : i32
        %get3A_1023 = arith.index_cast %add3A_1022 : i32 to index
        %get3A_1024 = arith.constant 48 : index
        %get3A_1025 = tpu.vector_load %arg9[%get3A_1023, %get3A_1024] {strides = array<i32>} : memref<640x64xf32, #tpu.memory_space<vmem>>, vector<16xf32>,
        %add3A_1026 = arith.addf %add3A_970, %get3A_1025 : vector<16xf32>
        %add3A_1027 = arith.constant 14 : i32
        %add3A_1028 = arith.addi %mul3A_611, %add3A_1027 : i32
        %add3A_1029 = arith.constant 1 : i32
        %add3A_1030 = arith.addi %add3A_1028, %add3A_1029 : i32
        %get3A_1031 = arith.index_cast %add3A_1030 : i32 to index
        %get3A_1032 = arith.constant 48 : index
        %get3A_1033 = tpu.vector_load %arg9[%get3A_1031, %get3A_1032] {strides = array<i32>} : memref<640x64xf32, #tpu.memory_space<vmem>>, vector<16xf32>,
        %add3A_1034 = arith.addf %add3A_978, %get3A_1033 : vector<16xf32>
        %add3A_1035 = arith.constant 16 : i32
        %add3A_1036 = arith.addi %mul3A_611, %add3A_1035 : i32
        %get3A_1037 = arith.index_cast %add3A_1036 : i32 to index
        %get3A_1038 = arith.constant 0 : index
        %get3A_1039 = tpu.vector_load %arg9[%get3A_1037, %get3A_1038] {strides = array<i32>} : memref<640x64xf32, #tpu.memory_space<vmem>>, vector<16xf32>,
        %add3A_1040 = arith.addf %add3A_984, %get3A_1039 : vector<16xf32>
        %add3A_1041 = arith.constant 16 : i32
        %add3A_1042 = arith.addi %mul3A_611, %add3A_1041 : i32
        %add3A_1043 = arith.constant 1 : i32
        %add3A_1044 = arith.addi %add3A_1042, %add3A_1043 : i32
        %get3A_1045 = arith.index_cast %add3A_1044 : i32 to index
        %get3A_1046 = arith.constant 0 : index
        %get3A_1047 = tpu.vector_load %arg9[%get3A_1045, %get3A_1046] {strides = array<i32>} : memref<640x64xf32, #tpu.memory_space<vmem>>, vector<16xf32>,
        %add3A_1048 = arith.addf %add3A_992, %get3A_1047 : vector<16xf32>
        %add3A_1049 = arith.constant 16 : i32
        %add3A_1050 = arith.addi %mul3A_611, %add3A_1049 : i32
        %get3A_1051 = arith.index_cast %add3A_1050 : i32 to index
        %get3A_1052 = arith.constant 16 : index
        %get3A_1053 = tpu.vector_load %arg9[%get3A_1051, %get3A_1052] {strides = array<i32>} : memref<640x64xf32, #tpu.memory_space<vmem>>, vector<16xf32>,
        %add3A_1054 = arith.addf %add3A_998, %get3A_1053 : vector<16xf32>
        %add3A_1055 = arith.constant 16 : i32
        %add3A_1056 = arith.addi %mul3A_611, %add3A_1055 : i32
        %add3A_1057 = arith.constant 1 : i32
        %add3A_1058 = arith.addi %add3A_1056, %add3A_1057 : i32
        %get3A_1059 = arith.index_cast %add3A_1058 : i32 to index
        %get3A_1060 = arith.constant 16 : index
        %get3A_1061 = tpu.vector_load %arg9[%get3A_1059, %get3A_1060] {strides = array<i32>} : memref<640x64xf32, #tpu.memory_space<vmem>>, vector<16xf32>,
        %add3A_1062 = arith.addf %add3A_1006, %get3A_1061 : vector<16xf32>
        %add3A_1063 = arith.constant 16 : i32
        %add3A_1064 = arith.addi %mul3A_611, %add3A_1063 : i32
        %get3A_1065 = arith.index_cast %add3A_1064 : i32 to index
        %get3A_1066 = arith.constant 32 : index
        %get3A_1067 = tpu.vector_load %arg9[%get3A_1065, %get3A_1066] {strides = array<i32>} : memref<640x64xf32, #tpu.memory_space<vmem>>, vector<16xf32>,
        %add3A_1068 = arith.addf %add3A_1012, %get3A_1067 : vector<16xf32>
        %add3A_1069 = arith.constant 16 : i32
        %add3A_1070 = arith.addi %mul3A_611, %add3A_1069 : i32
        %add3A_1071 = arith.constant 1 : i32
        %add3A_1072 = arith.addi %add3A_1070, %add3A_1071 : i32
        %get3A_1073 = arith.index_cast %add3A_1072 : i32 to index
        %get3A_1074 = arith.constant 32 : index
        %get3A_1075 = tpu.vector_load %arg9[%get3A_1073, %get3A_1074] {strides = array<i32>} : memref<640x64xf32, #tpu.memory_space<vmem>>, vector<16xf32>,
        %add3A_1076 = arith.addf %add3A_1020, %get3A_1075 : vector<16xf32>
        %add3A_1077 = arith.constant 16 : i32
        %add3A_1078 = arith.addi %mul3A_611, %add3A_1077 : i32
        %get3A_1079 = arith.index_cast %add3A_1078 : i32 to index
        %get3A_1080 = arith.constant 48 : index
        %get3A_1081 = tpu.vector_load %arg9[%get3A_1079, %get3A_1080] {strides = array<i32>} : memref<640x64xf32, #tpu.memory_space<vmem>>, vector<16xf32>,
        %add3A_1082 = arith.addf %add3A_1026, %get3A_1081 : vector<16xf32>
        %add3A_1083 = arith.constant 16 : i32
        %add3A_1084 = arith.addi %mul3A_611, %add3A_1083 : i32
        %add3A_1085 = arith.constant 1 : i32
        %add3A_1086 = arith.addi %add3A_1084, %add3A_1085 : i32
        %get3A_1087 = arith.index_cast %add3A_1086 : i32 to index
        %get3A_1088 = arith.constant 48 : index
        %get3A_1089 = tpu.vector_load %arg9[%get3A_1087, %get3A_1088] {strides = array<i32>} : memref<640x64xf32, #tpu.memory_space<vmem>>, vector<16xf32>,
        %add3A_1090 = arith.addf %add3A_1034, %get3A_1089 : vector<16xf32>
        %add3A_1091 = arith.constant 18 : i32
        %add3A_1092 = arith.addi %mul3A_611, %add3A_1091 : i32
        %get3A_1093 = arith.index_cast %add3A_1092 : i32 to index
        %get3A_1094 = arith.constant 0 : index
        %get3A_1095 = tpu.vector_load %arg9[%get3A_1093, %get3A_1094] {strides = array<i32>} : memref<640x64xf32, #tpu.memory_space<vmem>>, vector<16xf32>,
        %add3A_1096 = arith.addf %add3A_1040, %get3A_1095 : vector<16xf32>
        %add3A_1097 = arith.constant 18 : i32
        %add3A_1098 = arith.addi %mul3A_611, %add3A_1097 : i32
        %add3A_1099 = arith.constant 1 : i32
        %add3A_1100 = arith.addi %add3A_1098, %add3A_1099 : i32
        %get3A_1101 = arith.index_cast %add3A_1100 : i32 to index
        %get3A_1102 = arith.constant 0 : index
        %get3A_1103 = tpu.vector_load %arg9[%get3A_1101, %get3A_1102] {strides = array<i32>} : memref<640x64xf32, #tpu.memory_space<vmem>>, vector<16xf32>,
        %add3A_1104 = arith.addf %add3A_1048, %get3A_1103 : vector<16xf32>
        %add3A_1105 = arith.constant 18 : i32
        %add3A_1106 = arith.addi %mul3A_611, %add3A_1105 : i32
        %get3A_1107 = arith.index_cast %add3A_1106 : i32 to index
        %get3A_1108 = arith.constant 16 : index
        %get3A_1109 = tpu.vector_load %arg9[%get3A_1107, %get3A_1108] {strides = array<i32>} : memref<640x64xf32, #tpu.memory_space<vmem>>, vector<16xf32>,
        %add3A_1110 = arith.addf %add3A_1054, %get3A_1109 : vector<16xf32>
        %add3A_1111 = arith.constant 18 : i32
        %add3A_1112 = arith.addi %mul3A_611, %add3A_1111 : i32
        %add3A_1113 = arith.constant 1 : i32
        %add3A_1114 = arith.addi %add3A_1112, %add3A_1113 : i32
        %get3A_1115 = arith.index_cast %add3A_1114 : i32 to index
        %get3A_1116 = arith.constant 16 : index
        %get3A_1117 = tpu.vector_load %arg9[%get3A_1115, %get3A_1116] {strides = array<i32>} : memref<640x64xf32, #tpu.memory_space<vmem>>, vector<16xf32>,
        %add3A_1118 = arith.addf %add3A_1062, %get3A_1117 : vector<16xf32>
        %add3A_1119 = arith.constant 18 : i32
        %add3A_1120 = arith.addi %mul3A_611, %add3A_1119 : i32
        %get3A_1121 = arith.index_cast %add3A_1120 : i32 to index
        %get3A_1122 = arith.constant 32 : index
        %get3A_1123 = tpu.vector_load %arg9[%get3A_1121, %get3A_1122] {strides = array<i32>} : memref<640x64xf32, #tpu.memory_space<vmem>>, vector<16xf32>,
        %add3A_1124 = arith.addf %add3A_1068, %get3A_1123 : vector<16xf32>
        %add3A_1125 = arith.constant 18 : i32
        %add3A_1126 = arith.addi %mul3A_611, %add3A_1125 : i32
        %add3A_1127 = arith.constant 1 : i32
        %add3A_1128 = arith.addi %add3A_1126, %add3A_1127 : i32
        %get3A_1129 = arith.index_cast %add3A_1128 : i32 to index
        %get3A_1130 = arith.constant 32 : index
        %get3A_1131 = tpu.vector_load %arg9[%get3A_1129, %get3A_1130] {strides = array<i32>} : memref<640x64xf32, #tpu.memory_space<vmem>>, vector<16xf32>,
        %add3A_1132 = arith.addf %add3A_1076, %get3A_1131 : vector<16xf32>
        %add3A_1133 = arith.constant 18 : i32
        %add3A_1134 = arith.addi %mul3A_611, %add3A_1133 : i32
        %get3A_1135 = arith.index_cast %add3A_1134 : i32 to index
        %get3A_1136 = arith.constant 48 : index
        %get3A_1137 = tpu.vector_load %arg9[%get3A_1135, %get3A_1136] {strides = array<i32>} : memref<640x64xf32, #tpu.memory_space<vmem>>, vector<16xf32>,
        %add3A_1138 = arith.addf %add3A_1082, %get3A_1137 : vector<16xf32>
        %add3A_1139 = arith.constant 18 : i32
        %add3A_1140 = arith.addi %mul3A_611, %add3A_1139 : i32
        %add3A_1141 = arith.constant 1 : i32
        %add3A_1142 = arith.addi %add3A_1140, %add3A_1141 : i32
        %get3A_1143 = arith.index_cast %add3A_1142 : i32 to index
        %get3A_1144 = arith.constant 48 : index
        %get3A_1145 = tpu.vector_load %arg9[%get3A_1143, %get3A_1144] {strides = array<i32>} : memref<640x64xf32, #tpu.memory_space<vmem>>, vector<16xf32>,
        %add3A_1146 = arith.addf %add3A_1090, %get3A_1145 : vector<16xf32>
        %add3A_1147 = arith.addf %add3A_1096, %add3A_1104 : vector<16xf32>
        %swap3A_1148 = arith.index_cast %add3A_609 : i32 to index
        %swap3A_1149 = arith.constant 0 : index
        %swap3A_1150 = tpu.vector_load %arg12[%swap3A_1148, %swap3A_1149] {strides = array<i32>} : memref<32x64xf32, #tpu.memory_space<vmem>>, vector<16xf32>,
        tpu.vector_store %arg12[%swap3A_1148, %swap3A_1149], %add3A_1147 {strides = array<i32>} : memref<32x64xf32, #tpu.memory_space<vmem>>, vector<16xf32>,
        %add3A_1151 = arith.addf %add3A_1110, %add3A_1118 : vector<16xf32>
        %swap3A_1152 = arith.index_cast %add3A_609 : i32 to index
        %swap3A_1153 = arith.constant 16 : index
        %swap3A_1154 = tpu.vector_load %arg12[%swap3A_1152, %swap3A_1153] {strides = array<i32>} : memref<32x64xf32, #tpu.memory_space<vmem>>, vector<16xf32>,
        tpu.vector_store %arg12[%swap3A_1152, %swap3A_1153], %add3A_1151 {strides = array<i32>} : memref<32x64xf32, #tpu.memory_space<vmem>>, vector<16xf32>,
        %add3A_1155 = arith.addf %add3A_1124, %add3A_1132 : vector<16xf32>
        %swap3A_1156 = arith.index_cast %add3A_609 : i32 to index
        %swap3A_1157 = arith.constant 32 : index
        %swap3A_1158 = tpu.vector_load %arg12[%swap3A_1156, %swap3A_1157] {strides = array<i32>} : memref<32x64xf32, #tpu.memory_space<vmem>>, vector<16xf32>,
        tpu.vector_store %arg12[%swap3A_1156, %swap3A_1157], %add3A_1155 {strides = array<i32>} : memref<32x64xf32, #tpu.memory_space<vmem>>, vector<16xf32>,
        %add3A_1159 = arith.addf %add3A_1138, %add3A_1146 : vector<16xf32>
        %swap3A_1160 = arith.index_cast %add3A_609 : i32 to index
        %swap3A_1161 = arith.constant 48 : index
        %swap3A_1162 = tpu.vector_load %arg12[%swap3A_1160, %swap3A_1161] {strides = array<i32>} : memref<32x64xf32, #tpu.memory_space<vmem>>, vector<16xf32>,
        tpu.vector_store %arg12[%swap3A_1160, %swap3A_1161], %add3A_1159 {strides = array<i32>} : memref<32x64xf32, #tpu.memory_space<vmem>>, vector<16xf32>,
        %mul3A_1163 = arith.constant 2 : i32
        %mul3A_1164 = arith.muli %scan3A_604, %mul3A_1163 : i32
        %add3A_1165 = arith.constant 1 : i32
        %add3A_1166 = arith.addi %mul3A_1164, %add3A_1165 : i32
        %mul3A_1167 = arith.constant 20 : i32
        %mul3A_1168 = arith.muli %add3A_1166, %mul3A_1167 : i32
        %get3A_1169 = arith.index_cast %mul3A_1168 : i32 to index
        %get3A_1170 = arith.constant 0 : index
        %get3A_1171 = tpu.vector_load %arg9[%get3A_1169, %get3A_1170] {strides = array<i32>} : memref<640x64xf32, #tpu.memory_space<vmem>>, vector<16xf32>,
        %get3A_1172 = arith.index_cast %mul3A_1168 : i32 to index
        %get3A_1173 = arith.constant 16 : index
        %get3A_1174 = tpu.vector_load %arg9[%get3A_1172, %get3A_1173] {strides = array<i32>} : memref<640x64xf32, #tpu.memory_space<vmem>>, vector<16xf32>,
        %get3A_1175 = arith.index_cast %mul3A_1168 : i32 to index
        %get3A_1176 = arith.constant 32 : index
        %get3A_1177 = tpu.vector_load %arg9[%get3A_1175, %get3A_1176] {strides = array<i32>} : memref<640x64xf32, #tpu.memory_space<vmem>>, vector<16xf32>,
        %get3A_1178 = arith.index_cast %mul3A_1168 : i32 to index
        %get3A_1179 = arith.constant 48 : index
        %get3A_1180 = tpu.vector_load %arg9[%get3A_1178, %get3A_1179] {strides = array<i32>} : memref<640x64xf32, #tpu.memory_space<vmem>>, vector<16xf32>,
        %add3A_1181 = arith.constant 1 : i32
        %add3A_1182 = arith.addi %mul3A_1168, %add3A_1181 : i32
        %get3A_1183 = arith.index_cast %add3A_1182 : i32 to index
        %get3A_1184 = arith.constant 0 : index
        %get3A_1185 = tpu.vector_load %arg9[%get3A_1183, %get3A_1184] {strides = array<i32>} : memref<640x64xf32, #tpu.memory_space<vmem>>, vector<16xf32>,
        %add3A_1186 = arith.constant 1 : i32
        %add3A_1187 = arith.addi %mul3A_1168, %add3A_1186 : i32
        %get3A_1188 = arith.index_cast %add3A_1187 : i32 to index
        %get3A_1189 = arith.constant 16 : index
        %get3A_1190 = tpu.vector_load %arg9[%get3A_1188, %get3A_1189] {strides = array<i32>} : memref<640x64xf32, #tpu.memory_space<vmem>>, vector<16xf32>,
        %add3A_1191 = arith.constant 1 : i32
        %add3A_1192 = arith.addi %mul3A_1168, %add3A_1191 : i32
        %get3A_1193 = arith.index_cast %add3A_1192 : i32 to index
        %get3A_1194 = arith.constant 32 : index
        %get3A_1195 = tpu.vector_load %arg9[%get3A_1193, %get3A_1194] {strides = array<i32>} : memref<640x64xf32, #tpu.memory_space<vmem>>, vector<16xf32>,
        %add3A_1196 = arith.constant 1 : i32
        %add3A_1197 = arith.addi %mul3A_1168, %add3A_1196 : i32
        %get3A_1198 = arith.index_cast %add3A_1197 : i32 to index
        %get3A_1199 = arith.constant 48 : index
        %get3A_1200 = tpu.vector_load %arg9[%get3A_1198, %get3A_1199] {strides = array<i32>} : memref<640x64xf32, #tpu.memory_space<vmem>>, vector<16xf32>,
        %add3A_1201 = arith.constant 2 : i32
        %add3A_1202 = arith.addi %mul3A_1168, %add3A_1201 : i32
        %get3A_1203 = arith.index_cast %add3A_1202 : i32 to index
        %get3A_1204 = arith.constant 0 : index
        %get3A_1205 = tpu.vector_load %arg9[%get3A_1203, %get3A_1204] {strides = array<i32>} : memref<640x64xf32, #tpu.memory_space<vmem>>, vector<16xf32>,
        %add3A_1206 = arith.addf %get3A_1171, %get3A_1205 : vector<16xf32>
        %add3A_1207 = arith.constant 2 : i32
        %add3A_1208 = arith.addi %mul3A_1168, %add3A_1207 : i32
        %add3A_1209 = arith.constant 1 : i32
        %add3A_1210 = arith.addi %add3A_1208, %add3A_1209 : i32
        %get3A_1211 = arith.index_cast %add3A_1210 : i32 to index
        %get3A_1212 = arith.constant 0 : index
        %get3A_1213 = tpu.vector_load %arg9[%get3A_1211, %get3A_1212] {strides = array<i32>} : memref<640x64xf32, #tpu.memory_space<vmem>>, vector<16xf32>,
        %add3A_1214 = arith.addf %get3A_1185, %get3A_1213 : vector<16xf32>
        %add3A_1215 = arith.constant 2 : i32
        %add3A_1216 = arith.addi %mul3A_1168, %add3A_1215 : i32
        %get3A_1217 = arith.index_cast %add3A_1216 : i32 to index
        %get3A_1218 = arith.constant 16 : index
        %get3A_1219 = tpu.vector_load %arg9[%get3A_1217, %get3A_1218] {strides = array<i32>} : memref<640x64xf32, #tpu.memory_space<vmem>>, vector<16xf32>,
        %add3A_1220 = arith.addf %get3A_1174, %get3A_1219 : vector<16xf32>
        %add3A_1221 = arith.constant 2 : i32
        %add3A_1222 = arith.addi %mul3A_1168, %add3A_1221 : i32
        %add3A_1223 = arith.constant 1 : i32
        %add3A_1224 = arith.addi %add3A_1222, %add3A_1223 : i32
        %get3A_1225 = arith.index_cast %add3A_1224 : i32 to index
        %get3A_1226 = arith.constant 16 : index
        %get3A_1227 = tpu.vector_load %arg9[%get3A_1225, %get3A_1226] {strides = array<i32>} : memref<640x64xf32, #tpu.memory_space<vmem>>, vector<16xf32>,
        %add3A_1228 = arith.addf %get3A_1190, %get3A_1227 : vector<16xf32>
        %add3A_1229 = arith.constant 2 : i32
        %add3A_1230 = arith.addi %mul3A_1168, %add3A_1229 : i32
        %get3A_1231 = arith.index_cast %add3A_1230 : i32 to index
        %get3A_1232 = arith.constant 32 : index
        %get3A_1233 = tpu.vector_load %arg9[%get3A_1231, %get3A_1232] {strides = array<i32>} : memref<640x64xf32, #tpu.memory_space<vmem>>, vector<16xf32>,
        %add3A_1234 = arith.addf %get3A_1177, %get3A_1233 : vector<16xf32>
        %add3A_1235 = arith.constant 2 : i32
        %add3A_1236 = arith.addi %mul3A_1168, %add3A_1235 : i32
        %add3A_1237 = arith.constant 1 : i32
        %add3A_1238 = arith.addi %add3A_1236, %add3A_1237 : i32
        %get3A_1239 = arith.index_cast %add3A_1238 : i32 to index
        %get3A_1240 = arith.constant 32 : index
        %get3A_1241 = tpu.vector_load %arg9[%get3A_1239, %get3A_1240] {strides = array<i32>} : memref<640x64xf32, #tpu.memory_space<vmem>>, vector<16xf32>,
        %add3A_1242 = arith.addf %get3A_1195, %get3A_1241 : vector<16xf32>
        %add3A_1243 = arith.constant 2 : i32
        %add3A_1244 = arith.addi %mul3A_1168, %add3A_1243 : i32
        %get3A_1245 = arith.index_cast %add3A_1244 : i32 to index
        %get3A_1246 = arith.constant 48 : index
        %get3A_1247 = tpu.vector_load %arg9[%get3A_1245, %get3A_1246] {strides = array<i32>} : memref<640x64xf32, #tpu.memory_space<vmem>>, vector<16xf32>,
        %add3A_1248 = arith.addf %get3A_1180, %get3A_1247 : vector<16xf32>
        %add3A_1249 = arith.constant 2 : i32
        %add3A_1250 = arith.addi %mul3A_1168, %add3A_1249 : i32
        %add3A_1251 = arith.constant 1 : i32
        %add3A_1252 = arith.addi %add3A_1250, %add3A_1251 : i32
        %get3A_1253 = arith.index_cast %add3A_1252 : i32 to index
        %get3A_1254 = arith.constant 48 : index
        %get3A_1255 = tpu.vector_load %arg9[%get3A_1253, %get3A_1254] {strides = array<i32>} : memref<640x64xf32, #tpu.memory_space<vmem>>, vector<16xf32>,
        %add3A_1256 = arith.addf %get3A_1200, %get3A_1255 : vector<16xf32>
        %add3A_1257 = arith.constant 4 : i32
        %add3A_1258 = arith.addi %mul3A_1168, %add3A_1257 : i32
        %get3A_1259 = arith.index_cast %add3A_1258 : i32 to index
        %get3A_1260 = arith.constant 0 : index
        %get3A_1261 = tpu.vector_load %arg9[%get3A_1259, %get3A_1260] {strides = array<i32>} : memref<640x64xf32, #tpu.memory_space<vmem>>, vector<16xf32>,
        %add3A_1262 = arith.addf %add3A_1206, %get3A_1261 : vector<16xf32>
        %add3A_1263 = arith.constant 4 : i32
        %add3A_1264 = arith.addi %mul3A_1168, %add3A_1263 : i32
        %add3A_1265 = arith.constant 1 : i32
        %add3A_1266 = arith.addi %add3A_1264, %add3A_1265 : i32
        %get3A_1267 = arith.index_cast %add3A_1266 : i32 to index
        %get3A_1268 = arith.constant 0 : index
        %get3A_1269 = tpu.vector_load %arg9[%get3A_1267, %get3A_1268] {strides = array<i32>} : memref<640x64xf32, #tpu.memory_space<vmem>>, vector<16xf32>,
        %add3A_1270 = arith.addf %add3A_1214, %get3A_1269 : vector<16xf32>
        %add3A_1271 = arith.constant 4 : i32
        %add3A_1272 = arith.addi %mul3A_1168, %add3A_1271 : i32
        %get3A_1273 = arith.index_cast %add3A_1272 : i32 to index
        %get3A_1274 = arith.constant 16 : index
        %get3A_1275 = tpu.vector_load %arg9[%get3A_1273, %get3A_1274] {strides = array<i32>} : memref<640x64xf32, #tpu.memory_space<vmem>>, vector<16xf32>,
        %add3A_1276 = arith.addf %add3A_1220, %get3A_1275 : vector<16xf32>
        %add3A_1277 = arith.constant 4 : i32
        %add3A_1278 = arith.addi %mul3A_1168, %add3A_1277 : i32
        %add3A_1279 = arith.constant 1 : i32
        %add3A_1280 = arith.addi %add3A_1278, %add3A_1279 : i32
        %get3A_1281 = arith.index_cast %add3A_1280 : i32 to index
        %get3A_1282 = arith.constant 16 : index
        %get3A_1283 = tpu.vector_load %arg9[%get3A_1281, %get3A_1282] {strides = array<i32>} : memref<640x64xf32, #tpu.memory_space<vmem>>, vector<16xf32>,
        %add3A_1284 = arith.addf %add3A_1228, %get3A_1283 : vector<16xf32>
        %add3A_1285 = arith.constant 4 : i32
        %add3A_1286 = arith.addi %mul3A_1168, %add3A_1285 : i32
        %get3A_1287 = arith.index_cast %add3A_1286 : i32 to index
        %get3A_1288 = arith.constant 32 : index
        %get3A_1289 = tpu.vector_load %arg9[%get3A_1287, %get3A_1288] {strides = array<i32>} : memref<640x64xf32, #tpu.memory_space<vmem>>, vector<16xf32>,
        %add3A_1290 = arith.addf %add3A_1234, %get3A_1289 : vector<16xf32>
        %add3A_1291 = arith.constant 4 : i32
        %add3A_1292 = arith.addi %mul3A_1168, %add3A_1291 : i32
        %add3A_1293 = arith.constant 1 : i32
        %add3A_1294 = arith.addi %add3A_1292, %add3A_1293 : i32
        %get3A_1295 = arith.index_cast %add3A_1294 : i32 to index
        %get3A_1296 = arith.constant 32 : index
        %get3A_1297 = tpu.vector_load %arg9[%get3A_1295, %get3A_1296] {strides = array<i32>} : memref<640x64xf32, #tpu.memory_space<vmem>>, vector<16xf32>,
        %add3A_1298 = arith.addf %add3A_1242, %get3A_1297 : vector<16xf32>
        %add3A_1299 = arith.constant 4 : i32
        %add3A_1300 = arith.addi %mul3A_1168, %add3A_1299 : i32
        %get3A_1301 = arith.index_cast %add3A_1300 : i32 to index
        %get3A_1302 = arith.constant 48 : index
        %get3A_1303 = tpu.vector_load %arg9[%get3A_1301, %get3A_1302] {strides = array<i32>} : memref<640x64xf32, #tpu.memory_space<vmem>>, vector<16xf32>,
        %add3A_1304 = arith.addf %add3A_1248, %get3A_1303 : vector<16xf32>
        %add3A_1305 = arith.constant 4 : i32
        %add3A_1306 = arith.addi %mul3A_1168, %add3A_1305 : i32
        %add3A_1307 = arith.constant 1 : i32
        %add3A_1308 = arith.addi %add3A_1306, %add3A_1307 : i32
        %get3A_1309 = arith.index_cast %add3A_1308 : i32 to index
        %get3A_1310 = arith.constant 48 : index
        %get3A_1311 = tpu.vector_load %arg9[%get3A_1309, %get3A_1310] {strides = array<i32>} : memref<640x64xf32, #tpu.memory_space<vmem>>, vector<16xf32>,
        %add3A_1312 = arith.addf %add3A_1256, %get3A_1311 : vector<16xf32>
        %add3A_1313 = arith.constant 6 : i32
        %add3A_1314 = arith.addi %mul3A_1168, %add3A_1313 : i32
        %get3A_1315 = arith.index_cast %add3A_1314 : i32 to index
        %get3A_1316 = arith.constant 0 : index
        %get3A_1317 = tpu.vector_load %arg9[%get3A_1315, %get3A_1316] {strides = array<i32>} : memref<640x64xf32, #tpu.memory_space<vmem>>, vector<16xf32>,
        %add3A_1318 = arith.addf %add3A_1262, %get3A_1317 : vector<16xf32>
        %add3A_1319 = arith.constant 6 : i32
        %add3A_1320 = arith.addi %mul3A_1168, %add3A_1319 : i32
        %add3A_1321 = arith.constant 1 : i32
        %add3A_1322 = arith.addi %add3A_1320, %add3A_1321 : i32
        %get3A_1323 = arith.index_cast %add3A_1322 : i32 to index
        %get3A_1324 = arith.constant 0 : index
        %get3A_1325 = tpu.vector_load %arg9[%get3A_1323, %get3A_1324] {strides = array<i32>} : memref<640x64xf32, #tpu.memory_space<vmem>>, vector<16xf32>,
        %add3A_1326 = arith.addf %add3A_1270, %get3A_1325 : vector<16xf32>
        %add3A_1327 = arith.constant 6 : i32
        %add3A_1328 = arith.addi %mul3A_1168, %add3A_1327 : i32
        %get3A_1329 = arith.index_cast %add3A_1328 : i32 to index
        %get3A_1330 = arith.constant 16 : index
        %get3A_1331 = tpu.vector_load %arg9[%get3A_1329, %get3A_1330] {strides = array<i32>} : memref<640x64xf32, #tpu.memory_space<vmem>>, vector<16xf32>,
        %add3A_1332 = arith.addf %add3A_1276, %get3A_1331 : vector<16xf32>
        %add3A_1333 = arith.constant 6 : i32
        %add3A_1334 = arith.addi %mul3A_1168, %add3A_1333 : i32
        %add3A_1335 = arith.constant 1 : i32
        %add3A_1336 = arith.addi %add3A_1334, %add3A_1335 : i32
        %get3A_1337 = arith.index_cast %add3A_1336 : i32 to index
        %get3A_1338 = arith.constant 16 : index
        %get3A_1339 = tpu.vector_load %arg9[%get3A_1337, %get3A_1338] {strides = array<i32>} : memref<640x64xf32, #tpu.memory_space<vmem>>, vector<16xf32>,
        %add3A_1340 = arith.addf %add3A_1284, %get3A_1339 : vector<16xf32>
        %add3A_1341 = arith.constant 6 : i32
        %add3A_1342 = arith.addi %mul3A_1168, %add3A_1341 : i32
        %get3A_1343 = arith.index_cast %add3A_1342 : i32 to index
        %get3A_1344 = arith.constant 32 : index
        %get3A_1345 = tpu.vector_load %arg9[%get3A_1343, %get3A_1344] {strides = array<i32>} : memref<640x64xf32, #tpu.memory_space<vmem>>, vector<16xf32>,
        %add3A_1346 = arith.addf %add3A_1290, %get3A_1345 : vector<16xf32>
        %add3A_1347 = arith.constant 6 : i32
        %add3A_1348 = arith.addi %mul3A_1168, %add3A_1347 : i32
        %add3A_1349 = arith.constant 1 : i32
        %add3A_1350 = arith.addi %add3A_1348, %add3A_1349 : i32
        %get3A_1351 = arith.index_cast %add3A_1350 : i32 to index
        %get3A_1352 = arith.constant 32 : index
        %get3A_1353 = tpu.vector_load %arg9[%get3A_1351, %get3A_1352] {strides = array<i32>} : memref<640x64xf32, #tpu.memory_space<vmem>>, vector<16xf32>,
        %add3A_1354 = arith.addf %add3A_1298, %get3A_1353 : vector<16xf32>
        %add3A_1355 = arith.constant 6 : i32
        %add3A_1356 = arith.addi %mul3A_1168, %add3A_1355 : i32
        %get3A_1357 = arith.index_cast %add3A_1356 : i32 to index
        %get3A_1358 = arith.constant 48 : index
        %get3A_1359 = tpu.vector_load %arg9[%get3A_1357, %get3A_1358] {strides = array<i32>} : memref<640x64xf32, #tpu.memory_space<vmem>>, vector<16xf32>,
        %add3A_1360 = arith.addf %add3A_1304, %get3A_1359 : vector<16xf32>
        %add3A_1361 = arith.constant 6 : i32
        %add3A_1362 = arith.addi %mul3A_1168, %add3A_1361 : i32
        %add3A_1363 = arith.constant 1 : i32
        %add3A_1364 = arith.addi %add3A_1362, %add3A_1363 : i32
        %get3A_1365 = arith.index_cast %add3A_1364 : i32 to index
        %get3A_1366 = arith.constant 48 : index
        %get3A_1367 = tpu.vector_load %arg9[%get3A_1365, %get3A_1366] {strides = array<i32>} : memref<640x64xf32, #tpu.memory_space<vmem>>, vector<16xf32>,
        %add3A_1368 = arith.addf %add3A_1312, %get3A_1367 : vector<16xf32>
        %add3A_1369 = arith.constant 8 : i32
        %add3A_1370 = arith.addi %mul3A_1168, %add3A_1369 : i32
        %get3A_1371 = arith.index_cast %add3A_1370 : i32 to index
        %get3A_1372 = arith.constant 0 : index
        %get3A_1373 = tpu.vector_load %arg9[%get3A_1371, %get3A_1372] {strides = array<i32>} : memref<640x64xf32, #tpu.memory_space<vmem>>, vector<16xf32>,
        %add3A_1374 = arith.addf %add3A_1318, %get3A_1373 : vector<16xf32>
        %add3A_1375 = arith.constant 8 : i32
        %add3A_1376 = arith.addi %mul3A_1168, %add3A_1375 : i32
        %add3A_1377 = arith.constant 1 : i32
        %add3A_1378 = arith.addi %add3A_1376, %add3A_1377 : i32
        %get3A_1379 = arith.index_cast %add3A_1378 : i32 to index
        %get3A_1380 = arith.constant 0 : index
        %get3A_1381 = tpu.vector_load %arg9[%get3A_1379, %get3A_1380] {strides = array<i32>} : memref<640x64xf32, #tpu.memory_space<vmem>>, vector<16xf32>,
        %add3A_1382 = arith.addf %add3A_1326, %get3A_1381 : vector<16xf32>
        %add3A_1383 = arith.constant 8 : i32
        %add3A_1384 = arith.addi %mul3A_1168, %add3A_1383 : i32
        %get3A_1385 = arith.index_cast %add3A_1384 : i32 to index
        %get3A_1386 = arith.constant 16 : index
        %get3A_1387 = tpu.vector_load %arg9[%get3A_1385, %get3A_1386] {strides = array<i32>} : memref<640x64xf32, #tpu.memory_space<vmem>>, vector<16xf32>,
        %add3A_1388 = arith.addf %add3A_1332, %get3A_1387 : vector<16xf32>
        %add3A_1389 = arith.constant 8 : i32
        %add3A_1390 = arith.addi %mul3A_1168, %add3A_1389 : i32
        %add3A_1391 = arith.constant 1 : i32
        %add3A_1392 = arith.addi %add3A_1390, %add3A_1391 : i32
        %get3A_1393 = arith.index_cast %add3A_1392 : i32 to index
        %get3A_1394 = arith.constant 16 : index
        %get3A_1395 = tpu.vector_load %arg9[%get3A_1393, %get3A_1394] {strides = array<i32>} : memref<640x64xf32, #tpu.memory_space<vmem>>, vector<16xf32>,
        %add3A_1396 = arith.addf %add3A_1340, %get3A_1395 : vector<16xf32>
        %add3A_1397 = arith.constant 8 : i32
        %add3A_1398 = arith.addi %mul3A_1168, %add3A_1397 : i32
        %get3A_1399 = arith.index_cast %add3A_1398 : i32 to index
        %get3A_1400 = arith.constant 32 : index
        %get3A_1401 = tpu.vector_load %arg9[%get3A_1399, %get3A_1400] {strides = array<i32>} : memref<640x64xf32, #tpu.memory_space<vmem>>, vector<16xf32>,
        %add3A_1402 = arith.addf %add3A_1346, %get3A_1401 : vector<16xf32>
        %add3A_1403 = arith.constant 8 : i32
        %add3A_1404 = arith.addi %mul3A_1168, %add3A_1403 : i32
        %add3A_1405 = arith.constant 1 : i32
        %add3A_1406 = arith.addi %add3A_1404, %add3A_1405 : i32
        %get3A_1407 = arith.index_cast %add3A_1406 : i32 to index
        %get3A_1408 = arith.constant 32 : index
        %get3A_1409 = tpu.vector_load %arg9[%get3A_1407, %get3A_1408] {strides = array<i32>} : memref<640x64xf32, #tpu.memory_space<vmem>>, vector<16xf32>,
        %add3A_1410 = arith.addf %add3A_1354, %get3A_1409 : vector<16xf32>
        %add3A_1411 = arith.constant 8 : i32
        %add3A_1412 = arith.addi %mul3A_1168, %add3A_1411 : i32
        %get3A_1413 = arith.index_cast %add3A_1412 : i32 to index
        %get3A_1414 = arith.constant 48 : index
        %get3A_1415 = tpu.vector_load %arg9[%get3A_1413, %get3A_1414] {strides = array<i32>} : memref<640x64xf32, #tpu.memory_space<vmem>>, vector<16xf32>,
        %add3A_1416 = arith.addf %add3A_1360, %get3A_1415 : vector<16xf32>
        %add3A_1417 = arith.constant 8 : i32
        %add3A_1418 = arith.addi %mul3A_1168, %add3A_1417 : i32
        %add3A_1419 = arith.constant 1 : i32
        %add3A_1420 = arith.addi %add3A_1418, %add3A_1419 : i32
        %get3A_1421 = arith.index_cast %add3A_1420 : i32 to index
        %get3A_1422 = arith.constant 48 : index
        %get3A_1423 = tpu.vector_load %arg9[%get3A_1421, %get3A_1422] {strides = array<i32>} : memref<640x64xf32, #tpu.memory_space<vmem>>, vector<16xf32>,
        %add3A_1424 = arith.addf %add3A_1368, %get3A_1423 : vector<16xf32>
        %add3A_1425 = arith.constant 10 : i32
        %add3A_1426 = arith.addi %mul3A_1168, %add3A_1425 : i32
        %get3A_1427 = arith.index_cast %add3A_1426 : i32 to index
        %get3A_1428 = arith.constant 0 : index
        %get3A_1429 = tpu.vector_load %arg9[%get3A_1427, %get3A_1428] {strides = array<i32>} : memref<640x64xf32, #tpu.memory_space<vmem>>, vector<16xf32>,
        %add3A_1430 = arith.addf %add3A_1374, %get3A_1429 : vector<16xf32>
        %add3A_1431 = arith.constant 10 : i32
        %add3A_1432 = arith.addi %mul3A_1168, %add3A_1431 : i32
        %add3A_1433 = arith.constant 1 : i32
        %add3A_1434 = arith.addi %add3A_1432, %add3A_1433 : i32
        %get3A_1435 = arith.index_cast %add3A_1434 : i32 to index
        %get3A_1436 = arith.constant 0 : index
        %get3A_1437 = tpu.vector_load %arg9[%get3A_1435, %get3A_1436] {strides = array<i32>} : memref<640x64xf32, #tpu.memory_space<vmem>>, vector<16xf32>,
        %add3A_1438 = arith.addf %add3A_1382, %get3A_1437 : vector<16xf32>
        %add3A_1439 = arith.constant 10 : i32
        %add3A_1440 = arith.addi %mul3A_1168, %add3A_1439 : i32
        %get3A_1441 = arith.index_cast %add3A_1440 : i32 to index
        %get3A_1442 = arith.constant 16 : index
        %get3A_1443 = tpu.vector_load %arg9[%get3A_1441, %get3A_1442] {strides = array<i32>} : memref<640x64xf32, #tpu.memory_space<vmem>>, vector<16xf32>,
        %add3A_1444 = arith.addf %add3A_1388, %get3A_1443 : vector<16xf32>
        %add3A_1445 = arith.constant 10 : i32
        %add3A_1446 = arith.addi %mul3A_1168, %add3A_1445 : i32
        %add3A_1447 = arith.constant 1 : i32
        %add3A_1448 = arith.addi %add3A_1446, %add3A_1447 : i32
        %get3A_1449 = arith.index_cast %add3A_1448 : i32 to index
        %get3A_1450 = arith.constant 16 : index
        %get3A_1451 = tpu.vector_load %arg9[%get3A_1449, %get3A_1450] {strides = array<i32>} : memref<640x64xf32, #tpu.memory_space<vmem>>, vector<16xf32>,
        %add3A_1452 = arith.addf %add3A_1396, %get3A_1451 : vector<16xf32>
        %add3A_1453 = arith.constant 10 : i32
        %add3A_1454 = arith.addi %mul3A_1168, %add3A_1453 : i32
        %get3A_1455 = arith.index_cast %add3A_1454 : i32 to index
        %get3A_1456 = arith.constant 32 : index
        %get3A_1457 = tpu.vector_load %arg9[%get3A_1455, %get3A_1456] {strides = array<i32>} : memref<640x64xf32, #tpu.memory_space<vmem>>, vector<16xf32>,
        %add3A_1458 = arith.addf %add3A_1402, %get3A_1457 : vector<16xf32>
        %add3A_1459 = arith.constant 10 : i32
        %add3A_1460 = arith.addi %mul3A_1168, %add3A_1459 : i32
        %add3A_1461 = arith.constant 1 : i32
        %add3A_1462 = arith.addi %add3A_1460, %add3A_1461 : i32
        %get3A_1463 = arith.index_cast %add3A_1462 : i32 to index
        %get3A_1464 = arith.constant 32 : index
        %get3A_1465 = tpu.vector_load %arg9[%get3A_1463, %get3A_1464] {strides = array<i32>} : memref<640x64xf32, #tpu.memory_space<vmem>>, vector<16xf32>,
        %add3A_1466 = arith.addf %add3A_1410, %get3A_1465 : vector<16xf32>
        %add3A_1467 = arith.constant 10 : i32
        %add3A_1468 = arith.addi %mul3A_1168, %add3A_1467 : i32
        %get3A_1469 = arith.index_cast %add3A_1468 : i32 to index
        %get3A_1470 = arith.constant 48 : index
        %get3A_1471 = tpu.vector_load %arg9[%get3A_1469, %get3A_1470] {strides = array<i32>} : memref<640x64xf32, #tpu.memory_space<vmem>>, vector<16xf32>,
        %add3A_1472 = arith.addf %add3A_1416, %get3A_1471 : vector<16xf32>
        %add3A_1473 = arith.constant 10 : i32
        %add3A_1474 = arith.addi %mul3A_1168, %add3A_1473 : i32
        %add3A_1475 = arith.constant 1 : i32
        %add3A_1476 = arith.addi %add3A_1474, %add3A_1475 : i32
        %get3A_1477 = arith.index_cast %add3A_1476 : i32 to index
        %get3A_1478 = arith.constant 48 : index
        %get3A_1479 = tpu.vector_load %arg9[%get3A_1477, %get3A_1478] {strides = array<i32>} : memref<640x64xf32, #tpu.memory_space<vmem>>, vector<16xf32>,
        %add3A_1480 = arith.addf %add3A_1424, %get3A_1479 : vector<16xf32>
        %add3A_1481 = arith.constant 12 : i32
        %add3A_1482 = arith.addi %mul3A_1168, %add3A_1481 : i32
        %get3A_1483 = arith.index_cast %add3A_1482 : i32 to index
        %get3A_1484 = arith.constant 0 : index
        %get3A_1485 = tpu.vector_load %arg9[%get3A_1483, %get3A_1484] {strides = array<i32>} : memref<640x64xf32, #tpu.memory_space<vmem>>, vector<16xf32>,
        %add3A_1486 = arith.addf %add3A_1430, %get3A_1485 : vector<16xf32>
        %add3A_1487 = arith.constant 12 : i32
        %add3A_1488 = arith.addi %mul3A_1168, %add3A_1487 : i32
        %add3A_1489 = arith.constant 1 : i32
        %add3A_1490 = arith.addi %add3A_1488, %add3A_1489 : i32
        %get3A_1491 = arith.index_cast %add3A_1490 : i32 to index
        %get3A_1492 = arith.constant 0 : index
        %get3A_1493 = tpu.vector_load %arg9[%get3A_1491, %get3A_1492] {strides = array<i32>} : memref<640x64xf32, #tpu.memory_space<vmem>>, vector<16xf32>,
        %add3A_1494 = arith.addf %add3A_1438, %get3A_1493 : vector<16xf32>
        %add3A_1495 = arith.constant 12 : i32
        %add3A_1496 = arith.addi %mul3A_1168, %add3A_1495 : i32
        %get3A_1497 = arith.index_cast %add3A_1496 : i32 to index
        %get3A_1498 = arith.constant 16 : index
        %get3A_1499 = tpu.vector_load %arg9[%get3A_1497, %get3A_1498] {strides = array<i32>} : memref<640x64xf32, #tpu.memory_space<vmem>>, vector<16xf32>,
        %add3A_1500 = arith.addf %add3A_1444, %get3A_1499 : vector<16xf32>
        %add3A_1501 = arith.constant 12 : i32
        %add3A_1502 = arith.addi %mul3A_1168, %add3A_1501 : i32
        %add3A_1503 = arith.constant 1 : i32
        %add3A_1504 = arith.addi %add3A_1502, %add3A_1503 : i32
        %get3A_1505 = arith.index_cast %add3A_1504 : i32 to index
        %get3A_1506 = arith.constant 16 : index
        %get3A_1507 = tpu.vector_load %arg9[%get3A_1505, %get3A_1506] {strides = array<i32>} : memref<640x64xf32, #tpu.memory_space<vmem>>, vector<16xf32>,
        %add3A_1508 = arith.addf %add3A_1452, %get3A_1507 : vector<16xf32>
        %add3A_1509 = arith.constant 12 : i32
        %add3A_1510 = arith.addi %mul3A_1168, %add3A_1509 : i32
        %get3A_1511 = arith.index_cast %add3A_1510 : i32 to index
        %get3A_1512 = arith.constant 32 : index
        %get3A_1513 = tpu.vector_load %arg9[%get3A_1511, %get3A_1512] {strides = array<i32>} : memref<640x64xf32, #tpu.memory_space<vmem>>, vector<16xf32>,
        %add3A_1514 = arith.addf %add3A_1458, %get3A_1513 : vector<16xf32>
        %add3A_1515 = arith.constant 12 : i32
        %add3A_1516 = arith.addi %mul3A_1168, %add3A_1515 : i32
        %add3A_1517 = arith.constant 1 : i32
        %add3A_1518 = arith.addi %add3A_1516, %add3A_1517 : i32
        %get3A_1519 = arith.index_cast %add3A_1518 : i32 to index
        %get3A_1520 = arith.constant 32 : index
        %get3A_1521 = tpu.vector_load %arg9[%get3A_1519, %get3A_1520] {strides = array<i32>} : memref<640x64xf32, #tpu.memory_space<vmem>>, vector<16xf32>,
        %add3A_1522 = arith.addf %add3A_1466, %get3A_1521 : vector<16xf32>
        %add3A_1523 = arith.constant 12 : i32
        %add3A_1524 = arith.addi %mul3A_1168, %add3A_1523 : i32
        %get3A_1525 = arith.index_cast %add3A_1524 : i32 to index
        %get3A_1526 = arith.constant 48 : index
        %get3A_1527 = tpu.vector_load %arg9[%get3A_1525, %get3A_1526] {strides = array<i32>} : memref<640x64xf32, #tpu.memory_space<vmem>>, vector<16xf32>,
        %add3A_1528 = arith.addf %add3A_1472, %get3A_1527 : vector<16xf32>
        %add3A_1529 = arith.constant 12 : i32
        %add3A_1530 = arith.addi %mul3A_1168, %add3A_1529 : i32
        %add3A_1531 = arith.constant 1 : i32
        %add3A_1532 = arith.addi %add3A_1530, %add3A_1531 : i32
        %get3A_1533 = arith.index_cast %add3A_1532 : i32 to index
        %get3A_1534 = arith.constant 48 : index
        %get3A_1535 = tpu.vector_load %arg9[%get3A_1533, %get3A_1534] {strides = array<i32>} : memref<640x64xf32, #tpu.memory_space<vmem>>, vector<16xf32>,
        %add3A_1536 = arith.addf %add3A_1480, %get3A_1535 : vector<16xf32>
        %add3A_1537 = arith.constant 14 : i32
        %add3A_1538 = arith.addi %mul3A_1168, %add3A_1537 : i32
        %get3A_1539 = arith.index_cast %add3A_1538 : i32 to index
        %get3A_1540 = arith.constant 0 : index
        %get3A_1541 = tpu.vector_load %arg9[%get3A_1539, %get3A_1540] {strides = array<i32>} : memref<640x64xf32, #tpu.memory_space<vmem>>, vector<16xf32>,
        %add3A_1542 = arith.addf %add3A_1486, %get3A_1541 : vector<16xf32>
        %add3A_1543 = arith.constant 14 : i32
        %add3A_1544 = arith.addi %mul3A_1168, %add3A_1543 : i32
        %add3A_1545 = arith.constant 1 : i32
        %add3A_1546 = arith.addi %add3A_1544, %add3A_1545 : i32
        %get3A_1547 = arith.index_cast %add3A_1546 : i32 to index
        %get3A_1548 = arith.constant 0 : index
        %get3A_1549 = tpu.vector_load %arg9[%get3A_1547, %get3A_1548] {strides = array<i32>} : memref<640x64xf32, #tpu.memory_space<vmem>>, vector<16xf32>,
        %add3A_1550 = arith.addf %add3A_1494, %get3A_1549 : vector<16xf32>
        %add3A_1551 = arith.constant 14 : i32
        %add3A_1552 = arith.addi %mul3A_1168, %add3A_1551 : i32
        %get3A_1553 = arith.index_cast %add3A_1552 : i32 to index
        %get3A_1554 = arith.constant 16 : index
        %get3A_1555 = tpu.vector_load %arg9[%get3A_1553, %get3A_1554] {strides = array<i32>} : memref<640x64xf32, #tpu.memory_space<vmem>>, vector<16xf32>,
        %add3A_1556 = arith.addf %add3A_1500, %get3A_1555 : vector<16xf32>
        %add3A_1557 = arith.constant 14 : i32
        %add3A_1558 = arith.addi %mul3A_1168, %add3A_1557 : i32
        %add3A_1559 = arith.constant 1 : i32
        %add3A_1560 = arith.addi %add3A_1558, %add3A_1559 : i32
        %get3A_1561 = arith.index_cast %add3A_1560 : i32 to index
        %get3A_1562 = arith.constant 16 : index
        %get3A_1563 = tpu.vector_load %arg9[%get3A_1561, %get3A_1562] {strides = array<i32>} : memref<640x64xf32, #tpu.memory_space<vmem>>, vector<16xf32>,
        %add3A_1564 = arith.addf %add3A_1508, %get3A_1563 : vector<16xf32>
        %add3A_1565 = arith.constant 14 : i32
        %add3A_1566 = arith.addi %mul3A_1168, %add3A_1565 : i32
        %get3A_1567 = arith.index_cast %add3A_1566 : i32 to index
        %get3A_1568 = arith.constant 32 : index
        %get3A_1569 = tpu.vector_load %arg9[%get3A_1567, %get3A_1568] {strides = array<i32>} : memref<640x64xf32, #tpu.memory_space<vmem>>, vector<16xf32>,
        %add3A_1570 = arith.addf %add3A_1514, %get3A_1569 : vector<16xf32>
        %add3A_1571 = arith.constant 14 : i32
        %add3A_1572 = arith.addi %mul3A_1168, %add3A_1571 : i32
        %add3A_1573 = arith.constant 1 : i32
        %add3A_1574 = arith.addi %add3A_1572, %add3A_1573 : i32
        %get3A_1575 = arith.index_cast %add3A_1574 : i32 to index
        %get3A_1576 = arith.constant 32 : index
        %get3A_1577 = tpu.vector_load %arg9[%get3A_1575, %get3A_1576] {strides = array<i32>} : memref<640x64xf32, #tpu.memory_space<vmem>>, vector<16xf32>,
        %add3A_1578 = arith.addf %add3A_1522, %get3A_1577 : vector<16xf32>
        %add3A_1579 = arith.constant 14 : i32
        %add3A_1580 = arith.addi %mul3A_1168, %add3A_1579 : i32
        %get3A_1581 = arith.index_cast %add3A_1580 : i32 to index
        %get3A_1582 = arith.constant 48 : index
        %get3A_1583 = tpu.vector_load %arg9[%get3A_1581, %get3A_1582] {strides = array<i32>} : memref<640x64xf32, #tpu.memory_space<vmem>>, vector<16xf32>,
        %add3A_1584 = arith.addf %add3A_1528, %get3A_1583 : vector<16xf32>
        %add3A_1585 = arith.constant 14 : i32
        %add3A_1586 = arith.addi %mul3A_1168, %add3A_1585 : i32
        %add3A_1587 = arith.constant 1 : i32
        %add3A_1588 = arith.addi %add3A_1586, %add3A_1587 : i32
        %get3A_1589 = arith.index_cast %add3A_1588 : i32 to index
        %get3A_1590 = arith.constant 48 : index
        %get3A_1591 = tpu.vector_load %arg9[%get3A_1589, %get3A_1590] {strides = array<i32>} : memref<640x64xf32, #tpu.memory_space<vmem>>, vector<16xf32>,
        %add3A_1592 = arith.addf %add3A_1536, %get3A_1591 : vector<16xf32>
        %add3A_1593 = arith.constant 16 : i32
        %add3A_1594 = arith.addi %mul3A_1168, %add3A_1593 : i32
        %get3A_1595 = arith.index_cast %add3A_1594 : i32 to index
        %get3A_1596 = arith.constant 0 : index
        %get3A_1597 = tpu.vector_load %arg9[%get3A_1595, %get3A_1596] {strides = array<i32>} : memref<640x64xf32, #tpu.memory_space<vmem>>, vector<16xf32>,
        %add3A_1598 = arith.addf %add3A_1542, %get3A_1597 : vector<16xf32>
        %add3A_1599 = arith.constant 16 : i32
        %add3A_1600 = arith.addi %mul3A_1168, %add3A_1599 : i32
        %add3A_1601 = arith.constant 1 : i32
        %add3A_1602 = arith.addi %add3A_1600, %add3A_1601 : i32
        %get3A_1603 = arith.index_cast %add3A_1602 : i32 to index
        %get3A_1604 = arith.constant 0 : index
        %get3A_1605 = tpu.vector_load %arg9[%get3A_1603, %get3A_1604] {strides = array<i32>} : memref<640x64xf32, #tpu.memory_space<vmem>>, vector<16xf32>,
        %add3A_1606 = arith.addf %add3A_1550, %get3A_1605 : vector<16xf32>
        %add3A_1607 = arith.constant 16 : i32
        %add3A_1608 = arith.addi %mul3A_1168, %add3A_1607 : i32
        %get3A_1609 = arith.index_cast %add3A_1608 : i32 to index
        %get3A_1610 = arith.constant 16 : index
        %get3A_1611 = tpu.vector_load %arg9[%get3A_1609, %get3A_1610] {strides = array<i32>} : memref<640x64xf32, #tpu.memory_space<vmem>>, vector<16xf32>,
        %add3A_1612 = arith.addf %add3A_1556, %get3A_1611 : vector<16xf32>
        %add3A_1613 = arith.constant 16 : i32
        %add3A_1614 = arith.addi %mul3A_1168, %add3A_1613 : i32
        %add3A_1615 = arith.constant 1 : i32
        %add3A_1616 = arith.addi %add3A_1614, %add3A_1615 : i32
        %get3A_1617 = arith.index_cast %add3A_1616 : i32 to index
        %get3A_1618 = arith.constant 16 : index
        %get3A_1619 = tpu.vector_load %arg9[%get3A_1617, %get3A_1618] {strides = array<i32>} : memref<640x64xf32, #tpu.memory_space<vmem>>, vector<16xf32>,
        %add3A_1620 = arith.addf %add3A_1564, %get3A_1619 : vector<16xf32>
        %add3A_1621 = arith.constant 16 : i32
        %add3A_1622 = arith.addi %mul3A_1168, %add3A_1621 : i32
        %get3A_1623 = arith.index_cast %add3A_1622 : i32 to index
        %get3A_1624 = arith.constant 32 : index
        %get3A_1625 = tpu.vector_load %arg9[%get3A_1623, %get3A_1624] {strides = array<i32>} : memref<640x64xf32, #tpu.memory_space<vmem>>, vector<16xf32>,
        %add3A_1626 = arith.addf %add3A_1570, %get3A_1625 : vector<16xf32>
        %add3A_1627 = arith.constant 16 : i32
        %add3A_1628 = arith.addi %mul3A_1168, %add3A_1627 : i32
        %add3A_1629 = arith.constant 1 : i32
        %add3A_1630 = arith.addi %add3A_1628, %add3A_1629 : i32
        %get3A_1631 = arith.index_cast %add3A_1630 : i32 to index
        %get3A_1632 = arith.constant 32 : index
        %get3A_1633 = tpu.vector_load %arg9[%get3A_1631, %get3A_1632] {strides = array<i32>} : memref<640x64xf32, #tpu.memory_space<vmem>>, vector<16xf32>,
        %add3A_1634 = arith.addf %add3A_1578, %get3A_1633 : vector<16xf32>
        %add3A_1635 = arith.constant 16 : i32
        %add3A_1636 = arith.addi %mul3A_1168, %add3A_1635 : i32
        %get3A_1637 = arith.index_cast %add3A_1636 : i32 to index
        %get3A_1638 = arith.constant 48 : index
        %get3A_1639 = tpu.vector_load %arg9[%get3A_1637, %get3A_1638] {strides = array<i32>} : memref<640x64xf32, #tpu.memory_space<vmem>>, vector<16xf32>,
        %add3A_1640 = arith.addf %add3A_1584, %get3A_1639 : vector<16xf32>
        %add3A_1641 = arith.constant 16 : i32
        %add3A_1642 = arith.addi %mul3A_1168, %add3A_1641 : i32
        %add3A_1643 = arith.constant 1 : i32
        %add3A_1644 = arith.addi %add3A_1642, %add3A_1643 : i32
        %get3A_1645 = arith.index_cast %add3A_1644 : i32 to index
        %get3A_1646 = arith.constant 48 : index
        %get3A_1647 = tpu.vector_load %arg9[%get3A_1645, %get3A_1646] {strides = array<i32>} : memref<640x64xf32, #tpu.memory_space<vmem>>, vector<16xf32>,
        %add3A_1648 = arith.addf %add3A_1592, %get3A_1647 : vector<16xf32>
        %add3A_1649 = arith.constant 18 : i32
        %add3A_1650 = arith.addi %mul3A_1168, %add3A_1649 : i32
        %get3A_1651 = arith.index_cast %add3A_1650 : i32 to index
        %get3A_1652 = arith.constant 0 : index
        %get3A_1653 = tpu.vector_load %arg9[%get3A_1651, %get3A_1652] {strides = array<i32>} : memref<640x64xf32, #tpu.memory_space<vmem>>, vector<16xf32>,
        %add3A_1654 = arith.addf %add3A_1598, %get3A_1653 : vector<16xf32>
        %add3A_1655 = arith.constant 18 : i32
        %add3A_1656 = arith.addi %mul3A_1168, %add3A_1655 : i32
        %add3A_1657 = arith.constant 1 : i32
        %add3A_1658 = arith.addi %add3A_1656, %add3A_1657 : i32
        %get3A_1659 = arith.index_cast %add3A_1658 : i32 to index
        %get3A_1660 = arith.constant 0 : index
        %get3A_1661 = tpu.vector_load %arg9[%get3A_1659, %get3A_1660] {strides = array<i32>} : memref<640x64xf32, #tpu.memory_space<vmem>>, vector<16xf32>,
        %add3A_1662 = arith.addf %add3A_1606, %get3A_1661 : vector<16xf32>
        %add3A_1663 = arith.constant 18 : i32
        %add3A_1664 = arith.addi %mul3A_1168, %add3A_1663 : i32
        %get3A_1665 = arith.index_cast %add3A_1664 : i32 to index
        %get3A_1666 = arith.constant 16 : index
        %get3A_1667 = tpu.vector_load %arg9[%get3A_1665, %get3A_1666] {strides = array<i32>} : memref<640x64xf32, #tpu.memory_space<vmem>>, vector<16xf32>,
        %add3A_1668 = arith.addf %add3A_1612, %get3A_1667 : vector<16xf32>
        %add3A_1669 = arith.constant 18 : i32
        %add3A_1670 = arith.addi %mul3A_1168, %add3A_1669 : i32
        %add3A_1671 = arith.constant 1 : i32
        %add3A_1672 = arith.addi %add3A_1670, %add3A_1671 : i32
        %get3A_1673 = arith.index_cast %add3A_1672 : i32 to index
        %get3A_1674 = arith.constant 16 : index
        %get3A_1675 = tpu.vector_load %arg9[%get3A_1673, %get3A_1674] {strides = array<i32>} : memref<640x64xf32, #tpu.memory_space<vmem>>, vector<16xf32>,
        %add3A_1676 = arith.addf %add3A_1620, %get3A_1675 : vector<16xf32>
        %add3A_1677 = arith.constant 18 : i32
        %add3A_1678 = arith.addi %mul3A_1168, %add3A_1677 : i32
        %get3A_1679 = arith.index_cast %add3A_1678 : i32 to index
        %get3A_1680 = arith.constant 32 : index
        %get3A_1681 = tpu.vector_load %arg9[%get3A_1679, %get3A_1680] {strides = array<i32>} : memref<640x64xf32, #tpu.memory_space<vmem>>, vector<16xf32>,
        %add3A_1682 = arith.addf %add3A_1626, %get3A_1681 : vector<16xf32>
        %add3A_1683 = arith.constant 18 : i32
        %add3A_1684 = arith.addi %mul3A_1168, %add3A_1683 : i32
        %add3A_1685 = arith.constant 1 : i32
        %add3A_1686 = arith.addi %add3A_1684, %add3A_1685 : i32
        %get3A_1687 = arith.index_cast %add3A_1686 : i32 to index
        %get3A_1688 = arith.constant 32 : index
        %get3A_1689 = tpu.vector_load %arg9[%get3A_1687, %get3A_1688] {strides = array<i32>} : memref<640x64xf32, #tpu.memory_space<vmem>>, vector<16xf32>,
        %add3A_1690 = arith.addf %add3A_1634, %get3A_1689 : vector<16xf32>
        %add3A_1691 = arith.constant 18 : i32
        %add3A_1692 = arith.addi %mul3A_1168, %add3A_1691 : i32
        %get3A_1693 = arith.index_cast %add3A_1692 : i32 to index
        %get3A_1694 = arith.constant 48 : index
        %get3A_1695 = tpu.vector_load %arg9[%get3A_1693, %get3A_1694] {strides = array<i32>} : memref<640x64xf32, #tpu.memory_space<vmem>>, vector<16xf32>,
        %add3A_1696 = arith.addf %add3A_1640, %get3A_1695 : vector<16xf32>
        %add3A_1697 = arith.constant 18 : i32
        %add3A_1698 = arith.addi %mul3A_1168, %add3A_1697 : i32
        %add3A_1699 = arith.constant 1 : i32
        %add3A_1700 = arith.addi %add3A_1698, %add3A_1699 : i32
        %get3A_1701 = arith.index_cast %add3A_1700 : i32 to index
        %get3A_1702 = arith.constant 48 : index
        %get3A_1703 = tpu.vector_load %arg9[%get3A_1701, %get3A_1702] {strides = array<i32>} : memref<640x64xf32, #tpu.memory_space<vmem>>, vector<16xf32>,
        %add3A_1704 = arith.addf %add3A_1648, %get3A_1703 : vector<16xf32>
        %add3A_1705 = arith.addf %add3A_1654, %add3A_1662 : vector<16xf32>
        %swap3A_1706 = arith.index_cast %add3A_1166 : i32 to index
        %swap3A_1707 = arith.constant 0 : index
        %swap3A_1708 = tpu.vector_load %arg12[%swap3A_1706, %swap3A_1707] {strides = array<i32>} : memref<32x64xf32, #tpu.memory_space<vmem>>, vector<16xf32>,
        tpu.vector_store %arg12[%swap3A_1706, %swap3A_1707], %add3A_1705 {strides = array<i32>} : memref<32x64xf32, #tpu.memory_space<vmem>>, vector<16xf32>,
        %add3A_1709 = arith.addf %add3A_1668, %add3A_1676 : vector<16xf32>
        %swap3A_1710 = arith.index_cast %add3A_1166 : i32 to index
        %swap3A_1711 = arith.constant 16 : index
        %swap3A_1712 = tpu.vector_load %arg12[%swap3A_1710, %swap3A_1711] {strides = array<i32>} : memref<32x64xf32, #tpu.memory_space<vmem>>, vector<16xf32>,
        tpu.vector_store %arg12[%swap3A_1710, %swap3A_1711], %add3A_1709 {strides = array<i32>} : memref<32x64xf32, #tpu.memory_space<vmem>>, vector<16xf32>,
        %add3A_1713 = arith.addf %add3A_1682, %add3A_1690 : vector<16xf32>
        %swap3A_1714 = arith.index_cast %add3A_1166 : i32 to index
        %swap3A_1715 = arith.constant 32 : index
        %swap3A_1716 = tpu.vector_load %arg12[%swap3A_1714, %swap3A_1715] {strides = array<i32>} : memref<32x64xf32, #tpu.memory_space<vmem>>, vector<16xf32>,
        tpu.vector_store %arg12[%swap3A_1714, %swap3A_1715], %add3A_1713 {strides = array<i32>} : memref<32x64xf32, #tpu.memory_space<vmem>>, vector<16xf32>,
        %add3A_1717 = arith.addf %add3A_1696, %add3A_1704 : vector<16xf32>
        %swap3A_1718 = arith.index_cast %add3A_1166 : i32 to index
        %swap3A_1719 = arith.constant 48 : index
        %swap3A_1720 = tpu.vector_load %arg12[%swap3A_1718, %swap3A_1719] {strides = array<i32>} : memref<32x64xf32, #tpu.memory_space<vmem>>, vector<16xf32>,
        tpu.vector_store %arg12[%swap3A_1718, %swap3A_1719], %add3A_1717 {strides = array<i32>} : memref<32x64xf32, #tpu.memory_space<vmem>>, vector<16xf32>,
        %scan3A_1721 = arith.constant 0 : i32
        scf.yield %scan3A_1721 : i32
      }
      %scan3A_189 = arith.constant 16 : i32
      %add3A_190 = arith.constant 1 : i32
      %add3A_191 = arith.addi %scan3A_102, %add3A_190 : i32
      %min3A = arith.constant 15 : i32
      %min3A_192 = arith.minsi %add3A_191, %min3A : i32
      %mul3A_193 = arith.constant 10240 : i32
      %mul3A_194 = arith.muli %add3A, %mul3A_193 : i32
      %mul3A_195 = arith.constant 640 : i32
      %mul3A_196 = arith.muli %min3A_192, %mul3A_195 : i32
      %add3A_197 = arith.addi %mul3A_194, %mul3A_196 : i32
      "tpu.region"() ({
        %run_scoped3A = tpu.sem_alloc : memref<!tpu.dma_semaphore, #tpu.memory_space<semaphore_mem>>
        %dma_start3A_604 = tpu.memref_slice %arg2[%add3A_197] : memref<327680xi32, #tpu.memory_space<hbm>> -> memref<640xi32, #tpu.memory_space<hbm>>
        %dma_start3A_605 = tpu.memref_slice %arg2[%add3A_197] : memref<327680xi32, #tpu.memory_space<hbm>> -> memref<640xi32, #tpu.memory_space<hbm>>
        tpu.enqueue_dma source(%dma_start3A_605 : memref<640xi32, #tpu.memory_space<hbm>>) target(%arg7 : memref<640xi32, #tpu.memory_space<vmem>>) target_semaphore(%run_scoped3A : memref<!tpu.dma_semaphore, #tpu.memory_space<semaphore_mem>>)
        %dma_wait3A_606 = tpu.memref_slice %arg2[%add3A_197] : memref<327680xi32, #tpu.memory_space<hbm>> -> memref<640xi32, #tpu.memory_space<hbm>>
        %dma_wait3A_607 = tpu.memref_slice %arg2[%add3A_197] : memref<327680xi32, #tpu.memory_space<hbm>> -> memref<640xi32, #tpu.memory_space<hbm>>
        tpu.wait_dma2 semaphore(%run_scoped3A : memref<!tpu.dma_semaphore, #tpu.memory_space<semaphore_mem>>) src(%dma_wait3A_607 : memref<640xi32, #tpu.memory_space<hbm>>) dst(%arg7 : memref<640xi32, #tpu.memory_space<vmem>>)
        tpu.yield
      }) : () -> ()
      %dma_start3A_198 = arith.constant 0 : i32
      %dma_start3A_199 = arith.constant 0 : i32
      %dma_start3A_200 = tpu.memref_slice %arg9[%dma_start3A_198, %dma_start3A_199] : memref<640x64xf32, #tpu.memory_space<vmem>> -> memref<128x64xf32, #tpu.memory_space<vmem>>
      %dma_start3A_201 = arith.constant 0 : i32
      %dma_start3A_202 = tpu.memref_slice %arg7[%dma_start3A_201] : memref<640xi32, #tpu.memory_space<vmem>> -> memref<128xi32, #tpu.memory_space<vmem>>
      %dma_start3A_203 = arith.constant 0 : i32
      %dma_start3A_204 = arith.constant 0 : i32
      %dma_start3A_205 = tpu.memref_slice %arg5[%dma_start3A_203, %dma_start3A_204] : memref<1000001x64xf32, #tpu.memory_space<hbm>> -> memref<1000001x64xf32, #tpu.memory_space<hbm>>
      tpu.enqueue_indirect_dma source(%dma_start3A_205 : memref<1000001x64xf32, #tpu.memory_space<hbm>>) target(%dma_start3A_200 : memref<128x64xf32, #tpu.memory_space<vmem>>) offsets(%dma_start3A_202 : memref<128xi32, #tpu.memory_space<vmem>>) semaphore(%arg15 : memref<!tpu.dma_semaphore, #tpu.memory_space<semaphore_mem>>)
      %dma_start3A_206 = arith.constant 128 : i32
      %dma_start3A_207 = arith.constant 0 : i32
      %dma_start3A_208 = tpu.memref_slice %arg9[%dma_start3A_206, %dma_start3A_207] : memref<640x64xf32, #tpu.memory_space<vmem>> -> memref<128x64xf32, #tpu.memory_space<vmem>>
      %dma_start3A_209 = arith.constant 128 : i32
      %dma_start3A_210 = tpu.memref_slice %arg7[%dma_start3A_209] : memref<640xi32, #tpu.memory_space<vmem>> -> memref<128xi32, #tpu.memory_space<vmem>>
      %dma_start3A_211 = arith.constant 0 : i32
      %dma_start3A_212 = arith.constant 0 : i32
      %dma_start3A_213 = tpu.memref_slice %arg5[%dma_start3A_211, %dma_start3A_212] : memref<1000001x64xf32, #tpu.memory_space<hbm>> -> memref<1000001x64xf32, #tpu.memory_space<hbm>>
      tpu.enqueue_indirect_dma source(%dma_start3A_213 : memref<1000001x64xf32, #tpu.memory_space<hbm>>) target(%dma_start3A_208 : memref<128x64xf32, #tpu.memory_space<vmem>>) offsets(%dma_start3A_210 : memref<128xi32, #tpu.memory_space<vmem>>) semaphore(%arg15 : memref<!tpu.dma_semaphore, #tpu.memory_space<semaphore_mem>>)
      %dma_start3A_214 = arith.constant 256 : i32
      %dma_start3A_215 = arith.constant 0 : i32
      %dma_start3A_216 = tpu.memref_slice %arg9[%dma_start3A_214, %dma_start3A_215] : memref<640x64xf32, #tpu.memory_space<vmem>> -> memref<128x64xf32, #tpu.memory_space<vmem>>
      %dma_start3A_217 = arith.constant 256 : i32
      %dma_start3A_218 = tpu.memref_slice %arg7[%dma_start3A_217] : memref<640xi32, #tpu.memory_space<vmem>> -> memref<128xi32, #tpu.memory_space<vmem>>
      %dma_start3A_219 = arith.constant 0 : i32
      %dma_start3A_220 = arith.constant 0 : i32
      %dma_start3A_221 = tpu.memref_slice %arg5[%dma_start3A_219, %dma_start3A_220] : memref<1000001x64xf32, #tpu.memory_space<hbm>> -> memref<1000001x64xf32, #tpu.memory_space<hbm>>
      tpu.enqueue_indirect_dma source(%dma_start3A_221 : memref<1000001x64xf32, #tpu.memory_space<hbm>>) target(%dma_start3A_216 : memref<128x64xf32, #tpu.memory_space<vmem>>) offsets(%dma_start3A_218 : memref<128xi32, #tpu.memory_space<vmem>>) semaphore(%arg15 : memref<!tpu.dma_semaphore, #tpu.memory_space<semaphore_mem>>)
      %dma_start3A_222 = arith.constant 384 : i32
      %dma_start3A_223 = arith.constant 0 : i32
      %dma_start3A_224 = tpu.memref_slice %arg9[%dma_start3A_222, %dma_start3A_223] : memref<640x64xf32, #tpu.memory_space<vmem>> -> memref<128x64xf32, #tpu.memory_space<vmem>>
      %dma_start3A_225 = arith.constant 384 : i32
      %dma_start3A_226 = tpu.memref_slice %arg7[%dma_start3A_225] : memref<640xi32, #tpu.memory_space<vmem>> -> memref<128xi32, #tpu.memory_space<vmem>>
      %dma_start3A_227 = arith.constant 0 : i32
      %dma_start3A_228 = arith.constant 0 : i32
      %dma_start3A_229 = tpu.memref_slice %arg5[%dma_start3A_227, %dma_start3A_228] : memref<1000001x64xf32, #tpu.memory_space<hbm>> -> memref<1000001x64xf32, #tpu.memory_space<hbm>>
      tpu.enqueue_indirect_dma source(%dma_start3A_229 : memref<1000001x64xf32, #tpu.memory_space<hbm>>) target(%dma_start3A_224 : memref<128x64xf32, #tpu.memory_space<vmem>>) offsets(%dma_start3A_226 : memref<128xi32, #tpu.memory_space<vmem>>) semaphore(%arg15 : memref<!tpu.dma_semaphore, #tpu.memory_space<semaphore_mem>>)
      %dma_start3A_230 = arith.constant 512 : i32
      %dma_start3A_231 = arith.constant 0 : i32
      %dma_start3A_232 = tpu.memref_slice %arg9[%dma_start3A_230, %dma_start3A_231] : memref<640x64xf32, #tpu.memory_space<vmem>> -> memref<128x64xf32, #tpu.memory_space<vmem>>
      %dma_start3A_233 = arith.constant 512 : i32
      %dma_start3A_234 = tpu.memref_slice %arg7[%dma_start3A_233] : memref<640xi32, #tpu.memory_space<vmem>> -> memref<128xi32, #tpu.memory_space<vmem>>
      %dma_start3A_235 = arith.constant 0 : i32
      %dma_start3A_236 = arith.constant 0 : i32
      %dma_start3A_237 = tpu.memref_slice %arg5[%dma_start3A_235, %dma_start3A_236] : memref<1000001x64xf32, #tpu.memory_space<hbm>> -> memref<1000001x64xf32, #tpu.memory_space<hbm>>
      tpu.enqueue_indirect_dma source(%dma_start3A_237 : memref<1000001x64xf32, #tpu.memory_space<hbm>>) target(%dma_start3A_232 : memref<128x64xf32, #tpu.memory_space<vmem>>) offsets(%dma_start3A_234 : memref<128xi32, #tpu.memory_space<vmem>>) semaphore(%arg15 : memref<!tpu.dma_semaphore, #tpu.memory_space<semaphore_mem>>)
      %dma_wait3A_238 = arith.constant 0 : i32
      %dma_wait3A_239 = arith.constant 0 : i32
      %dma_wait3A_240 = tpu.memref_slice %arg10[%dma_wait3A_238, %dma_wait3A_239] : memref<384x64xf32, #tpu.memory_space<vmem>> -> memref<128x64xf32, #tpu.memory_space<vmem>>
      %dma_wait3A_241 = arith.constant 0 : i32
      %dma_wait3A_242 = tpu.memref_slice %arg8[%dma_wait3A_241] : memref<512xi32, #tpu.memory_space<vmem>> -> memref<128xi32, #tpu.memory_space<vmem>>
      %dma_wait3A_243 = arith.constant 0 : i32
      %dma_wait3A_244 = arith.constant 0 : i32
      %dma_wait3A_245 = tpu.memref_slice %arg5[%dma_wait3A_243, %dma_wait3A_244] : memref<1000001x64xf32, #tpu.memory_space<hbm>> -> memref<1000001x64xf32, #tpu.memory_space<hbm>>
      tpu.wait_indirect_dma semaphore(%arg16 : memref<!tpu.dma_semaphore, #tpu.memory_space<semaphore_mem>>) src(%dma_wait3A_245 : memref<1000001x64xf32, #tpu.memory_space<hbm>>) dst(%dma_wait3A_240 : memref<128x64xf32, #tpu.memory_space<vmem>>)
      %dma_wait3A_246 = arith.constant 128 : i32
      %dma_wait3A_247 = arith.constant 0 : i32
      %dma_wait3A_248 = tpu.memref_slice %arg10[%dma_wait3A_246, %dma_wait3A_247] : memref<384x64xf32, #tpu.memory_space<vmem>> -> memref<128x64xf32, #tpu.memory_space<vmem>>
      %dma_wait3A_249 = arith.constant 128 : i32
      %dma_wait3A_250 = tpu.memref_slice %arg8[%dma_wait3A_249] : memref<512xi32, #tpu.memory_space<vmem>> -> memref<128xi32, #tpu.memory_space<vmem>>
      %dma_wait3A_251 = arith.constant 0 : i32
      %dma_wait3A_252 = arith.constant 0 : i32
      %dma_wait3A_253 = tpu.memref_slice %arg5[%dma_wait3A_251, %dma_wait3A_252] : memref<1000001x64xf32, #tpu.memory_space<hbm>> -> memref<1000001x64xf32, #tpu.memory_space<hbm>>
      tpu.wait_indirect_dma semaphore(%arg16 : memref<!tpu.dma_semaphore, #tpu.memory_space<semaphore_mem>>) src(%dma_wait3A_253 : memref<1000001x64xf32, #tpu.memory_space<hbm>>) dst(%dma_wait3A_248 : memref<128x64xf32, #tpu.memory_space<vmem>>)
      %dma_wait3A_254 = arith.constant 256 : i32
      %dma_wait3A_255 = arith.constant 0 : i32
      %dma_wait3A_256 = tpu.memref_slice %arg10[%dma_wait3A_254, %dma_wait3A_255] : memref<384x64xf32, #tpu.memory_space<vmem>> -> memref<128x64xf32, #tpu.memory_space<vmem>>
      %dma_wait3A_257 = arith.constant 256 : i32
      %dma_wait3A_258 = tpu.memref_slice %arg8[%dma_wait3A_257] : memref<512xi32, #tpu.memory_space<vmem>> -> memref<128xi32, #tpu.memory_space<vmem>>
      %dma_wait3A_259 = arith.constant 0 : i32
      %dma_wait3A_260 = arith.constant 0 : i32
      %dma_wait3A_261 = tpu.memref_slice %arg5[%dma_wait3A_259, %dma_wait3A_260] : memref<1000001x64xf32, #tpu.memory_space<hbm>> -> memref<1000001x64xf32, #tpu.memory_space<hbm>>
      tpu.wait_indirect_dma semaphore(%arg16 : memref<!tpu.dma_semaphore, #tpu.memory_space<semaphore_mem>>) src(%dma_wait3A_261 : memref<1000001x64xf32, #tpu.memory_space<hbm>>) dst(%dma_wait3A_256 : memref<128x64xf32, #tpu.memory_space<vmem>>)
      %dma_wait3A_262 = arith.constant 384 : i32
      %dma_wait3A_263 = tpu.memref_slice %arg8[%dma_wait3A_262] : memref<512xi32, #tpu.memory_space<vmem>> -> memref<128xi32, #tpu.memory_space<vmem>>
      %dma_wait3A_264 = arith.constant 0 : i32
      %dma_wait3A_265 = arith.constant 0 : i32
      %dma_wait3A_266 = tpu.memref_slice %arg5[%dma_wait3A_264, %dma_wait3A_265] : memref<1000001x64xf32, #tpu.memory_space<hbm>> -> memref<1000001x64xf32, #tpu.memory_space<hbm>>
      tpu.wait_indirect_dma semaphore(%arg16 : memref<!tpu.dma_semaphore, #tpu.memory_space<semaphore_mem>>) src(%dma_wait3A_266 : memref<1000001x64xf32, #tpu.memory_space<hbm>>) dst(%arg11 : memref<128x64xf32, #tpu.memory_space<vmem>>)
      %scan3A_267 = arith.constant 0 : i32
      %scan3A_268 = arith.constant 0 : i32
      %scan3A_269 = arith.constant 16 : i32
      %scan3A_270 = arith.addi %scan3A_268, %scan3A_269 : i32
      %scan3A_271 = arith.constant 1 : i32
      %scan3A_272 = scf.for %scan3A_604 = %scan3A_268 to %scan3A_270 step %scan3A_271 iter_args(%scan3A_605 = %scan3A_267) -> (i32)  : i32 {
        %mul3A_606 = arith.constant 2 : i32
        %mul3A_607 = arith.muli %scan3A_604, %mul3A_606 : i32
        %add3A_608 = arith.constant 0 : i32
        %add3A_609 = arith.addi %mul3A_607, %add3A_608 : i32
        %get3A = arith.index_cast %add3A_609 : i32 to index
        %get3A_610 = arith.constant 0 : index
        %get3A_611 = tpu.vector_load %arg12[%get3A, %get3A_610] {strides = array<i32>} : memref<32x64xf32, #tpu.memory_space<vmem>>, vector<16xf32>,
        %get3A_612 = arith.index_cast %add3A_609 : i32 to index
        %get3A_613 = arith.constant 16 : index
        %get3A_614 = tpu.vector_load %arg12[%get3A_612, %get3A_613] {strides = array<i32>} : memref<32x64xf32, #tpu.memory_space<vmem>>, vector<16xf32>,
        %get3A_615 = arith.index_cast %add3A_609 : i32 to index
        %get3A_616 = arith.constant 32 : index
        %get3A_617 = tpu.vector_load %arg12[%get3A_615, %get3A_616] {strides = array<i32>} : memref<32x64xf32, #tpu.memory_space<vmem>>, vector<16xf32>,
        %get3A_618 = arith.index_cast %add3A_609 : i32 to index
        %get3A_619 = arith.constant 48 : index
        %get3A_620 = tpu.vector_load %arg12[%get3A_618, %get3A_619] {strides = array<i32>} : memref<32x64xf32, #tpu.memory_space<vmem>>, vector<16xf32>,
        %get3A_621 = arith.index_cast %add3A_609 : i32 to index
        %get3A_622 = arith.constant 0 : index
        %get3A_623 = tpu.vector_load %arg11[%get3A_621, %get3A_622] {strides = array<i32>} : memref<128x64xf32, #tpu.memory_space<vmem>>, vector<16xf32>,
        %mul3A_624 = arith.mulf %get3A_623, %get3A_611 : vector<16xf32>
        %get3A_625 = arith.index_cast %add3A_609 : i32 to index
        %get3A_626 = arith.constant 16 : index
        %get3A_627 = tpu.vector_load %arg11[%get3A_625, %get3A_626] {strides = array<i32>} : memref<128x64xf32, #tpu.memory_space<vmem>>, vector<16xf32>,
        %mul3A_628 = arith.mulf %get3A_627, %get3A_614 : vector<16xf32>
        %add3A_629 = arith.addf %mul3A_624, %mul3A_628 : vector<16xf32>
        %get3A_630 = arith.index_cast %add3A_609 : i32 to index
        %get3A_631 = arith.constant 32 : index
        %get3A_632 = tpu.vector_load %arg11[%get3A_630, %get3A_631] {strides = array<i32>} : memref<128x64xf32, #tpu.memory_space<vmem>>, vector<16xf32>,
        %mul3A_633 = arith.mulf %get3A_632, %get3A_617 : vector<16xf32>
        %add3A_634 = arith.addf %add3A_629, %mul3A_633 : vector<16xf32>
        %get3A_635 = arith.index_cast %add3A_609 : i32 to index
        %get3A_636 = arith.constant 48 : index
        %get3A_637 = tpu.vector_load %arg11[%get3A_635, %get3A_636] {strides = array<i32>} : memref<128x64xf32, #tpu.memory_space<vmem>>, vector<16xf32>,
        %mul3A_638 = arith.mulf %get3A_637, %get3A_620 : vector<16xf32>
        %add3A_639 = arith.addf %add3A_634, %mul3A_638 : vector<16xf32>
        %mul3A_640 = arith.constant 16 : i32
        %mul3A_641 = arith.muli %add3A_609, %mul3A_640 : i32
        %swap3A_642 = arith.index_cast %mul3A_641 : i32 to index
        %swap3A_643 = tpu.vector_load %arg13[%swap3A_642] {strides = array<i32>} : memref<5632xf32, #tpu.memory_space<vmem>>, vector<16xf32>,
        tpu.vector_store %arg13[%swap3A_642], %add3A_639 {strides = array<i32>} : memref<5632xf32, #tpu.memory_space<vmem>>, vector<16xf32>,
        %mul3A_644 = arith.constant 10 : i32
        %mul3A_645 = arith.muli %add3A_609, %mul3A_644 : i32
        %add3A_646 = arith.constant 0 : i32
        %add3A_647 = arith.addi %mul3A_645, %add3A_646 : i32
        %get3A_648 = arith.index_cast %add3A_647 : i32 to index
        %get3A_649 = arith.constant 0 : index
        %get3A_650 = tpu.vector_load %arg10[%get3A_648, %get3A_649] {strides = array<i32>} : memref<384x64xf32, #tpu.memory_space<vmem>>, vector<16xf32>,
        %mul3A_651 = arith.mulf %get3A_650, %get3A_611 : vector<16xf32>
        %get3A_652 = arith.index_cast %add3A_647 : i32 to index
        %get3A_653 = arith.constant 16 : index
        %get3A_654 = tpu.vector_load %arg10[%get3A_652, %get3A_653] {strides = array<i32>} : memref<384x64xf32, #tpu.memory_space<vmem>>, vector<16xf32>,
        %mul3A_655 = arith.mulf %get3A_654, %get3A_614 : vector<16xf32>
        %add3A_656 = arith.addf %mul3A_651, %mul3A_655 : vector<16xf32>
        %get3A_657 = arith.index_cast %add3A_647 : i32 to index
        %get3A_658 = arith.constant 32 : index
        %get3A_659 = tpu.vector_load %arg10[%get3A_657, %get3A_658] {strides = array<i32>} : memref<384x64xf32, #tpu.memory_space<vmem>>, vector<16xf32>,
        %mul3A_660 = arith.mulf %get3A_659, %get3A_617 : vector<16xf32>
        %add3A_661 = arith.addf %add3A_656, %mul3A_660 : vector<16xf32>
        %get3A_662 = arith.index_cast %add3A_647 : i32 to index
        %get3A_663 = arith.constant 48 : index
        %get3A_664 = tpu.vector_load %arg10[%get3A_662, %get3A_663] {strides = array<i32>} : memref<384x64xf32, #tpu.memory_space<vmem>>, vector<16xf32>,
        %mul3A_665 = arith.mulf %get3A_664, %get3A_620 : vector<16xf32>
        %add3A_666 = arith.addf %add3A_661, %mul3A_665 : vector<16xf32>
        %add3A_667 = arith.constant 32 : i32
        %add3A_668 = arith.addi %add3A_667, %add3A_609 : i32
        %mul3A_669 = arith.constant 16 : i32
        %mul3A_670 = arith.muli %add3A_668, %mul3A_669 : i32
        %swap3A_671 = arith.index_cast %mul3A_670 : i32 to index
        %swap3A_672 = tpu.vector_load %arg13[%swap3A_671] {strides = array<i32>} : memref<5632xf32, #tpu.memory_space<vmem>>, vector<16xf32>,
        tpu.vector_store %arg13[%swap3A_671], %add3A_666 {strides = array<i32>} : memref<5632xf32, #tpu.memory_space<vmem>>, vector<16xf32>,
        %mul3A_673 = arith.constant 10 : i32
        %mul3A_674 = arith.muli %add3A_609, %mul3A_673 : i32
        %add3A_675 = arith.constant 1 : i32
        %add3A_676 = arith.addi %mul3A_674, %add3A_675 : i32
        %get3A_677 = arith.index_cast %add3A_676 : i32 to index
        %get3A_678 = arith.constant 0 : index
        %get3A_679 = tpu.vector_load %arg10[%get3A_677, %get3A_678] {strides = array<i32>} : memref<384x64xf32, #tpu.memory_space<vmem>>, vector<16xf32>,
        %mul3A_680 = arith.mulf %get3A_679, %get3A_611 : vector<16xf32>
        %get3A_681 = arith.index_cast %add3A_676 : i32 to index
        %get3A_682 = arith.constant 16 : index
        %get3A_683 = tpu.vector_load %arg10[%get3A_681, %get3A_682] {strides = array<i32>} : memref<384x64xf32, #tpu.memory_space<vmem>>, vector<16xf32>,
        %mul3A_684 = arith.mulf %get3A_683, %get3A_614 : vector<16xf32>
        %add3A_685 = arith.addf %mul3A_680, %mul3A_684 : vector<16xf32>
        %get3A_686 = arith.index_cast %add3A_676 : i32 to index
        %get3A_687 = arith.constant 32 : index
        %get3A_688 = tpu.vector_load %arg10[%get3A_686, %get3A_687] {strides = array<i32>} : memref<384x64xf32, #tpu.memory_space<vmem>>, vector<16xf32>,
        %mul3A_689 = arith.mulf %get3A_688, %get3A_617 : vector<16xf32>
        %add3A_690 = arith.addf %add3A_685, %mul3A_689 : vector<16xf32>
        %get3A_691 = arith.index_cast %add3A_676 : i32 to index
        %get3A_692 = arith.constant 48 : index
        %get3A_693 = tpu.vector_load %arg10[%get3A_691, %get3A_692] {strides = array<i32>} : memref<384x64xf32, #tpu.memory_space<vmem>>, vector<16xf32>,
        %mul3A_694 = arith.mulf %get3A_693, %get3A_620 : vector<16xf32>
        %add3A_695 = arith.addf %add3A_690, %mul3A_694 : vector<16xf32>
        %add3A_696 = arith.constant 64 : i32
        %add3A_697 = arith.addi %add3A_696, %add3A_609 : i32
        %mul3A_698 = arith.constant 16 : i32
        %mul3A_699 = arith.muli %add3A_697, %mul3A_698 : i32
        %swap3A_700 = arith.index_cast %mul3A_699 : i32 to index
        %swap3A_701 = tpu.vector_load %arg13[%swap3A_700] {strides = array<i32>} : memref<5632xf32, #tpu.memory_space<vmem>>, vector<16xf32>,
        tpu.vector_store %arg13[%swap3A_700], %add3A_695 {strides = array<i32>} : memref<5632xf32, #tpu.memory_space<vmem>>, vector<16xf32>,
        %mul3A_702 = arith.constant 10 : i32
        %mul3A_703 = arith.muli %add3A_609, %mul3A_702 : i32
        %add3A_704 = arith.constant 2 : i32
        %add3A_705 = arith.addi %mul3A_703, %add3A_704 : i32
        %get3A_706 = arith.index_cast %add3A_705 : i32 to index
        %get3A_707 = arith.constant 0 : index
        %get3A_708 = tpu.vector_load %arg10[%get3A_706, %get3A_707] {strides = array<i32>} : memref<384x64xf32, #tpu.memory_space<vmem>>, vector<16xf32>,
        %mul3A_709 = arith.mulf %get3A_708, %get3A_611 : vector<16xf32>
        %get3A_710 = arith.index_cast %add3A_705 : i32 to index
        %get3A_711 = arith.constant 16 : index
        %get3A_712 = tpu.vector_load %arg10[%get3A_710, %get3A_711] {strides = array<i32>} : memref<384x64xf32, #tpu.memory_space<vmem>>, vector<16xf32>,
        %mul3A_713 = arith.mulf %get3A_712, %get3A_614 : vector<16xf32>
        %add3A_714 = arith.addf %mul3A_709, %mul3A_713 : vector<16xf32>
        %get3A_715 = arith.index_cast %add3A_705 : i32 to index
        %get3A_716 = arith.constant 32 : index
        %get3A_717 = tpu.vector_load %arg10[%get3A_715, %get3A_716] {strides = array<i32>} : memref<384x64xf32, #tpu.memory_space<vmem>>, vector<16xf32>,
        %mul3A_718 = arith.mulf %get3A_717, %get3A_617 : vector<16xf32>
        %add3A_719 = arith.addf %add3A_714, %mul3A_718 : vector<16xf32>
        %get3A_720 = arith.index_cast %add3A_705 : i32 to index
        %get3A_721 = arith.constant 48 : index
        %get3A_722 = tpu.vector_load %arg10[%get3A_720, %get3A_721] {strides = array<i32>} : memref<384x64xf32, #tpu.memory_space<vmem>>, vector<16xf32>,
        %mul3A_723 = arith.mulf %get3A_722, %get3A_620 : vector<16xf32>
        %add3A_724 = arith.addf %add3A_719, %mul3A_723 : vector<16xf32>
        %add3A_725 = arith.constant 96 : i32
        %add3A_726 = arith.addi %add3A_725, %add3A_609 : i32
        %mul3A_727 = arith.constant 16 : i32
        %mul3A_728 = arith.muli %add3A_726, %mul3A_727 : i32
        %swap3A_729 = arith.index_cast %mul3A_728 : i32 to index
        %swap3A_730 = tpu.vector_load %arg13[%swap3A_729] {strides = array<i32>} : memref<5632xf32, #tpu.memory_space<vmem>>, vector<16xf32>,
        tpu.vector_store %arg13[%swap3A_729], %add3A_724 {strides = array<i32>} : memref<5632xf32, #tpu.memory_space<vmem>>, vector<16xf32>,
        %mul3A_731 = arith.constant 10 : i32
        %mul3A_732 = arith.muli %add3A_609, %mul3A_731 : i32
        %add3A_733 = arith.constant 3 : i32
        %add3A_734 = arith.addi %mul3A_732, %add3A_733 : i32
        %get3A_735 = arith.index_cast %add3A_734 : i32 to index
        %get3A_736 = arith.constant 0 : index
        %get3A_737 = tpu.vector_load %arg10[%get3A_735, %get3A_736] {strides = array<i32>} : memref<384x64xf32, #tpu.memory_space<vmem>>, vector<16xf32>,
        %mul3A_738 = arith.mulf %get3A_737, %get3A_611 : vector<16xf32>
        %get3A_739 = arith.index_cast %add3A_734 : i32 to index
        %get3A_740 = arith.constant 16 : index
        %get3A_741 = tpu.vector_load %arg10[%get3A_739, %get3A_740] {strides = array<i32>} : memref<384x64xf32, #tpu.memory_space<vmem>>, vector<16xf32>,
        %mul3A_742 = arith.mulf %get3A_741, %get3A_614 : vector<16xf32>
        %add3A_743 = arith.addf %mul3A_738, %mul3A_742 : vector<16xf32>
        %get3A_744 = arith.index_cast %add3A_734 : i32 to index
        %get3A_745 = arith.constant 32 : index
        %get3A_746 = tpu.vector_load %arg10[%get3A_744, %get3A_745] {strides = array<i32>} : memref<384x64xf32, #tpu.memory_space<vmem>>, vector<16xf32>,
        %mul3A_747 = arith.mulf %get3A_746, %get3A_617 : vector<16xf32>
        %add3A_748 = arith.addf %add3A_743, %mul3A_747 : vector<16xf32>
        %get3A_749 = arith.index_cast %add3A_734 : i32 to index
        %get3A_750 = arith.constant 48 : index
        %get3A_751 = tpu.vector_load %arg10[%get3A_749, %get3A_750] {strides = array<i32>} : memref<384x64xf32, #tpu.memory_space<vmem>>, vector<16xf32>,
        %mul3A_752 = arith.mulf %get3A_751, %get3A_620 : vector<16xf32>
        %add3A_753 = arith.addf %add3A_748, %mul3A_752 : vector<16xf32>
        %add3A_754 = arith.constant 128 : i32
        %add3A_755 = arith.addi %add3A_754, %add3A_609 : i32
        %mul3A_756 = arith.constant 16 : i32
        %mul3A_757 = arith.muli %add3A_755, %mul3A_756 : i32
        %swap3A_758 = arith.index_cast %mul3A_757 : i32 to index
        %swap3A_759 = tpu.vector_load %arg13[%swap3A_758] {strides = array<i32>} : memref<5632xf32, #tpu.memory_space<vmem>>, vector<16xf32>,
        tpu.vector_store %arg13[%swap3A_758], %add3A_753 {strides = array<i32>} : memref<5632xf32, #tpu.memory_space<vmem>>, vector<16xf32>,
        %mul3A_760 = arith.constant 10 : i32
        %mul3A_761 = arith.muli %add3A_609, %mul3A_760 : i32
        %add3A_762 = arith.constant 4 : i32
        %add3A_763 = arith.addi %mul3A_761, %add3A_762 : i32
        %get3A_764 = arith.index_cast %add3A_763 : i32 to index
        %get3A_765 = arith.constant 0 : index
        %get3A_766 = tpu.vector_load %arg10[%get3A_764, %get3A_765] {strides = array<i32>} : memref<384x64xf32, #tpu.memory_space<vmem>>, vector<16xf32>,
        %mul3A_767 = arith.mulf %get3A_766, %get3A_611 : vector<16xf32>
        %get3A_768 = arith.index_cast %add3A_763 : i32 to index
        %get3A_769 = arith.constant 16 : index
        %get3A_770 = tpu.vector_load %arg10[%get3A_768, %get3A_769] {strides = array<i32>} : memref<384x64xf32, #tpu.memory_space<vmem>>, vector<16xf32>,
        %mul3A_771 = arith.mulf %get3A_770, %get3A_614 : vector<16xf32>
        %add3A_772 = arith.addf %mul3A_767, %mul3A_771 : vector<16xf32>
        %get3A_773 = arith.index_cast %add3A_763 : i32 to index
        %get3A_774 = arith.constant 32 : index
        %get3A_775 = tpu.vector_load %arg10[%get3A_773, %get3A_774] {strides = array<i32>} : memref<384x64xf32, #tpu.memory_space<vmem>>, vector<16xf32>,
        %mul3A_776 = arith.mulf %get3A_775, %get3A_617 : vector<16xf32>
        %add3A_777 = arith.addf %add3A_772, %mul3A_776 : vector<16xf32>
        %get3A_778 = arith.index_cast %add3A_763 : i32 to index
        %get3A_779 = arith.constant 48 : index
        %get3A_780 = tpu.vector_load %arg10[%get3A_778, %get3A_779] {strides = array<i32>} : memref<384x64xf32, #tpu.memory_space<vmem>>, vector<16xf32>,
        %mul3A_781 = arith.mulf %get3A_780, %get3A_620 : vector<16xf32>
        %add3A_782 = arith.addf %add3A_777, %mul3A_781 : vector<16xf32>
        %add3A_783 = arith.constant 160 : i32
        %add3A_784 = arith.addi %add3A_783, %add3A_609 : i32
        %mul3A_785 = arith.constant 16 : i32
        %mul3A_786 = arith.muli %add3A_784, %mul3A_785 : i32
        %swap3A_787 = arith.index_cast %mul3A_786 : i32 to index
        %swap3A_788 = tpu.vector_load %arg13[%swap3A_787] {strides = array<i32>} : memref<5632xf32, #tpu.memory_space<vmem>>, vector<16xf32>,
        tpu.vector_store %arg13[%swap3A_787], %add3A_782 {strides = array<i32>} : memref<5632xf32, #tpu.memory_space<vmem>>, vector<16xf32>,
        %mul3A_789 = arith.constant 10 : i32
        %mul3A_790 = arith.muli %add3A_609, %mul3A_789 : i32
        %add3A_791 = arith.constant 5 : i32
        %add3A_792 = arith.addi %mul3A_790, %add3A_791 : i32
        %get3A_793 = arith.index_cast %add3A_792 : i32 to index
        %get3A_794 = arith.constant 0 : index
        %get3A_795 = tpu.vector_load %arg10[%get3A_793, %get3A_794] {strides = array<i32>} : memref<384x64xf32, #tpu.memory_space<vmem>>, vector<16xf32>,
        %mul3A_796 = arith.mulf %get3A_795, %get3A_611 : vector<16xf32>
        %get3A_797 = arith.index_cast %add3A_792 : i32 to index
        %get3A_798 = arith.constant 16 : index
        %get3A_799 = tpu.vector_load %arg10[%get3A_797, %get3A_798] {strides = array<i32>} : memref<384x64xf32, #tpu.memory_space<vmem>>, vector<16xf32>,
        %mul3A_800 = arith.mulf %get3A_799, %get3A_614 : vector<16xf32>
        %add3A_801 = arith.addf %mul3A_796, %mul3A_800 : vector<16xf32>
        %get3A_802 = arith.index_cast %add3A_792 : i32 to index
        %get3A_803 = arith.constant 32 : index
        %get3A_804 = tpu.vector_load %arg10[%get3A_802, %get3A_803] {strides = array<i32>} : memref<384x64xf32, #tpu.memory_space<vmem>>, vector<16xf32>,
        %mul3A_805 = arith.mulf %get3A_804, %get3A_617 : vector<16xf32>
        %add3A_806 = arith.addf %add3A_801, %mul3A_805 : vector<16xf32>
        %get3A_807 = arith.index_cast %add3A_792 : i32 to index
        %get3A_808 = arith.constant 48 : index
        %get3A_809 = tpu.vector_load %arg10[%get3A_807, %get3A_808] {strides = array<i32>} : memref<384x64xf32, #tpu.memory_space<vmem>>, vector<16xf32>,
        %mul3A_810 = arith.mulf %get3A_809, %get3A_620 : vector<16xf32>
        %add3A_811 = arith.addf %add3A_806, %mul3A_810 : vector<16xf32>
        %add3A_812 = arith.constant 192 : i32
        %add3A_813 = arith.addi %add3A_812, %add3A_609 : i32
        %mul3A_814 = arith.constant 16 : i32
        %mul3A_815 = arith.muli %add3A_813, %mul3A_814 : i32
        %swap3A_816 = arith.index_cast %mul3A_815 : i32 to index
        %swap3A_817 = tpu.vector_load %arg13[%swap3A_816] {strides = array<i32>} : memref<5632xf32, #tpu.memory_space<vmem>>, vector<16xf32>,
        tpu.vector_store %arg13[%swap3A_816], %add3A_811 {strides = array<i32>} : memref<5632xf32, #tpu.memory_space<vmem>>, vector<16xf32>,
        %mul3A_818 = arith.constant 10 : i32
        %mul3A_819 = arith.muli %add3A_609, %mul3A_818 : i32
        %add3A_820 = arith.constant 6 : i32
        %add3A_821 = arith.addi %mul3A_819, %add3A_820 : i32
        %get3A_822 = arith.index_cast %add3A_821 : i32 to index
        %get3A_823 = arith.constant 0 : index
        %get3A_824 = tpu.vector_load %arg10[%get3A_822, %get3A_823] {strides = array<i32>} : memref<384x64xf32, #tpu.memory_space<vmem>>, vector<16xf32>,
        %mul3A_825 = arith.mulf %get3A_824, %get3A_611 : vector<16xf32>
        %get3A_826 = arith.index_cast %add3A_821 : i32 to index
        %get3A_827 = arith.constant 16 : index
        %get3A_828 = tpu.vector_load %arg10[%get3A_826, %get3A_827] {strides = array<i32>} : memref<384x64xf32, #tpu.memory_space<vmem>>, vector<16xf32>,
        %mul3A_829 = arith.mulf %get3A_828, %get3A_614 : vector<16xf32>
        %add3A_830 = arith.addf %mul3A_825, %mul3A_829 : vector<16xf32>
        %get3A_831 = arith.index_cast %add3A_821 : i32 to index
        %get3A_832 = arith.constant 32 : index
        %get3A_833 = tpu.vector_load %arg10[%get3A_831, %get3A_832] {strides = array<i32>} : memref<384x64xf32, #tpu.memory_space<vmem>>, vector<16xf32>,
        %mul3A_834 = arith.mulf %get3A_833, %get3A_617 : vector<16xf32>
        %add3A_835 = arith.addf %add3A_830, %mul3A_834 : vector<16xf32>
        %get3A_836 = arith.index_cast %add3A_821 : i32 to index
        %get3A_837 = arith.constant 48 : index
        %get3A_838 = tpu.vector_load %arg10[%get3A_836, %get3A_837] {strides = array<i32>} : memref<384x64xf32, #tpu.memory_space<vmem>>, vector<16xf32>,
        %mul3A_839 = arith.mulf %get3A_838, %get3A_620 : vector<16xf32>
        %add3A_840 = arith.addf %add3A_835, %mul3A_839 : vector<16xf32>
        %add3A_841 = arith.constant 224 : i32
        %add3A_842 = arith.addi %add3A_841, %add3A_609 : i32
        %mul3A_843 = arith.constant 16 : i32
        %mul3A_844 = arith.muli %add3A_842, %mul3A_843 : i32
        %swap3A_845 = arith.index_cast %mul3A_844 : i32 to index
        %swap3A_846 = tpu.vector_load %arg13[%swap3A_845] {strides = array<i32>} : memref<5632xf32, #tpu.memory_space<vmem>>, vector<16xf32>,
        tpu.vector_store %arg13[%swap3A_845], %add3A_840 {strides = array<i32>} : memref<5632xf32, #tpu.memory_space<vmem>>, vector<16xf32>,
        %mul3A_847 = arith.constant 10 : i32
        %mul3A_848 = arith.muli %add3A_609, %mul3A_847 : i32
        %add3A_849 = arith.constant 7 : i32
        %add3A_850 = arith.addi %mul3A_848, %add3A_849 : i32
        %get3A_851 = arith.index_cast %add3A_850 : i32 to index
        %get3A_852 = arith.constant 0 : index
        %get3A_853 = tpu.vector_load %arg10[%get3A_851, %get3A_852] {strides = array<i32>} : memref<384x64xf32, #tpu.memory_space<vmem>>, vector<16xf32>,
        %mul3A_854 = arith.mulf %get3A_853, %get3A_611 : vector<16xf32>
        %get3A_855 = arith.index_cast %add3A_850 : i32 to index
        %get3A_856 = arith.constant 16 : index
        %get3A_857 = tpu.vector_load %arg10[%get3A_855, %get3A_856] {strides = array<i32>} : memref<384x64xf32, #tpu.memory_space<vmem>>, vector<16xf32>,
        %mul3A_858 = arith.mulf %get3A_857, %get3A_614 : vector<16xf32>
        %add3A_859 = arith.addf %mul3A_854, %mul3A_858 : vector<16xf32>
        %get3A_860 = arith.index_cast %add3A_850 : i32 to index
        %get3A_861 = arith.constant 32 : index
        %get3A_862 = tpu.vector_load %arg10[%get3A_860, %get3A_861] {strides = array<i32>} : memref<384x64xf32, #tpu.memory_space<vmem>>, vector<16xf32>,
        %mul3A_863 = arith.mulf %get3A_862, %get3A_617 : vector<16xf32>
        %add3A_864 = arith.addf %add3A_859, %mul3A_863 : vector<16xf32>
        %get3A_865 = arith.index_cast %add3A_850 : i32 to index
        %get3A_866 = arith.constant 48 : index
        %get3A_867 = tpu.vector_load %arg10[%get3A_865, %get3A_866] {strides = array<i32>} : memref<384x64xf32, #tpu.memory_space<vmem>>, vector<16xf32>,
        %mul3A_868 = arith.mulf %get3A_867, %get3A_620 : vector<16xf32>
        %add3A_869 = arith.addf %add3A_864, %mul3A_868 : vector<16xf32>
        %add3A_870 = arith.constant 256 : i32
        %add3A_871 = arith.addi %add3A_870, %add3A_609 : i32
        %mul3A_872 = arith.constant 16 : i32
        %mul3A_873 = arith.muli %add3A_871, %mul3A_872 : i32
        %swap3A_874 = arith.index_cast %mul3A_873 : i32 to index
        %swap3A_875 = tpu.vector_load %arg13[%swap3A_874] {strides = array<i32>} : memref<5632xf32, #tpu.memory_space<vmem>>, vector<16xf32>,
        tpu.vector_store %arg13[%swap3A_874], %add3A_869 {strides = array<i32>} : memref<5632xf32, #tpu.memory_space<vmem>>, vector<16xf32>,
        %mul3A_876 = arith.constant 10 : i32
        %mul3A_877 = arith.muli %add3A_609, %mul3A_876 : i32
        %add3A_878 = arith.constant 8 : i32
        %add3A_879 = arith.addi %mul3A_877, %add3A_878 : i32
        %get3A_880 = arith.index_cast %add3A_879 : i32 to index
        %get3A_881 = arith.constant 0 : index
        %get3A_882 = tpu.vector_load %arg10[%get3A_880, %get3A_881] {strides = array<i32>} : memref<384x64xf32, #tpu.memory_space<vmem>>, vector<16xf32>,
        %mul3A_883 = arith.mulf %get3A_882, %get3A_611 : vector<16xf32>
        %get3A_884 = arith.index_cast %add3A_879 : i32 to index
        %get3A_885 = arith.constant 16 : index
        %get3A_886 = tpu.vector_load %arg10[%get3A_884, %get3A_885] {strides = array<i32>} : memref<384x64xf32, #tpu.memory_space<vmem>>, vector<16xf32>,
        %mul3A_887 = arith.mulf %get3A_886, %get3A_614 : vector<16xf32>
        %add3A_888 = arith.addf %mul3A_883, %mul3A_887 : vector<16xf32>
        %get3A_889 = arith.index_cast %add3A_879 : i32 to index
        %get3A_890 = arith.constant 32 : index
        %get3A_891 = tpu.vector_load %arg10[%get3A_889, %get3A_890] {strides = array<i32>} : memref<384x64xf32, #tpu.memory_space<vmem>>, vector<16xf32>,
        %mul3A_892 = arith.mulf %get3A_891, %get3A_617 : vector<16xf32>
        %add3A_893 = arith.addf %add3A_888, %mul3A_892 : vector<16xf32>
        %get3A_894 = arith.index_cast %add3A_879 : i32 to index
        %get3A_895 = arith.constant 48 : index
        %get3A_896 = tpu.vector_load %arg10[%get3A_894, %get3A_895] {strides = array<i32>} : memref<384x64xf32, #tpu.memory_space<vmem>>, vector<16xf32>,
        %mul3A_897 = arith.mulf %get3A_896, %get3A_620 : vector<16xf32>
        %add3A_898 = arith.addf %add3A_893, %mul3A_897 : vector<16xf32>
        %add3A_899 = arith.constant 288 : i32
        %add3A_900 = arith.addi %add3A_899, %add3A_609 : i32
        %mul3A_901 = arith.constant 16 : i32
        %mul3A_902 = arith.muli %add3A_900, %mul3A_901 : i32
        %swap3A_903 = arith.index_cast %mul3A_902 : i32 to index
        %swap3A_904 = tpu.vector_load %arg13[%swap3A_903] {strides = array<i32>} : memref<5632xf32, #tpu.memory_space<vmem>>, vector<16xf32>,
        tpu.vector_store %arg13[%swap3A_903], %add3A_898 {strides = array<i32>} : memref<5632xf32, #tpu.memory_space<vmem>>, vector<16xf32>,
        %mul3A_905 = arith.constant 10 : i32
        %mul3A_906 = arith.muli %add3A_609, %mul3A_905 : i32
        %add3A_907 = arith.constant 9 : i32
        %add3A_908 = arith.addi %mul3A_906, %add3A_907 : i32
        %get3A_909 = arith.index_cast %add3A_908 : i32 to index
        %get3A_910 = arith.constant 0 : index
        %get3A_911 = tpu.vector_load %arg10[%get3A_909, %get3A_910] {strides = array<i32>} : memref<384x64xf32, #tpu.memory_space<vmem>>, vector<16xf32>,
        %mul3A_912 = arith.mulf %get3A_911, %get3A_611 : vector<16xf32>
        %get3A_913 = arith.index_cast %add3A_908 : i32 to index
        %get3A_914 = arith.constant 16 : index
        %get3A_915 = tpu.vector_load %arg10[%get3A_913, %get3A_914] {strides = array<i32>} : memref<384x64xf32, #tpu.memory_space<vmem>>, vector<16xf32>,
        %mul3A_916 = arith.mulf %get3A_915, %get3A_614 : vector<16xf32>
        %add3A_917 = arith.addf %mul3A_912, %mul3A_916 : vector<16xf32>
        %get3A_918 = arith.index_cast %add3A_908 : i32 to index
        %get3A_919 = arith.constant 32 : index
        %get3A_920 = tpu.vector_load %arg10[%get3A_918, %get3A_919] {strides = array<i32>} : memref<384x64xf32, #tpu.memory_space<vmem>>, vector<16xf32>,
        %mul3A_921 = arith.mulf %get3A_920, %get3A_617 : vector<16xf32>
        %add3A_922 = arith.addf %add3A_917, %mul3A_921 : vector<16xf32>
        %get3A_923 = arith.index_cast %add3A_908 : i32 to index
        %get3A_924 = arith.constant 48 : index
        %get3A_925 = tpu.vector_load %arg10[%get3A_923, %get3A_924] {strides = array<i32>} : memref<384x64xf32, #tpu.memory_space<vmem>>, vector<16xf32>,
        %mul3A_926 = arith.mulf %get3A_925, %get3A_620 : vector<16xf32>
        %add3A_927 = arith.addf %add3A_922, %mul3A_926 : vector<16xf32>
        %add3A_928 = arith.constant 320 : i32
        %add3A_929 = arith.addi %add3A_928, %add3A_609 : i32
        %mul3A_930 = arith.constant 16 : i32
        %mul3A_931 = arith.muli %add3A_929, %mul3A_930 : i32
        %swap3A_932 = arith.index_cast %mul3A_931 : i32 to index
        %swap3A_933 = tpu.vector_load %arg13[%swap3A_932] {strides = array<i32>} : memref<5632xf32, #tpu.memory_space<vmem>>, vector<16xf32>,
        tpu.vector_store %arg13[%swap3A_932], %add3A_927 {strides = array<i32>} : memref<5632xf32, #tpu.memory_space<vmem>>, vector<16xf32>,
        %mul3A_934 = arith.constant 2 : i32
        %mul3A_935 = arith.muli %scan3A_604, %mul3A_934 : i32
        %add3A_936 = arith.constant 1 : i32
        %add3A_937 = arith.addi %mul3A_935, %add3A_936 : i32
        %get3A_938 = arith.index_cast %add3A_937 : i32 to index
        %get3A_939 = arith.constant 0 : index
        %get3A_940 = tpu.vector_load %arg12[%get3A_938, %get3A_939] {strides = array<i32>} : memref<32x64xf32, #tpu.memory_space<vmem>>, vector<16xf32>,
        %get3A_941 = arith.index_cast %add3A_937 : i32 to index
        %get3A_942 = arith.constant 16 : index
        %get3A_943 = tpu.vector_load %arg12[%get3A_941, %get3A_942] {strides = array<i32>} : memref<32x64xf32, #tpu.memory_space<vmem>>, vector<16xf32>,
        %get3A_944 = arith.index_cast %add3A_937 : i32 to index
        %get3A_945 = arith.constant 32 : index
        %get3A_946 = tpu.vector_load %arg12[%get3A_944, %get3A_945] {strides = array<i32>} : memref<32x64xf32, #tpu.memory_space<vmem>>, vector<16xf32>,
        %get3A_947 = arith.index_cast %add3A_937 : i32 to index
        %get3A_948 = arith.constant 48 : index
        %get3A_949 = tpu.vector_load %arg12[%get3A_947, %get3A_948] {strides = array<i32>} : memref<32x64xf32, #tpu.memory_space<vmem>>, vector<16xf32>,
        %get3A_950 = arith.index_cast %add3A_937 : i32 to index
        %get3A_951 = arith.constant 0 : index
        %get3A_952 = tpu.vector_load %arg11[%get3A_950, %get3A_951] {strides = array<i32>} : memref<128x64xf32, #tpu.memory_space<vmem>>, vector<16xf32>,
        %mul3A_953 = arith.mulf %get3A_952, %get3A_940 : vector<16xf32>
        %get3A_954 = arith.index_cast %add3A_937 : i32 to index
        %get3A_955 = arith.constant 16 : index
        %get3A_956 = tpu.vector_load %arg11[%get3A_954, %get3A_955] {strides = array<i32>} : memref<128x64xf32, #tpu.memory_space<vmem>>, vector<16xf32>,
        %mul3A_957 = arith.mulf %get3A_956, %get3A_943 : vector<16xf32>
        %add3A_958 = arith.addf %mul3A_953, %mul3A_957 : vector<16xf32>
        %get3A_959 = arith.index_cast %add3A_937 : i32 to index
        %get3A_960 = arith.constant 32 : index
        %get3A_961 = tpu.vector_load %arg11[%get3A_959, %get3A_960] {strides = array<i32>} : memref<128x64xf32, #tpu.memory_space<vmem>>, vector<16xf32>,
        %mul3A_962 = arith.mulf %get3A_961, %get3A_946 : vector<16xf32>
        %add3A_963 = arith.addf %add3A_958, %mul3A_962 : vector<16xf32>
        %get3A_964 = arith.index_cast %add3A_937 : i32 to index
        %get3A_965 = arith.constant 48 : index
        %get3A_966 = tpu.vector_load %arg11[%get3A_964, %get3A_965] {strides = array<i32>} : memref<128x64xf32, #tpu.memory_space<vmem>>, vector<16xf32>,
        %mul3A_967 = arith.mulf %get3A_966, %get3A_949 : vector<16xf32>
        %add3A_968 = arith.addf %add3A_963, %mul3A_967 : vector<16xf32>
        %mul3A_969 = arith.constant 16 : i32
        %mul3A_970 = arith.muli %add3A_937, %mul3A_969 : i32
        %swap3A_971 = arith.index_cast %mul3A_970 : i32 to index
        %swap3A_972 = tpu.vector_load %arg13[%swap3A_971] {strides = array<i32>} : memref<5632xf32, #tpu.memory_space<vmem>>, vector<16xf32>,
        tpu.vector_store %arg13[%swap3A_971], %add3A_968 {strides = array<i32>} : memref<5632xf32, #tpu.memory_space<vmem>>, vector<16xf32>,
        %mul3A_973 = arith.constant 10 : i32
        %mul3A_974 = arith.muli %add3A_937, %mul3A_973 : i32
        %add3A_975 = arith.constant 0 : i32
        %add3A_976 = arith.addi %mul3A_974, %add3A_975 : i32
        %get3A_977 = arith.index_cast %add3A_976 : i32 to index
        %get3A_978 = arith.constant 0 : index
        %get3A_979 = tpu.vector_load %arg10[%get3A_977, %get3A_978] {strides = array<i32>} : memref<384x64xf32, #tpu.memory_space<vmem>>, vector<16xf32>,
        %mul3A_980 = arith.mulf %get3A_979, %get3A_940 : vector<16xf32>
        %get3A_981 = arith.index_cast %add3A_976 : i32 to index
        %get3A_982 = arith.constant 16 : index
        %get3A_983 = tpu.vector_load %arg10[%get3A_981, %get3A_982] {strides = array<i32>} : memref<384x64xf32, #tpu.memory_space<vmem>>, vector<16xf32>,
        %mul3A_984 = arith.mulf %get3A_983, %get3A_943 : vector<16xf32>
        %add3A_985 = arith.addf %mul3A_980, %mul3A_984 : vector<16xf32>
        %get3A_986 = arith.index_cast %add3A_976 : i32 to index
        %get3A_987 = arith.constant 32 : index
        %get3A_988 = tpu.vector_load %arg10[%get3A_986, %get3A_987] {strides = array<i32>} : memref<384x64xf32, #tpu.memory_space<vmem>>, vector<16xf32>,
        %mul3A_989 = arith.mulf %get3A_988, %get3A_946 : vector<16xf32>
        %add3A_990 = arith.addf %add3A_985, %mul3A_989 : vector<16xf32>
        %get3A_991 = arith.index_cast %add3A_976 : i32 to index
        %get3A_992 = arith.constant 48 : index
        %get3A_993 = tpu.vector_load %arg10[%get3A_991, %get3A_992] {strides = array<i32>} : memref<384x64xf32, #tpu.memory_space<vmem>>, vector<16xf32>,
        %mul3A_994 = arith.mulf %get3A_993, %get3A_949 : vector<16xf32>
        %add3A_995 = arith.addf %add3A_990, %mul3A_994 : vector<16xf32>
        %add3A_996 = arith.constant 32 : i32
        %add3A_997 = arith.addi %add3A_996, %add3A_937 : i32
        %mul3A_998 = arith.constant 16 : i32
        %mul3A_999 = arith.muli %add3A_997, %mul3A_998 : i32
        %swap3A_1000 = arith.index_cast %mul3A_999 : i32 to index
        %swap3A_1001 = tpu.vector_load %arg13[%swap3A_1000] {strides = array<i32>} : memref<5632xf32, #tpu.memory_space<vmem>>, vector<16xf32>,
        tpu.vector_store %arg13[%swap3A_1000], %add3A_995 {strides = array<i32>} : memref<5632xf32, #tpu.memory_space<vmem>>, vector<16xf32>,
        %mul3A_1002 = arith.constant 10 : i32
        %mul3A_1003 = arith.muli %add3A_937, %mul3A_1002 : i32
        %add3A_1004 = arith.constant 1 : i32
        %add3A_1005 = arith.addi %mul3A_1003, %add3A_1004 : i32
        %get3A_1006 = arith.index_cast %add3A_1005 : i32 to index
        %get3A_1007 = arith.constant 0 : index
        %get3A_1008 = tpu.vector_load %arg10[%get3A_1006, %get3A_1007] {strides = array<i32>} : memref<384x64xf32, #tpu.memory_space<vmem>>, vector<16xf32>,
        %mul3A_1009 = arith.mulf %get3A_1008, %get3A_940 : vector<16xf32>
        %get3A_1010 = arith.index_cast %add3A_1005 : i32 to index
        %get3A_1011 = arith.constant 16 : index
        %get3A_1012 = tpu.vector_load %arg10[%get3A_1010, %get3A_1011] {strides = array<i32>} : memref<384x64xf32, #tpu.memory_space<vmem>>, vector<16xf32>,
        %mul3A_1013 = arith.mulf %get3A_1012, %get3A_943 : vector<16xf32>
        %add3A_1014 = arith.addf %mul3A_1009, %mul3A_1013 : vector<16xf32>
        %get3A_1015 = arith.index_cast %add3A_1005 : i32 to index
        %get3A_1016 = arith.constant 32 : index
        %get3A_1017 = tpu.vector_load %arg10[%get3A_1015, %get3A_1016] {strides = array<i32>} : memref<384x64xf32, #tpu.memory_space<vmem>>, vector<16xf32>,
        %mul3A_1018 = arith.mulf %get3A_1017, %get3A_946 : vector<16xf32>
        %add3A_1019 = arith.addf %add3A_1014, %mul3A_1018 : vector<16xf32>
        %get3A_1020 = arith.index_cast %add3A_1005 : i32 to index
        %get3A_1021 = arith.constant 48 : index
        %get3A_1022 = tpu.vector_load %arg10[%get3A_1020, %get3A_1021] {strides = array<i32>} : memref<384x64xf32, #tpu.memory_space<vmem>>, vector<16xf32>,
        %mul3A_1023 = arith.mulf %get3A_1022, %get3A_949 : vector<16xf32>
        %add3A_1024 = arith.addf %add3A_1019, %mul3A_1023 : vector<16xf32>
        %add3A_1025 = arith.constant 64 : i32
        %add3A_1026 = arith.addi %add3A_1025, %add3A_937 : i32
        %mul3A_1027 = arith.constant 16 : i32
        %mul3A_1028 = arith.muli %add3A_1026, %mul3A_1027 : i32
        %swap3A_1029 = arith.index_cast %mul3A_1028 : i32 to index
        %swap3A_1030 = tpu.vector_load %arg13[%swap3A_1029] {strides = array<i32>} : memref<5632xf32, #tpu.memory_space<vmem>>, vector<16xf32>,
        tpu.vector_store %arg13[%swap3A_1029], %add3A_1024 {strides = array<i32>} : memref<5632xf32, #tpu.memory_space<vmem>>, vector<16xf32>,
        %mul3A_1031 = arith.constant 10 : i32
        %mul3A_1032 = arith.muli %add3A_937, %mul3A_1031 : i32
        %add3A_1033 = arith.constant 2 : i32
        %add3A_1034 = arith.addi %mul3A_1032, %add3A_1033 : i32
        %get3A_1035 = arith.index_cast %add3A_1034 : i32 to index
        %get3A_1036 = arith.constant 0 : index
        %get3A_1037 = tpu.vector_load %arg10[%get3A_1035, %get3A_1036] {strides = array<i32>} : memref<384x64xf32, #tpu.memory_space<vmem>>, vector<16xf32>,
        %mul3A_1038 = arith.mulf %get3A_1037, %get3A_940 : vector<16xf32>
        %get3A_1039 = arith.index_cast %add3A_1034 : i32 to index
        %get3A_1040 = arith.constant 16 : index
        %get3A_1041 = tpu.vector_load %arg10[%get3A_1039, %get3A_1040] {strides = array<i32>} : memref<384x64xf32, #tpu.memory_space<vmem>>, vector<16xf32>,
        %mul3A_1042 = arith.mulf %get3A_1041, %get3A_943 : vector<16xf32>
        %add3A_1043 = arith.addf %mul3A_1038, %mul3A_1042 : vector<16xf32>
        %get3A_1044 = arith.index_cast %add3A_1034 : i32 to index
        %get3A_1045 = arith.constant 32 : index
        %get3A_1046 = tpu.vector_load %arg10[%get3A_1044, %get3A_1045] {strides = array<i32>} : memref<384x64xf32, #tpu.memory_space<vmem>>, vector<16xf32>,
        %mul3A_1047 = arith.mulf %get3A_1046, %get3A_946 : vector<16xf32>
        %add3A_1048 = arith.addf %add3A_1043, %mul3A_1047 : vector<16xf32>
        %get3A_1049 = arith.index_cast %add3A_1034 : i32 to index
        %get3A_1050 = arith.constant 48 : index
        %get3A_1051 = tpu.vector_load %arg10[%get3A_1049, %get3A_1050] {strides = array<i32>} : memref<384x64xf32, #tpu.memory_space<vmem>>, vector<16xf32>,
        %mul3A_1052 = arith.mulf %get3A_1051, %get3A_949 : vector<16xf32>
        %add3A_1053 = arith.addf %add3A_1048, %mul3A_1052 : vector<16xf32>
        %add3A_1054 = arith.constant 96 : i32
        %add3A_1055 = arith.addi %add3A_1054, %add3A_937 : i32
        %mul3A_1056 = arith.constant 16 : i32
        %mul3A_1057 = arith.muli %add3A_1055, %mul3A_1056 : i32
        %swap3A_1058 = arith.index_cast %mul3A_1057 : i32 to index
        %swap3A_1059 = tpu.vector_load %arg13[%swap3A_1058] {strides = array<i32>} : memref<5632xf32, #tpu.memory_space<vmem>>, vector<16xf32>,
        tpu.vector_store %arg13[%swap3A_1058], %add3A_1053 {strides = array<i32>} : memref<5632xf32, #tpu.memory_space<vmem>>, vector<16xf32>,
        %mul3A_1060 = arith.constant 10 : i32
        %mul3A_1061 = arith.muli %add3A_937, %mul3A_1060 : i32
        %add3A_1062 = arith.constant 3 : i32
        %add3A_1063 = arith.addi %mul3A_1061, %add3A_1062 : i32
        %get3A_1064 = arith.index_cast %add3A_1063 : i32 to index
        %get3A_1065 = arith.constant 0 : index
        %get3A_1066 = tpu.vector_load %arg10[%get3A_1064, %get3A_1065] {strides = array<i32>} : memref<384x64xf32, #tpu.memory_space<vmem>>, vector<16xf32>,
        %mul3A_1067 = arith.mulf %get3A_1066, %get3A_940 : vector<16xf32>
        %get3A_1068 = arith.index_cast %add3A_1063 : i32 to index
        %get3A_1069 = arith.constant 16 : index
        %get3A_1070 = tpu.vector_load %arg10[%get3A_1068, %get3A_1069] {strides = array<i32>} : memref<384x64xf32, #tpu.memory_space<vmem>>, vector<16xf32>,
        %mul3A_1071 = arith.mulf %get3A_1070, %get3A_943 : vector<16xf32>
        %add3A_1072 = arith.addf %mul3A_1067, %mul3A_1071 : vector<16xf32>
        %get3A_1073 = arith.index_cast %add3A_1063 : i32 to index
        %get3A_1074 = arith.constant 32 : index
        %get3A_1075 = tpu.vector_load %arg10[%get3A_1073, %get3A_1074] {strides = array<i32>} : memref<384x64xf32, #tpu.memory_space<vmem>>, vector<16xf32>,
        %mul3A_1076 = arith.mulf %get3A_1075, %get3A_946 : vector<16xf32>
        %add3A_1077 = arith.addf %add3A_1072, %mul3A_1076 : vector<16xf32>
        %get3A_1078 = arith.index_cast %add3A_1063 : i32 to index
        %get3A_1079 = arith.constant 48 : index
        %get3A_1080 = tpu.vector_load %arg10[%get3A_1078, %get3A_1079] {strides = array<i32>} : memref<384x64xf32, #tpu.memory_space<vmem>>, vector<16xf32>,
        %mul3A_1081 = arith.mulf %get3A_1080, %get3A_949 : vector<16xf32>
        %add3A_1082 = arith.addf %add3A_1077, %mul3A_1081 : vector<16xf32>
        %add3A_1083 = arith.constant 128 : i32
        %add3A_1084 = arith.addi %add3A_1083, %add3A_937 : i32
        %mul3A_1085 = arith.constant 16 : i32
        %mul3A_1086 = arith.muli %add3A_1084, %mul3A_1085 : i32
        %swap3A_1087 = arith.index_cast %mul3A_1086 : i32 to index
        %swap3A_1088 = tpu.vector_load %arg13[%swap3A_1087] {strides = array<i32>} : memref<5632xf32, #tpu.memory_space<vmem>>, vector<16xf32>,
        tpu.vector_store %arg13[%swap3A_1087], %add3A_1082 {strides = array<i32>} : memref<5632xf32, #tpu.memory_space<vmem>>, vector<16xf32>,
        %mul3A_1089 = arith.constant 10 : i32
        %mul3A_1090 = arith.muli %add3A_937, %mul3A_1089 : i32
        %add3A_1091 = arith.constant 4 : i32
        %add3A_1092 = arith.addi %mul3A_1090, %add3A_1091 : i32
        %get3A_1093 = arith.index_cast %add3A_1092 : i32 to index
        %get3A_1094 = arith.constant 0 : index
        %get3A_1095 = tpu.vector_load %arg10[%get3A_1093, %get3A_1094] {strides = array<i32>} : memref<384x64xf32, #tpu.memory_space<vmem>>, vector<16xf32>,
        %mul3A_1096 = arith.mulf %get3A_1095, %get3A_940 : vector<16xf32>
        %get3A_1097 = arith.index_cast %add3A_1092 : i32 to index
        %get3A_1098 = arith.constant 16 : index
        %get3A_1099 = tpu.vector_load %arg10[%get3A_1097, %get3A_1098] {strides = array<i32>} : memref<384x64xf32, #tpu.memory_space<vmem>>, vector<16xf32>,
        %mul3A_1100 = arith.mulf %get3A_1099, %get3A_943 : vector<16xf32>
        %add3A_1101 = arith.addf %mul3A_1096, %mul3A_1100 : vector<16xf32>
        %get3A_1102 = arith.index_cast %add3A_1092 : i32 to index
        %get3A_1103 = arith.constant 32 : index
        %get3A_1104 = tpu.vector_load %arg10[%get3A_1102, %get3A_1103] {strides = array<i32>} : memref<384x64xf32, #tpu.memory_space<vmem>>, vector<16xf32>,
        %mul3A_1105 = arith.mulf %get3A_1104, %get3A_946 : vector<16xf32>
        %add3A_1106 = arith.addf %add3A_1101, %mul3A_1105 : vector<16xf32>
        %get3A_1107 = arith.index_cast %add3A_1092 : i32 to index
        %get3A_1108 = arith.constant 48 : index
        %get3A_1109 = tpu.vector_load %arg10[%get3A_1107, %get3A_1108] {strides = array<i32>} : memref<384x64xf32, #tpu.memory_space<vmem>>, vector<16xf32>,
        %mul3A_1110 = arith.mulf %get3A_1109, %get3A_949 : vector<16xf32>
        %add3A_1111 = arith.addf %add3A_1106, %mul3A_1110 : vector<16xf32>
        %add3A_1112 = arith.constant 160 : i32
        %add3A_1113 = arith.addi %add3A_1112, %add3A_937 : i32
        %mul3A_1114 = arith.constant 16 : i32
        %mul3A_1115 = arith.muli %add3A_1113, %mul3A_1114 : i32
        %swap3A_1116 = arith.index_cast %mul3A_1115 : i32 to index
        %swap3A_1117 = tpu.vector_load %arg13[%swap3A_1116] {strides = array<i32>} : memref<5632xf32, #tpu.memory_space<vmem>>, vector<16xf32>,
        tpu.vector_store %arg13[%swap3A_1116], %add3A_1111 {strides = array<i32>} : memref<5632xf32, #tpu.memory_space<vmem>>, vector<16xf32>,
        %mul3A_1118 = arith.constant 10 : i32
        %mul3A_1119 = arith.muli %add3A_937, %mul3A_1118 : i32
        %add3A_1120 = arith.constant 5 : i32
        %add3A_1121 = arith.addi %mul3A_1119, %add3A_1120 : i32
        %get3A_1122 = arith.index_cast %add3A_1121 : i32 to index
        %get3A_1123 = arith.constant 0 : index
        %get3A_1124 = tpu.vector_load %arg10[%get3A_1122, %get3A_1123] {strides = array<i32>} : memref<384x64xf32, #tpu.memory_space<vmem>>, vector<16xf32>,
        %mul3A_1125 = arith.mulf %get3A_1124, %get3A_940 : vector<16xf32>
        %get3A_1126 = arith.index_cast %add3A_1121 : i32 to index
        %get3A_1127 = arith.constant 16 : index
        %get3A_1128 = tpu.vector_load %arg10[%get3A_1126, %get3A_1127] {strides = array<i32>} : memref<384x64xf32, #tpu.memory_space<vmem>>, vector<16xf32>,
        %mul3A_1129 = arith.mulf %get3A_1128, %get3A_943 : vector<16xf32>
        %add3A_1130 = arith.addf %mul3A_1125, %mul3A_1129 : vector<16xf32>
        %get3A_1131 = arith.index_cast %add3A_1121 : i32 to index
        %get3A_1132 = arith.constant 32 : index
        %get3A_1133 = tpu.vector_load %arg10[%get3A_1131, %get3A_1132] {strides = array<i32>} : memref<384x64xf32, #tpu.memory_space<vmem>>, vector<16xf32>,
        %mul3A_1134 = arith.mulf %get3A_1133, %get3A_946 : vector<16xf32>
        %add3A_1135 = arith.addf %add3A_1130, %mul3A_1134 : vector<16xf32>
        %get3A_1136 = arith.index_cast %add3A_1121 : i32 to index
        %get3A_1137 = arith.constant 48 : index
        %get3A_1138 = tpu.vector_load %arg10[%get3A_1136, %get3A_1137] {strides = array<i32>} : memref<384x64xf32, #tpu.memory_space<vmem>>, vector<16xf32>,
        %mul3A_1139 = arith.mulf %get3A_1138, %get3A_949 : vector<16xf32>
        %add3A_1140 = arith.addf %add3A_1135, %mul3A_1139 : vector<16xf32>
        %add3A_1141 = arith.constant 192 : i32
        %add3A_1142 = arith.addi %add3A_1141, %add3A_937 : i32
        %mul3A_1143 = arith.constant 16 : i32
        %mul3A_1144 = arith.muli %add3A_1142, %mul3A_1143 : i32
        %swap3A_1145 = arith.index_cast %mul3A_1144 : i32 to index
        %swap3A_1146 = tpu.vector_load %arg13[%swap3A_1145] {strides = array<i32>} : memref<5632xf32, #tpu.memory_space<vmem>>, vector<16xf32>,
        tpu.vector_store %arg13[%swap3A_1145], %add3A_1140 {strides = array<i32>} : memref<5632xf32, #tpu.memory_space<vmem>>, vector<16xf32>,
        %mul3A_1147 = arith.constant 10 : i32
        %mul3A_1148 = arith.muli %add3A_937, %mul3A_1147 : i32
        %add3A_1149 = arith.constant 6 : i32
        %add3A_1150 = arith.addi %mul3A_1148, %add3A_1149 : i32
        %get3A_1151 = arith.index_cast %add3A_1150 : i32 to index
        %get3A_1152 = arith.constant 0 : index
        %get3A_1153 = tpu.vector_load %arg10[%get3A_1151, %get3A_1152] {strides = array<i32>} : memref<384x64xf32, #tpu.memory_space<vmem>>, vector<16xf32>,
        %mul3A_1154 = arith.mulf %get3A_1153, %get3A_940 : vector<16xf32>
        %get3A_1155 = arith.index_cast %add3A_1150 : i32 to index
        %get3A_1156 = arith.constant 16 : index
        %get3A_1157 = tpu.vector_load %arg10[%get3A_1155, %get3A_1156] {strides = array<i32>} : memref<384x64xf32, #tpu.memory_space<vmem>>, vector<16xf32>,
        %mul3A_1158 = arith.mulf %get3A_1157, %get3A_943 : vector<16xf32>
        %add3A_1159 = arith.addf %mul3A_1154, %mul3A_1158 : vector<16xf32>
        %get3A_1160 = arith.index_cast %add3A_1150 : i32 to index
        %get3A_1161 = arith.constant 32 : index
        %get3A_1162 = tpu.vector_load %arg10[%get3A_1160, %get3A_1161] {strides = array<i32>} : memref<384x64xf32, #tpu.memory_space<vmem>>, vector<16xf32>,
        %mul3A_1163 = arith.mulf %get3A_1162, %get3A_946 : vector<16xf32>
        %add3A_1164 = arith.addf %add3A_1159, %mul3A_1163 : vector<16xf32>
        %get3A_1165 = arith.index_cast %add3A_1150 : i32 to index
        %get3A_1166 = arith.constant 48 : index
        %get3A_1167 = tpu.vector_load %arg10[%get3A_1165, %get3A_1166] {strides = array<i32>} : memref<384x64xf32, #tpu.memory_space<vmem>>, vector<16xf32>,
        %mul3A_1168 = arith.mulf %get3A_1167, %get3A_949 : vector<16xf32>
        %add3A_1169 = arith.addf %add3A_1164, %mul3A_1168 : vector<16xf32>
        %add3A_1170 = arith.constant 224 : i32
        %add3A_1171 = arith.addi %add3A_1170, %add3A_937 : i32
        %mul3A_1172 = arith.constant 16 : i32
        %mul3A_1173 = arith.muli %add3A_1171, %mul3A_1172 : i32
        %swap3A_1174 = arith.index_cast %mul3A_1173 : i32 to index
        %swap3A_1175 = tpu.vector_load %arg13[%swap3A_1174] {strides = array<i32>} : memref<5632xf32, #tpu.memory_space<vmem>>, vector<16xf32>,
        tpu.vector_store %arg13[%swap3A_1174], %add3A_1169 {strides = array<i32>} : memref<5632xf32, #tpu.memory_space<vmem>>, vector<16xf32>,
        %mul3A_1176 = arith.constant 10 : i32
        %mul3A_1177 = arith.muli %add3A_937, %mul3A_1176 : i32
        %add3A_1178 = arith.constant 7 : i32
        %add3A_1179 = arith.addi %mul3A_1177, %add3A_1178 : i32
        %get3A_1180 = arith.index_cast %add3A_1179 : i32 to index
        %get3A_1181 = arith.constant 0 : index
        %get3A_1182 = tpu.vector_load %arg10[%get3A_1180, %get3A_1181] {strides = array<i32>} : memref<384x64xf32, #tpu.memory_space<vmem>>, vector<16xf32>,
        %mul3A_1183 = arith.mulf %get3A_1182, %get3A_940 : vector<16xf32>
        %get3A_1184 = arith.index_cast %add3A_1179 : i32 to index
        %get3A_1185 = arith.constant 16 : index
        %get3A_1186 = tpu.vector_load %arg10[%get3A_1184, %get3A_1185] {strides = array<i32>} : memref<384x64xf32, #tpu.memory_space<vmem>>, vector<16xf32>,
        %mul3A_1187 = arith.mulf %get3A_1186, %get3A_943 : vector<16xf32>
        %add3A_1188 = arith.addf %mul3A_1183, %mul3A_1187 : vector<16xf32>
        %get3A_1189 = arith.index_cast %add3A_1179 : i32 to index
        %get3A_1190 = arith.constant 32 : index
        %get3A_1191 = tpu.vector_load %arg10[%get3A_1189, %get3A_1190] {strides = array<i32>} : memref<384x64xf32, #tpu.memory_space<vmem>>, vector<16xf32>,
        %mul3A_1192 = arith.mulf %get3A_1191, %get3A_946 : vector<16xf32>
        %add3A_1193 = arith.addf %add3A_1188, %mul3A_1192 : vector<16xf32>
        %get3A_1194 = arith.index_cast %add3A_1179 : i32 to index
        %get3A_1195 = arith.constant 48 : index
        %get3A_1196 = tpu.vector_load %arg10[%get3A_1194, %get3A_1195] {strides = array<i32>} : memref<384x64xf32, #tpu.memory_space<vmem>>, vector<16xf32>,
        %mul3A_1197 = arith.mulf %get3A_1196, %get3A_949 : vector<16xf32>
        %add3A_1198 = arith.addf %add3A_1193, %mul3A_1197 : vector<16xf32>
        %add3A_1199 = arith.constant 256 : i32
        %add3A_1200 = arith.addi %add3A_1199, %add3A_937 : i32
        %mul3A_1201 = arith.constant 16 : i32
        %mul3A_1202 = arith.muli %add3A_1200, %mul3A_1201 : i32
        %swap3A_1203 = arith.index_cast %mul3A_1202 : i32 to index
        %swap3A_1204 = tpu.vector_load %arg13[%swap3A_1203] {strides = array<i32>} : memref<5632xf32, #tpu.memory_space<vmem>>, vector<16xf32>,
        tpu.vector_store %arg13[%swap3A_1203], %add3A_1198 {strides = array<i32>} : memref<5632xf32, #tpu.memory_space<vmem>>, vector<16xf32>,
        %mul3A_1205 = arith.constant 10 : i32
        %mul3A_1206 = arith.muli %add3A_937, %mul3A_1205 : i32
        %add3A_1207 = arith.constant 8 : i32
        %add3A_1208 = arith.addi %mul3A_1206, %add3A_1207 : i32
        %get3A_1209 = arith.index_cast %add3A_1208 : i32 to index
        %get3A_1210 = arith.constant 0 : index
        %get3A_1211 = tpu.vector_load %arg10[%get3A_1209, %get3A_1210] {strides = array<i32>} : memref<384x64xf32, #tpu.memory_space<vmem>>, vector<16xf32>,
        %mul3A_1212 = arith.mulf %get3A_1211, %get3A_940 : vector<16xf32>
        %get3A_1213 = arith.index_cast %add3A_1208 : i32 to index
        %get3A_1214 = arith.constant 16 : index
        %get3A_1215 = tpu.vector_load %arg10[%get3A_1213, %get3A_1214] {strides = array<i32>} : memref<384x64xf32, #tpu.memory_space<vmem>>, vector<16xf32>,
        %mul3A_1216 = arith.mulf %get3A_1215, %get3A_943 : vector<16xf32>
        %add3A_1217 = arith.addf %mul3A_1212, %mul3A_1216 : vector<16xf32>
        %get3A_1218 = arith.index_cast %add3A_1208 : i32 to index
        %get3A_1219 = arith.constant 32 : index
        %get3A_1220 = tpu.vector_load %arg10[%get3A_1218, %get3A_1219] {strides = array<i32>} : memref<384x64xf32, #tpu.memory_space<vmem>>, vector<16xf32>,
        %mul3A_1221 = arith.mulf %get3A_1220, %get3A_946 : vector<16xf32>
        %add3A_1222 = arith.addf %add3A_1217, %mul3A_1221 : vector<16xf32>
        %get3A_1223 = arith.index_cast %add3A_1208 : i32 to index
        %get3A_1224 = arith.constant 48 : index
        %get3A_1225 = tpu.vector_load %arg10[%get3A_1223, %get3A_1224] {strides = array<i32>} : memref<384x64xf32, #tpu.memory_space<vmem>>, vector<16xf32>,
        %mul3A_1226 = arith.mulf %get3A_1225, %get3A_949 : vector<16xf32>
        %add3A_1227 = arith.addf %add3A_1222, %mul3A_1226 : vector<16xf32>
        %add3A_1228 = arith.constant 288 : i32
        %add3A_1229 = arith.addi %add3A_1228, %add3A_937 : i32
        %mul3A_1230 = arith.constant 16 : i32
        %mul3A_1231 = arith.muli %add3A_1229, %mul3A_1230 : i32
        %swap3A_1232 = arith.index_cast %mul3A_1231 : i32 to index
        %swap3A_1233 = tpu.vector_load %arg13[%swap3A_1232] {strides = array<i32>} : memref<5632xf32, #tpu.memory_space<vmem>>, vector<16xf32>,
        tpu.vector_store %arg13[%swap3A_1232], %add3A_1227 {strides = array<i32>} : memref<5632xf32, #tpu.memory_space<vmem>>, vector<16xf32>,
        %mul3A_1234 = arith.constant 10 : i32
        %mul3A_1235 = arith.muli %add3A_937, %mul3A_1234 : i32
        %add3A_1236 = arith.constant 9 : i32
        %add3A_1237 = arith.addi %mul3A_1235, %add3A_1236 : i32
        %get3A_1238 = arith.index_cast %add3A_1237 : i32 to index
        %get3A_1239 = arith.constant 0 : index
        %get3A_1240 = tpu.vector_load %arg10[%get3A_1238, %get3A_1239] {strides = array<i32>} : memref<384x64xf32, #tpu.memory_space<vmem>>, vector<16xf32>,
        %mul3A_1241 = arith.mulf %get3A_1240, %get3A_940 : vector<16xf32>
        %get3A_1242 = arith.index_cast %add3A_1237 : i32 to index
        %get3A_1243 = arith.constant 16 : index
        %get3A_1244 = tpu.vector_load %arg10[%get3A_1242, %get3A_1243] {strides = array<i32>} : memref<384x64xf32, #tpu.memory_space<vmem>>, vector<16xf32>,
        %mul3A_1245 = arith.mulf %get3A_1244, %get3A_943 : vector<16xf32>
        %add3A_1246 = arith.addf %mul3A_1241, %mul3A_1245 : vector<16xf32>
        %get3A_1247 = arith.index_cast %add3A_1237 : i32 to index
        %get3A_1248 = arith.constant 32 : index
        %get3A_1249 = tpu.vector_load %arg10[%get3A_1247, %get3A_1248] {strides = array<i32>} : memref<384x64xf32, #tpu.memory_space<vmem>>, vector<16xf32>,
        %mul3A_1250 = arith.mulf %get3A_1249, %get3A_946 : vector<16xf32>
        %add3A_1251 = arith.addf %add3A_1246, %mul3A_1250 : vector<16xf32>
        %get3A_1252 = arith.index_cast %add3A_1237 : i32 to index
        %get3A_1253 = arith.constant 48 : index
        %get3A_1254 = tpu.vector_load %arg10[%get3A_1252, %get3A_1253] {strides = array<i32>} : memref<384x64xf32, #tpu.memory_space<vmem>>, vector<16xf32>,
        %mul3A_1255 = arith.mulf %get3A_1254, %get3A_949 : vector<16xf32>
        %add3A_1256 = arith.addf %add3A_1251, %mul3A_1255 : vector<16xf32>
        %add3A_1257 = arith.constant 320 : i32
        %add3A_1258 = arith.addi %add3A_1257, %add3A_937 : i32
        %mul3A_1259 = arith.constant 16 : i32
        %mul3A_1260 = arith.muli %add3A_1258, %mul3A_1259 : i32
        %swap3A_1261 = arith.index_cast %mul3A_1260 : i32 to index
        %swap3A_1262 = tpu.vector_load %arg13[%swap3A_1261] {strides = array<i32>} : memref<5632xf32, #tpu.memory_space<vmem>>, vector<16xf32>,
        tpu.vector_store %arg13[%swap3A_1261], %add3A_1256 {strides = array<i32>} : memref<5632xf32, #tpu.memory_space<vmem>>, vector<16xf32>,
        %scan3A_1263 = arith.constant 0 : i32
        scf.yield %scan3A_1263 : i32
      }
      %scan3A_273 = arith.constant 16 : i32
      %scan3A_274 = arith.constant 0 : i32
      %scan3A_275 = arith.constant 8 : i32
      %scan3A_276 = arith.addi %scan3A_274, %scan3A_275 : i32
      %scan3A_277 = arith.constant 1 : i32
      %scan3A_278:2 = scf.for %scan3A_604 = %scan3A_274 to %scan3A_276 step %scan3A_277 iter_args(%scan3A_605 = %broadcast_in_dim3A_4, %scan3A_606 = %broadcast_in_dim3A_4) -> (vector<16xf32>, vector<16xf32>)  : i32 {
        %mul3A_607 = arith.constant 2 : i32
        %mul3A_608 = arith.muli %scan3A_604, %mul3A_607 : i32
        %add3A_609 = arith.constant 0 : i32
        %add3A_610 = arith.addi %add3A_609, %mul3A_608 : i32
        %add3A_611 = vector.broadcast %add3A_610 : i32 to vector<16xi32>
        %add3A_612 = arith.addi %mul3A_3, %add3A_611 : vector<16xi32>
        %gather3A = tpu.vector_load_idx %arg13[%add3A_612] : memref<5632xf32, #tpu.memory_space<vmem>>[vector<16xi32>], vector<16xf32>,
        %add3A_613 = arith.addf %scan3A_605, %gather3A : vector<16xf32>
        %add3A_614 = arith.constant 0 : i32
        %add3A_615 = arith.addi %add3A_614, %mul3A_608 : i32
        %add3A_616 = arith.constant 1 : i32
        %add3A_617 = arith.addi %add3A_615, %add3A_616 : i32
        %add3A_618 = vector.broadcast %add3A_617 : i32 to vector<16xi32>
        %add3A_619 = arith.addi %mul3A_3, %add3A_618 : vector<16xi32>
        %gather3A_620 = tpu.vector_load_idx %arg13[%add3A_619] : memref<5632xf32, #tpu.memory_space<vmem>>[vector<16xi32>], vector<16xf32>,
        %add3A_621 = arith.addf %scan3A_606, %gather3A_620 : vector<16xf32>
        scf.yield %add3A_613, %add3A_621 : vector<16xf32>, vector<16xf32>
      }
      %scan3A_279 = arith.constant 8 : i32
      %add3A_280 = arith.addf %scan3A_278#0, %scan3A_278#1 : vector<16xf32>
      %mul3A_281 = arith.constant 32 : i32
      %mul3A_282 = arith.muli %scan3A_102, %mul3A_281 : i32
      %add3A_283 = arith.constant 0 : i32
      %add3A_284 = arith.addi %mul3A_282, %add3A_283 : i32
      %swap3A = arith.constant 0 : i32
      %swap3A_285 = arith.index_cast %swap3A : i32 to index
      %swap3A_286 = arith.index_cast %add3A_284 : i32 to index
      %swap3A_287 = tpu.vector_load %arg14[%swap3A_285, %swap3A_286] {strides = array<i32>} : memref<16x512xf32, #tpu.memory_space<vmem>>, vector<16xf32>,
      tpu.vector_store %arg14[%swap3A_285, %swap3A_286], %add3A_280 {strides = array<i32>} : memref<16x512xf32, #tpu.memory_space<vmem>>, vector<16xf32>,
      %scan3A_288 = arith.constant 0 : i32
      %scan3A_289 = arith.constant 8 : i32
      %scan3A_290 = arith.addi %scan3A_288, %scan3A_289 : i32
      %scan3A_291 = arith.constant 1 : i32
      %scan3A_292:2 = scf.for %scan3A_604 = %scan3A_288 to %scan3A_290 step %scan3A_291 iter_args(%scan3A_605 = %broadcast_in_dim3A_4, %scan3A_606 = %broadcast_in_dim3A_4) -> (vector<16xf32>, vector<16xf32>)  : i32 {
        %mul3A_607 = arith.constant 2 : i32
        %mul3A_608 = arith.muli %scan3A_604, %mul3A_607 : i32
        %add3A_609 = arith.constant 256 : i32
        %add3A_610 = arith.addi %add3A_609, %mul3A_608 : i32
        %add3A_611 = vector.broadcast %add3A_610 : i32 to vector<16xi32>
        %add3A_612 = arith.addi %mul3A_3, %add3A_611 : vector<16xi32>
        %gather3A = tpu.vector_load_idx %arg13[%add3A_612] : memref<5632xf32, #tpu.memory_space<vmem>>[vector<16xi32>], vector<16xf32>,
        %add3A_613 = arith.addf %scan3A_605, %gather3A : vector<16xf32>
        %add3A_614 = arith.constant 256 : i32
        %add3A_615 = arith.addi %add3A_614, %mul3A_608 : i32
        %add3A_616 = arith.constant 1 : i32
        %add3A_617 = arith.addi %add3A_615, %add3A_616 : i32
        %add3A_618 = vector.broadcast %add3A_617 : i32 to vector<16xi32>
        %add3A_619 = arith.addi %mul3A_3, %add3A_618 : vector<16xi32>
        %gather3A_620 = tpu.vector_load_idx %arg13[%add3A_619] : memref<5632xf32, #tpu.memory_space<vmem>>[vector<16xi32>], vector<16xf32>,
        %add3A_621 = arith.addf %scan3A_606, %gather3A_620 : vector<16xf32>
        scf.yield %add3A_613, %add3A_621 : vector<16xf32>, vector<16xf32>
      }
      %scan3A_293 = arith.constant 8 : i32
      %add3A_294 = arith.addf %scan3A_292#0, %scan3A_292#1 : vector<16xf32>
      %mul3A_295 = arith.constant 32 : i32
      %mul3A_296 = arith.muli %scan3A_102, %mul3A_295 : i32
      %add3A_297 = arith.constant 16 : i32
      %add3A_298 = arith.addi %mul3A_296, %add3A_297 : i32
      %swap3A_299 = arith.constant 0 : i32
      %swap3A_300 = arith.index_cast %swap3A_299 : i32 to index
      %swap3A_301 = arith.index_cast %add3A_298 : i32 to index
      %swap3A_302 = tpu.vector_load %arg14[%swap3A_300, %swap3A_301] {strides = array<i32>} : memref<16x512xf32, #tpu.memory_space<vmem>>, vector<16xf32>,
      tpu.vector_store %arg14[%swap3A_300, %swap3A_301], %add3A_294 {strides = array<i32>} : memref<16x512xf32, #tpu.memory_space<vmem>>, vector<16xf32>,
      %scan3A_303 = arith.constant 0 : i32
      %scan3A_304 = arith.constant 8 : i32
      %scan3A_305 = arith.addi %scan3A_303, %scan3A_304 : i32
      %scan3A_306 = arith.constant 1 : i32
      %scan3A_307:2 = scf.for %scan3A_604 = %scan3A_303 to %scan3A_305 step %scan3A_306 iter_args(%scan3A_605 = %broadcast_in_dim3A_4, %scan3A_606 = %broadcast_in_dim3A_4) -> (vector<16xf32>, vector<16xf32>)  : i32 {
        %mul3A_607 = arith.constant 2 : i32
        %mul3A_608 = arith.muli %scan3A_604, %mul3A_607 : i32
        %add3A_609 = arith.constant 512 : i32
        %add3A_610 = arith.addi %add3A_609, %mul3A_608 : i32
        %add3A_611 = vector.broadcast %add3A_610 : i32 to vector<16xi32>
        %add3A_612 = arith.addi %mul3A_3, %add3A_611 : vector<16xi32>
        %gather3A = tpu.vector_load_idx %arg13[%add3A_612] : memref<5632xf32, #tpu.memory_space<vmem>>[vector<16xi32>], vector<16xf32>,
        %add3A_613 = arith.addf %scan3A_605, %gather3A : vector<16xf32>
        %add3A_614 = arith.constant 512 : i32
        %add3A_615 = arith.addi %add3A_614, %mul3A_608 : i32
        %add3A_616 = arith.constant 1 : i32
        %add3A_617 = arith.addi %add3A_615, %add3A_616 : i32
        %add3A_618 = vector.broadcast %add3A_617 : i32 to vector<16xi32>
        %add3A_619 = arith.addi %mul3A_3, %add3A_618 : vector<16xi32>
        %gather3A_620 = tpu.vector_load_idx %arg13[%add3A_619] : memref<5632xf32, #tpu.memory_space<vmem>>[vector<16xi32>], vector<16xf32>,
        %add3A_621 = arith.addf %scan3A_606, %gather3A_620 : vector<16xf32>
        scf.yield %add3A_613, %add3A_621 : vector<16xf32>, vector<16xf32>
      }
      %scan3A_308 = arith.constant 8 : i32
      %add3A_309 = arith.addf %scan3A_307#0, %scan3A_307#1 : vector<16xf32>
      %mul3A_310 = arith.constant 32 : i32
      %mul3A_311 = arith.muli %scan3A_102, %mul3A_310 : i32
      %add3A_312 = arith.constant 0 : i32
      %add3A_313 = arith.addi %mul3A_311, %add3A_312 : i32
      %swap3A_314 = arith.constant 1 : i32
      %swap3A_315 = arith.index_cast %swap3A_314 : i32 to index
      %swap3A_316 = arith.index_cast %add3A_313 : i32 to index
      %swap3A_317 = tpu.vector_load %arg14[%swap3A_315, %swap3A_316] {strides = array<i32>} : memref<16x512xf32, #tpu.memory_space<vmem>>, vector<16xf32>,
      tpu.vector_store %arg14[%swap3A_315, %swap3A_316], %add3A_309 {strides = array<i32>} : memref<16x512xf32, #tpu.memory_space<vmem>>, vector<16xf32>,
      %scan3A_318 = arith.constant 0 : i32
      %scan3A_319 = arith.constant 8 : i32
      %scan3A_320 = arith.addi %scan3A_318, %scan3A_319 : i32
      %scan3A_321 = arith.constant 1 : i32
      %scan3A_322:2 = scf.for %scan3A_604 = %scan3A_318 to %scan3A_320 step %scan3A_321 iter_args(%scan3A_605 = %broadcast_in_dim3A_4, %scan3A_606 = %broadcast_in_dim3A_4) -> (vector<16xf32>, vector<16xf32>)  : i32 {
        %mul3A_607 = arith.constant 2 : i32
        %mul3A_608 = arith.muli %scan3A_604, %mul3A_607 : i32
        %add3A_609 = arith.constant 768 : i32
        %add3A_610 = arith.addi %add3A_609, %mul3A_608 : i32
        %add3A_611 = vector.broadcast %add3A_610 : i32 to vector<16xi32>
        %add3A_612 = arith.addi %mul3A_3, %add3A_611 : vector<16xi32>
        %gather3A = tpu.vector_load_idx %arg13[%add3A_612] : memref<5632xf32, #tpu.memory_space<vmem>>[vector<16xi32>], vector<16xf32>,
        %add3A_613 = arith.addf %scan3A_605, %gather3A : vector<16xf32>
        %add3A_614 = arith.constant 768 : i32
        %add3A_615 = arith.addi %add3A_614, %mul3A_608 : i32
        %add3A_616 = arith.constant 1 : i32
        %add3A_617 = arith.addi %add3A_615, %add3A_616 : i32
        %add3A_618 = vector.broadcast %add3A_617 : i32 to vector<16xi32>
        %add3A_619 = arith.addi %mul3A_3, %add3A_618 : vector<16xi32>
        %gather3A_620 = tpu.vector_load_idx %arg13[%add3A_619] : memref<5632xf32, #tpu.memory_space<vmem>>[vector<16xi32>], vector<16xf32>,
        %add3A_621 = arith.addf %scan3A_606, %gather3A_620 : vector<16xf32>
        scf.yield %add3A_613, %add3A_621 : vector<16xf32>, vector<16xf32>
      }
      %scan3A_323 = arith.constant 8 : i32
      %add3A_324 = arith.addf %scan3A_322#0, %scan3A_322#1 : vector<16xf32>
      %mul3A_325 = arith.constant 32 : i32
      %mul3A_326 = arith.muli %scan3A_102, %mul3A_325 : i32
      %add3A_327 = arith.constant 16 : i32
      %add3A_328 = arith.addi %mul3A_326, %add3A_327 : i32
      %swap3A_329 = arith.constant 1 : i32
      %swap3A_330 = arith.index_cast %swap3A_329 : i32 to index
      %swap3A_331 = arith.index_cast %add3A_328 : i32 to index
      %swap3A_332 = tpu.vector_load %arg14[%swap3A_330, %swap3A_331] {strides = array<i32>} : memref<16x512xf32, #tpu.memory_space<vmem>>, vector<16xf32>,
      tpu.vector_store %arg14[%swap3A_330, %swap3A_331], %add3A_324 {strides = array<i32>} : memref<16x512xf32, #tpu.memory_space<vmem>>, vector<16xf32>,
      %scan3A_333 = arith.constant 0 : i32
      %scan3A_334 = arith.constant 8 : i32
      %scan3A_335 = arith.addi %scan3A_333, %scan3A_334 : i32
      %scan3A_336 = arith.constant 1 : i32
      %scan3A_337:2 = scf.for %scan3A_604 = %scan3A_333 to %scan3A_335 step %scan3A_336 iter_args(%scan3A_605 = %broadcast_in_dim3A_4, %scan3A_606 = %broadcast_in_dim3A_4) -> (vector<16xf32>, vector<16xf32>)  : i32 {
        %mul3A_607 = arith.constant 2 : i32
        %mul3A_608 = arith.muli %scan3A_604, %mul3A_607 : i32
        %add3A_609 = arith.constant 1024 : i32
        %add3A_610 = arith.addi %add3A_609, %mul3A_608 : i32
        %add3A_611 = vector.broadcast %add3A_610 : i32 to vector<16xi32>
        %add3A_612 = arith.addi %mul3A_3, %add3A_611 : vector<16xi32>
        %gather3A = tpu.vector_load_idx %arg13[%add3A_612] : memref<5632xf32, #tpu.memory_space<vmem>>[vector<16xi32>], vector<16xf32>,
        %add3A_613 = arith.addf %scan3A_605, %gather3A : vector<16xf32>
        %add3A_614 = arith.constant 1024 : i32
        %add3A_615 = arith.addi %add3A_614, %mul3A_608 : i32
        %add3A_616 = arith.constant 1 : i32
        %add3A_617 = arith.addi %add3A_615, %add3A_616 : i32
        %add3A_618 = vector.broadcast %add3A_617 : i32 to vector<16xi32>
        %add3A_619 = arith.addi %mul3A_3, %add3A_618 : vector<16xi32>
        %gather3A_620 = tpu.vector_load_idx %arg13[%add3A_619] : memref<5632xf32, #tpu.memory_space<vmem>>[vector<16xi32>], vector<16xf32>,
        %add3A_621 = arith.addf %scan3A_606, %gather3A_620 : vector<16xf32>
        scf.yield %add3A_613, %add3A_621 : vector<16xf32>, vector<16xf32>
      }
      %scan3A_338 = arith.constant 8 : i32
      %add3A_339 = arith.addf %scan3A_337#0, %scan3A_337#1 : vector<16xf32>
      %mul3A_340 = arith.constant 32 : i32
      %mul3A_341 = arith.muli %scan3A_102, %mul3A_340 : i32
      %add3A_342 = arith.constant 0 : i32
      %add3A_343 = arith.addi %mul3A_341, %add3A_342 : i32
      %swap3A_344 = arith.constant 2 : i32
      %swap3A_345 = arith.index_cast %swap3A_344 : i32 to index
      %swap3A_346 = arith.index_cast %add3A_343 : i32 to index
      %swap3A_347 = tpu.vector_load %arg14[%swap3A_345, %swap3A_346] {strides = array<i32>} : memref<16x512xf32, #tpu.memory_space<vmem>>, vector<16xf32>,
      tpu.vector_store %arg14[%swap3A_345, %swap3A_346], %add3A_339 {strides = array<i32>} : memref<16x512xf32, #tpu.memory_space<vmem>>, vector<16xf32>,
      %scan3A_348 = arith.constant 0 : i32
      %scan3A_349 = arith.constant 8 : i32
      %scan3A_350 = arith.addi %scan3A_348, %scan3A_349 : i32
      %scan3A_351 = arith.constant 1 : i32
      %scan3A_352:2 = scf.for %scan3A_604 = %scan3A_348 to %scan3A_350 step %scan3A_351 iter_args(%scan3A_605 = %broadcast_in_dim3A_4, %scan3A_606 = %broadcast_in_dim3A_4) -> (vector<16xf32>, vector<16xf32>)  : i32 {
        %mul3A_607 = arith.constant 2 : i32
        %mul3A_608 = arith.muli %scan3A_604, %mul3A_607 : i32
        %add3A_609 = arith.constant 1280 : i32
        %add3A_610 = arith.addi %add3A_609, %mul3A_608 : i32
        %add3A_611 = vector.broadcast %add3A_610 : i32 to vector<16xi32>
        %add3A_612 = arith.addi %mul3A_3, %add3A_611 : vector<16xi32>
        %gather3A = tpu.vector_load_idx %arg13[%add3A_612] : memref<5632xf32, #tpu.memory_space<vmem>>[vector<16xi32>], vector<16xf32>,
        %add3A_613 = arith.addf %scan3A_605, %gather3A : vector<16xf32>
        %add3A_614 = arith.constant 1280 : i32
        %add3A_615 = arith.addi %add3A_614, %mul3A_608 : i32
        %add3A_616 = arith.constant 1 : i32
        %add3A_617 = arith.addi %add3A_615, %add3A_616 : i32
        %add3A_618 = vector.broadcast %add3A_617 : i32 to vector<16xi32>
        %add3A_619 = arith.addi %mul3A_3, %add3A_618 : vector<16xi32>
        %gather3A_620 = tpu.vector_load_idx %arg13[%add3A_619] : memref<5632xf32, #tpu.memory_space<vmem>>[vector<16xi32>], vector<16xf32>,
        %add3A_621 = arith.addf %scan3A_606, %gather3A_620 : vector<16xf32>
        scf.yield %add3A_613, %add3A_621 : vector<16xf32>, vector<16xf32>
      }
      %scan3A_353 = arith.constant 8 : i32
      %add3A_354 = arith.addf %scan3A_352#0, %scan3A_352#1 : vector<16xf32>
      %mul3A_355 = arith.constant 32 : i32
      %mul3A_356 = arith.muli %scan3A_102, %mul3A_355 : i32
      %add3A_357 = arith.constant 16 : i32
      %add3A_358 = arith.addi %mul3A_356, %add3A_357 : i32
      %swap3A_359 = arith.constant 2 : i32
      %swap3A_360 = arith.index_cast %swap3A_359 : i32 to index
      %swap3A_361 = arith.index_cast %add3A_358 : i32 to index
      %swap3A_362 = tpu.vector_load %arg14[%swap3A_360, %swap3A_361] {strides = array<i32>} : memref<16x512xf32, #tpu.memory_space<vmem>>, vector<16xf32>,
      tpu.vector_store %arg14[%swap3A_360, %swap3A_361], %add3A_354 {strides = array<i32>} : memref<16x512xf32, #tpu.memory_space<vmem>>, vector<16xf32>,
      %scan3A_363 = arith.constant 0 : i32
      %scan3A_364 = arith.constant 8 : i32
      %scan3A_365 = arith.addi %scan3A_363, %scan3A_364 : i32
      %scan3A_366 = arith.constant 1 : i32
      %scan3A_367:2 = scf.for %scan3A_604 = %scan3A_363 to %scan3A_365 step %scan3A_366 iter_args(%scan3A_605 = %broadcast_in_dim3A_4, %scan3A_606 = %broadcast_in_dim3A_4) -> (vector<16xf32>, vector<16xf32>)  : i32 {
        %mul3A_607 = arith.constant 2 : i32
        %mul3A_608 = arith.muli %scan3A_604, %mul3A_607 : i32
        %add3A_609 = arith.constant 1536 : i32
        %add3A_610 = arith.addi %add3A_609, %mul3A_608 : i32
        %add3A_611 = vector.broadcast %add3A_610 : i32 to vector<16xi32>
        %add3A_612 = arith.addi %mul3A_3, %add3A_611 : vector<16xi32>
        %gather3A = tpu.vector_load_idx %arg13[%add3A_612] : memref<5632xf32, #tpu.memory_space<vmem>>[vector<16xi32>], vector<16xf32>,
        %add3A_613 = arith.addf %scan3A_605, %gather3A : vector<16xf32>
        %add3A_614 = arith.constant 1536 : i32
        %add3A_615 = arith.addi %add3A_614, %mul3A_608 : i32
        %add3A_616 = arith.constant 1 : i32
        %add3A_617 = arith.addi %add3A_615, %add3A_616 : i32
        %add3A_618 = vector.broadcast %add3A_617 : i32 to vector<16xi32>
        %add3A_619 = arith.addi %mul3A_3, %add3A_618 : vector<16xi32>
        %gather3A_620 = tpu.vector_load_idx %arg13[%add3A_619] : memref<5632xf32, #tpu.memory_space<vmem>>[vector<16xi32>], vector<16xf32>,
        %add3A_621 = arith.addf %scan3A_606, %gather3A_620 : vector<16xf32>
        scf.yield %add3A_613, %add3A_621 : vector<16xf32>, vector<16xf32>
      }
      %scan3A_368 = arith.constant 8 : i32
      %add3A_369 = arith.addf %scan3A_367#0, %scan3A_367#1 : vector<16xf32>
      %mul3A_370 = arith.constant 32 : i32
      %mul3A_371 = arith.muli %scan3A_102, %mul3A_370 : i32
      %add3A_372 = arith.constant 0 : i32
      %add3A_373 = arith.addi %mul3A_371, %add3A_372 : i32
      %swap3A_374 = arith.constant 3 : i32
      %swap3A_375 = arith.index_cast %swap3A_374 : i32 to index
      %swap3A_376 = arith.index_cast %add3A_373 : i32 to index
      %swap3A_377 = tpu.vector_load %arg14[%swap3A_375, %swap3A_376] {strides = array<i32>} : memref<16x512xf32, #tpu.memory_space<vmem>>, vector<16xf32>,
      tpu.vector_store %arg14[%swap3A_375, %swap3A_376], %add3A_369 {strides = array<i32>} : memref<16x512xf32, #tpu.memory_space<vmem>>, vector<16xf32>,
      %scan3A_378 = arith.constant 0 : i32
      %scan3A_379 = arith.constant 8 : i32
      %scan3A_380 = arith.addi %scan3A_378, %scan3A_379 : i32
      %scan3A_381 = arith.constant 1 : i32
      %scan3A_382:2 = scf.for %scan3A_604 = %scan3A_378 to %scan3A_380 step %scan3A_381 iter_args(%scan3A_605 = %broadcast_in_dim3A_4, %scan3A_606 = %broadcast_in_dim3A_4) -> (vector<16xf32>, vector<16xf32>)  : i32 {
        %mul3A_607 = arith.constant 2 : i32
        %mul3A_608 = arith.muli %scan3A_604, %mul3A_607 : i32
        %add3A_609 = arith.constant 1792 : i32
        %add3A_610 = arith.addi %add3A_609, %mul3A_608 : i32
        %add3A_611 = vector.broadcast %add3A_610 : i32 to vector<16xi32>
        %add3A_612 = arith.addi %mul3A_3, %add3A_611 : vector<16xi32>
        %gather3A = tpu.vector_load_idx %arg13[%add3A_612] : memref<5632xf32, #tpu.memory_space<vmem>>[vector<16xi32>], vector<16xf32>,
        %add3A_613 = arith.addf %scan3A_605, %gather3A : vector<16xf32>
        %add3A_614 = arith.constant 1792 : i32
        %add3A_615 = arith.addi %add3A_614, %mul3A_608 : i32
        %add3A_616 = arith.constant 1 : i32
        %add3A_617 = arith.addi %add3A_615, %add3A_616 : i32
        %add3A_618 = vector.broadcast %add3A_617 : i32 to vector<16xi32>
        %add3A_619 = arith.addi %mul3A_3, %add3A_618 : vector<16xi32>
        %gather3A_620 = tpu.vector_load_idx %arg13[%add3A_619] : memref<5632xf32, #tpu.memory_space<vmem>>[vector<16xi32>], vector<16xf32>,
        %add3A_621 = arith.addf %scan3A_606, %gather3A_620 : vector<16xf32>
        scf.yield %add3A_613, %add3A_621 : vector<16xf32>, vector<16xf32>
      }
      %scan3A_383 = arith.constant 8 : i32
      %add3A_384 = arith.addf %scan3A_382#0, %scan3A_382#1 : vector<16xf32>
      %mul3A_385 = arith.constant 32 : i32
      %mul3A_386 = arith.muli %scan3A_102, %mul3A_385 : i32
      %add3A_387 = arith.constant 16 : i32
      %add3A_388 = arith.addi %mul3A_386, %add3A_387 : i32
      %swap3A_389 = arith.constant 3 : i32
      %swap3A_390 = arith.index_cast %swap3A_389 : i32 to index
      %swap3A_391 = arith.index_cast %add3A_388 : i32 to index
      %swap3A_392 = tpu.vector_load %arg14[%swap3A_390, %swap3A_391] {strides = array<i32>} : memref<16x512xf32, #tpu.memory_space<vmem>>, vector<16xf32>,
      tpu.vector_store %arg14[%swap3A_390, %swap3A_391], %add3A_384 {strides = array<i32>} : memref<16x512xf32, #tpu.memory_space<vmem>>, vector<16xf32>,
      %scan3A_393 = arith.constant 0 : i32
      %scan3A_394 = arith.constant 8 : i32
      %scan3A_395 = arith.addi %scan3A_393, %scan3A_394 : i32
      %scan3A_396 = arith.constant 1 : i32
      %scan3A_397:2 = scf.for %scan3A_604 = %scan3A_393 to %scan3A_395 step %scan3A_396 iter_args(%scan3A_605 = %broadcast_in_dim3A_4, %scan3A_606 = %broadcast_in_dim3A_4) -> (vector<16xf32>, vector<16xf32>)  : i32 {
        %mul3A_607 = arith.constant 2 : i32
        %mul3A_608 = arith.muli %scan3A_604, %mul3A_607 : i32
        %add3A_609 = arith.constant 2048 : i32
        %add3A_610 = arith.addi %add3A_609, %mul3A_608 : i32
        %add3A_611 = vector.broadcast %add3A_610 : i32 to vector<16xi32>
        %add3A_612 = arith.addi %mul3A_3, %add3A_611 : vector<16xi32>
        %gather3A = tpu.vector_load_idx %arg13[%add3A_612] : memref<5632xf32, #tpu.memory_space<vmem>>[vector<16xi32>], vector<16xf32>,
        %add3A_613 = arith.addf %scan3A_605, %gather3A : vector<16xf32>
        %add3A_614 = arith.constant 2048 : i32
        %add3A_615 = arith.addi %add3A_614, %mul3A_608 : i32
        %add3A_616 = arith.constant 1 : i32
        %add3A_617 = arith.addi %add3A_615, %add3A_616 : i32
        %add3A_618 = vector.broadcast %add3A_617 : i32 to vector<16xi32>
        %add3A_619 = arith.addi %mul3A_3, %add3A_618 : vector<16xi32>
        %gather3A_620 = tpu.vector_load_idx %arg13[%add3A_619] : memref<5632xf32, #tpu.memory_space<vmem>>[vector<16xi32>], vector<16xf32>,
        %add3A_621 = arith.addf %scan3A_606, %gather3A_620 : vector<16xf32>
        scf.yield %add3A_613, %add3A_621 : vector<16xf32>, vector<16xf32>
      }
      %scan3A_398 = arith.constant 8 : i32
      %add3A_399 = arith.addf %scan3A_397#0, %scan3A_397#1 : vector<16xf32>
      %mul3A_400 = arith.constant 32 : i32
      %mul3A_401 = arith.muli %scan3A_102, %mul3A_400 : i32
      %add3A_402 = arith.constant 0 : i32
      %add3A_403 = arith.addi %mul3A_401, %add3A_402 : i32
      %swap3A_404 = arith.constant 4 : i32
      %swap3A_405 = arith.index_cast %swap3A_404 : i32 to index
      %swap3A_406 = arith.index_cast %add3A_403 : i32 to index
      %swap3A_407 = tpu.vector_load %arg14[%swap3A_405, %swap3A_406] {strides = array<i32>} : memref<16x512xf32, #tpu.memory_space<vmem>>, vector<16xf32>,
      tpu.vector_store %arg14[%swap3A_405, %swap3A_406], %add3A_399 {strides = array<i32>} : memref<16x512xf32, #tpu.memory_space<vmem>>, vector<16xf32>,
      %scan3A_408 = arith.constant 0 : i32
      %scan3A_409 = arith.constant 8 : i32
      %scan3A_410 = arith.addi %scan3A_408, %scan3A_409 : i32
      %scan3A_411 = arith.constant 1 : i32
      %scan3A_412:2 = scf.for %scan3A_604 = %scan3A_408 to %scan3A_410 step %scan3A_411 iter_args(%scan3A_605 = %broadcast_in_dim3A_4, %scan3A_606 = %broadcast_in_dim3A_4) -> (vector<16xf32>, vector<16xf32>)  : i32 {
        %mul3A_607 = arith.constant 2 : i32
        %mul3A_608 = arith.muli %scan3A_604, %mul3A_607 : i32
        %add3A_609 = arith.constant 2304 : i32
        %add3A_610 = arith.addi %add3A_609, %mul3A_608 : i32
        %add3A_611 = vector.broadcast %add3A_610 : i32 to vector<16xi32>
        %add3A_612 = arith.addi %mul3A_3, %add3A_611 : vector<16xi32>
        %gather3A = tpu.vector_load_idx %arg13[%add3A_612] : memref<5632xf32, #tpu.memory_space<vmem>>[vector<16xi32>], vector<16xf32>,
        %add3A_613 = arith.addf %scan3A_605, %gather3A : vector<16xf32>
        %add3A_614 = arith.constant 2304 : i32
        %add3A_615 = arith.addi %add3A_614, %mul3A_608 : i32
        %add3A_616 = arith.constant 1 : i32
        %add3A_617 = arith.addi %add3A_615, %add3A_616 : i32
        %add3A_618 = vector.broadcast %add3A_617 : i32 to vector<16xi32>
        %add3A_619 = arith.addi %mul3A_3, %add3A_618 : vector<16xi32>
        %gather3A_620 = tpu.vector_load_idx %arg13[%add3A_619] : memref<5632xf32, #tpu.memory_space<vmem>>[vector<16xi32>], vector<16xf32>,
        %add3A_621 = arith.addf %scan3A_606, %gather3A_620 : vector<16xf32>
        scf.yield %add3A_613, %add3A_621 : vector<16xf32>, vector<16xf32>
      }
      %scan3A_413 = arith.constant 8 : i32
      %add3A_414 = arith.addf %scan3A_412#0, %scan3A_412#1 : vector<16xf32>
      %mul3A_415 = arith.constant 32 : i32
      %mul3A_416 = arith.muli %scan3A_102, %mul3A_415 : i32
      %add3A_417 = arith.constant 16 : i32
      %add3A_418 = arith.addi %mul3A_416, %add3A_417 : i32
      %swap3A_419 = arith.constant 4 : i32
      %swap3A_420 = arith.index_cast %swap3A_419 : i32 to index
      %swap3A_421 = arith.index_cast %add3A_418 : i32 to index
      %swap3A_422 = tpu.vector_load %arg14[%swap3A_420, %swap3A_421] {strides = array<i32>} : memref<16x512xf32, #tpu.memory_space<vmem>>, vector<16xf32>,
      tpu.vector_store %arg14[%swap3A_420, %swap3A_421], %add3A_414 {strides = array<i32>} : memref<16x512xf32, #tpu.memory_space<vmem>>, vector<16xf32>,
      %scan3A_423 = arith.constant 0 : i32
      %scan3A_424 = arith.constant 8 : i32
      %scan3A_425 = arith.addi %scan3A_423, %scan3A_424 : i32
      %scan3A_426 = arith.constant 1 : i32
      %scan3A_427:2 = scf.for %scan3A_604 = %scan3A_423 to %scan3A_425 step %scan3A_426 iter_args(%scan3A_605 = %broadcast_in_dim3A_4, %scan3A_606 = %broadcast_in_dim3A_4) -> (vector<16xf32>, vector<16xf32>)  : i32 {
        %mul3A_607 = arith.constant 2 : i32
        %mul3A_608 = arith.muli %scan3A_604, %mul3A_607 : i32
        %add3A_609 = arith.constant 2560 : i32
        %add3A_610 = arith.addi %add3A_609, %mul3A_608 : i32
        %add3A_611 = vector.broadcast %add3A_610 : i32 to vector<16xi32>
        %add3A_612 = arith.addi %mul3A_3, %add3A_611 : vector<16xi32>
        %gather3A = tpu.vector_load_idx %arg13[%add3A_612] : memref<5632xf32, #tpu.memory_space<vmem>>[vector<16xi32>], vector<16xf32>,
        %add3A_613 = arith.addf %scan3A_605, %gather3A : vector<16xf32>
        %add3A_614 = arith.constant 2560 : i32
        %add3A_615 = arith.addi %add3A_614, %mul3A_608 : i32
        %add3A_616 = arith.constant 1 : i32
        %add3A_617 = arith.addi %add3A_615, %add3A_616 : i32
        %add3A_618 = vector.broadcast %add3A_617 : i32 to vector<16xi32>
        %add3A_619 = arith.addi %mul3A_3, %add3A_618 : vector<16xi32>
        %gather3A_620 = tpu.vector_load_idx %arg13[%add3A_619] : memref<5632xf32, #tpu.memory_space<vmem>>[vector<16xi32>], vector<16xf32>,
        %add3A_621 = arith.addf %scan3A_606, %gather3A_620 : vector<16xf32>
        scf.yield %add3A_613, %add3A_621 : vector<16xf32>, vector<16xf32>
      }
      %scan3A_428 = arith.constant 8 : i32
      %add3A_429 = arith.addf %scan3A_427#0, %scan3A_427#1 : vector<16xf32>
      %mul3A_430 = arith.constant 32 : i32
      %mul3A_431 = arith.muli %scan3A_102, %mul3A_430 : i32
      %add3A_432 = arith.constant 0 : i32
      %add3A_433 = arith.addi %mul3A_431, %add3A_432 : i32
      %swap3A_434 = arith.constant 5 : i32
      %swap3A_435 = arith.index_cast %swap3A_434 : i32 to index
      %swap3A_436 = arith.index_cast %add3A_433 : i32 to index
      %swap3A_437 = tpu.vector_load %arg14[%swap3A_435, %swap3A_436] {strides = array<i32>} : memref<16x512xf32, #tpu.memory_space<vmem>>, vector<16xf32>,
      tpu.vector_store %arg14[%swap3A_435, %swap3A_436], %add3A_429 {strides = array<i32>} : memref<16x512xf32, #tpu.memory_space<vmem>>, vector<16xf32>,
      %scan3A_438 = arith.constant 0 : i32
      %scan3A_439 = arith.constant 8 : i32
      %scan3A_440 = arith.addi %scan3A_438, %scan3A_439 : i32
      %scan3A_441 = arith.constant 1 : i32
      %scan3A_442:2 = scf.for %scan3A_604 = %scan3A_438 to %scan3A_440 step %scan3A_441 iter_args(%scan3A_605 = %broadcast_in_dim3A_4, %scan3A_606 = %broadcast_in_dim3A_4) -> (vector<16xf32>, vector<16xf32>)  : i32 {
        %mul3A_607 = arith.constant 2 : i32
        %mul3A_608 = arith.muli %scan3A_604, %mul3A_607 : i32
        %add3A_609 = arith.constant 2816 : i32
        %add3A_610 = arith.addi %add3A_609, %mul3A_608 : i32
        %add3A_611 = vector.broadcast %add3A_610 : i32 to vector<16xi32>
        %add3A_612 = arith.addi %mul3A_3, %add3A_611 : vector<16xi32>
        %gather3A = tpu.vector_load_idx %arg13[%add3A_612] : memref<5632xf32, #tpu.memory_space<vmem>>[vector<16xi32>], vector<16xf32>,
        %add3A_613 = arith.addf %scan3A_605, %gather3A : vector<16xf32>
        %add3A_614 = arith.constant 2816 : i32
        %add3A_615 = arith.addi %add3A_614, %mul3A_608 : i32
        %add3A_616 = arith.constant 1 : i32
        %add3A_617 = arith.addi %add3A_615, %add3A_616 : i32
        %add3A_618 = vector.broadcast %add3A_617 : i32 to vector<16xi32>
        %add3A_619 = arith.addi %mul3A_3, %add3A_618 : vector<16xi32>
        %gather3A_620 = tpu.vector_load_idx %arg13[%add3A_619] : memref<5632xf32, #tpu.memory_space<vmem>>[vector<16xi32>], vector<16xf32>,
        %add3A_621 = arith.addf %scan3A_606, %gather3A_620 : vector<16xf32>
        scf.yield %add3A_613, %add3A_621 : vector<16xf32>, vector<16xf32>
      }
      %scan3A_443 = arith.constant 8 : i32
      %add3A_444 = arith.addf %scan3A_442#0, %scan3A_442#1 : vector<16xf32>
      %mul3A_445 = arith.constant 32 : i32
      %mul3A_446 = arith.muli %scan3A_102, %mul3A_445 : i32
      %add3A_447 = arith.constant 16 : i32
      %add3A_448 = arith.addi %mul3A_446, %add3A_447 : i32
      %swap3A_449 = arith.constant 5 : i32
      %swap3A_450 = arith.index_cast %swap3A_449 : i32 to index
      %swap3A_451 = arith.index_cast %add3A_448 : i32 to index
      %swap3A_452 = tpu.vector_load %arg14[%swap3A_450, %swap3A_451] {strides = array<i32>} : memref<16x512xf32, #tpu.memory_space<vmem>>, vector<16xf32>,
      tpu.vector_store %arg14[%swap3A_450, %swap3A_451], %add3A_444 {strides = array<i32>} : memref<16x512xf32, #tpu.memory_space<vmem>>, vector<16xf32>,
      %scan3A_453 = arith.constant 0 : i32
      %scan3A_454 = arith.constant 8 : i32
      %scan3A_455 = arith.addi %scan3A_453, %scan3A_454 : i32
      %scan3A_456 = arith.constant 1 : i32
      %scan3A_457:2 = scf.for %scan3A_604 = %scan3A_453 to %scan3A_455 step %scan3A_456 iter_args(%scan3A_605 = %broadcast_in_dim3A_4, %scan3A_606 = %broadcast_in_dim3A_4) -> (vector<16xf32>, vector<16xf32>)  : i32 {
        %mul3A_607 = arith.constant 2 : i32
        %mul3A_608 = arith.muli %scan3A_604, %mul3A_607 : i32
        %add3A_609 = arith.constant 3072 : i32
        %add3A_610 = arith.addi %add3A_609, %mul3A_608 : i32
        %add3A_611 = vector.broadcast %add3A_610 : i32 to vector<16xi32>
        %add3A_612 = arith.addi %mul3A_3, %add3A_611 : vector<16xi32>
        %gather3A = tpu.vector_load_idx %arg13[%add3A_612] : memref<5632xf32, #tpu.memory_space<vmem>>[vector<16xi32>], vector<16xf32>,
        %add3A_613 = arith.addf %scan3A_605, %gather3A : vector<16xf32>
        %add3A_614 = arith.constant 3072 : i32
        %add3A_615 = arith.addi %add3A_614, %mul3A_608 : i32
        %add3A_616 = arith.constant 1 : i32
        %add3A_617 = arith.addi %add3A_615, %add3A_616 : i32
        %add3A_618 = vector.broadcast %add3A_617 : i32 to vector<16xi32>
        %add3A_619 = arith.addi %mul3A_3, %add3A_618 : vector<16xi32>
        %gather3A_620 = tpu.vector_load_idx %arg13[%add3A_619] : memref<5632xf32, #tpu.memory_space<vmem>>[vector<16xi32>], vector<16xf32>,
        %add3A_621 = arith.addf %scan3A_606, %gather3A_620 : vector<16xf32>
        scf.yield %add3A_613, %add3A_621 : vector<16xf32>, vector<16xf32>
      }
      %scan3A_458 = arith.constant 8 : i32
      %add3A_459 = arith.addf %scan3A_457#0, %scan3A_457#1 : vector<16xf32>
      %mul3A_460 = arith.constant 32 : i32
      %mul3A_461 = arith.muli %scan3A_102, %mul3A_460 : i32
      %add3A_462 = arith.constant 0 : i32
      %add3A_463 = arith.addi %mul3A_461, %add3A_462 : i32
      %swap3A_464 = arith.constant 6 : i32
      %swap3A_465 = arith.index_cast %swap3A_464 : i32 to index
      %swap3A_466 = arith.index_cast %add3A_463 : i32 to index
      %swap3A_467 = tpu.vector_load %arg14[%swap3A_465, %swap3A_466] {strides = array<i32>} : memref<16x512xf32, #tpu.memory_space<vmem>>, vector<16xf32>,
      tpu.vector_store %arg14[%swap3A_465, %swap3A_466], %add3A_459 {strides = array<i32>} : memref<16x512xf32, #tpu.memory_space<vmem>>, vector<16xf32>,
      %scan3A_468 = arith.constant 0 : i32
      %scan3A_469 = arith.constant 8 : i32
      %scan3A_470 = arith.addi %scan3A_468, %scan3A_469 : i32
      %scan3A_471 = arith.constant 1 : i32
      %scan3A_472:2 = scf.for %scan3A_604 = %scan3A_468 to %scan3A_470 step %scan3A_471 iter_args(%scan3A_605 = %broadcast_in_dim3A_4, %scan3A_606 = %broadcast_in_dim3A_4) -> (vector<16xf32>, vector<16xf32>)  : i32 {
        %mul3A_607 = arith.constant 2 : i32
        %mul3A_608 = arith.muli %scan3A_604, %mul3A_607 : i32
        %add3A_609 = arith.constant 3328 : i32
        %add3A_610 = arith.addi %add3A_609, %mul3A_608 : i32
        %add3A_611 = vector.broadcast %add3A_610 : i32 to vector<16xi32>
        %add3A_612 = arith.addi %mul3A_3, %add3A_611 : vector<16xi32>
        %gather3A = tpu.vector_load_idx %arg13[%add3A_612] : memref<5632xf32, #tpu.memory_space<vmem>>[vector<16xi32>], vector<16xf32>,
        %add3A_613 = arith.addf %scan3A_605, %gather3A : vector<16xf32>
        %add3A_614 = arith.constant 3328 : i32
        %add3A_615 = arith.addi %add3A_614, %mul3A_608 : i32
        %add3A_616 = arith.constant 1 : i32
        %add3A_617 = arith.addi %add3A_615, %add3A_616 : i32
        %add3A_618 = vector.broadcast %add3A_617 : i32 to vector<16xi32>
        %add3A_619 = arith.addi %mul3A_3, %add3A_618 : vector<16xi32>
        %gather3A_620 = tpu.vector_load_idx %arg13[%add3A_619] : memref<5632xf32, #tpu.memory_space<vmem>>[vector<16xi32>], vector<16xf32>,
        %add3A_621 = arith.addf %scan3A_606, %gather3A_620 : vector<16xf32>
        scf.yield %add3A_613, %add3A_621 : vector<16xf32>, vector<16xf32>
      }
      %scan3A_473 = arith.constant 8 : i32
      %add3A_474 = arith.addf %scan3A_472#0, %scan3A_472#1 : vector<16xf32>
      %mul3A_475 = arith.constant 32 : i32
      %mul3A_476 = arith.muli %scan3A_102, %mul3A_475 : i32
      %add3A_477 = arith.constant 16 : i32
      %add3A_478 = arith.addi %mul3A_476, %add3A_477 : i32
      %swap3A_479 = arith.constant 6 : i32
      %swap3A_480 = arith.index_cast %swap3A_479 : i32 to index
      %swap3A_481 = arith.index_cast %add3A_478 : i32 to index
      %swap3A_482 = tpu.vector_load %arg14[%swap3A_480, %swap3A_481] {strides = array<i32>} : memref<16x512xf32, #tpu.memory_space<vmem>>, vector<16xf32>,
      tpu.vector_store %arg14[%swap3A_480, %swap3A_481], %add3A_474 {strides = array<i32>} : memref<16x512xf32, #tpu.memory_space<vmem>>, vector<16xf32>,
      %scan3A_483 = arith.constant 0 : i32
      %scan3A_484 = arith.constant 8 : i32
      %scan3A_485 = arith.addi %scan3A_483, %scan3A_484 : i32
      %scan3A_486 = arith.constant 1 : i32
      %scan3A_487:2 = scf.for %scan3A_604 = %scan3A_483 to %scan3A_485 step %scan3A_486 iter_args(%scan3A_605 = %broadcast_in_dim3A_4, %scan3A_606 = %broadcast_in_dim3A_4) -> (vector<16xf32>, vector<16xf32>)  : i32 {
        %mul3A_607 = arith.constant 2 : i32
        %mul3A_608 = arith.muli %scan3A_604, %mul3A_607 : i32
        %add3A_609 = arith.constant 3584 : i32
        %add3A_610 = arith.addi %add3A_609, %mul3A_608 : i32
        %add3A_611 = vector.broadcast %add3A_610 : i32 to vector<16xi32>
        %add3A_612 = arith.addi %mul3A_3, %add3A_611 : vector<16xi32>
        %gather3A = tpu.vector_load_idx %arg13[%add3A_612] : memref<5632xf32, #tpu.memory_space<vmem>>[vector<16xi32>], vector<16xf32>,
        %add3A_613 = arith.addf %scan3A_605, %gather3A : vector<16xf32>
        %add3A_614 = arith.constant 3584 : i32
        %add3A_615 = arith.addi %add3A_614, %mul3A_608 : i32
        %add3A_616 = arith.constant 1 : i32
        %add3A_617 = arith.addi %add3A_615, %add3A_616 : i32
        %add3A_618 = vector.broadcast %add3A_617 : i32 to vector<16xi32>
        %add3A_619 = arith.addi %mul3A_3, %add3A_618 : vector<16xi32>
        %gather3A_620 = tpu.vector_load_idx %arg13[%add3A_619] : memref<5632xf32, #tpu.memory_space<vmem>>[vector<16xi32>], vector<16xf32>,
        %add3A_621 = arith.addf %scan3A_606, %gather3A_620 : vector<16xf32>
        scf.yield %add3A_613, %add3A_621 : vector<16xf32>, vector<16xf32>
      }
      %scan3A_488 = arith.constant 8 : i32
      %add3A_489 = arith.addf %scan3A_487#0, %scan3A_487#1 : vector<16xf32>
      %mul3A_490 = arith.constant 32 : i32
      %mul3A_491 = arith.muli %scan3A_102, %mul3A_490 : i32
      %add3A_492 = arith.constant 0 : i32
      %add3A_493 = arith.addi %mul3A_491, %add3A_492 : i32
      %swap3A_494 = arith.constant 7 : i32
      %swap3A_495 = arith.index_cast %swap3A_494 : i32 to index
      %swap3A_496 = arith.index_cast %add3A_493 : i32 to index
      %swap3A_497 = tpu.vector_load %arg14[%swap3A_495, %swap3A_496] {strides = array<i32>} : memref<16x512xf32, #tpu.memory_space<vmem>>, vector<16xf32>,
      tpu.vector_store %arg14[%swap3A_495, %swap3A_496], %add3A_489 {strides = array<i32>} : memref<16x512xf32, #tpu.memory_space<vmem>>, vector<16xf32>,
      %scan3A_498 = arith.constant 0 : i32
      %scan3A_499 = arith.constant 8 : i32
      %scan3A_500 = arith.addi %scan3A_498, %scan3A_499 : i32
      %scan3A_501 = arith.constant 1 : i32
      %scan3A_502:2 = scf.for %scan3A_604 = %scan3A_498 to %scan3A_500 step %scan3A_501 iter_args(%scan3A_605 = %broadcast_in_dim3A_4, %scan3A_606 = %broadcast_in_dim3A_4) -> (vector<16xf32>, vector<16xf32>)  : i32 {
        %mul3A_607 = arith.constant 2 : i32
        %mul3A_608 = arith.muli %scan3A_604, %mul3A_607 : i32
        %add3A_609 = arith.constant 3840 : i32
        %add3A_610 = arith.addi %add3A_609, %mul3A_608 : i32
        %add3A_611 = vector.broadcast %add3A_610 : i32 to vector<16xi32>
        %add3A_612 = arith.addi %mul3A_3, %add3A_611 : vector<16xi32>
        %gather3A = tpu.vector_load_idx %arg13[%add3A_612] : memref<5632xf32, #tpu.memory_space<vmem>>[vector<16xi32>], vector<16xf32>,
        %add3A_613 = arith.addf %scan3A_605, %gather3A : vector<16xf32>
        %add3A_614 = arith.constant 3840 : i32
        %add3A_615 = arith.addi %add3A_614, %mul3A_608 : i32
        %add3A_616 = arith.constant 1 : i32
        %add3A_617 = arith.addi %add3A_615, %add3A_616 : i32
        %add3A_618 = vector.broadcast %add3A_617 : i32 to vector<16xi32>
        %add3A_619 = arith.addi %mul3A_3, %add3A_618 : vector<16xi32>
        %gather3A_620 = tpu.vector_load_idx %arg13[%add3A_619] : memref<5632xf32, #tpu.memory_space<vmem>>[vector<16xi32>], vector<16xf32>,
        %add3A_621 = arith.addf %scan3A_606, %gather3A_620 : vector<16xf32>
        scf.yield %add3A_613, %add3A_621 : vector<16xf32>, vector<16xf32>
      }
      %scan3A_503 = arith.constant 8 : i32
      %add3A_504 = arith.addf %scan3A_502#0, %scan3A_502#1 : vector<16xf32>
      %mul3A_505 = arith.constant 32 : i32
      %mul3A_506 = arith.muli %scan3A_102, %mul3A_505 : i32
      %add3A_507 = arith.constant 16 : i32
      %add3A_508 = arith.addi %mul3A_506, %add3A_507 : i32
      %swap3A_509 = arith.constant 7 : i32
      %swap3A_510 = arith.index_cast %swap3A_509 : i32 to index
      %swap3A_511 = arith.index_cast %add3A_508 : i32 to index
      %swap3A_512 = tpu.vector_load %arg14[%swap3A_510, %swap3A_511] {strides = array<i32>} : memref<16x512xf32, #tpu.memory_space<vmem>>, vector<16xf32>,
      tpu.vector_store %arg14[%swap3A_510, %swap3A_511], %add3A_504 {strides = array<i32>} : memref<16x512xf32, #tpu.memory_space<vmem>>, vector<16xf32>,
      %scan3A_513 = arith.constant 0 : i32
      %scan3A_514 = arith.constant 8 : i32
      %scan3A_515 = arith.addi %scan3A_513, %scan3A_514 : i32
      %scan3A_516 = arith.constant 1 : i32
      %scan3A_517:2 = scf.for %scan3A_604 = %scan3A_513 to %scan3A_515 step %scan3A_516 iter_args(%scan3A_605 = %broadcast_in_dim3A_4, %scan3A_606 = %broadcast_in_dim3A_4) -> (vector<16xf32>, vector<16xf32>)  : i32 {
        %mul3A_607 = arith.constant 2 : i32
        %mul3A_608 = arith.muli %scan3A_604, %mul3A_607 : i32
        %add3A_609 = arith.constant 4096 : i32
        %add3A_610 = arith.addi %add3A_609, %mul3A_608 : i32
        %add3A_611 = vector.broadcast %add3A_610 : i32 to vector<16xi32>
        %add3A_612 = arith.addi %mul3A_3, %add3A_611 : vector<16xi32>
        %gather3A = tpu.vector_load_idx %arg13[%add3A_612] : memref<5632xf32, #tpu.memory_space<vmem>>[vector<16xi32>], vector<16xf32>,
        %add3A_613 = arith.addf %scan3A_605, %gather3A : vector<16xf32>
        %add3A_614 = arith.constant 4096 : i32
        %add3A_615 = arith.addi %add3A_614, %mul3A_608 : i32
        %add3A_616 = arith.constant 1 : i32
        %add3A_617 = arith.addi %add3A_615, %add3A_616 : i32
        %add3A_618 = vector.broadcast %add3A_617 : i32 to vector<16xi32>
        %add3A_619 = arith.addi %mul3A_3, %add3A_618 : vector<16xi32>
        %gather3A_620 = tpu.vector_load_idx %arg13[%add3A_619] : memref<5632xf32, #tpu.memory_space<vmem>>[vector<16xi32>], vector<16xf32>,
        %add3A_621 = arith.addf %scan3A_606, %gather3A_620 : vector<16xf32>
        scf.yield %add3A_613, %add3A_621 : vector<16xf32>, vector<16xf32>
      }
      %scan3A_518 = arith.constant 8 : i32
      %add3A_519 = arith.addf %scan3A_517#0, %scan3A_517#1 : vector<16xf32>
      %mul3A_520 = arith.constant 32 : i32
      %mul3A_521 = arith.muli %scan3A_102, %mul3A_520 : i32
      %add3A_522 = arith.constant 0 : i32
      %add3A_523 = arith.addi %mul3A_521, %add3A_522 : i32
      %swap3A_524 = arith.constant 8 : i32
      %swap3A_525 = arith.index_cast %swap3A_524 : i32 to index
      %swap3A_526 = arith.index_cast %add3A_523 : i32 to index
      %swap3A_527 = tpu.vector_load %arg14[%swap3A_525, %swap3A_526] {strides = array<i32>} : memref<16x512xf32, #tpu.memory_space<vmem>>, vector<16xf32>,
      tpu.vector_store %arg14[%swap3A_525, %swap3A_526], %add3A_519 {strides = array<i32>} : memref<16x512xf32, #tpu.memory_space<vmem>>, vector<16xf32>,
      %scan3A_528 = arith.constant 0 : i32
      %scan3A_529 = arith.constant 8 : i32
      %scan3A_530 = arith.addi %scan3A_528, %scan3A_529 : i32
      %scan3A_531 = arith.constant 1 : i32
      %scan3A_532:2 = scf.for %scan3A_604 = %scan3A_528 to %scan3A_530 step %scan3A_531 iter_args(%scan3A_605 = %broadcast_in_dim3A_4, %scan3A_606 = %broadcast_in_dim3A_4) -> (vector<16xf32>, vector<16xf32>)  : i32 {
        %mul3A_607 = arith.constant 2 : i32
        %mul3A_608 = arith.muli %scan3A_604, %mul3A_607 : i32
        %add3A_609 = arith.constant 4352 : i32
        %add3A_610 = arith.addi %add3A_609, %mul3A_608 : i32
        %add3A_611 = vector.broadcast %add3A_610 : i32 to vector<16xi32>
        %add3A_612 = arith.addi %mul3A_3, %add3A_611 : vector<16xi32>
        %gather3A = tpu.vector_load_idx %arg13[%add3A_612] : memref<5632xf32, #tpu.memory_space<vmem>>[vector<16xi32>], vector<16xf32>,
        %add3A_613 = arith.addf %scan3A_605, %gather3A : vector<16xf32>
        %add3A_614 = arith.constant 4352 : i32
        %add3A_615 = arith.addi %add3A_614, %mul3A_608 : i32
        %add3A_616 = arith.constant 1 : i32
        %add3A_617 = arith.addi %add3A_615, %add3A_616 : i32
        %add3A_618 = vector.broadcast %add3A_617 : i32 to vector<16xi32>
        %add3A_619 = arith.addi %mul3A_3, %add3A_618 : vector<16xi32>
        %gather3A_620 = tpu.vector_load_idx %arg13[%add3A_619] : memref<5632xf32, #tpu.memory_space<vmem>>[vector<16xi32>], vector<16xf32>,
        %add3A_621 = arith.addf %scan3A_606, %gather3A_620 : vector<16xf32>
        scf.yield %add3A_613, %add3A_621 : vector<16xf32>, vector<16xf32>
      }
      %scan3A_533 = arith.constant 8 : i32
      %add3A_534 = arith.addf %scan3A_532#0, %scan3A_532#1 : vector<16xf32>
      %mul3A_535 = arith.constant 32 : i32
      %mul3A_536 = arith.muli %scan3A_102, %mul3A_535 : i32
      %add3A_537 = arith.constant 16 : i32
      %add3A_538 = arith.addi %mul3A_536, %add3A_537 : i32
      %swap3A_539 = arith.constant 8 : i32
      %swap3A_540 = arith.index_cast %swap3A_539 : i32 to index
      %swap3A_541 = arith.index_cast %add3A_538 : i32 to index
      %swap3A_542 = tpu.vector_load %arg14[%swap3A_540, %swap3A_541] {strides = array<i32>} : memref<16x512xf32, #tpu.memory_space<vmem>>, vector<16xf32>,
      tpu.vector_store %arg14[%swap3A_540, %swap3A_541], %add3A_534 {strides = array<i32>} : memref<16x512xf32, #tpu.memory_space<vmem>>, vector<16xf32>,
      %scan3A_543 = arith.constant 0 : i32
      %scan3A_544 = arith.constant 8 : i32
      %scan3A_545 = arith.addi %scan3A_543, %scan3A_544 : i32
      %scan3A_546 = arith.constant 1 : i32
      %scan3A_547:2 = scf.for %scan3A_604 = %scan3A_543 to %scan3A_545 step %scan3A_546 iter_args(%scan3A_605 = %broadcast_in_dim3A_4, %scan3A_606 = %broadcast_in_dim3A_4) -> (vector<16xf32>, vector<16xf32>)  : i32 {
        %mul3A_607 = arith.constant 2 : i32
        %mul3A_608 = arith.muli %scan3A_604, %mul3A_607 : i32
        %add3A_609 = arith.constant 4608 : i32
        %add3A_610 = arith.addi %add3A_609, %mul3A_608 : i32
        %add3A_611 = vector.broadcast %add3A_610 : i32 to vector<16xi32>
        %add3A_612 = arith.addi %mul3A_3, %add3A_611 : vector<16xi32>
        %gather3A = tpu.vector_load_idx %arg13[%add3A_612] : memref<5632xf32, #tpu.memory_space<vmem>>[vector<16xi32>], vector<16xf32>,
        %add3A_613 = arith.addf %scan3A_605, %gather3A : vector<16xf32>
        %add3A_614 = arith.constant 4608 : i32
        %add3A_615 = arith.addi %add3A_614, %mul3A_608 : i32
        %add3A_616 = arith.constant 1 : i32
        %add3A_617 = arith.addi %add3A_615, %add3A_616 : i32
        %add3A_618 = vector.broadcast %add3A_617 : i32 to vector<16xi32>
        %add3A_619 = arith.addi %mul3A_3, %add3A_618 : vector<16xi32>
        %gather3A_620 = tpu.vector_load_idx %arg13[%add3A_619] : memref<5632xf32, #tpu.memory_space<vmem>>[vector<16xi32>], vector<16xf32>,
        %add3A_621 = arith.addf %scan3A_606, %gather3A_620 : vector<16xf32>
        scf.yield %add3A_613, %add3A_621 : vector<16xf32>, vector<16xf32>
      }
      %scan3A_548 = arith.constant 8 : i32
      %add3A_549 = arith.addf %scan3A_547#0, %scan3A_547#1 : vector<16xf32>
      %mul3A_550 = arith.constant 32 : i32
      %mul3A_551 = arith.muli %scan3A_102, %mul3A_550 : i32
      %add3A_552 = arith.constant 0 : i32
      %add3A_553 = arith.addi %mul3A_551, %add3A_552 : i32
      %swap3A_554 = arith.constant 9 : i32
      %swap3A_555 = arith.index_cast %swap3A_554 : i32 to index
      %swap3A_556 = arith.index_cast %add3A_553 : i32 to index
      %swap3A_557 = tpu.vector_load %arg14[%swap3A_555, %swap3A_556] {strides = array<i32>} : memref<16x512xf32, #tpu.memory_space<vmem>>, vector<16xf32>,
      tpu.vector_store %arg14[%swap3A_555, %swap3A_556], %add3A_549 {strides = array<i32>} : memref<16x512xf32, #tpu.memory_space<vmem>>, vector<16xf32>,
      %scan3A_558 = arith.constant 0 : i32
      %scan3A_559 = arith.constant 8 : i32
      %scan3A_560 = arith.addi %scan3A_558, %scan3A_559 : i32
      %scan3A_561 = arith.constant 1 : i32
      %scan3A_562:2 = scf.for %scan3A_604 = %scan3A_558 to %scan3A_560 step %scan3A_561 iter_args(%scan3A_605 = %broadcast_in_dim3A_4, %scan3A_606 = %broadcast_in_dim3A_4) -> (vector<16xf32>, vector<16xf32>)  : i32 {
        %mul3A_607 = arith.constant 2 : i32
        %mul3A_608 = arith.muli %scan3A_604, %mul3A_607 : i32
        %add3A_609 = arith.constant 4864 : i32
        %add3A_610 = arith.addi %add3A_609, %mul3A_608 : i32
        %add3A_611 = vector.broadcast %add3A_610 : i32 to vector<16xi32>
        %add3A_612 = arith.addi %mul3A_3, %add3A_611 : vector<16xi32>
        %gather3A = tpu.vector_load_idx %arg13[%add3A_612] : memref<5632xf32, #tpu.memory_space<vmem>>[vector<16xi32>], vector<16xf32>,
        %add3A_613 = arith.addf %scan3A_605, %gather3A : vector<16xf32>
        %add3A_614 = arith.constant 4864 : i32
        %add3A_615 = arith.addi %add3A_614, %mul3A_608 : i32
        %add3A_616 = arith.constant 1 : i32
        %add3A_617 = arith.addi %add3A_615, %add3A_616 : i32
        %add3A_618 = vector.broadcast %add3A_617 : i32 to vector<16xi32>
        %add3A_619 = arith.addi %mul3A_3, %add3A_618 : vector<16xi32>
        %gather3A_620 = tpu.vector_load_idx %arg13[%add3A_619] : memref<5632xf32, #tpu.memory_space<vmem>>[vector<16xi32>], vector<16xf32>,
        %add3A_621 = arith.addf %scan3A_606, %gather3A_620 : vector<16xf32>
        scf.yield %add3A_613, %add3A_621 : vector<16xf32>, vector<16xf32>
      }
      %scan3A_563 = arith.constant 8 : i32
      %add3A_564 = arith.addf %scan3A_562#0, %scan3A_562#1 : vector<16xf32>
      %mul3A_565 = arith.constant 32 : i32
      %mul3A_566 = arith.muli %scan3A_102, %mul3A_565 : i32
      %add3A_567 = arith.constant 16 : i32
      %add3A_568 = arith.addi %mul3A_566, %add3A_567 : i32
      %swap3A_569 = arith.constant 9 : i32
      %swap3A_570 = arith.index_cast %swap3A_569 : i32 to index
      %swap3A_571 = arith.index_cast %add3A_568 : i32 to index
      %swap3A_572 = tpu.vector_load %arg14[%swap3A_570, %swap3A_571] {strides = array<i32>} : memref<16x512xf32, #tpu.memory_space<vmem>>, vector<16xf32>,
      tpu.vector_store %arg14[%swap3A_570, %swap3A_571], %add3A_564 {strides = array<i32>} : memref<16x512xf32, #tpu.memory_space<vmem>>, vector<16xf32>,
      %scan3A_573 = arith.constant 0 : i32
      %scan3A_574 = arith.constant 8 : i32
      %scan3A_575 = arith.addi %scan3A_573, %scan3A_574 : i32
      %scan3A_576 = arith.constant 1 : i32
      %scan3A_577:2 = scf.for %scan3A_604 = %scan3A_573 to %scan3A_575 step %scan3A_576 iter_args(%scan3A_605 = %broadcast_in_dim3A_4, %scan3A_606 = %broadcast_in_dim3A_4) -> (vector<16xf32>, vector<16xf32>)  : i32 {
        %mul3A_607 = arith.constant 2 : i32
        %mul3A_608 = arith.muli %scan3A_604, %mul3A_607 : i32
        %add3A_609 = arith.constant 5120 : i32
        %add3A_610 = arith.addi %add3A_609, %mul3A_608 : i32
        %add3A_611 = vector.broadcast %add3A_610 : i32 to vector<16xi32>
        %add3A_612 = arith.addi %mul3A_3, %add3A_611 : vector<16xi32>
        %gather3A = tpu.vector_load_idx %arg13[%add3A_612] : memref<5632xf32, #tpu.memory_space<vmem>>[vector<16xi32>], vector<16xf32>,
        %add3A_613 = arith.addf %scan3A_605, %gather3A : vector<16xf32>
        %add3A_614 = arith.constant 5120 : i32
        %add3A_615 = arith.addi %add3A_614, %mul3A_608 : i32
        %add3A_616 = arith.constant 1 : i32
        %add3A_617 = arith.addi %add3A_615, %add3A_616 : i32
        %add3A_618 = vector.broadcast %add3A_617 : i32 to vector<16xi32>
        %add3A_619 = arith.addi %mul3A_3, %add3A_618 : vector<16xi32>
        %gather3A_620 = tpu.vector_load_idx %arg13[%add3A_619] : memref<5632xf32, #tpu.memory_space<vmem>>[vector<16xi32>], vector<16xf32>,
        %add3A_621 = arith.addf %scan3A_606, %gather3A_620 : vector<16xf32>
        scf.yield %add3A_613, %add3A_621 : vector<16xf32>, vector<16xf32>
      }
      %scan3A_578 = arith.constant 8 : i32
      %add3A_579 = arith.addf %scan3A_577#0, %scan3A_577#1 : vector<16xf32>
      %mul3A_580 = arith.constant 32 : i32
      %mul3A_581 = arith.muli %scan3A_102, %mul3A_580 : i32
      %add3A_582 = arith.constant 0 : i32
      %add3A_583 = arith.addi %mul3A_581, %add3A_582 : i32
      %swap3A_584 = arith.constant 10 : i32
      %swap3A_585 = arith.index_cast %swap3A_584 : i32 to index
      %swap3A_586 = arith.index_cast %add3A_583 : i32 to index
      %swap3A_587 = tpu.vector_load %arg14[%swap3A_585, %swap3A_586] {strides = array<i32>} : memref<16x512xf32, #tpu.memory_space<vmem>>, vector<16xf32>,
      tpu.vector_store %arg14[%swap3A_585, %swap3A_586], %add3A_579 {strides = array<i32>} : memref<16x512xf32, #tpu.memory_space<vmem>>, vector<16xf32>,
      %scan3A_588 = arith.constant 0 : i32
      %scan3A_589 = arith.constant 8 : i32
      %scan3A_590 = arith.addi %scan3A_588, %scan3A_589 : i32
      %scan3A_591 = arith.constant 1 : i32
      %scan3A_592:2 = scf.for %scan3A_604 = %scan3A_588 to %scan3A_590 step %scan3A_591 iter_args(%scan3A_605 = %broadcast_in_dim3A_4, %scan3A_606 = %broadcast_in_dim3A_4) -> (vector<16xf32>, vector<16xf32>)  : i32 {
        %mul3A_607 = arith.constant 2 : i32
        %mul3A_608 = arith.muli %scan3A_604, %mul3A_607 : i32
        %add3A_609 = arith.constant 5376 : i32
        %add3A_610 = arith.addi %add3A_609, %mul3A_608 : i32
        %add3A_611 = vector.broadcast %add3A_610 : i32 to vector<16xi32>
        %add3A_612 = arith.addi %mul3A_3, %add3A_611 : vector<16xi32>
        %gather3A = tpu.vector_load_idx %arg13[%add3A_612] : memref<5632xf32, #tpu.memory_space<vmem>>[vector<16xi32>], vector<16xf32>,
        %add3A_613 = arith.addf %scan3A_605, %gather3A : vector<16xf32>
        %add3A_614 = arith.constant 5376 : i32
        %add3A_615 = arith.addi %add3A_614, %mul3A_608 : i32
        %add3A_616 = arith.constant 1 : i32
        %add3A_617 = arith.addi %add3A_615, %add3A_616 : i32
        %add3A_618 = vector.broadcast %add3A_617 : i32 to vector<16xi32>
        %add3A_619 = arith.addi %mul3A_3, %add3A_618 : vector<16xi32>
        %gather3A_620 = tpu.vector_load_idx %arg13[%add3A_619] : memref<5632xf32, #tpu.memory_space<vmem>>[vector<16xi32>], vector<16xf32>,
        %add3A_621 = arith.addf %scan3A_606, %gather3A_620 : vector<16xf32>
        scf.yield %add3A_613, %add3A_621 : vector<16xf32>, vector<16xf32>
      }
      %scan3A_593 = arith.constant 8 : i32
      %add3A_594 = arith.addf %scan3A_592#0, %scan3A_592#1 : vector<16xf32>
      %mul3A_595 = arith.constant 32 : i32
      %mul3A_596 = arith.muli %scan3A_102, %mul3A_595 : i32
      %add3A_597 = arith.constant 16 : i32
      %add3A_598 = arith.addi %mul3A_596, %add3A_597 : i32
      %swap3A_599 = arith.constant 10 : i32
      %swap3A_600 = arith.index_cast %swap3A_599 : i32 to index
      %swap3A_601 = arith.index_cast %add3A_598 : i32 to index
      %swap3A_602 = tpu.vector_load %arg14[%swap3A_600, %swap3A_601] {strides = array<i32>} : memref<16x512xf32, #tpu.memory_space<vmem>>, vector<16xf32>,
      tpu.vector_store %arg14[%swap3A_600, %swap3A_601], %add3A_594 {strides = array<i32>} : memref<16x512xf32, #tpu.memory_space<vmem>>, vector<16xf32>,
      %scan3A_603 = arith.constant 0 : i32
      scf.yield %scan3A_603 : i32
    }
    %scan3A_60 = arith.constant 16 : i32
    %dma_wait3A = arith.constant 0 : i32
    %dma_wait3A_61 = arith.constant 0 : i32
    %dma_wait3A_62 = tpu.memref_slice %arg9[%dma_wait3A, %dma_wait3A_61] : memref<640x64xf32, #tpu.memory_space<vmem>> -> memref<128x64xf32, #tpu.memory_space<vmem>>
    %dma_wait3A_63 = arith.constant 0 : i32
    %dma_wait3A_64 = tpu.memref_slice %arg7[%dma_wait3A_63] : memref<640xi32, #tpu.memory_space<vmem>> -> memref<128xi32, #tpu.memory_space<vmem>>
    %dma_wait3A_65 = arith.constant 0 : i32
    %dma_wait3A_66 = arith.constant 0 : i32
    %dma_wait3A_67 = tpu.memref_slice %arg5[%dma_wait3A_65, %dma_wait3A_66] : memref<1000001x64xf32, #tpu.memory_space<hbm>> -> memref<1000001x64xf32, #tpu.memory_space<hbm>>
    tpu.wait_indirect_dma semaphore(%arg15 : memref<!tpu.dma_semaphore, #tpu.memory_space<semaphore_mem>>) src(%dma_wait3A_67 : memref<1000001x64xf32, #tpu.memory_space<hbm>>) dst(%dma_wait3A_62 : memref<128x64xf32, #tpu.memory_space<vmem>>)
    %dma_wait3A_68 = arith.constant 128 : i32
    %dma_wait3A_69 = arith.constant 0 : i32
    %dma_wait3A_70 = tpu.memref_slice %arg9[%dma_wait3A_68, %dma_wait3A_69] : memref<640x64xf32, #tpu.memory_space<vmem>> -> memref<128x64xf32, #tpu.memory_space<vmem>>
    %dma_wait3A_71 = arith.constant 128 : i32
    %dma_wait3A_72 = tpu.memref_slice %arg7[%dma_wait3A_71] : memref<640xi32, #tpu.memory_space<vmem>> -> memref<128xi32, #tpu.memory_space<vmem>>
    %dma_wait3A_73 = arith.constant 0 : i32
    %dma_wait3A_74 = arith.constant 0 : i32
    %dma_wait3A_75 = tpu.memref_slice %arg5[%dma_wait3A_73, %dma_wait3A_74] : memref<1000001x64xf32, #tpu.memory_space<hbm>> -> memref<1000001x64xf32, #tpu.memory_space<hbm>>
    tpu.wait_indirect_dma semaphore(%arg15 : memref<!tpu.dma_semaphore, #tpu.memory_space<semaphore_mem>>) src(%dma_wait3A_75 : memref<1000001x64xf32, #tpu.memory_space<hbm>>) dst(%dma_wait3A_70 : memref<128x64xf32, #tpu.memory_space<vmem>>)
    %dma_wait3A_76 = arith.constant 256 : i32
    %dma_wait3A_77 = arith.constant 0 : i32
    %dma_wait3A_78 = tpu.memref_slice %arg9[%dma_wait3A_76, %dma_wait3A_77] : memref<640x64xf32, #tpu.memory_space<vmem>> -> memref<128x64xf32, #tpu.memory_space<vmem>>
    %dma_wait3A_79 = arith.constant 256 : i32
    %dma_wait3A_80 = tpu.memref_slice %arg7[%dma_wait3A_79] : memref<640xi32, #tpu.memory_space<vmem>> -> memref<128xi32, #tpu.memory_space<vmem>>
    %dma_wait3A_81 = arith.constant 0 : i32
    %dma_wait3A_82 = arith.constant 0 : i32
    %dma_wait3A_83 = tpu.memref_slice %arg5[%dma_wait3A_81, %dma_wait3A_82] : memref<1000001x64xf32, #tpu.memory_space<hbm>> -> memref<1000001x64xf32, #tpu.memory_space<hbm>>
    tpu.wait_indirect_dma semaphore(%arg15 : memref<!tpu.dma_semaphore, #tpu.memory_space<semaphore_mem>>) src(%dma_wait3A_83 : memref<1000001x64xf32, #tpu.memory_space<hbm>>) dst(%dma_wait3A_78 : memref<128x64xf32, #tpu.memory_space<vmem>>)
    %dma_wait3A_84 = arith.constant 384 : i32
    %dma_wait3A_85 = arith.constant 0 : i32
    %dma_wait3A_86 = tpu.memref_slice %arg9[%dma_wait3A_84, %dma_wait3A_85] : memref<640x64xf32, #tpu.memory_space<vmem>> -> memref<128x64xf32, #tpu.memory_space<vmem>>
    %dma_wait3A_87 = arith.constant 384 : i32
    %dma_wait3A_88 = tpu.memref_slice %arg7[%dma_wait3A_87] : memref<640xi32, #tpu.memory_space<vmem>> -> memref<128xi32, #tpu.memory_space<vmem>>
    %dma_wait3A_89 = arith.constant 0 : i32
    %dma_wait3A_90 = arith.constant 0 : i32
    %dma_wait3A_91 = tpu.memref_slice %arg5[%dma_wait3A_89, %dma_wait3A_90] : memref<1000001x64xf32, #tpu.memory_space<hbm>> -> memref<1000001x64xf32, #tpu.memory_space<hbm>>
    tpu.wait_indirect_dma semaphore(%arg15 : memref<!tpu.dma_semaphore, #tpu.memory_space<semaphore_mem>>) src(%dma_wait3A_91 : memref<1000001x64xf32, #tpu.memory_space<hbm>>) dst(%dma_wait3A_86 : memref<128x64xf32, #tpu.memory_space<vmem>>)
    %dma_wait3A_92 = arith.constant 512 : i32
    %dma_wait3A_93 = arith.constant 0 : i32
    %dma_wait3A_94 = tpu.memref_slice %arg9[%dma_wait3A_92, %dma_wait3A_93] : memref<640x64xf32, #tpu.memory_space<vmem>> -> memref<128x64xf32, #tpu.memory_space<vmem>>
    %dma_wait3A_95 = arith.constant 512 : i32
    %dma_wait3A_96 = tpu.memref_slice %arg7[%dma_wait3A_95] : memref<640xi32, #tpu.memory_space<vmem>> -> memref<128xi32, #tpu.memory_space<vmem>>
    %dma_wait3A_97 = arith.constant 0 : i32
    %dma_wait3A_98 = arith.constant 0 : i32
    %dma_wait3A_99 = tpu.memref_slice %arg5[%dma_wait3A_97, %dma_wait3A_98] : memref<1000001x64xf32, #tpu.memory_space<hbm>> -> memref<1000001x64xf32, #tpu.memory_space<hbm>>
    tpu.wait_indirect_dma semaphore(%arg15 : memref<!tpu.dma_semaphore, #tpu.memory_space<semaphore_mem>>) src(%dma_wait3A_99 : memref<1000001x64xf32, #tpu.memory_space<hbm>>) dst(%dma_wait3A_94 : memref<128x64xf32, #tpu.memory_space<vmem>>)
    %mul3A_100 = arith.constant 512 : i32
    %mul3A_101 = arith.muli %add3A, %mul3A_100 : i32
    "tpu.region"() ({
      %run_scoped3A = tpu.sem_alloc : memref<!tpu.dma_semaphore, #tpu.memory_space<semaphore_mem>>
      %dma_start3A_102 = arith.constant 0 : i32
      %dma_start3A_103 = tpu.memref_slice %arg6[%dma_start3A_102, %mul3A_101] : memref<16x16384xf32, #tpu.memory_space<hbm>> -> memref<16x512xf32, #tpu.memory_space<hbm>>
      %dma_start3A_104 = arith.constant 0 : i32
      %dma_start3A_105 = tpu.memref_slice %arg6[%dma_start3A_104, %mul3A_101] : memref<16x16384xf32, #tpu.memory_space<hbm>> -> memref<16x512xf32, #tpu.memory_space<hbm>>
      tpu.enqueue_dma source(%arg14 : memref<16x512xf32, #tpu.memory_space<vmem>>) target(%dma_start3A_105 : memref<16x512xf32, #tpu.memory_space<hbm>>) target_semaphore(%run_scoped3A : memref<!tpu.dma_semaphore, #tpu.memory_space<semaphore_mem>>)
      %dma_wait3A_106 = arith.constant 0 : i32
      %dma_wait3A_107 = tpu.memref_slice %arg6[%dma_wait3A_106, %mul3A_101] : memref<16x16384xf32, #tpu.memory_space<hbm>> -> memref<16x512xf32, #tpu.memory_space<hbm>>
      %dma_wait3A_108 = arith.constant 0 : i32
      %dma_wait3A_109 = tpu.memref_slice %arg6[%dma_wait3A_108, %mul3A_101] : memref<16x16384xf32, #tpu.memory_space<hbm>> -> memref<16x512xf32, #tpu.memory_space<hbm>>
      tpu.wait_dma2 semaphore(%run_scoped3A : memref<!tpu.dma_semaphore, #tpu.memory_space<semaphore_mem>>) src(%arg14 : memref<16x512xf32, #tpu.memory_space<vmem>>) dst(%dma_wait3A_109 : memref<16x512xf32, #tpu.memory_space<hbm>>)
      tpu.yield
    }) : () -> ()
    return
  }
}

module attributes {stable_mosaic.version = 14 : i64} {
  func.func @_tc_body(%arg0: memref<16x16384xf32, #tpu.memory_space<vmem>>, %arg1: memref<1x1xf32, #tpu.memory_space<smem>>) attributes {dimension_semantics = [], scalar_prefetch = 0 : i64, scratch_operands = 0 : i64, tpu.core_type = #tpu.core_type<tc>} {
    %get3A = arith.constant 0 : index
    %get3A_0 = arith.constant 0 : index
    %get3A_1 = vector.load %arg0[%get3A, %get3A_0] : memref<16x16384xf32, #tpu.memory_space<vmem>>, vector<16x16384xf32>
    %iota3A = tpu.iota {dimensions = array<i32: 0>} : vector<16x16384xi32>
    %eq3A = arith.constant 0 : i32
    %eq3A_2 = vector.broadcast %eq3A : i32 to vector<16x16384xi32>
    %eq3A_3 = arith.cmpi eq, %iota3A, %eq3A_2 : vector<16x16384xi32>
    %jit3A = arith.constant 1.000000e+00 : f32
    %jit3A_4 = arith.constant -1.000000e+00 : f32
    %broadcast_in_dim3A = vector.broadcast %jit3A : f32 to vector<16x16384xf32>
    %broadcast_in_dim3A_5 = vector.broadcast %jit3A_4 : f32 to vector<16x16384xf32>
    %select_n3A = arith.select %eq3A_3, %broadcast_in_dim3A, %broadcast_in_dim3A_5 : vector<16x16384xi1>, vector<16x16384xf32>
    %mul3A = arith.mulf %select_n3A, %get3A_1 : vector<16x16384xf32>
    %mul3A_6 = arith.constant 5.000000e-02 : f32
    %mul3A_7 = vector.broadcast %mul3A_6 : f32 to vector<16x16384xf32>
    %mul3A_8 = arith.mulf %mul3A, %mul3A_7 : vector<16x16384xf32>
    %min3A = arith.constant 0.000000e+00 : f32
    %min3A_9 = vector.broadcast %min3A : f32 to vector<16x16384xf32>
    %min3A_10 = arith.minimumf %mul3A_8, %min3A_9 : vector<16x16384xf32>
    %abs3A = math.absf %mul3A_8 : vector<16x16384xf32>
    %neg3A = arith.constant 0.000000e+00 : f32
    %neg3A_11 = vector.broadcast %neg3A : f32 to vector<16x16384xf32>
    %neg3A_12 = arith.subf %neg3A_11, %abs3A : vector<16x16384xf32>
    %exp3A = math.exp %neg3A_12 : vector<16x16384xf32>
    %log1p3A = math.log1p %exp3A : vector<16x16384xf32>
    %sub3A = arith.subf %min3A_10, %log1p3A : vector<16x16384xf32>
    %lt3A = arith.constant 11 : i32
    %lt3A_13 = vector.broadcast %lt3A : i32 to vector<16x16384xi32>
    %lt3A_14 = arith.cmpi slt, %iota3A, %lt3A_13 : vector<16x16384xi32>
    %jit3A_15 = arith.constant 0.000000e+00 : f32
    %broadcast_in_dim3A_16 = vector.broadcast %jit3A_15 : f32 to vector<16x16384xf32>
    %select_n3A_17 = arith.select %lt3A_14, %sub3A, %broadcast_in_dim3A_16 : vector<16x16384xi1>, vector<16x16384xf32>
    %reduce_sum3A = vector.shape_cast %select_n3A_17 : vector<16x16384xf32> to vector<1x16x16384xf32>
    %reduce_sum3A_18 = arith.constant dense<0.000000e+00> : vector<1xf32>
    %reduce_sum3A_19 = vector.multi_reduction <add>, %reduce_sum3A, %reduce_sum3A_18 [1, 2] : vector<1x16x16384xf32> to vector<1xf32>
    %reduce_sum3A_20 = vector.shape_cast %reduce_sum3A_19 : vector<1xf32> to vector<1x1x1xf32>
    %reduce_sum3A_21 = vector.extract %reduce_sum3A_20[0, 0, 0] : f32 from vector<1x1x1xf32>
    %neg3A_22 = arith.constant 0.000000e+00 : f32
    %neg3A_23 = arith.subf %neg3A_22, %reduce_sum3A_21 : f32
    %swap3A = arith.constant 0 : index
    %swap3A_24 = arith.constant 0 : index
    %swap3A_25 = memref.load %arg1[%swap3A, %swap3A_24] : memref<1x1xf32, #tpu.memory_space<smem>>
    memref.store %neg3A_23, %arg1[%swap3A, %swap3A_24] : memref<1x1xf32, #tpu.memory_space<smem>>
    return
  }
}

</mosaic_0001>

<sc_bundles>
// kernel: kernel.4.cloned.1.call-start
scs
__scs_entry_jumppad:
0x0: {  	(pc) =	sbr.rel $0x88, $3  }
0x1: {  	(tag) =	ssettag $0x0;
	lr =	simm.s32 $0x1  }
0x2: {  	[smem:$0x3F9E] =	sst lr;
	_ =	strace $0xD0000000  }
0x3: {  	_ = 	snop  }
0x4: {  	_ = 	snop  }
0x5: {  	_ = 	snop  }
0x6: {  	_ = 	snop  }
0x7: {  	_ = 	snop  }
__scs_overlays_trampoline_lowered:
0x8: {  	[smem:$0x3FAD] =	sst s0  }
0x9: {  	[smem:$0x3FAE] =	sst s1  }
0xa: {  	[smem:$0x3FAF] =	sst s2  }
0xb: {  	[smem:$0x3FB0] =	sst s3  }
0xc: {  	[smem:$0x3FB1] =	sst s4  }
0xd: {  	[smem:$0x3FB2] =	sst s5  }
0xe: {  	[smem:$0x3FB3] =	sst s6  }
0xf: {  	[smem:$0x3FB4] =	sst s7  }
0x10: {  	[smem:$0x3FB5] =	sst s8  }
0x11: {  	[smem:$0x3FB6] =	sst s9;
	s0 =	simm.s32 @!p0 $0x0  }
0x12: {  	s1 =	sld [smem:$0x3F9C];
	s0 =	simm.s32 @p0 $0x1  }
0x13: {  	[smem:$0x3FB7] =	sst s0;
	s0 =	simm.s32 @!p1 $0x0  }
0x14: {  	s2 =	sld [smem:$0x3F9B];
	s0 =	simm.s32 @p1 $0x1  }
0x15: {  	[smem:$0x3FB8] =	sst s0;
	s0 =	simm.s32 @!p2 $0x0  }
0x16: {  	s3 =	sld [smem:$0x3FDB];
	s0 =	simm.s32 @p2 $0x1  }
0x17: {  	s4 =	simm.s32 $0x1BF5;
	[smem:$0x3FBA] =	sst s0  }
0x18: {  	s0 =	sld [smem:$0x3F9D];
	_ =	swait.ge [sflag:s4], $0x0  }
0x19: {  	s7 =	sld [smem:$0x3F9E]  }
0x1a: {  	s8 =	sadd.s32 $0xFFFFE003, lr  }
0x1b: {  	s9 =	sadd.s32 $0xFFFFFEF7, lr;
	s5 =	simm.s32 $0xFFFFFFFF;
	p2 =	slt.u32 s8, $0xFFFFF086  }
0x1c: {  	p1 =	slt.u32 s9, $0xF7A;
	s5 =	simm.s32 @!p2 $0x0  }
0x1d: {  	s5 =	simm.s32 @p1 $0x1;
	p0 =	seq.s32 s7, s2  }
0x1e: {  	s7 =	smul.u32 @!p0 $0xF7A, s2;
	p2 =	seq.s32 @!p0 s5, $0x0  }
0x1f: {  	s9 =	smul.u32 $0xF7A, s1;
	s8 =	simm.s32 @!p0 $0x1BF5;
	p2 =	por !p2, p0  }
0x20: {  	[sflag:s8] =	ssyncset.s32 @!p0 $0xFFFFF086;
	s6 =	sadd.s32 @!p0 s3, s7;
	s7 =	simm.s32 @!p0 $0x108  }
0x21: {  	s3 =	sadd.s32 s3, s9;
	s6 =	sadd.s32 @!p0 $0x88, s6;
	s7 =	simm.s32 @p2 $0x1082  }
0x22: {  	[simem:s7], [sflag:s8] =	dma.local @!p0 [hbm:s6], $0xF7A  }
0x23: {  	s9 =	sor.u32 $0xD0000000, s2;
	s6 =	simm.s32 $0x108;
	_ =	swait.ge @!p0 [sflag:s8], $0x0  }
0x24: {  	s3 =	sadd.s32 $0x88, s3;
	s6 =	simm.s32 @!p1 $0x1082;
	[sflag:s4] =	ssyncset.s32 $0xFFFFF086  }
0x25: {  	[simem:s6], [sflag:s4] =	dma.local [hbm:s3], $0xF7A  }
0x26: {  	[smem:$0x3F9E] =	sst s1;
	(tag) =	ssettag s2;
	_ =	strace s9  }
0x27: {  	s1 =	sld [smem:$0x3FAE]  }
0x28: {  	s2 =	sld [smem:$0x3FAF]  }
0x29: {  	s4 =	sld [smem:$0x3FB1]  }
0x2a: {  	p0 =	seq.s32 s5, $0x0;
	s5 =	sld [smem:$0x3FB2]  }
0x2b: {  	s6 =	sld [smem:$0x3FB3]  }
0x2c: {  	s7 =	sld [smem:$0x3FB4]  }
0x2d: {  	s3 =	simm.s32 $0x108;
	s8 =	sld [smem:$0x3FB5]  }
0x2e: {  	s3 =	simm.s32 @!p0 $0x1082;
	s9 =	sld [smem:$0x3FB6]  }
0x2f: {  	lr =	sadd.s32 s0, s3;
	s0 =	sld [smem:$0x3FAD]  }
0x30: {  	s3 =	sld [smem:$0x3FB0]  }
0x31: {  	[smem:$0x3FB9] =	sst s10  }
0x32: {  	s10 =	sld [smem:$0x3FB7];
	_ =	sdelay $0x3  }
0x33: {  	p0 =	seq.s32 s10, $0x1;
	s10 =	sld [smem:$0x3FB9];
	_ =	sdelay $0x3  }
0x34: {  	[smem:$0x3FB9] =	sst s10  }
0x35: {  	s10 =	sld [smem:$0x3FB8];
	_ =	sdelay $0x3  }
0x36: {  	p1 =	seq.s32 s10, $0x1;
	s10 =	sld [smem:$0x3FB9];
	_ =	sdelay $0x3  }
0x37: {  	[smem:$0x3FB9] =	sst s10  }
0x38: {  	s10 =	sld [smem:$0x3FBA]  }
0x39: {  	_ = 	snop;
	(pc) =	sbr.ind lr, $3  }
0x3a: {  	_ = 	snop  }
0x3b: {  	_ = 	snop  }
0x3c: {  	p2 =	seq.s32 s10, $0x1;
	s10 =	sld [smem:$0x3FB9]  }
0x3d: {  	_ =	shalt  }
0x3e: {  	_ =	shalt  }
0x3f: {  	_ =	shalt  }
0x40: {  	_ =	shalt  }
0x41: {  	_ =	shalt  }
0x42: {  	_ =	shalt  }
0x43: {  	_ =	shalt  }
0x44: {  	_ =	shalt  }
0x45: {  	_ =	shalt  }
0x46: {  	_ =	shalt  }
0x47: {  	_ =	shalt  }
0x48: {  	_ =	shalt  }
0x49: {  	_ =	shalt  }
0x4a: {  	_ =	shalt  }
0x4b: {  	_ =	shalt  }
0x4c: {  	_ =	shalt  }
0x4d: {  	_ =	shalt  }
0x4e: {  	_ =	shalt  }
0x4f: {  	_ =	shalt  }
0x50: {  	_ =	shalt  }
0x51: {  	_ =	shalt  }
0x52: {  	_ =	shalt  }
0x53: {  	_ =	shalt  }
0x54: {  	_ =	shalt  }
0x55: {  	_ =	shalt  }
0x56: {  	_ =	shalt  }
0x57: {  	_ =	shalt  }
0x58: {  	_ =	shalt  }
0x59: {  	_ =	shalt  }
0x5a: {  	_ =	shalt  }
0x5b: {  	_ =	shalt  }
0x5c: {  	_ =	shalt  }
0x5d: {  	_ =	shalt  }
0x5e: {  	_ =	shalt  }
0x5f: {  	_ =	shalt  }
0x60: {  	_ =	shalt  }
0x61: {  	_ =	shalt  }
0x62: {  	_ =	shalt  }
0x63: {  	_ =	shalt  }
0x64: {  	_ =	shalt  }
0x65: {  	_ =	shalt  }
0x66: {  	_ =	shalt  }
0x67: {  	_ =	shalt  }
0x68: {  	_ =	shalt  }
0x69: {  	_ =	shalt  }
0x6a: {  	_ =	shalt  }
0x6b: {  	_ =	shalt  }
0x6c: {  	_ =	shalt  }
0x6d: {  	_ =	shalt  }
0x6e: {  	_ =	shalt  }
0x6f: {  	_ =	shalt  }
0x70: {  	_ =	shalt  }
0x71: {  	_ =	shalt  }
0x72: {  	_ =	shalt  }
0x73: {  	_ =	shalt  }
0x74: {  	_ =	shalt  }
0x75: {  	_ =	shalt  }
0x76: {  	_ =	shalt  }
0x77: {  	_ =	shalt  }
0x78: {  	_ =	shalt  }
0x79: {  	_ =	shalt  }
0x7a: {  	_ =	shalt  }
0x7b: {  	_ =	shalt  }
0x7c: {  	_ =	shalt  }
0x7d: {  	_ =	shalt  }
0x7e: {  	_ =	shalt  }
0x7f: {  	_ =	shalt  }
0x80: {  	_ =	shalt  }
0x81: {  	_ =	shalt  }
0x82: {  	_ =	shalt  }
0x83: {  	_ =	shalt  }
0x84: {  	_ =	shalt  }
0x85: {  	_ =	shalt  }
0x86: {  	_ =	shalt  }
0x87: {  	_ =	shalt  }
.Lfunc_end0:
.L_simem_size_0:
called_computation_lowered:
.L_overlay_start_0:
0x88: {  	s2 =	sld [smem:$0x3FD9]  }
0x89: {  	s3 =	sld [smem:$0x3FFE];
	_ =	sdelay $0x1  }
0x8a: {  	s1 =	srdreg.scid  }
0x8b: {  	s0 =	sand.u32 $0x1, s1  }
0x8c: {  	s16 =	sshll.u32 s0, $0xA;
	s2 =	sadd.s32 s3, s2  }
0x8d: {  	s2 =	sadd.s32 s2, s16  }
0x8e: {  	[smem:$0x3FC5] =	sst s2  }
0x8f: {  	_ = 	snop  }
0x90: {  	(tm) =	ssettm $0x1  }
0x91: {  	s17 =	sld [smem:$0x3FFB];
	_ =	sdelay $0x3  }
0x92: {  	_ =	strace s17  }
0x93: {  	s2 =	sld [smem:$0x3FFC];
	_ =	sdelay $0x3  }
0x94: {  	_ =	strace s2  }
0x95: {  	s2 =	sld [smem:$0x3FFD];
	_ =	sdelay $0x3  }
0x96: {  	_ =	strace s2  }
0x97: {  	_ =	strace $0x8FFFFFFF  }
0x98: {  	s18 =	sld [smem:$0x3FDB];
	_ =	sdelay $0x1  }
0x99: {  	s19 =	simm.s32 $_scs_section_size  }
0x9a: {  	s4 =	simm.s32 $_size__tile_overlayer_lowered;
	s5 =	simm.s32 $_tile_overlayer_lowered  }
0x9b: {  	s22 =	simm.s32 $0x1BFF;
	s21 =	sshll.u32 s5, $0x1;
	s2 =	sadd.s32 s19, s18  }
0x9c: {  	s6 =	simm.s32 $0x0;
	s20 =	sshll.u32 s4, $0x1;
	s4 =	sadd.s32 s21, s2  }
0x9d: {  	[timem:s6], [sflag:s22] =	dma.local [hbm:s4], s20  }
0x9e: {  	_ =	swait.ge [sflag:s22], s20  }
0x9f: {  	s3 =	ssub.s32 $0x0, s20;
	[sflag:s22] =	ssyncset.done $0x0  }
0xa0: {  	[sflag:s22] =	ssyncadd.s32 s3;
	_ =	sdelay $0x1  }
0xa1: {  	s23 =	simm.s32 $0x1B8B  }
0xa2: {  	_ =	swait.ge [sflag:s23], $0x1  }
0xa3: {  	[sflag:s23] =	ssyncset.done $0x0  }
0xa4: {  	s25 =	simm.s32 $0x1B8E;
	s24 =	sld [smem:$0x3FFE];
	[sflag:s23] =	ssyncadd.s32 $0xFFFFFFFF  }
0xa5: {  	s26 =	simm.s32 $execute0_lowered;
	[smem:$0x3FD2] =	sst s25  }
0xa6: {  	s4 =	sshll.u32 s26, $0x1;
	_ =	strace $0x80000046;
	[dreg:$0x1] =	wrdreg $0xFFFFFFFF  }
0xa7: {  	s28 =	simm.s32 $_size_execute0_lowered;
	s2 =	sadd.s32 s2, s4;
	[dreg:$0x0] =	wrdreg $0x0  }
0xa8: {  	s4 =	sshll.u32 s28, $0x1;
	[dreg:$0x2] =	wrdreg s2  }
0xa9: {  	[dreg:$0x3] =	wrdreg s4  }
0xaa: {  	[dreg:$0x4] =	wrdreg $0xC0  }
0xab: {  	_ =	task [dreg:s6], $0x5FFFF  }
0xac: {  	[dreg:$0x1] =	wrdreg $0xFFFFFFFF  }
0xad: {  	[dreg:$0x0] =	wrdreg $0x60  }
0xae: {  	[dreg:$0x2] =	wrdreg s24  }
0xaf: {  	[dreg:$0x3] =	wrdreg $0x9  }
0xb0: {  	_ =	task.clear_ibuf [dreg:s6], $0x4FFFF;
	_ =	strace $0x90000046  }
0xb1: {  	s29 =	simm.s32 $0x9;
	_ =	strace $0x80000048  }
0xb2: {  	_ =	swait.ge [sflag:s29], $0x1  }
0xb3: {  	[sflag:s29] =	ssyncadd.s32 $0xFFFFFFFF  }
0xb4: {  	_ =	strace $0x90000048  }
0xb5: {  	_ =	sfence  }
0xb6: {  	s30 =	sld [smem:$0x0];
	_ =	sdelay $0x2  }
0xb7: {  	s31 =	sshll.u32 s1, $0xD;
	s1 =	sshrl.u32 s1, $0x2  }
0xb8: {  	s3 =	sand.u32 $0x4000, s31;
	s1 =	sadd.s32 s1, s30  }
0xb9: {  	s0 =	sor.u32 s3, s0;
	s1 =	sshll.u32 s1, $0x11  }
0xba: {  	s0 =	sor.u32 s1, s0  }
0xbb: {  	s0 =	sadd.s32 $0x8F2B, s0  }
0xbc: {  	[sflag:s0] =	ssyncadd.remote.s32 $0x1  }
0xbd: {  	_ =	sfence.sel $0xFFFF  }
0xbe: {  	[dreg:$0x0] =	wrdreg $0xFFFFFFFF;
	(pc) =	sbr.abs _section_cstart, $3  }
0xbf: {  	[dreg:$0x1] =	wrdreg $0xFFFFFFFF  }
0xc0: {  	_ =	task.clear_ibuf [dreg:s6], $0x2FFFF;
	_ =	strace $0x9FFFFFFF  }
0xc1: {  	(tm) =	ssettm $0x7FFFFFFF  }
tec
execute0_lowered:
.L_overlay_start_1:
0x0: {  	(tag) =	ssettag $0x1  }
0x1: {  	s0 =	rddreg [dreg:$0x0];
	s3 =	simm.s32 $0x0;
	s1 =	srdreg.scid  }
0x2: {  	s2 =	stileid.u32;
	s13 =	simm.s32 $0x3;
	s14 =	simm.s32 $0x80  }
0x3: {  	s15 =	simm.s32 $0x480;
	s16 =	simm.s32 $0x2480;
	s17 =	simm.s32 $0x100  }
0x4: {  	s18 =	simm.s32 $0x4480;
	s19 =	simm.s32 $0x180;
	s20 =	simm.s32 $0x6480  }
0x5: {  	s21 =	simm.s32 $0x200;
	s22 =	simm.s32 $0x8480;
	s23 =	simm.s32 $0x280  }
0x6: {  	s24 =	simm.s32 $0x400;
	s25 =	simm.s32 $0x1;
	s11 =	simm.s32 $0x0  }
0x7: {  	[smem:$0x7FF] =	sst s3;
	s1 =	sand.u32 $0x1, s1;
	s2 =	sshll.u32 s2, $0x1  }
0x8: {  	s3 =	sadd.s32 $0x5E00, s0;
	s4 =	sadd.s32 $0xFE00, s0;
	s5 =	sadd.s32 $0xE00, s0  }
0x9: {  	s7 =	sadd.s32 $0xF48400, s0;
	_ =	strace $0x80000047;
	s2 =	sor.u32 s1, s2  }
0xa: {  	s1 =	ssub.s32 $0x2, s1;
	s6 =	smul.u32 $0x2800, s2;
	s8 =	sshll.u32 s2, $0x6  }
0xb: {  	s29 =	sshrl.u32 s1, $0x1;
	s10 =	sshll.u32 s2, $0x9;
	s0 =	sadd.s32 s8, s0  }
0xc: {  	s1 =	ssub.s32 s1, s29;
	s9 =	sshrl.u32 s6, $0x3;
	s0 =	sadd.s32 $0x15000, s0  }
0xd: {  	v1 =	vlaneseq.u32;
	s31 =	smax.u32 s1, $0x1;
	s1 =	simm.s32 $0x2;
	[dreg:$0x3] =	wrdreg s0  }
0xe: {  	v1 =	vmul.u32 $0x10, v1;
	s30 =	sadd.s32 s3, s9;
	s9 =	smul.u32 $0x1400, s2;
	[dreg:$0x4] =	wrdreg s31  }
0xf: {  	v0 =	vimm.f32 $0.0e+00;
	s0 =	simm.s32 $0x10480;
	s2 =	simm.s32 $0x12C80;
	[dreg:$0x2] =	wrdreg s30  }
.LBB2_1:
0x10: {  	s31 =	simm.s32 $0x0  }
0x11: {  	s8 =	sand.u32 $0x3800, s31  }
0x12: {  	[dreg:$0x5] =	wrdreg s11;
	s11 =	sand.u32 $0x1F0, s31;
	s12 =	sshrl.u32 s8, $0x2  }
0x13: {  	s8 =	simm.s32 $0x40;
	s12 =	sor.u32 s11, s12;
	s11 =	simm.s32 $0x0  }
.LBB2_2:
0x14: {  	p0 =	sne.s32 s8, $0x27C0  }
0x15: {  	[tilespmem:s12+$0x15880] =	vst v0;
	s11 =	sadd.s32 $0x10, s11;
	s12 =	smov.u32 s8;
	s8 =	sadd.s32 $0x40, s8  }
.Ltmp0:
0x16: {  	(pc) =	sbr.rel @p0 .LBB2_2-.Ltmp0, $4  }
0x17: {  	_ = 	snop  }
0x18: {  	s12 =	sand.u32 $0x3800, s12  }
0x19: {  	s26 =	sand.u32 $0x1F0, s11;
	s12 =	sshrl.u32 s12, $0x2  }
0x1a: {  	s12 =	sor.u32 s26, s12  }
0x1b: {  	[tilespmem:s12+$0x15880] =	vst v0;
	s11 =	simm.s32 $0x0;
	s8 =	rddreg [dreg:$0x2]  }
0x1c: {  	[tilespmem:s11], [sflag:$0x3] =	stream.linear.gather [hbm4b:s8+s11], $0x280, $0x38;
	[tilespmem:$0x16280] =	vst v63  }
0x1d: {  	_ =	swait.ge [sflag:s13], $0x280  }
0x1e: {  	[sflag:s13] =	ssyncset.done $0x0  }
0x1f: {  	[sflag:s13] =	ssyncadd.s32 $0xFFFFFD80  }
0x20: {  	[tilespmem:s15], [sflag:$0x1] =	stream.indirect.gather [hbm4b:s7+s14], $0x40, s11, s14, $0xb8;
	[tilespmem:$0x16280] =	vst v63  }
0x21: {  	_ = 	snop  }
0x22: {  	[tilespmem:s16], [sflag:$0x1] =	stream.indirect.gather [hbm4b:s7+s14], $0x40, s14, s14, $0xb8;
	[tilespmem:$0x16280] =	vst v63  }
0x23: {  	_ = 	snop  }
0x24: {  	[tilespmem:s18], [sflag:$0x1] =	stream.indirect.gather [hbm4b:s7+s14], $0x40, s17, s14, $0xb8;
	[tilespmem:$0x16280] =	vst v63  }
0x25: {  	_ = 	snop  }
0x26: {  	[tilespmem:s20], [sflag:$0x1] =	stream.indirect.gather [hbm4b:s7+s14], $0x40, s19, s14, $0xb8;
	[tilespmem:$0x16280] =	vst v63  }
0x27: {  	s12 =	simm.s32 $0x0  }
0x28: {  	[tilespmem:s22], [sflag:$0x1] =	stream.indirect.gather [hbm4b:s7+s14], $0x40, s21, s14, $0xb8;
	[tilespmem:$0x16280] =	vst v63  }
.LBB2_4:
0x29: {  	s8 =	smul.u32 $0x140, s12;
	_ =	sdelay $0x1  }
0x2a: {  	s8 =	sadd.s32 s9, s8  }
0x2b: {  	s8 =	sshrl.u32 s8, $0x3  }
0x2c: {  	s8 =	sadd.s32 s4, s8  }
0x2d: {  	[tilespmem:s23], [sflag:$0x3] =	stream.linear.gather [hbm4b:s8+s11], $0x180, $0x38;
	[tilespmem:$0x16280] =	vst v63  }
0x2e: {  	s8 =	sshll.u32 s12, $0x5  }
0x2f: {  	_ =	swait.ge [sflag:s13], $0x180;
	s26 =	sadd.s32 s10, s8  }
0x30: {  	[sflag:s13] =	ssyncset.done $0x0;
	s26 =	sshrl.u32 s26, $0x3  }
0x31: {  	[sflag:s13] =	ssyncadd.s32 $0xFFFFFE80;
	s26 =	sadd.s32 s5, s26  }
0x32: {  	[tilespmem:s24], [sflag:$0x3] =	stream.linear.gather [hbm4b:s26+s11], $0x80, $0x38;
	[tilespmem:$0x16280] =	vst v63  }
0x33: {  	_ =	swait.ge [sflag:s13], $0x80  }
0x34: {  	[sflag:s13] =	ssyncset.done $0x0  }
0x35: {  	[sflag:s13] =	ssyncadd.s32 $0xFFFFFF80  }
0x36: {  	_ =	swait.ge [sflag:s25], $0x2000  }
0x37: {  	[sflag:s25] =	ssyncset.done $0x0  }
0x38: {  	[sflag:s25] =	ssyncadd.s32 $0xFFFFE000  }
0x39: {  	_ =	swait.ge [sflag:s25], $0x2000  }
0x3a: {  	[sflag:s25] =	ssyncset.done $0x0  }
0x3b: {  	[sflag:s25] =	ssyncadd.s32 $0xFFFFE000  }
0x3c: {  	_ =	swait.ge [sflag:s25], $0x2000  }
0x3d: {  	[sflag:s25] =	ssyncset.done $0x0  }
0x3e: {  	[sflag:s25] =	ssyncadd.s32 $0xFFFFE000  }
0x3f: {  	_ =	swait.ge [sflag:s25], $0x2000  }
0x40: {  	[sflag:s25] =	ssyncset.done $0x0  }
0x41: {  	[sflag:s25] =	ssyncadd.s32 $0xFFFFE000  }
0x42: {  	_ =	swait.ge [sflag:s25], $0x2000  }
0x43: {  	[sflag:s25] =	ssyncset.done $0x0  }
0x44: {  	s29 =	simm.s32 $0xA480;
	[sflag:s25] =	ssyncadd.s32 $0xFFFFE000  }
0x45: {  	[tilespmem:s29], [sflag:$0x2] =	stream.indirect.gather [hbm4b:s7+s14], $0x40, s23, s14, $0xb8;
	[tilespmem:$0x16280] =	vst v63  }
0x46: {  	s30 =	simm.s32 $0x300;
	s28 =	simm.s32 $0xC480  }
0x47: {  	[tilespmem:s28], [sflag:$0x2] =	stream.indirect.gather [hbm4b:s7+s14], $0x40, s30, s14, $0xb8;
	[tilespmem:$0x16280] =	vst v63  }
0x48: {  	s31 =	simm.s32 $0x380;
	s28 =	simm.s32 $0xE480  }
0x49: {  	[tilespmem:s28], [sflag:$0x2] =	stream.indirect.gather [hbm4b:s7+s14], $0x40, s31, s14, $0xb8;
	[tilespmem:$0x16280] =	vst v63  }
0x4a: {  	s26 =	simm.s32 $0x980;
	s28 =	simm.s32 $0x0  }
0x4b: {  	[tilespmem:s0], [sflag:$0x2] =	stream.indirect.gather [hbm4b:s7+s14], $0x40, s24, s14, $0xb8;
	[tilespmem:$0x16280] =	vst v63  }
.LBB2_5:
0x4c: {  	v2 =	vld [tilespmem:s26+$0xFFFFFB00]  }
0x4d: {  	v3 =	vld [tilespmem:s26+$0xFFFFFB10]  }
0x4e: {  	v4 =	vld [tilespmem:s26+$0xFFFFFB20]  }
0x4f: {  	v5 =	vld [tilespmem:s26+$0xFFFFFB30]  }
0x50: {  	v6 =	vld [tilespmem:s26+$0xFFFFFB40]  }
0x51: {  	v7 =	vld [tilespmem:s26+$0xFFFFFB50]  }
0x52: {  	v8 =	vld [tilespmem:s26+$0xFFFFFB60]  }
0x53: {  	v9 =	vld [tilespmem:s26+$0xFFFFFB70]  }
0x54: {  	v10 =	vld [tilespmem:s26+$0xFFFFFB80]  }
0x55: {  	v11 =	vld [tilespmem:s26+$0xFFFFFBC0]  }
0x56: {  	v12 =	vld [tilespmem:s26+$0xFFFFFB90]  }
0x57: {  	v13 =	vld [tilespmem:s26+$0xFFFFFBD0]  }
0x58: {  	v14 =	vld [tilespmem:s26+$0xFFFFFBA0]  }
0x59: {  	v15 =	vld [tilespmem:s26+$0xFFFFFBE0]  }
0x5a: {  	v16 =	vld [tilespmem:s26+$0xFFFFFBB0]  }
0x5b: {  	v17 =	vld [tilespmem:s26+$0xFFFFFBF0]  }
0x5c: {  	v18 =	vld [tilespmem:s26+$0xFFFFFC00]  }
0x5d: {  	v19 =	vld [tilespmem:s26+$0xFFFFFC40]  }
0x5e: {  	v20 =	vld [tilespmem:s26+$0xFFFFFC10]  }
0x5f: {  	v21 =	vld [tilespmem:s26+$0xFFFFFC50]  }
0x60: {  	v22 =	vld [tilespmem:s26+$0xFFFFFC20]  }
0x61: {  	v23 =	vld [tilespmem:s26+$0xFFFFFC60]  }
0x62: {  	v24 =	vld [tilespmem:s26+$0xFFFFFC30]  }
0x63: {  	v25 =	vld [tilespmem:s26+$0xFFFFFC70]  }
0x64: {  	v26 =	vld [tilespmem:s26+$0xFFFFFC80]  }
0x65: {  	v27 =	vld [tilespmem:s26+$0xFFFFFCC0]  }
0x66: {  	v28 =	vld [tilespmem:s26+$0xFFFFFC90]  }
0x67: {  	v29 =	vld [tilespmem:s26+$0xFFFFFCD0]  }
0x68: {  	v30 =	vld [tilespmem:s26+$0xFFFFFCA0]  }
0x69: {  	v31 =	vld [tilespmem:s26+$0xFFFFFCE0]  }
0x6a: {  	v32 =	vld [tilespmem:s26+$0xFFFFFCB0]  }
0x6b: {  	v33 =	vld [tilespmem:s26+$0xFFFFFCF0]  }
0x6c: {  	v34 =	vld [tilespmem:s26+$0xFFFFFD00]  }
0x6d: {  	v35 =	vld [tilespmem:s26+$0xFFFFFD40]  }
0x6e: {  	v36 =	vld [tilespmem:s26+$0xFFFFFD10]  }
0x6f: {  	v37 =	vld [tilespmem:s26+$0xFFFFFD50]  }
0x70: {  	v38 =	vld [tilespmem:s26+$0xFFFFFD20]  }
0x71: {  	v39 =	vld [tilespmem:s26+$0xFFFFFD60]  }
0x72: {  	v40 =	vld [tilespmem:s26+$0xFFFFFD30]  }
0x73: {  	v41 =	vld [tilespmem:s26+$0xFFFFFD70]  }
0x74: {  	v42 =	vld [tilespmem:s26+$0xFFFFFD80]  }
0x75: {  	v43 =	vld [tilespmem:s26+$0xFFFFFDC0]  }
0x76: {  	v44 =	vld [tilespmem:s26+$0xFFFFFD90]  }
0x77: {  	v45 =	vld [tilespmem:s26+$0xFFFFFDD0]  }
0x78: {  	v46 =	vld [tilespmem:s26+$0xFFFFFDA0]  }
0x79: {  	v47 =	vld [tilespmem:s26+$0xFFFFFDE0]  }
0x7a: {  	v48 =	vld [tilespmem:s26+$0xFFFFFDB0]  }
0x7b: {  	v49 =	vld [tilespmem:s26+$0xFFFFFDF0]  }
0x7c: {  	v52 =	vld [tilespmem:s26+$0xFFFFFE00];
	v2 =	vadd.f32 v10, v2;
	v6 =	vadd.f32 v11, v6  }
0x7d: {  	v53 =	vld [tilespmem:s26+$0xFFFFFE40];
	v3 =	vadd.f32 v12, v3;
	v7 =	vadd.f32 v13, v7  }
0x7e: {  	v54 =	vld [tilespmem:s26+$0xFFFFFE10];
	v4 =	vadd.f32 v14, v4;
	v8 =	vadd.f32 v15, v8  }
0x7f: {  	v55 =	vld [tilespmem:s26+$0xFFFFFE50];
	v5 =	vadd.f32 v16, v5;
	v9 =	vadd.f32 v17, v9  }
0x80: {  	v56 =	vld [tilespmem:s26+$0xFFFFFE20];
	v2 =	vadd.f32 v18, v2;
	v6 =	vadd.f32 v19, v6  }
0x81: {  	v57 =	vld [tilespmem:s26+$0xFFFFFE60];
	v3 =	vadd.f32 v20, v3;
	v7 =	vadd.f32 v21, v7  }
0x82: {  	v58 =	vld [tilespmem:s26+$0xFFFFFE30];
	v4 =	vadd.f32 v22, v4;
	v8 =	vadd.f32 v23, v8  }
0x83: {  	v59 =	vld [tilespmem:s26+$0xFFFFFE70];
	v5 =	vadd.f32 v24, v5;
	v9 =	vadd.f32 v25, v9  }
0x84: {  	v60 =	vld [tilespmem:s26+$0xFFFFFE80];
	v2 =	vadd.f32 v26, v2;
	v6 =	vadd.f32 v27, v6  }
0x85: {  	v61 =	vld [tilespmem:s26+$0xFFFFFEC0];
	v3 =	vadd.f32 v28, v3;
	v7 =	vadd.f32 v29, v7  }
0x86: {  	v62 =	vld [tilespmem:s26+$0xFFFFFE90];
	v4 =	vadd.f32 v30, v4;
	v8 =	vadd.f32 v31, v8  }
0x87: {  	v63 =	vld [tilespmem:s26+$0xFFFFFED0];
	v5 =	vadd.f32 v32, v5;
	v9 =	vadd.f32 v33, v9  }
0x88: {  	v32 =	vld [tilespmem:s26+$0xFFFFFEA0];
	v2 =	vadd.f32 v34, v2;
	v6 =	vadd.f32 v35, v6  }
0x89: {  	v33 =	vld [tilespmem:s26+$0xFFFFFEE0];
	v3 =	vadd.f32 v36, v3;
	v7 =	vadd.f32 v37, v7  }
0x8a: {  	v4 =	vadd.f32 v38, v4;
	v8 =	vadd.f32 v39, v8;
	v34 =	vld [tilespmem:s26+$0xFFFFFEB0]  }
0x8b: {  	v5 =	vadd.f32 v40, v5;
	v9 =	vadd.f32 v41, v9;
	v35 =	vld [tilespmem:s26+$0xFFFFFEF0]  }
0x8c: {  	v36 =	vld [tilespmem:s26+$0xFFFFFF00];
	v2 =	vadd.f32 v42, v2;
	v6 =	vadd.f32 v43, v6  }
0x8d: {  	v37 =	vld [tilespmem:s26+$0xFFFFFF40];
	v3 =	vadd.f32 v44, v3;
	v7 =	vadd.f32 v45, v7  }
0x8e: {  	v38 =	vld [tilespmem:s26+$0xFFFFFF10];
	v4 =	vadd.f32 v46, v4;
	v8 =	vadd.f32 v47, v8  }
0x8f: {  	v39 =	vld [tilespmem:s26+$0xFFFFFF50];
	v5 =	vadd.f32 v48, v5;
	v9 =	vadd.f32 v49, v9  }
0x90: {  	v40 =	vld [tilespmem:s26+$0xFFFFFF20];
	v2 =	vadd.f32 v52, v2;
	v6 =	vadd.f32 v53, v6  }
0x91: {  	v41 =	vld [tilespmem:s26+$0xFFFFFF60];
	v3 =	vadd.f32 v54, v3;
	v7 =	vadd.f32 v55, v7  }
0x92: {  	v42 =	vld [tilespmem:s26+$0xFFFFFF30];
	v4 =	vadd.f32 v56, v4;
	v8 =	vadd.f32 v57, v8  }
0x93: {  	v43 =	vld [tilespmem:s26+$0xFFFFFF70];
	v5 =	vadd.f32 v58, v5;
	v9 =	vadd.f32 v59, v9  }
0x94: {  	v44 =	vld [tilespmem:s26+$0xFFFFFF80];
	v2 =	vadd.f32 v60, v2;
	v6 =	vadd.f32 v61, v6  }
0x95: {  	v45 =	vld [tilespmem:s26+$0xFFFFFFC0];
	v3 =	vadd.f32 v62, v3;
	v7 =	vadd.f32 v63, v7  }
0x96: {  	v46 =	vld [tilespmem:s26+$0xFFFFFF90];
	v4 =	vadd.f32 v32, v4;
	v8 =	vadd.f32 v33, v8  }
0x97: {  	v47 =	vld [tilespmem:s26+$0xFFFFFFD0];
	v5 =	vadd.f32 v34, v5;
	v9 =	vadd.f32 v35, v9  }
0x98: {  	v48 =	vld [tilespmem:s26+$0xFFFFFFA0];
	v2 =	vadd.f32 v36, v2;
	v6 =	vadd.f32 v37, v6  }
0x99: {  	v49 =	vld [tilespmem:s26+$0xFFFFFFE0];
	v3 =	vadd.f32 v38, v3;
	v7 =	vadd.f32 v39, v7  }
0x9a: {  	v50 =	vld [tilespmem:s26+$0xFFFFFFB0];
	v4 =	vadd.f32 v40, v4;
	v8 =	vadd.f32 v41, v8  }
0x9b: {  	v51 =	vld [tilespmem:s26+$0xFFFFFFF0];
	v5 =	vadd.f32 v42, v5;
	v9 =	vadd.f32 v43, v9  }
0x9c: {  	v2 =	vadd.f32 v44, v2;
	v6 =	vadd.f32 v45, v6  }
0x9d: {  	v3 =	vadd.f32 v46, v3;
	v7 =	vadd.f32 v47, v7  }
0x9e: {  	v4 =	vadd.f32 v48, v4;
	v8 =	vadd.f32 v49, v8  }
0x9f: {  	v5 =	vadd.f32 v50, v5;
	v2 =	vadd.f32 v6, v2  }
0xa0: {  	s29 =	sshra.s32 s28, $0x2;
	v52 =	vadd.f32 v51, v9;
	v3 =	vadd.f32 v7, v3  }
0xa1: {  	[tilespmem:s29+$0x12480] =	vst v2;
	v2 =	vadd.f32 v8, v4  }
0xa2: {  	[tilespmem:s29+$0x12490] =	vst v3;
	v3 =	vadd.f32 v52, v5  }
0xa3: {  	[tilespmem:s29+$0x124A0] =	vst v2  }
0xa4: {  	[tilespmem:s29+$0x124B0] =	vst v3  }
0xa5: {  	v2 =	vld [tilespmem:s26+$0x0]  }
0xa6: {  	v3 =	vld [tilespmem:s26+$0x10]  }
0xa7: {  	v4 =	vld [tilespmem:s26+$0x20]  }
0xa8: {  	v5 =	vld [tilespmem:s26+$0x30]  }
0xa9: {  	v6 =	vld [tilespmem:s26+$0x40]  }
0xaa: {  	v7 =	vld [tilespmem:s26+$0x50]  }
0xab: {  	v8 =	vld [tilespmem:s26+$0x60]  }
0xac: {  	v9 =	vld [tilespmem:s26+$0x70]  }
0xad: {  	v10 =	vld [tilespmem:s26+$0x80]  }
0xae: {  	v53 =	vld [tilespmem:s26+$0xC0]  }
0xaf: {  	v12 =	vld [tilespmem:s26+$0x90]  }
0xb0: {  	v54 =	vld [tilespmem:s26+$0xD0]  }
0xb1: {  	v14 =	vld [tilespmem:s26+$0xA0]  }
0xb2: {  	v55 =	vld [tilespmem:s26+$0xE0]  }
0xb3: {  	v16 =	vld [tilespmem:s26+$0xB0]  }
0xb4: {  	v56 =	vld [tilespmem:s26+$0xF0]  }
0xb5: {  	v18 =	vld [tilespmem:s26+$0x100]  }
0xb6: {  	v57 =	vld [tilespmem:s26+$0x140]  }
0xb7: {  	v20 =	vld [tilespmem:s26+$0x110]  }
0xb8: {  	v58 =	vld [tilespmem:s26+$0x150]  }
0xb9: {  	v22 =	vld [tilespmem:s26+$0x120]  }
0xba: {  	v59 =	vld [tilespmem:s26+$0x160]  }
0xbb: {  	v24 =	vld [tilespmem:s26+$0x130]  }
0xbc: {  	v60 =	vld [tilespmem:s26+$0x170]  }
0xbd: {  	v26 =	vld [tilespmem:s26+$0x180]  }
0xbe: {  	v61 =	vld [tilespmem:s26+$0x1C0]  }
0xbf: {  	v28 =	vld [tilespmem:s26+$0x190]  }
0xc0: {  	v62 =	vld [tilespmem:s26+$0x1D0]  }
0xc1: {  	v30 =	vld [tilespmem:s26+$0x1A0]  }
0xc2: {  	v63 =	vld [tilespmem:s26+$0x1E0]  }
0xc3: {  	v32 =	vld [tilespmem:s26+$0x1B0]  }
0xc4: {  	v33 =	vld [tilespmem:s26+$0x1F0]  }
0xc5: {  	v34 =	vld [tilespmem:s26+$0x200]  }
0xc6: {  	v35 =	vld [tilespmem:s26+$0x240]  }
0xc7: {  	v36 =	vld [tilespmem:s26+$0x210]  }
0xc8: {  	v37 =	vld [tilespmem:s26+$0x250]  }
0xc9: {  	v38 =	vld [tilespmem:s26+$0x220]  }
0xca: {  	v39 =	vld [tilespmem:s26+$0x260]  }
0xcb: {  	v40 =	vld [tilespmem:s26+$0x230]  }
0xcc: {  	v41 =	vld [tilespmem:s26+$0x270]  }
0xcd: {  	v42 =	vld [tilespmem:s26+$0x280]  }
0xce: {  	v43 =	vld [tilespmem:s26+$0x2C0]  }
0xcf: {  	v44 =	vld [tilespmem:s26+$0x290]  }
0xd0: {  	v45 =	vld [tilespmem:s26+$0x2D0]  }
0xd1: {  	v46 =	vld [tilespmem:s26+$0x2A0]  }
0xd2: {  	v47 =	vld [tilespmem:s26+$0x2E0]  }
0xd3: {  	v48 =	vld [tilespmem:s26+$0x2B0]  }
0xd4: {  	v52 =	vld [tilespmem:s26+$0x2F0]  }
0xd5: {  	v50 =	vld [tilespmem:s26+$0x450];
	v2 =	vadd.f32 v10, v2;
	v6 =	vadd.f32 v53, v6  }
0xd6: {  	v51 =	vld [tilespmem:s26+$0x420];
	v3 =	vadd.f32 v12, v3;
	v7 =	vadd.f32 v54, v7  }
0xd7: {  	v53 =	vld [tilespmem:s26+$0x300];
	v4 =	vadd.f32 v14, v4;
	v8 =	vadd.f32 v55, v8  }
0xd8: {  	v54 =	vld [tilespmem:s26+$0x340];
	v5 =	vadd.f32 v16, v5;
	v9 =	vadd.f32 v56, v9  }
0xd9: {  	v55 =	vld [tilespmem:s26+$0x310];
	v2 =	vadd.f32 v18, v2;
	v6 =	vadd.f32 v57, v6  }
0xda: {  	v56 =	vld [tilespmem:s26+$0x350];
	v3 =	vadd.f32 v20, v3;
	v7 =	vadd.f32 v58, v7  }
0xdb: {  	v57 =	vld [tilespmem:s26+$0x320];
	v4 =	vadd.f32 v22, v4;
	v8 =	vadd.f32 v59, v8  }
0xdc: {  	v58 =	vld [tilespmem:s26+$0x360];
	v5 =	vadd.f32 v24, v5;
	v9 =	vadd.f32 v60, v9  }
0xdd: {  	v59 =	vld [tilespmem:s26+$0x330];
	v2 =	vadd.f32 v26, v2;
	v6 =	vadd.f32 v61, v6  }
0xde: {  	v60 =	vld [tilespmem:s26+$0x370];
	v3 =	vadd.f32 v28, v3;
	v7 =	vadd.f32 v62, v7  }
0xdf: {  	v61 =	vld [tilespmem:s26+$0x380];
	v4 =	vadd.f32 v30, v4;
	v8 =	vadd.f32 v63, v8  }
0xe0: {  	v62 =	vld [tilespmem:s26+$0x3C0];
	v5 =	vadd.f32 v32, v5;
	v9 =	vadd.f32 v33, v9  }
0xe1: {  	v63 =	vld [tilespmem:s26+$0x390];
	v2 =	vadd.f32 v34, v2;
	v6 =	vadd.f32 v35, v6  }
0xe2: {  	v33 =	vld [tilespmem:s26+$0x3D0];
	v3 =	vadd.f32 v36, v3;
	v7 =	vadd.f32 v37, v7  }
0xe3: {  	v35 =	vld [tilespmem:s26+$0x3A0];
	v4 =	vadd.f32 v38, v4;
	v8 =	vadd.f32 v39, v8  }
0xe4: {  	v37 =	vld [tilespmem:s26+$0x3E0];
	v5 =	vadd.f32 v40, v5;
	v9 =	vadd.f32 v41, v9  }
0xe5: {  	v39 =	vld [tilespmem:s26+$0x3B0];
	v2 =	vadd.f32 v42, v2;
	v6 =	vadd.f32 v43, v6  }
0xe6: {  	v41 =	vld [tilespmem:s26+$0x3F0];
	v3 =	vadd.f32 v44, v3;
	v7 =	vadd.f32 v45, v7  }
0xe7: {  	v43 =	vld [tilespmem:s26+$0x400];
	v4 =	vadd.f32 v46, v4;
	v8 =	vadd.f32 v47, v8  }
0xe8: {  	v45 =	vld [tilespmem:s26+$0x440];
	v5 =	vadd.f32 v48, v5;
	v9 =	vadd.f32 v52, v9  }
0xe9: {  	v47 =	vld [tilespmem:s26+$0x410];
	v2 =	vadd.f32 v53, v2;
	v6 =	vadd.f32 v54, v6  }
0xea: {  	v52 =	vld [tilespmem:s26+$0x460];
	v3 =	vadd.f32 v55, v3;
	v7 =	vadd.f32 v56, v7  }
0xeb: {  	v4 =	vadd.f32 v57, v4;
	v8 =	vadd.f32 v58, v8;
	v53 =	vld [tilespmem:s26+$0x430]  }
0xec: {  	v5 =	vadd.f32 v59, v5;
	v9 =	vadd.f32 v60, v9;
	v54 =	vld [tilespmem:s26+$0x470]  }
0xed: {  	v55 =	vld [tilespmem:s26+$0x480];
	v2 =	vadd.f32 v61, v2;
	v6 =	vadd.f32 v62, v6  }
0xee: {  	v56 =	vld [tilespmem:s26+$0x4C0];
	v3 =	vadd.f32 v63, v3;
	v7 =	vadd.f32 v33, v7  }
0xef: {  	v57 =	vld [tilespmem:s26+$0x490];
	v4 =	vadd.f32 v35, v4;
	v8 =	vadd.f32 v37, v8  }
0xf0: {  	v58 =	vld [tilespmem:s26+$0x4D0];
	v5 =	vadd.f32 v39, v5;
	v9 =	vadd.f32 v41, v9  }
0xf1: {  	v59 =	vld [tilespmem:s26+$0x4A0];
	v2 =	vadd.f32 v43, v2;
	v6 =	vadd.f32 v45, v6  }
0xf2: {  	v60 =	vld [tilespmem:s26+$0x4E0];
	v3 =	vadd.f32 v47, v3;
	v7 =	vadd.f32 v50, v7  }
0xf3: {  	v61 =	vld [tilespmem:s26+$0x4B0];
	v4 =	vadd.f32 v51, v4;
	v8 =	vadd.f32 v52, v8  }
0xf4: {  	v62 =	vld [tilespmem:s26+$0x4F0];
	v5 =	vadd.f32 v53, v5;
	v9 =	vadd.f32 v54, v9  }
0xf5: {  	v2 =	vadd.f32 v55, v2;
	v6 =	vadd.f32 v56, v6  }
0xf6: {  	v3 =	vadd.f32 v57, v3;
	v7 =	vadd.f32 v58, v7  }
0xf7: {  	v4 =	vadd.f32 v59, v4;
	v8 =	vadd.f32 v60, v8  }
0xf8: {  	p0 =	sne.s32 s28, $0x1E00;
	v5 =	vadd.f32 v61, v5;
	v2 =	vadd.f32 v6, v2  }
.Ltmp1:
0xf9: {  	v63 =	vadd.f32 v62, v9;
	v3 =	vadd.f32 v7, v3;
	(pc) =	sbr.rel @p0 .LBB2_5-.Ltmp1, $4  }
0xfa: {  	[tilespmem:s29+$0x124C0] =	vst v2;
	v2 =	vadd.f32 v8, v4  }
0xfb: {  	[tilespmem:s29+$0x124D0] =	vst v3;
	v3 =	vadd.f32 v63, v5  }
0xfc: {  	[tilespmem:s29+$0x124E0] =	vst v2  }
0xfd: {  	s28 =	sadd.s32 $0x200, s28;
	s26 =	sadd.s32 $0xA00, s26;
	[tilespmem:s29+$0x124F0] =	vst v3  }
0xfe: {  	s12 =	sadd.s32 $0x1, s12  }
0xff: {  	p0 =	slt.s32 s12, $0xF;
	s26 =	smov.u32 s12  }
0x100: {  	s26 =	simm.s32 @!p0 $0xF  }
0x101: {  	s26 =	smul.u32 $0x280, s26;
	_ =	sdelay $0x1  }
0x102: {  	s26 =	sadd.s32 s6, s26  }
0x103: {  	s26 =	sshrl.u32 s26, $0x3  }
0x104: {  	s28 =	sadd.s32 s3, s26;
	s26 =	simm.s32 $0x0  }
0x105: {  	[tilespmem:s26], [sflag:$0x3] =	stream.linear.gather [hbm4b:s28+s26], $0x280, $0x38;
	[tilespmem:$0x16280] =	vst v63  }
0x106: {  	_ =	swait.ge [sflag:s13], $0x280  }
0x107: {  	[sflag:s13] =	ssyncset.done $0x0  }
0x108: {  	[sflag:s13] =	ssyncadd.s32 $0xFFFFFD80  }
0x109: {  	[tilespmem:s15], [sflag:$0x1] =	stream.indirect.gather [hbm4b:s7+s14], $0x40, s26, s14, $0xb8;
	[tilespmem:$0x16280] =	vst v63  }
0x10a: {  	_ = 	snop  }
0x10b: {  	[tilespmem:s16], [sflag:$0x1] =	stream.indirect.gather [hbm4b:s7+s14], $0x40, s14, s14, $0xb8;
	[tilespmem:$0x16280] =	vst v63  }
0x10c: {  	_ = 	snop  }
0x10d: {  	[tilespmem:s18], [sflag:$0x1] =	stream.indirect.gather [hbm4b:s7+s14], $0x40, s17, s14, $0xb8;
	[tilespmem:$0x16280] =	vst v63  }
0x10e: {  	_ = 	snop  }
0x10f: {  	[tilespmem:s20], [sflag:$0x1] =	stream.indirect.gather [hbm4b:s7+s14], $0x40, s19, s14, $0xb8;
	[tilespmem:$0x16280] =	vst v63  }
0x110: {  	_ = 	snop  }
0x111: {  	[tilespmem:s22], [sflag:$0x1] =	stream.indirect.gather [hbm4b:s7+s14], $0x40, s21, s14, $0xb8;
	[tilespmem:$0x16280] =	vst v63  }
0x112: {  	_ =	swait.ge [sflag:s1], $0x2000  }
0x113: {  	[sflag:s1] =	ssyncset.done $0x0  }
0x114: {  	[sflag:s1] =	ssyncadd.s32 $0xFFFFE000  }
0x115: {  	_ =	swait.ge [sflag:s1], $0x2000  }
0x116: {  	[sflag:s1] =	ssyncset.done $0x0  }
0x117: {  	[sflag:s1] =	ssyncadd.s32 $0xFFFFE000  }
0x118: {  	_ =	swait.ge [sflag:s1], $0x2000  }
0x119: {  	[sflag:s1] =	ssyncset.done $0x0  }
0x11a: {  	[sflag:s1] =	ssyncadd.s32 $0xFFFFE000  }
0x11b: {  	_ =	swait.ge [sflag:s1], $0x2000  }
0x11c: {  	s29 =	simm.s32 $0x13690;
	[sflag:s1] =	ssyncset.done $0x0  }
0x11d: {  	s30 =	simm.s32 $0x0;
	s28 =	simm.s32 $0xA700;
	[sflag:s1] =	ssyncadd.s32 $0xFFFFE000  }
.LBB2_7:
0x11e: {  	s31 =	sshra.s32 s30, $0x2  }
0x11f: {  	v2 =	vld [tilespmem:s31+$0x12480]  }
0x120: {  	v3 =	vld [tilespmem:s31+$0x12490]  }
0x121: {  	v4 =	vld [tilespmem:s31+$0x10480]  }
0x122: {  	v5 =	vld [tilespmem:s31+$0x10490]  }
0x123: {  	v6 =	vld [tilespmem:s31+$0x124A0]  }
0x124: {  	v7 =	vld [tilespmem:s31+$0x104A0]  }
0x125: {  	v8 =	vld [tilespmem:s31+$0x124B0]  }
0x126: {  	v9 =	vld [tilespmem:s31+$0x104B0]  }
0x127: {  	v4 =	vmul.f32 v4, v2;
	v5 =	vmul.f32 v5, v3;
	_ =	sdelay $0x1  }
0x128: {  	v11 =	vmul.f32 v7, v6;
	v4 =	vadd.f32 v5, v4;
	_ =	sdelay $0x1  }
0x129: {  	v12 =	vmul.f32 v9, v8;
	v4 =	vadd.f32 v11, v4;
	_ =	sdelay $0x1  }
0x12a: {  	v4 =	vadd.f32 v12, v4;
	_ =	sdelay $0x1  }
0x12b: {  	[tilespmem:s29+$0xFFFFF5F0] =	vst v4  }
0x12c: {  	v4 =	vld [tilespmem:s28+$0xFFFFFD80]  }
0x12d: {  	v13 =	vld [tilespmem:s28+$0xFFFFFD90];
	_ =	sdelay $0x1  }
0x12e: {  	v14 =	vld [tilespmem:s28+$0xFFFFFDA0];
	_ =	sdelay $0x1  }
0x12f: {  	v15 =	vld [tilespmem:s28+$0xFFFFFDB0]  }
0x130: {  	v4 =	vmul.f32 v4, v2;
	v5 =	vmul.f32 v13, v3;
	_ =	sdelay $0x1  }
0x131: {  	v16 =	vmul.f32 v14, v6;
	v4 =	vadd.f32 v5, v4;
	_ =	sdelay $0x1  }
0x132: {  	v17 =	vmul.f32 v15, v8;
	v4 =	vadd.f32 v16, v4;
	_ =	sdelay $0x1  }
0x133: {  	v4 =	vadd.f32 v17, v4;
	_ =	sdelay $0x1  }
0x134: {  	[tilespmem:s29+$0xFFFFF7F0] =	vst v4  }
0x135: {  	v4 =	vld [tilespmem:s28+$0xFFFFFDC0]  }
0x136: {  	v18 =	vld [tilespmem:s28+$0xFFFFFDD0];
	_ =	sdelay $0x1  }
0x137: {  	v19 =	vld [tilespmem:s28+$0xFFFFFDE0];
	_ =	sdelay $0x1  }
0x138: {  	v20 =	vld [tilespmem:s28+$0xFFFFFDF0]  }
0x139: {  	v4 =	vmul.f32 v4, v2;
	v5 =	vmul.f32 v18, v3;
	_ =	sdelay $0x1  }
0x13a: {  	v21 =	vmul.f32 v19, v6;
	v4 =	vadd.f32 v5, v4;
	_ =	sdelay $0x1  }
0x13b: {  	v22 =	vmul.f32 v20, v8;
	v4 =	vadd.f32 v21, v4;
	_ =	sdelay $0x1  }
0x13c: {  	v4 =	vadd.f32 v22, v4;
	_ =	sdelay $0x1  }
0x13d: {  	[tilespmem:s29+$0xFFFFF9F0] =	vst v4  }
0x13e: {  	v4 =	vld [tilespmem:s28+$0xFFFFFE00]  }
0x13f: {  	v23 =	vld [tilespmem:s28+$0xFFFFFE10];
	_ =	sdelay $0x1  }
0x140: {  	v24 =	vld [tilespmem:s28+$0xFFFFFE20];
	_ =	sdelay $0x1  }
0x141: {  	v25 =	vld [tilespmem:s28+$0xFFFFFE30]  }
0x142: {  	v4 =	vmul.f32 v4, v2;
	v5 =	vmul.f32 v23, v3;
	_ =	sdelay $0x1  }
0x143: {  	v26 =	vmul.f32 v24, v6;
	v4 =	vadd.f32 v5, v4;
	_ =	sdelay $0x1  }
0x144: {  	v27 =	vmul.f32 v25, v8;
	v4 =	vadd.f32 v26, v4;
	_ =	sdelay $0x1  }
0x145: {  	v4 =	vadd.f32 v27, v4;
	_ =	sdelay $0x1  }
0x146: {  	[tilespmem:s29+$0xFFFFFBF0] =	vst v4  }
0x147: {  	v4 =	vld [tilespmem:s28+$0xFFFFFE40]  }
0x148: {  	v28 =	vld [tilespmem:s28+$0xFFFFFE50];
	_ =	sdelay $0x1  }
0x149: {  	v29 =	vld [tilespmem:s28+$0xFFFFFE60];
	_ =	sdelay $0x1  }
0x14a: {  	v30 =	vld [tilespmem:s28+$0xFFFFFE70]  }
0x14b: {  	v4 =	vmul.f32 v4, v2;
	v5 =	vmul.f32 v28, v3;
	_ =	sdelay $0x1  }
0x14c: {  	v31 =	vmul.f32 v29, v6;
	v4 =	vadd.f32 v5, v4;
	_ =	sdelay $0x1  }
0x14d: {  	v32 =	vmul.f32 v30, v8;
	v4 =	vadd.f32 v31, v4;
	_ =	sdelay $0x1  }
0x14e: {  	v4 =	vadd.f32 v32, v4;
	_ =	sdelay $0x1  }
0x14f: {  	[tilespmem:s29+$0xFFFFFDF0] =	vst v4  }
0x150: {  	v4 =	vld [tilespmem:s28+$0xFFFFFE80]  }
0x151: {  	v33 =	vld [tilespmem:s28+$0xFFFFFE90];
	_ =	sdelay $0x1  }
0x152: {  	v34 =	vld [tilespmem:s28+$0xFFFFFEA0];
	_ =	sdelay $0x1  }
0x153: {  	v35 =	vld [tilespmem:s28+$0xFFFFFEB0]  }
0x154: {  	v4 =	vmul.f32 v4, v2;
	v5 =	vmul.f32 v33, v3;
	_ =	sdelay $0x1  }
0x155: {  	v36 =	vmul.f32 v34, v6;
	v4 =	vadd.f32 v5, v4;
	_ =	sdelay $0x1  }
0x156: {  	v37 =	vmul.f32 v35, v8;
	v4 =	vadd.f32 v36, v4;
	_ =	sdelay $0x1  }
0x157: {  	v4 =	vadd.f32 v37, v4;
	_ =	sdelay $0x1  }
0x158: {  	[tilespmem:s29+$0xFFFFFFF0] =	vst v4  }
0x159: {  	v4 =	vld [tilespmem:s28+$0xFFFFFEC0]  }
0x15a: {  	v38 =	vld [tilespmem:s28+$0xFFFFFED0];
	_ =	sdelay $0x1  }
0x15b: {  	v39 =	vld [tilespmem:s28+$0xFFFFFEE0];
	_ =	sdelay $0x1  }
0x15c: {  	v40 =	vld [tilespmem:s28+$0xFFFFFEF0]  }
0x15d: {  	v4 =	vmul.f32 v4, v2;
	v5 =	vmul.f32 v38, v3;
	_ =	sdelay $0x1  }
0x15e: {  	v41 =	vmul.f32 v39, v6;
	v4 =	vadd.f32 v5, v4;
	_ =	sdelay $0x1  }
0x15f: {  	v42 =	vmul.f32 v40, v8;
	v4 =	vadd.f32 v41, v4;
	_ =	sdelay $0x1  }
0x160: {  	v4 =	vadd.f32 v42, v4;
	_ =	sdelay $0x1  }
0x161: {  	[tilespmem:s29+$0x1F0] =	vst v4  }
0x162: {  	v4 =	vld [tilespmem:s28+$0xFFFFFF00]  }
0x163: {  	v43 =	vld [tilespmem:s28+$0xFFFFFF10];
	_ =	sdelay $0x1  }
0x164: {  	v44 =	vld [tilespmem:s28+$0xFFFFFF20];
	_ =	sdelay $0x1  }
0x165: {  	v45 =	vld [tilespmem:s28+$0xFFFFFF30]  }
0x166: {  	v4 =	vmul.f32 v4, v2;
	v5 =	vmul.f32 v43, v3;
	_ =	sdelay $0x1  }
0x167: {  	v46 =	vmul.f32 v44, v6;
	v4 =	vadd.f32 v5, v4;
	_ =	sdelay $0x1  }
0x168: {  	v47 =	vmul.f32 v45, v8;
	v4 =	vadd.f32 v46, v4;
	_ =	sdelay $0x1  }
0x169: {  	v4 =	vadd.f32 v47, v4;
	_ =	sdelay $0x1  }
0x16a: {  	[tilespmem:s29+$0x3F0] =	vst v4  }
0x16b: {  	v4 =	vld [tilespmem:s28+$0xFFFFFF40]  }
0x16c: {  	v48 =	vld [tilespmem:s28+$0xFFFFFF50];
	_ =	sdelay $0x1  }
0x16d: {  	v49 =	vld [tilespmem:s28+$0xFFFFFF60];
	_ =	sdelay $0x1  }
0x16e: {  	v50 =	vld [tilespmem:s28+$0xFFFFFF70]  }
0x16f: {  	v4 =	vmul.f32 v4, v2;
	v5 =	vmul.f32 v48, v3;
	_ =	sdelay $0x1  }
0x170: {  	v51 =	vmul.f32 v49, v6;
	v4 =	vadd.f32 v5, v4;
	_ =	sdelay $0x1  }
0x171: {  	v52 =	vmul.f32 v50, v8;
	v4 =	vadd.f32 v51, v4;
	_ =	sdelay $0x1  }
0x172: {  	v4 =	vadd.f32 v52, v4;
	_ =	sdelay $0x1  }
0x173: {  	[tilespmem:s29+$0x5F0] =	vst v4  }
0x174: {  	v4 =	vld [tilespmem:s28+$0xFFFFFF80]  }
0x175: {  	v53 =	vld [tilespmem:s28+$0xFFFFFF90];
	_ =	sdelay $0x1  }
0x176: {  	v54 =	vld [tilespmem:s28+$0xFFFFFFA0];
	_ =	sdelay $0x1  }
0x177: {  	v55 =	vld [tilespmem:s28+$0xFFFFFFB0]  }
0x178: {  	v4 =	vmul.f32 v4, v2;
	v5 =	vmul.f32 v53, v3;
	_ =	sdelay $0x1  }
0x179: {  	v56 =	vmul.f32 v54, v6;
	v4 =	vadd.f32 v5, v4;
	_ =	sdelay $0x1  }
0x17a: {  	v57 =	vmul.f32 v55, v8;
	v4 =	vadd.f32 v56, v4;
	_ =	sdelay $0x1  }
0x17b: {  	v4 =	vadd.f32 v57, v4;
	_ =	sdelay $0x1  }
0x17c: {  	[tilespmem:s29+$0x7F0] =	vst v4  }
0x17d: {  	v4 =	vld [tilespmem:s28+$0xFFFFFFC0]  }
0x17e: {  	v58 =	vld [tilespmem:s28+$0xFFFFFFD0];
	_ =	sdelay $0x1  }
0x17f: {  	v59 =	vld [tilespmem:s28+$0xFFFFFFE0];
	_ =	sdelay $0x1  }
0x180: {  	v60 =	vld [tilespmem:s28+$0xFFFFFFF0]  }
0x181: {  	v2 =	vmul.f32 v4, v2;
	v3 =	vmul.f32 v58, v3;
	_ =	sdelay $0x1  }
0x182: {  	v2 =	vadd.f32 v3, v2;
	v3 =	vmul.f32 v59, v6;
	_ =	sdelay $0x1  }
0x183: {  	v2 =	vadd.f32 v3, v2;
	v3 =	vmul.f32 v60, v8;
	_ =	sdelay $0x1  }
0x184: {  	v2 =	vadd.f32 v3, v2;
	_ =	sdelay $0x1  }
0x185: {  	[tilespmem:s29+$0x9F0] =	vst v2  }
0x186: {  	v2 =	vld [tilespmem:s31+$0x124C0]  }
0x187: {  	v3 =	vld [tilespmem:s31+$0x124D0]  }
0x188: {  	v61 =	vld [tilespmem:s31+$0x104C0]  }
0x189: {  	v62 =	vld [tilespmem:s31+$0x104D0]  }
0x18a: {  	v6 =	vld [tilespmem:s31+$0x124E0]  }
0x18b: {  	v63 =	vld [tilespmem:s31+$0x104E0]  }
0x18c: {  	v12 =	vld [tilespmem:s31+$0x124F0]  }
0x18d: {  	v13 =	vld [tilespmem:s31+$0x104F0]  }
0x18e: {  	v4 =	vmul.f32 v61, v2;
	v5 =	vmul.f32 v62, v3;
	_ =	sdelay $0x1  }
0x18f: {  	v14 =	vmul.f32 v63, v6;
	v4 =	vadd.f32 v5, v4;
	_ =	sdelay $0x1  }
0x190: {  	v15 =	vmul.f32 v13, v12;
	v4 =	vadd.f32 v14, v4;
	_ =	sdelay $0x1  }
0x191: {  	v4 =	vadd.f32 v15, v4;
	_ =	sdelay $0x1  }
0x192: {  	[tilespmem:s29+$0xFFFFF600] =	vst v4  }
0x193: {  	v4 =	vld [tilespmem:s28+$0x0]  }
0x194: {  	v16 =	vld [tilespmem:s28+$0x10];
	_ =	sdelay $0x1  }
0x195: {  	v17 =	vld [tilespmem:s28+$0x20];
	_ =	sdelay $0x1  }
0x196: {  	v18 =	vld [tilespmem:s28+$0x30]  }
0x197: {  	v4 =	vmul.f32 v4, v2;
	v5 =	vmul.f32 v16, v3;
	_ =	sdelay $0x1  }
0x198: {  	v19 =	vmul.f32 v17, v6;
	v4 =	vadd.f32 v5, v4;
	_ =	sdelay $0x1  }
0x199: {  	v20 =	vmul.f32 v18, v12;
	v4 =	vadd.f32 v19, v4;
	_ =	sdelay $0x1  }
0x19a: {  	v4 =	vadd.f32 v20, v4;
	_ =	sdelay $0x1  }
0x19b: {  	[tilespmem:s29+$0xFFFFF800] =	vst v4  }
0x19c: {  	v4 =	vld [tilespmem:s28+$0x40]  }
0x19d: {  	v21 =	vld [tilespmem:s28+$0x50];
	_ =	sdelay $0x1  }
0x19e: {  	v22 =	vld [tilespmem:s28+$0x60];
	_ =	sdelay $0x1  }
0x19f: {  	v23 =	vld [tilespmem:s28+$0x70]  }
0x1a0: {  	v4 =	vmul.f32 v4, v2;
	v5 =	vmul.f32 v21, v3;
	_ =	sdelay $0x1  }
0x1a1: {  	v24 =	vmul.f32 v22, v6;
	v4 =	vadd.f32 v5, v4;
	_ =	sdelay $0x1  }
0x1a2: {  	v25 =	vmul.f32 v23, v12;
	v4 =	vadd.f32 v24, v4;
	_ =	sdelay $0x1  }
0x1a3: {  	v4 =	vadd.f32 v25, v4;
	_ =	sdelay $0x1  }
0x1a4: {  	[tilespmem:s29+$0xFFFFFA00] =	vst v4  }
0x1a5: {  	v4 =	vld [tilespmem:s28+$0x80]  }
0x1a6: {  	v26 =	vld [tilespmem:s28+$0x90];
	_ =	sdelay $0x1  }
0x1a7: {  	v27 =	vld [tilespmem:s28+$0xA0];
	_ =	sdelay $0x1  }
0x1a8: {  	v28 =	vld [tilespmem:s28+$0xB0]  }
0x1a9: {  	v4 =	vmul.f32 v4, v2;
	v5 =	vmul.f32 v26, v3;
	_ =	sdelay $0x1  }
0x1aa: {  	v29 =	vmul.f32 v27, v6;
	v4 =	vadd.f32 v5, v4;
	_ =	sdelay $0x1  }
0x1ab: {  	v30 =	vmul.f32 v28, v12;
	v4 =	vadd.f32 v29, v4;
	_ =	sdelay $0x1  }
0x1ac: {  	v4 =	vadd.f32 v30, v4;
	_ =	sdelay $0x1  }
0x1ad: {  	[tilespmem:s29+$0xFFFFFC00] =	vst v4  }
0x1ae: {  	v4 =	vld [tilespmem:s28+$0xC0]  }
0x1af: {  	v31 =	vld [tilespmem:s28+$0xD0];
	_ =	sdelay $0x1  }
0x1b0: {  	v32 =	vld [tilespmem:s28+$0xE0];
	_ =	sdelay $0x1  }
0x1b1: {  	v33 =	vld [tilespmem:s28+$0xF0]  }
0x1b2: {  	v4 =	vmul.f32 v4, v2;
	v5 =	vmul.f32 v31, v3;
	_ =	sdelay $0x1  }
0x1b3: {  	v34 =	vmul.f32 v32, v6;
	v4 =	vadd.f32 v5, v4;
	_ =	sdelay $0x1  }
0x1b4: {  	v35 =	vmul.f32 v33, v12;
	v4 =	vadd.f32 v34, v4;
	_ =	sdelay $0x1  }
0x1b5: {  	v4 =	vadd.f32 v35, v4;
	_ =	sdelay $0x1  }
0x1b6: {  	[tilespmem:s29+$0xFFFFFE00] =	vst v4  }
0x1b7: {  	v4 =	vld [tilespmem:s28+$0x100]  }
0x1b8: {  	v36 =	vld [tilespmem:s28+$0x110];
	_ =	sdelay $0x1  }
0x1b9: {  	v37 =	vld [tilespmem:s28+$0x120];
	_ =	sdelay $0x1  }
0x1ba: {  	v38 =	vld [tilespmem:s28+$0x130]  }
0x1bb: {  	v4 =	vmul.f32 v4, v2;
	v5 =	vmul.f32 v36, v3;
	_ =	sdelay $0x1  }
0x1bc: {  	v39 =	vmul.f32 v37, v6;
	v4 =	vadd.f32 v5, v4;
	_ =	sdelay $0x1  }
0x1bd: {  	v40 =	vmul.f32 v38, v12;
	v4 =	vadd.f32 v39, v4;
	_ =	sdelay $0x1  }
0x1be: {  	v4 =	vadd.f32 v40, v4;
	_ =	sdelay $0x1  }
0x1bf: {  	[tilespmem:s29+$0x0] =	vst v4  }
0x1c0: {  	v4 =	vld [tilespmem:s28+$0x140]  }
0x1c1: {  	v41 =	vld [tilespmem:s28+$0x150];
	_ =	sdelay $0x1  }
0x1c2: {  	v42 =	vld [tilespmem:s28+$0x160];
	_ =	sdelay $0x1  }
0x1c3: {  	v43 =	vld [tilespmem:s28+$0x170]  }
0x1c4: {  	v4 =	vmul.f32 v4, v2;
	v5 =	vmul.f32 v41, v3;
	_ =	sdelay $0x1  }
0x1c5: {  	v44 =	vmul.f32 v42, v6;
	v4 =	vadd.f32 v5, v4;
	_ =	sdelay $0x1  }
0x1c6: {  	v45 =	vmul.f32 v43, v12;
	v4 =	vadd.f32 v44, v4;
	_ =	sdelay $0x1  }
0x1c7: {  	v4 =	vadd.f32 v45, v4;
	_ =	sdelay $0x1  }
0x1c8: {  	[tilespmem:s29+$0x200] =	vst v4  }
0x1c9: {  	v4 =	vld [tilespmem:s28+$0x180]  }
0x1ca: {  	v46 =	vld [tilespmem:s28+$0x190];
	_ =	sdelay $0x1  }
0x1cb: {  	v47 =	vld [tilespmem:s28+$0x1A0];
	_ =	sdelay $0x1  }
0x1cc: {  	v48 =	vld [tilespmem:s28+$0x1B0]  }
0x1cd: {  	v4 =	vmul.f32 v4, v2;
	v5 =	vmul.f32 v46, v3;
	_ =	sdelay $0x1  }
0x1ce: {  	v49 =	vmul.f32 v47, v6;
	v4 =	vadd.f32 v5, v4;
	_ =	sdelay $0x1  }
0x1cf: {  	v50 =	vmul.f32 v48, v12;
	v4 =	vadd.f32 v49, v4;
	_ =	sdelay $0x1  }
0x1d0: {  	v4 =	vadd.f32 v50, v4;
	_ =	sdelay $0x1  }
0x1d1: {  	[tilespmem:s29+$0x400] =	vst v4  }
0x1d2: {  	v4 =	vld [tilespmem:s28+$0x1C0]  }
0x1d3: {  	v51 =	vld [tilespmem:s28+$0x1D0];
	_ =	sdelay $0x1  }
0x1d4: {  	v52 =	vld [tilespmem:s28+$0x1E0];
	_ =	sdelay $0x1  }
0x1d5: {  	v53 =	vld [tilespmem:s28+$0x1F0]  }
0x1d6: {  	v4 =	vmul.f32 v4, v2;
	v5 =	vmul.f32 v51, v3;
	_ =	sdelay $0x1  }
0x1d7: {  	v54 =	vmul.f32 v52, v6;
	v4 =	vadd.f32 v5, v4;
	_ =	sdelay $0x1  }
0x1d8: {  	v55 =	vmul.f32 v53, v12;
	v4 =	vadd.f32 v54, v4;
	_ =	sdelay $0x1  }
0x1d9: {  	v4 =	vadd.f32 v55, v4;
	_ =	sdelay $0x1  }
0x1da: {  	[tilespmem:s29+$0x600] =	vst v4  }
0x1db: {  	v4 =	vld [tilespmem:s28+$0x200]  }
0x1dc: {  	v56 =	vld [tilespmem:s28+$0x210];
	_ =	sdelay $0x1  }
0x1dd: {  	v57 =	vld [tilespmem:s28+$0x220];
	_ =	sdelay $0x1  }
0x1de: {  	v58 =	vld [tilespmem:s28+$0x230]  }
0x1df: {  	v4 =	vmul.f32 v4, v2;
	v5 =	vmul.f32 v56, v3;
	_ =	sdelay $0x1  }
0x1e0: {  	v59 =	vmul.f32 v57, v6;
	v4 =	vadd.f32 v5, v4;
	_ =	sdelay $0x1  }
0x1e1: {  	v60 =	vmul.f32 v58, v12;
	v4 =	vadd.f32 v59, v4;
	_ =	sdelay $0x1  }
0x1e2: {  	v4 =	vadd.f32 v60, v4;
	_ =	sdelay $0x1  }
0x1e3: {  	[tilespmem:s29+$0x800] =	vst v4  }
0x1e4: {  	v4 =	vld [tilespmem:s28+$0x240]  }
0x1e5: {  	v61 =	vld [tilespmem:s28+$0x250];
	_ =	sdelay $0x1  }
0x1e6: {  	v62 =	vld [tilespmem:s28+$0x260];
	_ =	sdelay $0x1  }
0x1e7: {  	v63 =	vld [tilespmem:s28+$0x270]  }
0x1e8: {  	v2 =	vmul.f32 v4, v2;
	v3 =	vmul.f32 v61, v3;
	_ =	sdelay $0x1  }
0x1e9: {  	v2 =	vadd.f32 v3, v2;
	v3 =	vmul.f32 v62, v6  }
0x1ea: {  	p0 =	sne.s32 s30, $0x1E00  }
.Ltmp2:
0x1eb: {  	v2 =	vadd.f32 v3, v2;
	v3 =	vmul.f32 v63, v12;
	(pc) =	sbr.rel @p0 .LBB2_7-.Ltmp2, $3  }
0x1ec: {  	_ = 	snop  }
0x1ed: {  	v2 =	vadd.f32 v3, v2;
	_ =	sdelay $0x1  }
0x1ee: {  	s30 =	sadd.s32 $0x200, s30;
	s28 =	sadd.s32 $0x500, s28;
	[tilespmem:s29+$0xA00] =	vst v2;
	s29 =	sadd.s32 $0x20, s29  }
0x1ef: {  	v2 =	vor.u32 s26, v1;
	s30 =	simm.s32 $0x1  }
0x1f0: {  	v3 =	vor.u32 s30, v1;
	_ =	sdelay $0x2  }
0x1f1: {  	s28 =	simm.s32 $0x2  }
0x1f2: {  	s31 =	simm.s32 $0x3;
	v4 =	vor.u32 s28, v1;
	v7 =	vld.idx.msk [tilespmem:v2+s2+$0x0], $0xffff  }
0x1f3: {  	v6 =	vor.u32 s31, v1;
	v2 =	vld.idx.msk [tilespmem:v3+s2+$0x0], $0xffff;
	_ =	sdelay $0x3  }
0x1f4: {  	s26 =	simm.s32 $0x4;
	v5 =	vimm.f32 $0.0e+00;
	v3 =	vimm.f32 $0.0e+00;
	v4 =	vld.idx.msk [tilespmem:v4+s2+$0x0], $0xffff  }
.LBB2_9:
0x1f5: {  	v8 =	vor.u32 s26, v1;
	s28 =	sadd.s32 $0x1, s26;
	p0 =	sne.s32 s26, $0xE;
	s26 =	sadd.s32 $0x2, s26;
	v3 =	vadd.f32 v7, v3;
	v5 =	vadd.f32 v2, v5;
	v2 =	vld.idx.msk [tilespmem:v6+s2+$0x0], $0xffff  }
.Ltmp3:
0x1f6: {  	v6 =	vor.u32 s28, v1;
	(pc) =	sbr.rel @p0 .LBB2_9-.Ltmp3, $2  }
0x1f7: {  	_ =	sdelay $0x2  }
0x1f8: {  	v7 =	vmov v4;
	v4 =	vld.idx.msk [tilespmem:v8+s2+$0x0], $0xffff  }
0x1f9: {  	_ =	sdelay $0x3  }
0x1fa: {  	v6 =	vld.idx.msk [tilespmem:v6+s2+$0x0], $0xffff;
	_ =	sdelay $0x2  }
0x1fb: {  	v3 =	vadd.f32 v7, v3;
	v2 =	vadd.f32 v2, v5  }
0x1fc: {  	s26 =	simm.s32 $0x100  }
0x1fd: {  	s30 =	simm.s32 $0x101;
	v3 =	vadd.f32 v4, v3;
	v4 =	vor.u32 s26, v1;
	v2 =	vadd.f32 v6, v2  }
0x1fe: {  	v5 =	vor.u32 s30, v1  }
0x1ff: {  	v2 =	vadd.f32 v2, v3;
	_ =	sdelay $0x1  }
0x200: {  	s28 =	simm.s32 $0x102;
	[tilespmem:s8+$0x14280] =	vst v2  }
0x201: {  	s31 =	simm.s32 $0x103;
	v8 =	vor.u32 s28, v1;
	v7 =	vld.idx.msk [tilespmem:v4+s2+$0x0], $0xffff  }
0x202: {  	v6 =	vor.u32 s31, v1;
	v2 =	vld.idx.msk [tilespmem:v5+s2+$0x0], $0xffff;
	_ =	sdelay $0x3  }
0x203: {  	s26 =	simm.s32 $0x104;
	v3 =	vimm.f32 $0.0e+00;
	v4 =	vld.idx.msk [tilespmem:v8+s2+$0x0], $0xffff;
	v5 =	vimm.f32 $0.0e+00  }
.LBB2_11:
0x204: {  	v8 =	vor.u32 s26, v1;
	s28 =	sadd.s32 $0x1, s26;
	p0 =	sne.s32 s26, $0x10E;
	s26 =	sadd.s32 $0x2, s26;
	v3 =	vadd.f32 v7, v3;
	v5 =	vadd.f32 v2, v5;
	v2 =	vld.idx.msk [tilespmem:v6+s2+$0x0], $0xffff  }
.Ltmp4:
0x205: {  	v6 =	vor.u32 s28, v1;
	(pc) =	sbr.rel @p0 .LBB2_11-.Ltmp4, $2  }
0x206: {  	_ =	sdelay $0x2  }
0x207: {  	v7 =	vmov v4;
	v4 =	vld.idx.msk [tilespmem:v8+s2+$0x0], $0xffff  }
0x208: {  	_ =	sdelay $0x3  }
0x209: {  	v6 =	vld.idx.msk [tilespmem:v6+s2+$0x0], $0xffff;
	_ =	sdelay $0x2  }
0x20a: {  	v3 =	vadd.f32 v7, v3;
	v2 =	vadd.f32 v2, v5  }
0x20b: {  	s26 =	simm.s32 $0x200  }
0x20c: {  	s30 =	simm.s32 $0x201;
	v3 =	vadd.f32 v4, v3;
	v4 =	vor.u32 s26, v1;
	v2 =	vadd.f32 v6, v2  }
0x20d: {  	v5 =	vor.u32 s30, v1  }
0x20e: {  	v2 =	vadd.f32 v2, v3;
	_ =	sdelay $0x1  }
0x20f: {  	s28 =	simm.s32 $0x202;
	[tilespmem:s8+$0x14290] =	vst v2  }
0x210: {  	s31 =	simm.s32 $0x203;
	v8 =	vor.u32 s28, v1;
	v7 =	vld.idx.msk [tilespmem:v4+s2+$0x0], $0xffff  }
0x211: {  	v6 =	vor.u32 s31, v1;
	v2 =	vld.idx.msk [tilespmem:v5+s2+$0x0], $0xffff;
	_ =	sdelay $0x3  }
0x212: {  	s26 =	simm.s32 $0x204;
	v3 =	vimm.f32 $0.0e+00;
	v4 =	vld.idx.msk [tilespmem:v8+s2+$0x0], $0xffff;
	v5 =	vimm.f32 $0.0e+00  }
.LBB2_13:
0x213: {  	v8 =	vor.u32 s26, v1;
	s28 =	sadd.s32 $0x1, s26;
	p0 =	sne.s32 s26, $0x20E;
	s26 =	sadd.s32 $0x2, s26;
	v3 =	vadd.f32 v7, v3;
	v5 =	vadd.f32 v2, v5;
	v2 =	vld.idx.msk [tilespmem:v6+s2+$0x0], $0xffff  }
.Ltmp5:
0x214: {  	v6 =	vor.u32 s28, v1;
	(pc) =	sbr.rel @p0 .LBB2_13-.Ltmp5, $2  }
0x215: {  	_ =	sdelay $0x2  }
0x216: {  	v7 =	vmov v4;
	v4 =	vld.idx.msk [tilespmem:v8+s2+$0x0], $0xffff  }
0x217: {  	_ =	sdelay $0x3  }
0x218: {  	v6 =	vld.idx.msk [tilespmem:v6+s2+$0x0], $0xffff;
	_ =	sdelay $0x2  }
0x219: {  	v3 =	vadd.f32 v7, v3;
	v2 =	vadd.f32 v2, v5  }
0x21a: {  	s26 =	simm.s32 $0x300  }
0x21b: {  	s30 =	simm.s32 $0x301;
	v3 =	vadd.f32 v4, v3;
	v4 =	vor.u32 s26, v1;
	v2 =	vadd.f32 v6, v2  }
0x21c: {  	v5 =	vor.u32 s30, v1  }
0x21d: {  	v2 =	vadd.f32 v2, v3;
	_ =	sdelay $0x1  }
0x21e: {  	s28 =	simm.s32 $0x302;
	[tilespmem:s8+$0x14480] =	vst v2  }
0x21f: {  	s31 =	simm.s32 $0x303;
	v8 =	vor.u32 s28, v1;
	v7 =	vld.idx.msk [tilespmem:v4+s2+$0x0], $0xffff  }
0x220: {  	v6 =	vor.u32 s31, v1;
	v2 =	vld.idx.msk [tilespmem:v5+s2+$0x0], $0xffff;
	_ =	sdelay $0x3  }
0x221: {  	s26 =	simm.s32 $0x304;
	v3 =	vimm.f32 $0.0e+00;
	v4 =	vld.idx.msk [tilespmem:v8+s2+$0x0], $0xffff;
	v5 =	vimm.f32 $0.0e+00  }
.LBB2_15:
0x222: {  	v8 =	vor.u32 s26, v1;
	s28 =	sadd.s32 $0x1, s26;
	p0 =	sne.s32 s26, $0x30E;
	s26 =	sadd.s32 $0x2, s26;
	v3 =	vadd.f32 v7, v3;
	v5 =	vadd.f32 v2, v5;
	v2 =	vld.idx.msk [tilespmem:v6+s2+$0x0], $0xffff  }
.Ltmp6:
0x223: {  	v6 =	vor.u32 s28, v1;
	(pc) =	sbr.rel @p0 .LBB2_15-.Ltmp6, $2  }
0x224: {  	_ =	sdelay $0x2  }
0x225: {  	v7 =	vmov v4;
	v4 =	vld.idx.msk [tilespmem:v8+s2+$0x0], $0xffff  }
0x226: {  	_ =	sdelay $0x3  }
0x227: {  	v6 =	vld.idx.msk [tilespmem:v6+s2+$0x0], $0xffff;
	_ =	sdelay $0x2  }
0x228: {  	v3 =	vadd.f32 v7, v3;
	v2 =	vadd.f32 v2, v5  }
0x229: {  	s26 =	simm.s32 $0x400  }
0x22a: {  	s30 =	simm.s32 $0x401;
	v3 =	vadd.f32 v4, v3;
	v4 =	vor.u32 s26, v1;
	v2 =	vadd.f32 v6, v2  }
0x22b: {  	v5 =	vor.u32 s30, v1  }
0x22c: {  	v2 =	vadd.f32 v2, v3;
	_ =	sdelay $0x1  }
0x22d: {  	s28 =	simm.s32 $0x402;
	[tilespmem:s8+$0x14490] =	vst v2  }
0x22e: {  	s31 =	simm.s32 $0x403;
	v8 =	vor.u32 s28, v1;
	v7 =	vld.idx.msk [tilespmem:v4+s2+$0x0], $0xffff  }
0x22f: {  	v6 =	vor.u32 s31, v1;
	v2 =	vld.idx.msk [tilespmem:v5+s2+$0x0], $0xffff;
	_ =	sdelay $0x3  }
0x230: {  	s26 =	simm.s32 $0x404;
	v3 =	vimm.f32 $0.0e+00;
	v4 =	vld.idx.msk [tilespmem:v8+s2+$0x0], $0xffff;
	v5 =	vimm.f32 $0.0e+00  }
.LBB2_17:
0x231: {  	v8 =	vor.u32 s26, v1;
	s28 =	sadd.s32 $0x1, s26;
	p0 =	sne.s32 s26, $0x40E;
	s26 =	sadd.s32 $0x2, s26;
	v3 =	vadd.f32 v7, v3;
	v5 =	vadd.f32 v2, v5;
	v2 =	vld.idx.msk [tilespmem:v6+s2+$0x0], $0xffff  }
.Ltmp7:
0x232: {  	v6 =	vor.u32 s28, v1;
	(pc) =	sbr.rel @p0 .LBB2_17-.Ltmp7, $2  }
0x233: {  	_ =	sdelay $0x2  }
0x234: {  	v7 =	vmov v4;
	v4 =	vld.idx.msk [tilespmem:v8+s2+$0x0], $0xffff  }
0x235: {  	_ =	sdelay $0x3  }
0x236: {  	v6 =	vld.idx.msk [tilespmem:v6+s2+$0x0], $0xffff;
	_ =	sdelay $0x2  }
0x237: {  	v3 =	vadd.f32 v7, v3;
	v2 =	vadd.f32 v2, v5  }
0x238: {  	s26 =	simm.s32 $0x500  }
0x239: {  	s30 =	simm.s32 $0x501;
	v3 =	vadd.f32 v4, v3;
	v4 =	vor.u32 s26, v1;
	v2 =	vadd.f32 v6, v2  }
0x23a: {  	v5 =	vor.u32 s30, v1  }
0x23b: {  	v2 =	vadd.f32 v2, v3;
	_ =	sdelay $0x1  }
0x23c: {  	s28 =	simm.s32 $0x502;
	[tilespmem:s8+$0x14680] =	vst v2  }
0x23d: {  	s31 =	simm.s32 $0x503;
	v8 =	vor.u32 s28, v1;
	v7 =	vld.idx.msk [tilespmem:v4+s2+$0x0], $0xffff  }
0x23e: {  	v6 =	vor.u32 s31, v1;
	v2 =	vld.idx.msk [tilespmem:v5+s2+$0x0], $0xffff;
	_ =	sdelay $0x3  }
0x23f: {  	s26 =	simm.s32 $0x504;
	v3 =	vimm.f32 $0.0e+00;
	v4 =	vld.idx.msk [tilespmem:v8+s2+$0x0], $0xffff;
	v5 =	vimm.f32 $0.0e+00  }
.LBB2_19:
0x240: {  	v8 =	vor.u32 s26, v1;
	s28 =	sadd.s32 $0x1, s26;
	p0 =	sne.s32 s26, $0x50E;
	s26 =	sadd.s32 $0x2, s26;
	v3 =	vadd.f32 v7, v3;
	v5 =	vadd.f32 v2, v5;
	v2 =	vld.idx.msk [tilespmem:v6+s2+$0x0], $0xffff  }
.Ltmp8:
0x241: {  	v6 =	vor.u32 s28, v1;
	(pc) =	sbr.rel @p0 .LBB2_19-.Ltmp8, $2  }
0x242: {  	_ =	sdelay $0x2  }
0x243: {  	v7 =	vmov v4;
	v4 =	vld.idx.msk [tilespmem:v8+s2+$0x0], $0xffff  }
0x244: {  	_ =	sdelay $0x3  }
0x245: {  	v6 =	vld.idx.msk [tilespmem:v6+s2+$0x0], $0xffff;
	_ =	sdelay $0x2  }
0x246: {  	v3 =	vadd.f32 v7, v3;
	v2 =	vadd.f32 v2, v5  }
0x247: {  	s26 =	simm.s32 $0x600  }
0x248: {  	s30 =	simm.s32 $0x601;
	v3 =	vadd.f32 v4, v3;
	v4 =	vor.u32 s26, v1;
	v2 =	vadd.f32 v6, v2  }
0x249: {  	v5 =	vor.u32 s30, v1  }
0x24a: {  	v2 =	vadd.f32 v2, v3;
	_ =	sdelay $0x1  }
0x24b: {  	s28 =	simm.s32 $0x602;
	[tilespmem:s8+$0x14690] =	vst v2  }
0x24c: {  	s31 =	simm.s32 $0x603;
	v8 =	vor.u32 s28, v1;
	v7 =	vld.idx.msk [tilespmem:v4+s2+$0x0], $0xffff  }
0x24d: {  	v6 =	vor.u32 s31, v1;
	v2 =	vld.idx.msk [tilespmem:v5+s2+$0x0], $0xffff;
	_ =	sdelay $0x3  }
0x24e: {  	s26 =	simm.s32 $0x604;
	v3 =	vimm.f32 $0.0e+00;
	v4 =	vld.idx.msk [tilespmem:v8+s2+$0x0], $0xffff;
	v5 =	vimm.f32 $0.0e+00  }
.LBB2_21:
0x24f: {  	v8 =	vor.u32 s26, v1;
	s28 =	sadd.s32 $0x1, s26;
	p0 =	sne.s32 s26, $0x60E;
	s26 =	sadd.s32 $0x2, s26;
	v3 =	vadd.f32 v7, v3;
	v5 =	vadd.f32 v2, v5;
	v2 =	vld.idx.msk [tilespmem:v6+s2+$0x0], $0xffff  }
.Ltmp9:
0x250: {  	v6 =	vor.u32 s28, v1;
	(pc) =	sbr.rel @p0 .LBB2_21-.Ltmp9, $2  }
0x251: {  	_ =	sdelay $0x2  }
0x252: {  	v7 =	vmov v4;
	v4 =	vld.idx.msk [tilespmem:v8+s2+$0x0], $0xffff  }
0x253: {  	_ =	sdelay $0x3  }
0x254: {  	v6 =	vld.idx.msk [tilespmem:v6+s2+$0x0], $0xffff;
	_ =	sdelay $0x2  }
0x255: {  	v3 =	vadd.f32 v7, v3;
	v2 =	vadd.f32 v2, v5  }
0x256: {  	s26 =	simm.s32 $0x700  }
0x257: {  	s30 =	simm.s32 $0x701;
	v3 =	vadd.f32 v4, v3;
	v4 =	vor.u32 s26, v1;
	v2 =	vadd.f32 v6, v2  }
0x258: {  	v5 =	vor.u32 s30, v1  }
0x259: {  	v2 =	vadd.f32 v2, v3;
	_ =	sdelay $0x1  }
0x25a: {  	s28 =	simm.s32 $0x702;
	[tilespmem:s8+$0x14880] =	vst v2  }
0x25b: {  	s31 =	simm.s32 $0x703;
	v8 =	vor.u32 s28, v1;
	v7 =	vld.idx.msk [tilespmem:v4+s2+$0x0], $0xffff  }
0x25c: {  	v6 =	vor.u32 s31, v1;
	v2 =	vld.idx.msk [tilespmem:v5+s2+$0x0], $0xffff;
	_ =	sdelay $0x3  }
0x25d: {  	s26 =	simm.s32 $0x704;
	v3 =	vimm.f32 $0.0e+00;
	v4 =	vld.idx.msk [tilespmem:v8+s2+$0x0], $0xffff;
	v5 =	vimm.f32 $0.0e+00  }
.LBB2_23:
0x25e: {  	v8 =	vor.u32 s26, v1;
	s28 =	sadd.s32 $0x1, s26;
	p0 =	sne.s32 s26, $0x70E;
	s26 =	sadd.s32 $0x2, s26;
	v3 =	vadd.f32 v7, v3;
	v5 =	vadd.f32 v2, v5;
	v2 =	vld.idx.msk [tilespmem:v6+s2+$0x0], $0xffff  }
.Ltmp10:
0x25f: {  	v6 =	vor.u32 s28, v1;
	(pc) =	sbr.rel @p0 .LBB2_23-.Ltmp10, $2  }
0x260: {  	_ =	sdelay $0x2  }
0x261: {  	v7 =	vmov v4;
	v4 =	vld.idx.msk [tilespmem:v8+s2+$0x0], $0xffff  }
0x262: {  	_ =	sdelay $0x3  }
0x263: {  	v6 =	vld.idx.msk [tilespmem:v6+s2+$0x0], $0xffff;
	_ =	sdelay $0x2  }
0x264: {  	v3 =	vadd.f32 v7, v3;
	v2 =	vadd.f32 v2, v5  }
0x265: {  	s26 =	simm.s32 $0x800  }
0x266: {  	s30 =	simm.s32 $0x801;
	v3 =	vadd.f32 v4, v3;
	v4 =	vor.u32 s26, v1;
	v2 =	vadd.f32 v6, v2  }
0x267: {  	v5 =	vor.u32 s30, v1  }
0x268: {  	v2 =	vadd.f32 v2, v3;
	_ =	sdelay $0x1  }
0x269: {  	s28 =	simm.s32 $0x802;
	[tilespmem:s8+$0x14890] =	vst v2  }
0x26a: {  	s31 =	simm.s32 $0x803;
	v8 =	vor.u32 s28, v1;
	v7 =	vld.idx.msk [tilespmem:v4+s2+$0x0], $0xffff  }
0x26b: {  	v6 =	vor.u32 s31, v1;
	v2 =	vld.idx.msk [tilespmem:v5+s2+$0x0], $0xffff;
	_ =	sdelay $0x3  }
0x26c: {  	s26 =	simm.s32 $0x804;
	v3 =	vimm.f32 $0.0e+00;
	v4 =	vld.idx.msk [tilespmem:v8+s2+$0x0], $0xffff;
	v5 =	vimm.f32 $0.0e+00  }
.LBB2_25:
0x26d: {  	v8 =	vor.u32 s26, v1;
	s28 =	sadd.s32 $0x1, s26;
	p0 =	sne.s32 s26, $0x80E;
	s26 =	sadd.s32 $0x2, s26;
	v3 =	vadd.f32 v7, v3;
	v5 =	vadd.f32 v2, v5;
	v2 =	vld.idx.msk [tilespmem:v6+s2+$0x0], $0xffff  }
.Ltmp11:
0x26e: {  	v6 =	vor.u32 s28, v1;
	(pc) =	sbr.rel @p0 .LBB2_25-.Ltmp11, $2  }
0x26f: {  	_ =	sdelay $0x2  }
0x270: {  	v7 =	vmov v4;
	v4 =	vld.idx.msk [tilespmem:v8+s2+$0x0], $0xffff  }
0x271: {  	_ =	sdelay $0x3  }
0x272: {  	v6 =	vld.idx.msk [tilespmem:v6+s2+$0x0], $0xffff;
	_ =	sdelay $0x2  }
0x273: {  	v3 =	vadd.f32 v7, v3;
	v2 =	vadd.f32 v2, v5  }
0x274: {  	s26 =	simm.s32 $0x900  }
0x275: {  	s30 =	simm.s32 $0x901;
	v3 =	vadd.f32 v4, v3;
	v4 =	vor.u32 s26, v1;
	v2 =	vadd.f32 v6, v2  }
0x276: {  	v5 =	vor.u32 s30, v1  }
0x277: {  	v2 =	vadd.f32 v2, v3;
	_ =	sdelay $0x1  }
0x278: {  	s28 =	simm.s32 $0x902;
	[tilespmem:s8+$0x14A80] =	vst v2  }
0x279: {  	s31 =	simm.s32 $0x903;
	v8 =	vor.u32 s28, v1;
	v7 =	vld.idx.msk [tilespmem:v4+s2+$0x0], $0xffff  }
0x27a: {  	v6 =	vor.u32 s31, v1;
	v2 =	vld.idx.msk [tilespmem:v5+s2+$0x0], $0xffff;
	_ =	sdelay $0x3  }
0x27b: {  	s26 =	simm.s32 $0x904;
	v3 =	vimm.f32 $0.0e+00;
	v4 =	vld.idx.msk [tilespmem:v8+s2+$0x0], $0xffff;
	v5 =	vimm.f32 $0.0e+00  }
.LBB2_27:
0x27c: {  	v8 =	vor.u32 s26, v1;
	s28 =	sadd.s32 $0x1, s26;
	p0 =	sne.s32 s26, $0x90E;
	s26 =	sadd.s32 $0x2, s26;
	v3 =	vadd.f32 v7, v3;
	v5 =	vadd.f32 v2, v5;
	v2 =	vld.idx.msk [tilespmem:v6+s2+$0x0], $0xffff  }
.Ltmp12:
0x27d: {  	v6 =	vor.u32 s28, v1;
	(pc) =	sbr.rel @p0 .LBB2_27-.Ltmp12, $2  }
0x27e: {  	_ =	sdelay $0x2  }
0x27f: {  	v7 =	vmov v4;
	v4 =	vld.idx.msk [tilespmem:v8+s2+$0x0], $0xffff  }
0x280: {  	_ =	sdelay $0x3  }
0x281: {  	v6 =	vld.idx.msk [tilespmem:v6+s2+$0x0], $0xffff;
	_ =	sdelay $0x2  }
0x282: {  	v3 =	vadd.f32 v7, v3;
	v2 =	vadd.f32 v2, v5  }
0x283: {  	s26 =	simm.s32 $0xA00  }
0x284: {  	s30 =	simm.s32 $0xA01;
	v3 =	vadd.f32 v4, v3;
	v4 =	vor.u32 s26, v1;
	v2 =	vadd.f32 v6, v2  }
0x285: {  	v5 =	vor.u32 s30, v1  }
0x286: {  	v2 =	vadd.f32 v2, v3;
	_ =	sdelay $0x1  }
0x287: {  	s28 =	simm.s32 $0xA02;
	[tilespmem:s8+$0x14A90] =	vst v2  }
0x288: {  	s31 =	simm.s32 $0xA03;
	v8 =	vor.u32 s28, v1;
	v7 =	vld.idx.msk [tilespmem:v4+s2+$0x0], $0xffff  }
0x289: {  	v6 =	vor.u32 s31, v1;
	v2 =	vld.idx.msk [tilespmem:v5+s2+$0x0], $0xffff;
	_ =	sdelay $0x3  }
0x28a: {  	s26 =	simm.s32 $0xA04;
	v3 =	vimm.f32 $0.0e+00;
	v4 =	vld.idx.msk [tilespmem:v8+s2+$0x0], $0xffff;
	v5 =	vimm.f32 $0.0e+00  }
.LBB2_29:
0x28b: {  	v8 =	vor.u32 s26, v1;
	s28 =	sadd.s32 $0x1, s26;
	p0 =	sne.s32 s26, $0xA0E;
	s26 =	sadd.s32 $0x2, s26;
	v3 =	vadd.f32 v7, v3;
	v5 =	vadd.f32 v2, v5;
	v2 =	vld.idx.msk [tilespmem:v6+s2+$0x0], $0xffff  }
.Ltmp13:
0x28c: {  	v6 =	vor.u32 s28, v1;
	(pc) =	sbr.rel @p0 .LBB2_29-.Ltmp13, $2  }
0x28d: {  	_ =	sdelay $0x2  }
0x28e: {  	v7 =	vmov v4;
	v4 =	vld.idx.msk [tilespmem:v8+s2+$0x0], $0xffff  }
0x28f: {  	_ =	sdelay $0x3  }
0x290: {  	v6 =	vld.idx.msk [tilespmem:v6+s2+$0x0], $0xffff;
	_ =	sdelay $0x2  }
0x291: {  	v3 =	vadd.f32 v7, v3;
	v2 =	vadd.f32 v2, v5  }
0x292: {  	s26 =	simm.s32 $0xB00  }
0x293: {  	s30 =	simm.s32 $0xB01;
	v3 =	vadd.f32 v4, v3;
	v4 =	vor.u32 s26, v1;
	v2 =	vadd.f32 v6, v2  }
0x294: {  	v5 =	vor.u32 s30, v1  }
0x295: {  	v2 =	vadd.f32 v2, v3;
	_ =	sdelay $0x1  }
0x296: {  	s28 =	simm.s32 $0xB02;
	[tilespmem:s8+$0x14C80] =	vst v2  }
0x297: {  	s31 =	simm.s32 $0xB03;
	v8 =	vor.u32 s28, v1;
	v7 =	vld.idx.msk [tilespmem:v4+s2+$0x0], $0xffff  }
0x298: {  	v6 =	vor.u32 s31, v1;
	v2 =	vld.idx.msk [tilespmem:v5+s2+$0x0], $0xffff;
	_ =	sdelay $0x3  }
0x299: {  	s26 =	simm.s32 $0xB04;
	v3 =	vimm.f32 $0.0e+00;
	v4 =	vld.idx.msk [tilespmem:v8+s2+$0x0], $0xffff;
	v5 =	vimm.f32 $0.0e+00  }
.LBB2_31:
0x29a: {  	v8 =	vor.u32 s26, v1;
	s28 =	sadd.s32 $0x1, s26;
	p0 =	sne.s32 s26, $0xB0E;
	s26 =	sadd.s32 $0x2, s26;
	v3 =	vadd.f32 v7, v3;
	v5 =	vadd.f32 v2, v5;
	v2 =	vld.idx.msk [tilespmem:v6+s2+$0x0], $0xffff  }
.Ltmp14:
0x29b: {  	v6 =	vor.u32 s28, v1;
	(pc) =	sbr.rel @p0 .LBB2_31-.Ltmp14, $2  }
0x29c: {  	_ =	sdelay $0x2  }
0x29d: {  	v7 =	vmov v4;
	v4 =	vld.idx.msk [tilespmem:v8+s2+$0x0], $0xffff  }
0x29e: {  	_ =	sdelay $0x3  }
0x29f: {  	v6 =	vld.idx.msk [tilespmem:v6+s2+$0x0], $0xffff;
	_ =	sdelay $0x2  }
0x2a0: {  	v3 =	vadd.f32 v7, v3;
	v2 =	vadd.f32 v2, v5  }
0x2a1: {  	s26 =	simm.s32 $0xC00  }
0x2a2: {  	s30 =	simm.s32 $0xC01;
	v3 =	vadd.f32 v4, v3;
	v4 =	vor.u32 s26, v1;
	v2 =	vadd.f32 v6, v2  }
0x2a3: {  	v5 =	vor.u32 s30, v1  }
0x2a4: {  	v2 =	vadd.f32 v2, v3;
	_ =	sdelay $0x1  }
0x2a5: {  	s28 =	simm.s32 $0xC02;
	[tilespmem:s8+$0x14C90] =	vst v2  }
0x2a6: {  	s31 =	simm.s32 $0xC03;
	v8 =	vor.u32 s28, v1;
	v7 =	vld.idx.msk [tilespmem:v4+s2+$0x0], $0xffff  }
0x2a7: {  	v6 =	vor.u32 s31, v1;
	v2 =	vld.idx.msk [tilespmem:v5+s2+$0x0], $0xffff;
	_ =	sdelay $0x3  }
0x2a8: {  	s26 =	simm.s32 $0xC04;
	v3 =	vimm.f32 $0.0e+00;
	v4 =	vld.idx.msk [tilespmem:v8+s2+$0x0], $0xffff;
	v5 =	vimm.f32 $0.0e+00  }
.LBB2_33:
0x2a9: {  	v8 =	vor.u32 s26, v1;
	s28 =	sadd.s32 $0x1, s26;
	p0 =	sne.s32 s26, $0xC0E;
	s26 =	sadd.s32 $0x2, s26;
	v3 =	vadd.f32 v7, v3;
	v5 =	vadd.f32 v2, v5;
	v2 =	vld.idx.msk [tilespmem:v6+s2+$0x0], $0xffff  }
.Ltmp15:
0x2aa: {  	v6 =	vor.u32 s28, v1;
	(pc) =	sbr.rel @p0 .LBB2_33-.Ltmp15, $2  }
0x2ab: {  	_ =	sdelay $0x2  }
0x2ac: {  	v7 =	vmov v4;
	v4 =	vld.idx.msk [tilespmem:v8+s2+$0x0], $0xffff  }
0x2ad: {  	_ =	sdelay $0x3  }
0x2ae: {  	v6 =	vld.idx.msk [tilespmem:v6+s2+$0x0], $0xffff;
	_ =	sdelay $0x2  }
0x2af: {  	v3 =	vadd.f32 v7, v3;
	v2 =	vadd.f32 v2, v5  }
0x2b0: {  	s26 =	simm.s32 $0xD00  }
0x2b1: {  	s30 =	simm.s32 $0xD01;
	v3 =	vadd.f32 v4, v3;
	v4 =	vor.u32 s26, v1;
	v2 =	vadd.f32 v6, v2  }
0x2b2: {  	v5 =	vor.u32 s30, v1  }
0x2b3: {  	v2 =	vadd.f32 v2, v3;
	_ =	sdelay $0x1  }
0x2b4: {  	s28 =	simm.s32 $0xD02;
	[tilespmem:s8+$0x14E80] =	vst v2  }
0x2b5: {  	s31 =	simm.s32 $0xD03;
	v8 =	vor.u32 s28, v1;
	v7 =	vld.idx.msk [tilespmem:v4+s2+$0x0], $0xffff  }
0x2b6: {  	v6 =	vor.u32 s31, v1;
	v2 =	vld.idx.msk [tilespmem:v5+s2+$0x0], $0xffff;
	_ =	sdelay $0x3  }
0x2b7: {  	s26 =	simm.s32 $0xD04;
	v3 =	vimm.f32 $0.0e+00;
	v4 =	vld.idx.msk [tilespmem:v8+s2+$0x0], $0xffff;
	v5 =	vimm.f32 $0.0e+00  }
.LBB2_35:
0x2b8: {  	v8 =	vor.u32 s26, v1;
	s28 =	sadd.s32 $0x1, s26;
	p0 =	sne.s32 s26, $0xD0E;
	s26 =	sadd.s32 $0x2, s26;
	v3 =	vadd.f32 v7, v3;
	v5 =	vadd.f32 v2, v5;
	v2 =	vld.idx.msk [tilespmem:v6+s2+$0x0], $0xffff  }
.Ltmp16:
0x2b9: {  	v6 =	vor.u32 s28, v1;
	(pc) =	sbr.rel @p0 .LBB2_35-.Ltmp16, $2  }
0x2ba: {  	_ =	sdelay $0x2  }
0x2bb: {  	v7 =	vmov v4;
	v4 =	vld.idx.msk [tilespmem:v8+s2+$0x0], $0xffff  }
0x2bc: {  	_ =	sdelay $0x3  }
0x2bd: {  	v6 =	vld.idx.msk [tilespmem:v6+s2+$0x0], $0xffff;
	_ =	sdelay $0x2  }
0x2be: {  	v3 =	vadd.f32 v7, v3;
	v2 =	vadd.f32 v2, v5  }
0x2bf: {  	s26 =	simm.s32 $0xE00  }
0x2c0: {  	s30 =	simm.s32 $0xE01;
	v3 =	vadd.f32 v4, v3;
	v4 =	vor.u32 s26, v1;
	v2 =	vadd.f32 v6, v2  }
0x2c1: {  	v5 =	vor.u32 s30, v1  }
0x2c2: {  	v2 =	vadd.f32 v2, v3;
	_ =	sdelay $0x1  }
0x2c3: {  	s28 =	simm.s32 $0xE02;
	[tilespmem:s8+$0x14E90] =	vst v2  }
0x2c4: {  	s31 =	simm.s32 $0xE03;
	v8 =	vor.u32 s28, v1;
	v7 =	vld.idx.msk [tilespmem:v4+s2+$0x0], $0xffff  }
0x2c5: {  	v6 =	vor.u32 s31, v1;
	v2 =	vld.idx.msk [tilespmem:v5+s2+$0x0], $0xffff;
	_ =	sdelay $0x3  }
0x2c6: {  	s26 =	simm.s32 $0xE04;
	v3 =	vimm.f32 $0.0e+00;
	v4 =	vld.idx.msk [tilespmem:v8+s2+$0x0], $0xffff;
	v5 =	vimm.f32 $0.0e+00  }
.LBB2_37:
0x2c7: {  	v8 =	vor.u32 s26, v1;
	s28 =	sadd.s32 $0x1, s26;
	p0 =	sne.s32 s26, $0xE0E;
	s26 =	sadd.s32 $0x2, s26;
	v3 =	vadd.f32 v7, v3;
	v5 =	vadd.f32 v2, v5;
	v2 =	vld.idx.msk [tilespmem:v6+s2+$0x0], $0xffff  }
.Ltmp17:
0x2c8: {  	v6 =	vor.u32 s28, v1;
	(pc) =	sbr.rel @p0 .LBB2_37-.Ltmp17, $2  }
0x2c9: {  	_ =	sdelay $0x2  }
0x2ca: {  	v7 =	vmov v4;
	v4 =	vld.idx.msk [tilespmem:v8+s2+$0x0], $0xffff  }
0x2cb: {  	_ =	sdelay $0x3  }
0x2cc: {  	v6 =	vld.idx.msk [tilespmem:v6+s2+$0x0], $0xffff;
	_ =	sdelay $0x2  }
0x2cd: {  	v3 =	vadd.f32 v7, v3;
	v2 =	vadd.f32 v2, v5  }
0x2ce: {  	s26 =	simm.s32 $0xF00  }
0x2cf: {  	s30 =	simm.s32 $0xF01;
	v3 =	vadd.f32 v4, v3;
	v4 =	vor.u32 s26, v1;
	v2 =	vadd.f32 v6, v2  }
0x2d0: {  	v5 =	vor.u32 s30, v1  }
0x2d1: {  	v2 =	vadd.f32 v2, v3;
	_ =	sdelay $0x1  }
0x2d2: {  	s28 =	simm.s32 $0xF02;
	[tilespmem:s8+$0x15080] =	vst v2  }
0x2d3: {  	s31 =	simm.s32 $0xF03;
	v8 =	vor.u32 s28, v1;
	v7 =	vld.idx.msk [tilespmem:v4+s2+$0x0], $0xffff  }
0x2d4: {  	v6 =	vor.u32 s31, v1;
	v2 =	vld.idx.msk [tilespmem:v5+s2+$0x0], $0xffff;
	_ =	sdelay $0x3  }
0x2d5: {  	s26 =	simm.s32 $0xF04;
	v3 =	vimm.f32 $0.0e+00;
	v4 =	vld.idx.msk [tilespmem:v8+s2+$0x0], $0xffff;
	v5 =	vimm.f32 $0.0e+00  }
.LBB2_39:
0x2d6: {  	v8 =	vor.u32 s26, v1;
	s28 =	sadd.s32 $0x1, s26;
	p0 =	sne.s32 s26, $0xF0E;
	s26 =	sadd.s32 $0x2, s26;
	v3 =	vadd.f32 v7, v3;
	v5 =	vadd.f32 v2, v5;
	v2 =	vld.idx.msk [tilespmem:v6+s2+$0x0], $0xffff  }
.Ltmp18:
0x2d7: {  	v6 =	vor.u32 s28, v1;
	(pc) =	sbr.rel @p0 .LBB2_39-.Ltmp18, $2  }
0x2d8: {  	_ =	sdelay $0x2  }
0x2d9: {  	v7 =	vmov v4;
	v4 =	vld.idx.msk [tilespmem:v8+s2+$0x0], $0xffff  }
0x2da: {  	_ =	sdelay $0x3  }
0x2db: {  	v6 =	vld.idx.msk [tilespmem:v6+s2+$0x0], $0xffff;
	_ =	sdelay $0x2  }
0x2dc: {  	v3 =	vadd.f32 v7, v3;
	v2 =	vadd.f32 v2, v5  }
0x2dd: {  	s26 =	simm.s32 $0x1000  }
0x2de: {  	s30 =	simm.s32 $0x1001;
	v3 =	vadd.f32 v4, v3;
	v4 =	vor.u32 s26, v1;
	v2 =	vadd.f32 v6, v2  }
0x2df: {  	v5 =	vor.u32 s30, v1  }
0x2e0: {  	v2 =	vadd.f32 v2, v3;
	_ =	sdelay $0x1  }
0x2e1: {  	s28 =	simm.s32 $0x1002;
	[tilespmem:s8+$0x15090] =	vst v2  }
0x2e2: {  	s31 =	simm.s32 $0x1003;
	v8 =	vor.u32 s28, v1;
	v7 =	vld.idx.msk [tilespmem:v4+s2+$0x0], $0xffff  }
0x2e3: {  	v6 =	vor.u32 s31, v1;
	v2 =	vld.idx.msk [tilespmem:v5+s2+$0x0], $0xffff;
	_ =	sdelay $0x3  }
0x2e4: {  	s26 =	simm.s32 $0x1004;
	v3 =	vimm.f32 $0.0e+00;
	v4 =	vld.idx.msk [tilespmem:v8+s2+$0x0], $0xffff;
	v5 =	vimm.f32 $0.0e+00  }
.LBB2_41:
0x2e5: {  	v8 =	vor.u32 s26, v1;
	s28 =	sadd.s32 $0x1, s26;
	p0 =	sne.s32 s26, $0x100E;
	s26 =	sadd.s32 $0x2, s26;
	v3 =	vadd.f32 v7, v3;
	v5 =	vadd.f32 v2, v5;
	v2 =	vld.idx.msk [tilespmem:v6+s2+$0x0], $0xffff  }
.Ltmp19:
0x2e6: {  	v6 =	vor.u32 s28, v1;
	(pc) =	sbr.rel @p0 .LBB2_41-.Ltmp19, $2  }
0x2e7: {  	_ =	sdelay $0x2  }
0x2e8: {  	v7 =	vmov v4;
	v4 =	vld.idx.msk [tilespmem:v8+s2+$0x0], $0xffff  }
0x2e9: {  	_ =	sdelay $0x3  }
0x2ea: {  	v6 =	vld.idx.msk [tilespmem:v6+s2+$0x0], $0xffff;
	_ =	sdelay $0x2  }
0x2eb: {  	v3 =	vadd.f32 v7, v3;
	v2 =	vadd.f32 v2, v5  }
0x2ec: {  	s26 =	simm.s32 $0x1100  }
0x2ed: {  	s30 =	simm.s32 $0x1101;
	v3 =	vadd.f32 v4, v3;
	v4 =	vor.u32 s26, v1;
	v2 =	vadd.f32 v6, v2  }
0x2ee: {  	v5 =	vor.u32 s30, v1  }
0x2ef: {  	v2 =	vadd.f32 v2, v3;
	_ =	sdelay $0x1  }
0x2f0: {  	s28 =	simm.s32 $0x1102;
	[tilespmem:s8+$0x15280] =	vst v2  }
0x2f1: {  	s31 =	simm.s32 $0x1103;
	v8 =	vor.u32 s28, v1;
	v7 =	vld.idx.msk [tilespmem:v4+s2+$0x0], $0xffff  }
0x2f2: {  	v6 =	vor.u32 s31, v1;
	v2 =	vld.idx.msk [tilespmem:v5+s2+$0x0], $0xffff;
	_ =	sdelay $0x3  }
0x2f3: {  	s26 =	simm.s32 $0x1104;
	v3 =	vimm.f32 $0.0e+00;
	v4 =	vld.idx.msk [tilespmem:v8+s2+$0x0], $0xffff;
	v5 =	vimm.f32 $0.0e+00  }
.LBB2_43:
0x2f4: {  	v8 =	vor.u32 s26, v1;
	s28 =	sadd.s32 $0x1, s26;
	p0 =	sne.s32 s26, $0x110E;
	s26 =	sadd.s32 $0x2, s26;
	v3 =	vadd.f32 v7, v3;
	v5 =	vadd.f32 v2, v5;
	v2 =	vld.idx.msk [tilespmem:v6+s2+$0x0], $0xffff  }
.Ltmp20:
0x2f5: {  	v6 =	vor.u32 s28, v1;
	(pc) =	sbr.rel @p0 .LBB2_43-.Ltmp20, $2  }
0x2f6: {  	_ =	sdelay $0x2  }
0x2f7: {  	v7 =	vmov v4;
	v4 =	vld.idx.msk [tilespmem:v8+s2+$0x0], $0xffff  }
0x2f8: {  	_ =	sdelay $0x3  }
0x2f9: {  	v6 =	vld.idx.msk [tilespmem:v6+s2+$0x0], $0xffff;
	_ =	sdelay $0x2  }
0x2fa: {  	v3 =	vadd.f32 v7, v3;
	v2 =	vadd.f32 v2, v5  }
0x2fb: {  	s26 =	simm.s32 $0x1200  }
0x2fc: {  	s30 =	simm.s32 $0x1201;
	v3 =	vadd.f32 v4, v3;
	v4 =	vor.u32 s26, v1;
	v2 =	vadd.f32 v6, v2  }
0x2fd: {  	v5 =	vor.u32 s30, v1  }
0x2fe: {  	v2 =	vadd.f32 v2, v3;
	_ =	sdelay $0x1  }
0x2ff: {  	s28 =	simm.s32 $0x1202;
	[tilespmem:s8+$0x15290] =	vst v2  }
0x300: {  	s31 =	simm.s32 $0x1203;
	v8 =	vor.u32 s28, v1;
	v7 =	vld.idx.msk [tilespmem:v4+s2+$0x0], $0xffff  }
0x301: {  	v6 =	vor.u32 s31, v1;
	v2 =	vld.idx.msk [tilespmem:v5+s2+$0x0], $0xffff;
	_ =	sdelay $0x3  }
0x302: {  	s26 =	simm.s32 $0x1204;
	v3 =	vimm.f32 $0.0e+00;
	v4 =	vld.idx.msk [tilespmem:v8+s2+$0x0], $0xffff;
	v5 =	vimm.f32 $0.0e+00  }
.LBB2_45:
0x303: {  	v8 =	vor.u32 s26, v1;
	s28 =	sadd.s32 $0x1, s26;
	p0 =	sne.s32 s26, $0x120E;
	s26 =	sadd.s32 $0x2, s26;
	v3 =	vadd.f32 v7, v3;
	v5 =	vadd.f32 v2, v5;
	v2 =	vld.idx.msk [tilespmem:v6+s2+$0x0], $0xffff  }
.Ltmp21:
0x304: {  	v6 =	vor.u32 s28, v1;
	(pc) =	sbr.rel @p0 .LBB2_45-.Ltmp21, $2  }
0x305: {  	_ =	sdelay $0x2  }
0x306: {  	v7 =	vmov v4;
	v4 =	vld.idx.msk [tilespmem:v8+s2+$0x0], $0xffff  }
0x307: {  	_ =	sdelay $0x3  }
0x308: {  	v6 =	vld.idx.msk [tilespmem:v6+s2+$0x0], $0xffff;
	_ =	sdelay $0x2  }
0x309: {  	v3 =	vadd.f32 v7, v3;
	v2 =	vadd.f32 v2, v5  }
0x30a: {  	s26 =	simm.s32 $0x1300  }
0x30b: {  	s30 =	simm.s32 $0x1301;
	v3 =	vadd.f32 v4, v3;
	v4 =	vor.u32 s26, v1;
	v2 =	vadd.f32 v6, v2  }
0x30c: {  	v5 =	vor.u32 s30, v1  }
0x30d: {  	v2 =	vadd.f32 v2, v3;
	_ =	sdelay $0x1  }
0x30e: {  	s28 =	simm.s32 $0x1302;
	[tilespmem:s8+$0x15480] =	vst v2  }
0x30f: {  	s31 =	simm.s32 $0x1303;
	v8 =	vor.u32 s28, v1;
	v7 =	vld.idx.msk [tilespmem:v4+s2+$0x0], $0xffff  }
0x310: {  	v6 =	vor.u32 s31, v1;
	v2 =	vld.idx.msk [tilespmem:v5+s2+$0x0], $0xffff;
	_ =	sdelay $0x3  }
0x311: {  	s26 =	simm.s32 $0x1304;
	v3 =	vimm.f32 $0.0e+00;
	v4 =	vld.idx.msk [tilespmem:v8+s2+$0x0], $0xffff;
	v5 =	vimm.f32 $0.0e+00  }
.LBB2_47:
0x312: {  	v8 =	vor.u32 s26, v1;
	s28 =	sadd.s32 $0x1, s26;
	p0 =	sne.s32 s26, $0x130E;
	s26 =	sadd.s32 $0x2, s26;
	v3 =	vadd.f32 v7, v3;
	v5 =	vadd.f32 v2, v5;
	v2 =	vld.idx.msk [tilespmem:v6+s2+$0x0], $0xffff  }
.Ltmp22:
0x313: {  	v6 =	vor.u32 s28, v1;
	(pc) =	sbr.rel @p0 .LBB2_47-.Ltmp22, $2  }
0x314: {  	_ =	sdelay $0x2  }
0x315: {  	v7 =	vmov v4;
	v4 =	vld.idx.msk [tilespmem:v8+s2+$0x0], $0xffff  }
0x316: {  	_ =	sdelay $0x3  }
0x317: {  	v6 =	vld.idx.msk [tilespmem:v6+s2+$0x0], $0xffff;
	_ =	sdelay $0x2  }
0x318: {  	v3 =	vadd.f32 v7, v3;
	v2 =	vadd.f32 v2, v5  }
0x319: {  	s26 =	simm.s32 $0x1400  }
0x31a: {  	s30 =	simm.s32 $0x1401;
	v3 =	vadd.f32 v4, v3;
	v4 =	vor.u32 s26, v1;
	v2 =	vadd.f32 v6, v2  }
0x31b: {  	v5 =	vor.u32 s30, v1  }
0x31c: {  	v2 =	vadd.f32 v2, v3;
	_ =	sdelay $0x1  }
0x31d: {  	s28 =	simm.s32 $0x1402;
	[tilespmem:s8+$0x15490] =	vst v2  }
0x31e: {  	s31 =	simm.s32 $0x1403;
	v8 =	vor.u32 s28, v1;
	v7 =	vld.idx.msk [tilespmem:v4+s2+$0x0], $0xffff  }
0x31f: {  	v6 =	vor.u32 s31, v1;
	v2 =	vld.idx.msk [tilespmem:v5+s2+$0x0], $0xffff;
	_ =	sdelay $0x3  }
0x320: {  	s26 =	simm.s32 $0x1404;
	v3 =	vimm.f32 $0.0e+00;
	v4 =	vld.idx.msk [tilespmem:v8+s2+$0x0], $0xffff;
	v5 =	vimm.f32 $0.0e+00  }
.LBB2_49:
0x321: {  	v8 =	vor.u32 s26, v1;
	s28 =	sadd.s32 $0x1, s26;
	p0 =	sne.s32 s26, $0x140E;
	s26 =	sadd.s32 $0x2, s26;
	v3 =	vadd.f32 v7, v3;
	v5 =	vadd.f32 v2, v5;
	v2 =	vld.idx.msk [tilespmem:v6+s2+$0x0], $0xffff  }
.Ltmp23:
0x322: {  	v6 =	vor.u32 s28, v1;
	(pc) =	sbr.rel @p0 .LBB2_49-.Ltmp23, $2  }
0x323: {  	_ =	sdelay $0x2  }
0x324: {  	v7 =	vmov v4;
	v4 =	vld.idx.msk [tilespmem:v8+s2+$0x0], $0xffff  }
0x325: {  	_ =	sdelay $0x3  }
0x326: {  	v6 =	vld.idx.msk [tilespmem:v6+s2+$0x0], $0xffff;
	_ =	sdelay $0x2  }
0x327: {  	v3 =	vadd.f32 v7, v3;
	v2 =	vadd.f32 v2, v5  }
0x328: {  	s26 =	simm.s32 $0x1500  }
0x329: {  	s30 =	simm.s32 $0x1501;
	v3 =	vadd.f32 v4, v3;
	v4 =	vor.u32 s26, v1;
	v2 =	vadd.f32 v6, v2  }
0x32a: {  	v5 =	vor.u32 s30, v1  }
0x32b: {  	v2 =	vadd.f32 v2, v3;
	_ =	sdelay $0x1  }
0x32c: {  	s28 =	simm.s32 $0x1502;
	[tilespmem:s8+$0x15680] =	vst v2  }
0x32d: {  	s31 =	simm.s32 $0x1503;
	v8 =	vor.u32 s28, v1;
	v7 =	vld.idx.msk [tilespmem:v4+s2+$0x0], $0xffff  }
0x32e: {  	v6 =	vor.u32 s31, v1;
	v2 =	vld.idx.msk [tilespmem:v5+s2+$0x0], $0xffff;
	_ =	sdelay $0x3  }
0x32f: {  	s26 =	simm.s32 $0x1504;
	v3 =	vimm.f32 $0.0e+00;
	v4 =	vld.idx.msk [tilespmem:v8+s2+$0x0], $0xffff;
	v5 =	vimm.f32 $0.0e+00  }
.LBB2_51:
0x330: {  	v8 =	vor.u32 s26, v1;
	s28 =	sadd.s32 $0x1, s26;
	p0 =	sne.s32 s26, $0x150E;
	s26 =	sadd.s32 $0x2, s26;
	v3 =	vadd.f32 v7, v3;
	v5 =	vadd.f32 v2, v5;
	v2 =	vld.idx.msk [tilespmem:v6+s2+$0x0], $0xffff  }
.Ltmp24:
0x331: {  	v6 =	vor.u32 s28, v1;
	(pc) =	sbr.rel @p0 .LBB2_51-.Ltmp24, $2  }
0x332: {  	_ =	sdelay $0x2  }
0x333: {  	v7 =	vmov v4;
	v4 =	vld.idx.msk [tilespmem:v8+s2+$0x0], $0xffff  }
0x334: {  	_ =	sdelay $0x3  }
0x335: {  	v6 =	vld.idx.msk [tilespmem:v6+s2+$0x0], $0xffff;
	_ =	sdelay $0x2  }
0x336: {  	v3 =	vadd.f32 v7, v3;
	v2 =	vadd.f32 v2, v5  }
0x337: {  	p0 =	sne.s32 s12, $0x10  }
.Ltmp25:
0x338: {  	v3 =	vadd.f32 v4, v3;
	v2 =	vadd.f32 v6, v2;
	(pc) =	sbr.rel @p0 .LBB2_4-.Ltmp25, $3  }
0x339: {  	_ = 	snop  }
0x33a: {  	v2 =	vadd.f32 v2, v3;
	_ =	sdelay $0x1  }
0x33b: {  	[tilespmem:s8+$0x15690] =	vst v2  }
0x33c: {  	_ =	swait.ge [sflag:s25], $0x2000  }
0x33d: {  	[sflag:s25] =	ssyncset.done $0x0  }
0x33e: {  	[sflag:s25] =	ssyncadd.s32 $0xFFFFE000  }
0x33f: {  	_ =	swait.ge [sflag:s25], $0x2000  }
0x340: {  	[sflag:s25] =	ssyncset.done $0x0  }
0x341: {  	[sflag:s25] =	ssyncadd.s32 $0xFFFFE000  }
0x342: {  	_ =	swait.ge [sflag:s25], $0x2000  }
0x343: {  	[sflag:s25] =	ssyncset.done $0x0  }
0x344: {  	[sflag:s25] =	ssyncadd.s32 $0xFFFFE000  }
0x345: {  	_ =	swait.ge [sflag:s25], $0x2000  }
0x346: {  	[sflag:s25] =	ssyncset.done $0x0  }
0x347: {  	[sflag:s25] =	ssyncadd.s32 $0xFFFFE000  }
0x348: {  	_ =	swait.ge [sflag:s25], $0x2000  }
0x349: {  	s11 =	simm.s32 $0x4000;
	[sflag:s25] =	ssyncset.done $0x0  }
0x34a: {  	s12 =	simm.s32 $0x14280;
	s8 =	rddreg [dreg:$0x3];
	[sflag:s25] =	ssyncadd.s32 $0xFFFFE000  }
0x34b: {  	[hbm4b:s8+s21] =	stream.strided.scatter [tilespmem:s12], [sflag:$0x3], $0x2000, s11, s21, $0x38;
	[tilespmem:$0x16280] =	vst v63  }
0x34c: {  	_ =	swait.ge [sflag:s13], $0x2000  }
0x34d: {  	s30 =	rddreg [dreg:$0x5]  }
0x34e: {  	s31 =	rddreg [dreg:$0x4];
	s11 =	sadd.s32 $0x1, s30  }
0x34f: {  	p0 =	sne.s32 s11, s31  }
.Ltmp26:
0x350: {  	_ = 	snop;
	(pc) =	sbr.rel @p0 .LBB2_1-.Ltmp26, $3  }
0x351: {  	_ =	sdelay $0x1  }
0x352: {  	[sflag:s13] =	ssyncset.done $0x0  }
0x353: {  	[sflag:s13] =	ssyncadd.s32 $0xFFFFE000  }
0x354: {  	_ =	sfence.sel $0x180000  }
0x355: {  	[bflag:$0x0] =	sbarrier.arrive $0xFFFF  }
0x356: {  	_ =	strace $0x90000047  }
0x357: {  	s0 =	stileid.u32;
	[bflag:$0x2] =	sbarrier.arrive $0xFFFF  }
0x358: {  	p0 =	sne.s32 s0, $0x0;
	s0 =	rddreg [dreg:$0x1]  }
0x359: {  	s0 =	sadd.s32 @!p0 $0x100000, s0  }
0x35a: {  	[sflag:s0] =	ssyncadd.tile.s32 @!p0 $0x1;
	_ =	shalt  }
.Lfunc_end2:
_tile_overlayer_lowered:
.L_overlay_start_2:
0x35b: {  	(tag) =	ssettag $0x2  }
0x35c: {  	s0 =	rddreg [dreg:$0x0];
	s2 =	stileid.u32  }
0x35d: {  	s1 =	rddreg [dreg:$0x1];
	p0 =	sne.s32 s2, $0x0  }
0x35e: {  	s3 =	rddreg [dreg:$0x2];
	[bflag:$0x3] =	sbarrier.arrive $0xFFFF;
	s2 =	simm.s32 @!p0 $0x1C03  }
0x35f: {  	[timem:s3], [sflag:s2] =	dma.local @!p0 [hbm:s0], s1  }
0x360: {  	s0 =	simm.s32 @!p0 $0x3  }
0x361: {  	_ =	swait.ge @!p0 [sflag:s0], s1  }
0x362: {  	s1 =	ssub.s32 @!p0 $0x0, s1;
	[sflag:s0] =	ssyncset.done @!p0 $0x0  }
0x363: {  	[sflag:s0] =	ssyncadd.s32 @!p0 s1  }
0x364: {  	[bflag:$0x3] =	sbarrier.arrive $0xFFFF  }
0x365: {  	_ =	shalt  }

</sc_bundles>
